<compile_context>
chip_gen: v7x
topology: tpu7x:2x2x1
jax: 0.10.2.dev20260603
libtpu: 0.0.44.dev20260713+nightly
codegen_flags: <defaults>
</compile_context>

<pallas_src>
import functools

import jax
import jax.numpy as jnp
from jax import lax
from jax.experimental import pallas as pl
from jax.experimental.pallas import tpu as pltpu
from jax.experimental.pallas import tpu_sc as plsc

_L = 16
_EPS = 1e-8


def _rsqrt(x):
    i = lax.bitcast_convert_type(x, jnp.int32)
    i = jnp.int32(0x5F3759DF) - lax.shift_right_arithmetic(i, 1)
    y = lax.bitcast_convert_type(i, jnp.float32)
    for _ in range(3):
        y = y * (1.5 - 0.5 * x * y * y)
    return y


@functools.lru_cache(maxsize=None)
def _make_sc_kernel(N, D, E):
    info = plsc.get_sparse_core_info()
    NC, NS = info.num_cores, info.num_subcores
    NW = NC * NS
    assert E % NW == 0 and D % _L == 0
    EPW = E // NW
    C = 192
    n_full = EPW // C
    tail = EPW - n_full * C
    assert tail % _L == 0 and n_full % 2 == 0

    mesh = plsc.VectorSubcoreMesh(core_axis_name="c", subcore_axis_name="s")

    @functools.partial(
        pl.kernel,
        out_type=jax.ShapeDtypeStruct((E,), jnp.float32),
        mesh=mesh,
        compiler_params=pltpu.CompilerParams(needs_layout_passes=False),
        scratch_types=[
            pltpu.VMEM((EPW,), jnp.int32),
            pltpu.VMEM((EPW,), jnp.int32),
            pltpu.VMEM((EPW,), jnp.float32),
            pltpu.VMEM((C, D), jnp.float32),
            pltpu.VMEM((C, D), jnp.float32),
            pltpu.VMEM((C, D), jnp.float32),
            pltpu.VMEM((C, D), jnp.float32),
            pltpu.VMEM((C,), jnp.float32),
            pltpu.VMEM((C,), jnp.float32),
            pltpu.VMEM((C,), jnp.float32),
            pltpu.SemaphoreType.DMA,
            pltpu.SemaphoreType.DMA,
            pltpu.SemaphoreType.DMA,
            pltpu.SemaphoreType.DMA,
        ],
    )
    def cosine_sc(z_hbm, src_hbm, dst_hbm, out_hbm,
                  src_v, dst_v, out_v, a0, b0, a1, b1,
                  dbuf, nabuf, nbbuf, sa0, sb0, sa1, sb1):
        wid = lax.axis_index("s") * NC + lax.axis_index("c")
        base = wid * EPW
        pltpu.sync_copy(src_hbm.at[pl.ds(base, EPW)], src_v)
        pltpu.sync_copy(dst_hbm.at[pl.ds(base, EPW)], dst_v)

        def gather(off, size, av, bv, sa, sb):
            h = size // 2
            pltpu.async_copy(z_hbm.at[src_v.at[pl.ds(off, h)]],
                             av.at[pl.ds(0, h)], sa)
            pltpu.async_copy(z_hbm.at[src_v.at[pl.ds(off + h, h)]],
                             av.at[pl.ds(h, h)], sa)
            pltpu.async_copy(z_hbm.at[dst_v.at[pl.ds(off, h)]],
                             bv.at[pl.ds(0, h)], sb)
            pltpu.async_copy(z_hbm.at[dst_v.at[pl.ds(off + h, h)]],
                             bv.at[pl.ds(h, h)], sb)

        def wait(off, size, av, bv, sa, sb):
            h = size // 2
            pltpu.make_async_copy(z_hbm.at[src_v.at[pl.ds(off, h)]],
                                  av.at[pl.ds(0, h)], sa).wait()
            pltpu.make_async_copy(z_hbm.at[src_v.at[pl.ds(off + h, h)]],
                                  av.at[pl.ds(h, h)], sa).wait()
            pltpu.make_async_copy(z_hbm.at[dst_v.at[pl.ds(off, h)]],
                                  bv.at[pl.ds(0, h)], sb).wait()
            pltpu.make_async_copy(z_hbm.at[dst_v.at[pl.ds(off + h, h)]],
                                  bv.at[pl.ds(h, h)], sb).wait()

        def _tree8(x):
            return (((x[0] + x[1]) + (x[2] + x[3]))
                    + ((x[4] + x[5]) + (x[6] + x[7])))

        lane = lax.broadcasted_iota(jnp.int32, (_L,), 0)
        last_lane = lane == (_L - 1)

        def compute(off, size, av, bv):
            @plsc.parallel_loop(0, size, 1, unroll=4)
            def edge_body(e, av=av, bv=bv):
                a = [av[e, pl.ds(k * _L, _L)] for k in range(D // _L)]
                b = [bv[e, pl.ds(k * _L, _L)] for k in range(D // _L)]
                dot = plsc.cumsum(_tree8([a[k] * b[k]
                                          for k in range(D // _L)]))
                na2 = plsc.cumsum(_tree8([a[k] * a[k]
                                          for k in range(D // _L)]))
                nb2 = plsc.cumsum(_tree8([b[k] * b[k]
                                          for k in range(D // _L)]))
                eidx = jnp.full((_L,), e, jnp.int32)
                plsc.store_scatter(dbuf, [eidx], dot, mask=last_lane)
                plsc.store_scatter(nabuf, [eidx], na2, mask=last_lane)
                plsc.store_scatter(nbbuf, [eidx], nb2, mask=last_lane)

            for g in range(size // _L):
                dot = dbuf[pl.ds(g * _L, _L)]
                s2 = nabuf[pl.ds(g * _L, _L)] * nbbuf[pl.ds(g * _L, _L)]
                val = jnp.where(s2 >= _EPS * _EPS,
                                dot * _rsqrt(s2), dot * (1.0 / _EPS))
                out_v[pl.ds(off + g * _L, _L)] = 1.0 / (1.0 + jnp.exp(-val))

        gather(0, C, a0, b0, sa0, sb0)

        def pair_body(i, carry):
            c0 = (2 * i) * C
            c1 = (2 * i + 1) * C
            gather(c1, C, a1, b1, sa1, sb1)
            wait(c0, C, a0, b0, sa0, sb0)
            compute(c0, C, a0, b0)

            @pl.when(2 * i + 2 < n_full)
            def _():
                gather(c1 + C, C, a0, b0, sa0, sb0)

            wait(c1, C, a1, b1, sa1, sb1)
            compute(c1, C, a1, b1)
            return carry

        lax.fori_loop(0, n_full // 2, pair_body, 0)
        if tail:
            off = n_full * C
            gather(off, tail, a0, b0, sa0, sb0)
            wait(off, tail, a0, b0, sa0, sb0)
            compute(off, tail, a0, b0)
        pltpu.sync_copy(out_v, out_hbm.at[pl.ds(base, EPW)])

    return cosine_sc


def kernel(z, edge_index):
    N, D = z.shape
    E = edge_index.shape[1]
    src = edge_index[0].astype(jnp.int32)
    dst = edge_index[1].astype(jnp.int32)
    return _make_sc_kernel(N, D, E)(z, src, dst)

# --- scband reference (transcript-rebuilt; emitter-appended) ---
"""Pipeline reference for scband-cosine-decoder-55980603736387 (READ-ONLY COPY).

The authoritative reference and input builder live on the scoring server;
editing this copy changes nothing except your own understanding.
"""

import jax, jax.numpy as jnp
import numpy as np


def setup_inputs(seed: int = 0) -> dict:
    key = jax.random.key(seed)
    k1, k2 = jax.random.split(key)
    z = jax.random.normal(k1, (10000, 128), dtype=jnp.float32)
    edge_index = jax.random.randint(k2, (2, 320000), 0, 10000, dtype=jnp.int64)
    return {"z": z, "edge_index": edge_index}


def reference(z, edge_index):
    # CosineDecoder.forward: cosine similarity between z[src] and z[dst], then sigmoid
    src = edge_index[0]
    dst = edge_index[1]
    a = jnp.take(z, src, axis=0)  # gather [E, d]
    b = jnp.take(z, dst, axis=0)  # gather [E, d]
    num = jnp.sum(a * b, axis=-1)
    a_n = jnp.linalg.norm(a, axis=-1)
    b_n = jnp.linalg.norm(b, axis=-1)
    eps = 1e-8
    value = num / jnp.maximum(a_n * b_n, eps)
    return jax.nn.sigmoid(value)

if __name__ == "__main__":
    import jax
    _d = setup_inputs()
    print(jax.jit(kernel)(*tuple(_d.values())))

</pallas_src>

<mosaic_0001>
#map = affine_map<(d0, d1) -> (0, 0)>
#map1 = affine_map<(d0, d1) -> (0)>
module attributes {stable_mosaic.version = 14 : i64} {
  func.func @cosine_sc(%arg0: i32, %arg1: i32, %arg2: memref<10000x128xf32, #tpu.memory_space<hbm>>, %arg3: memref<320000xi32, #tpu.memory_space<hbm>>, %arg4: memref<320000xi32, #tpu.memory_space<hbm>>, %arg5: memref<320000xf32, #tpu.memory_space<hbm>>, %arg6: memref<10000xi32, #tpu.memory_space<vmem>>, %arg7: memref<10000xi32, #tpu.memory_space<vmem>>, %arg8: memref<10000xf32, #tpu.memory_space<vmem>>, %arg9: memref<192x128xf32, #tpu.memory_space<vmem>>, %arg10: memref<192x128xf32, #tpu.memory_space<vmem>>, %arg11: memref<192x128xf32, #tpu.memory_space<vmem>>, %arg12: memref<192x128xf32, #tpu.memory_space<vmem>>, %arg13: memref<192xf32, #tpu.memory_space<vmem>>, %arg14: memref<192xf32, #tpu.memory_space<vmem>>, %arg15: memref<192xf32, #tpu.memory_space<vmem>>, %arg16: memref<!tpu.dma_semaphore, #tpu.memory_space<semaphore_mem>>, %arg17: memref<!tpu.dma_semaphore, #tpu.memory_space<semaphore_mem>>, %arg18: memref<!tpu.dma_semaphore, #tpu.memory_space<semaphore_mem>>, %arg19: memref<!tpu.dma_semaphore, #tpu.memory_space<semaphore_mem>>) attributes {dimension_semantics = [#tpu.dimension_semantics<core_parallel>, #tpu.dimension_semantics<subcore_parallel>], iteration_bounds = array<i64: 2, 16>, scalar_prefetch = 0 : i64, scratch_operands = 14 : i64, tpu.core_type = #tpu.core_type<sc_vector_subcore>, window_params = [{transform_indices = #map}, {transform_indices = #map1}, {transform_indices = #map1}, {transform_indices = #map1}]} {
    %mul3A = arith.constant 2 : i32
    %mul3A_0 = arith.muli %arg1, %mul3A : i32
    %add3A = arith.addi %mul3A_0, %arg0 : i32
    %mul3A_1 = arith.constant 10000 : i32
    %mul3A_2 = arith.muli %add3A, %mul3A_1 : i32
    "tpu.region"() ({
      %run_scoped3A = tpu.sem_alloc : memref<!tpu.dma_semaphore, #tpu.memory_space<semaphore_mem>>
      %dma_start3A_158 = tpu.memref_slice %arg3[%mul3A_2] : memref<320000xi32, #tpu.memory_space<hbm>> -> memref<10000xi32, #tpu.memory_space<hbm>>
      %dma_start3A_159 = tpu.memref_slice %arg3[%mul3A_2] : memref<320000xi32, #tpu.memory_space<hbm>> -> memref<10000xi32, #tpu.memory_space<hbm>>
      tpu.enqueue_dma source(%dma_start3A_159 : memref<10000xi32, #tpu.memory_space<hbm>>) target(%arg6 : memref<10000xi32, #tpu.memory_space<vmem>>) target_semaphore(%run_scoped3A : memref<!tpu.dma_semaphore, #tpu.memory_space<semaphore_mem>>)
      %dma_wait3A_160 = tpu.memref_slice %arg3[%mul3A_2] : memref<320000xi32, #tpu.memory_space<hbm>> -> memref<10000xi32, #tpu.memory_space<hbm>>
      %dma_wait3A_161 = tpu.memref_slice %arg3[%mul3A_2] : memref<320000xi32, #tpu.memory_space<hbm>> -> memref<10000xi32, #tpu.memory_space<hbm>>
      tpu.wait_dma2 semaphore(%run_scoped3A : memref<!tpu.dma_semaphore, #tpu.memory_space<semaphore_mem>>) src(%dma_wait3A_161 : memref<10000xi32, #tpu.memory_space<hbm>>) dst(%arg6 : memref<10000xi32, #tpu.memory_space<vmem>>)
      tpu.yield
    }) : () -> ()
    "tpu.region"() ({
      %run_scoped3A = tpu.sem_alloc : memref<!tpu.dma_semaphore, #tpu.memory_space<semaphore_mem>>
      %dma_start3A_158 = tpu.memref_slice %arg4[%mul3A_2] : memref<320000xi32, #tpu.memory_space<hbm>> -> memref<10000xi32, #tpu.memory_space<hbm>>
      %dma_start3A_159 = tpu.memref_slice %arg4[%mul3A_2] : memref<320000xi32, #tpu.memory_space<hbm>> -> memref<10000xi32, #tpu.memory_space<hbm>>
      tpu.enqueue_dma source(%dma_start3A_159 : memref<10000xi32, #tpu.memory_space<hbm>>) target(%arg7 : memref<10000xi32, #tpu.memory_space<vmem>>) target_semaphore(%run_scoped3A : memref<!tpu.dma_semaphore, #tpu.memory_space<semaphore_mem>>)
      %dma_wait3A_160 = tpu.memref_slice %arg4[%mul3A_2] : memref<320000xi32, #tpu.memory_space<hbm>> -> memref<10000xi32, #tpu.memory_space<hbm>>
      %dma_wait3A_161 = tpu.memref_slice %arg4[%mul3A_2] : memref<320000xi32, #tpu.memory_space<hbm>> -> memref<10000xi32, #tpu.memory_space<hbm>>
      tpu.wait_dma2 semaphore(%run_scoped3A : memref<!tpu.dma_semaphore, #tpu.memory_space<semaphore_mem>>) src(%dma_wait3A_161 : memref<10000xi32, #tpu.memory_space<hbm>>) dst(%arg7 : memref<10000xi32, #tpu.memory_space<vmem>>)
      tpu.yield
    }) : () -> ()
    %iota3A = tpu.iota {dimensions = array<i32: 0>} : vector<16xi32>
    %eq3A = arith.constant 15 : i32
    %eq3A_3 = vector.broadcast %eq3A : i32 to vector<16xi32>
    %eq3A_4 = arith.cmpi eq, %iota3A, %eq3A_3 : vector<16xi32>
    %dma_start3A = arith.constant 0 : i32
    %dma_start3A_5 = arith.constant 0 : i32
    %dma_start3A_6 = tpu.memref_slice %arg9[%dma_start3A, %dma_start3A_5] : memref<192x128xf32, #tpu.memory_space<vmem>> -> memref<96x128xf32, #tpu.memory_space<vmem>>
    %dma_start3A_7 = arith.constant 0 : i32
    %dma_start3A_8 = tpu.memref_slice %arg6[%dma_start3A_7] : memref<10000xi32, #tpu.memory_space<vmem>> -> memref<96xi32, #tpu.memory_space<vmem>>
    %dma_start3A_9 = arith.constant 0 : i32
    %dma_start3A_10 = arith.constant 0 : i32
    %dma_start3A_11 = tpu.memref_slice %arg2[%dma_start3A_9, %dma_start3A_10] : memref<10000x128xf32, #tpu.memory_space<hbm>> -> memref<10000x128xf32, #tpu.memory_space<hbm>>
    tpu.enqueue_indirect_dma source(%dma_start3A_11 : memref<10000x128xf32, #tpu.memory_space<hbm>>) target(%dma_start3A_6 : memref<96x128xf32, #tpu.memory_space<vmem>>) offsets(%dma_start3A_8 : memref<96xi32, #tpu.memory_space<vmem>>) semaphore(%arg16 : memref<!tpu.dma_semaphore, #tpu.memory_space<semaphore_mem>>)
    %dma_start3A_12 = arith.constant 96 : i32
    %dma_start3A_13 = arith.constant 0 : i32
    %dma_start3A_14 = tpu.memref_slice %arg9[%dma_start3A_12, %dma_start3A_13] : memref<192x128xf32, #tpu.memory_space<vmem>> -> memref<96x128xf32, #tpu.memory_space<vmem>>
    %dma_start3A_15 = arith.constant 96 : i32
    %dma_start3A_16 = tpu.memref_slice %arg6[%dma_start3A_15] : memref<10000xi32, #tpu.memory_space<vmem>> -> memref<96xi32, #tpu.memory_space<vmem>>
    %dma_start3A_17 = arith.constant 0 : i32
    %dma_start3A_18 = arith.constant 0 : i32
    %dma_start3A_19 = tpu.memref_slice %arg2[%dma_start3A_17, %dma_start3A_18] : memref<10000x128xf32, #tpu.memory_space<hbm>> -> memref<10000x128xf32, #tpu.memory_space<hbm>>
    tpu.enqueue_indirect_dma source(%dma_start3A_19 : memref<10000x128xf32, #tpu.memory_space<hbm>>) target(%dma_start3A_14 : memref<96x128xf32, #tpu.memory_space<vmem>>) offsets(%dma_start3A_16 : memref<96xi32, #tpu.memory_space<vmem>>) semaphore(%arg16 : memref<!tpu.dma_semaphore, #tpu.memory_space<semaphore_mem>>)
    %dma_start3A_20 = arith.constant 0 : i32
    %dma_start3A_21 = arith.constant 0 : i32
    %dma_start3A_22 = tpu.memref_slice %arg10[%dma_start3A_20, %dma_start3A_21] : memref<192x128xf32, #tpu.memory_space<vmem>> -> memref<96x128xf32, #tpu.memory_space<vmem>>
    %dma_start3A_23 = arith.constant 0 : i32
    %dma_start3A_24 = tpu.memref_slice %arg7[%dma_start3A_23] : memref<10000xi32, #tpu.memory_space<vmem>> -> memref<96xi32, #tpu.memory_space<vmem>>
    %dma_start3A_25 = arith.constant 0 : i32
    %dma_start3A_26 = arith.constant 0 : i32
    %dma_start3A_27 = tpu.memref_slice %arg2[%dma_start3A_25, %dma_start3A_26] : memref<10000x128xf32, #tpu.memory_space<hbm>> -> memref<10000x128xf32, #tpu.memory_space<hbm>>
    tpu.enqueue_indirect_dma source(%dma_start3A_27 : memref<10000x128xf32, #tpu.memory_space<hbm>>) target(%dma_start3A_22 : memref<96x128xf32, #tpu.memory_space<vmem>>) offsets(%dma_start3A_24 : memref<96xi32, #tpu.memory_space<vmem>>) semaphore(%arg17 : memref<!tpu.dma_semaphore, #tpu.memory_space<semaphore_mem>>)
    %dma_start3A_28 = arith.constant 96 : i32
    %dma_start3A_29 = arith.constant 0 : i32
    %dma_start3A_30 = tpu.memref_slice %arg10[%dma_start3A_28, %dma_start3A_29] : memref<192x128xf32, #tpu.memory_space<vmem>> -> memref<96x128xf32, #tpu.memory_space<vmem>>
    %dma_start3A_31 = arith.constant 96 : i32
    %dma_start3A_32 = tpu.memref_slice %arg7[%dma_start3A_31] : memref<10000xi32, #tpu.memory_space<vmem>> -> memref<96xi32, #tpu.memory_space<vmem>>
    %dma_start3A_33 = arith.constant 0 : i32
    %dma_start3A_34 = arith.constant 0 : i32
    %dma_start3A_35 = tpu.memref_slice %arg2[%dma_start3A_33, %dma_start3A_34] : memref<10000x128xf32, #tpu.memory_space<hbm>> -> memref<10000x128xf32, #tpu.memory_space<hbm>>
    tpu.enqueue_indirect_dma source(%dma_start3A_35 : memref<10000x128xf32, #tpu.memory_space<hbm>>) target(%dma_start3A_30 : memref<96x128xf32, #tpu.memory_space<vmem>>) offsets(%dma_start3A_32 : memref<96xi32, #tpu.memory_space<vmem>>) semaphore(%arg17 : memref<!tpu.dma_semaphore, #tpu.memory_space<semaphore_mem>>)
    %scan3A = arith.constant 0 : i32
    %scan3A_36 = arith.constant 0 : i32
    %scan3A_37 = arith.constant 26 : i32
    %scan3A_38 = arith.addi %scan3A_36, %scan3A_37 : i32
    %scan3A_39 = arith.constant 1 : i32
    scf.for %scan3A_158 = %scan3A_36 to %scan3A_38 step %scan3A_39  : i32 {
      %mul3A_159 = arith.constant 2 : i32
      %mul3A_160 = arith.muli %mul3A_159, %scan3A_158 : i32
      %mul3A_161 = arith.constant 192 : i32
      %mul3A_162 = arith.muli %mul3A_160, %mul3A_161 : i32
      %mul3A_163 = arith.constant 2 : i32
      %mul3A_164 = arith.muli %mul3A_163, %scan3A_158 : i32
      %add3A_165 = arith.constant 1 : i32
      %add3A_166 = arith.addi %mul3A_164, %add3A_165 : i32
      %mul3A_167 = arith.constant 192 : i32
      %mul3A_168 = arith.muli %add3A_166, %mul3A_167 : i32
      %dma_start3A_169 = arith.constant 0 : i32
      %dma_start3A_170 = arith.constant 0 : i32
      %dma_start3A_171 = tpu.memref_slice %arg11[%dma_start3A_169, %dma_start3A_170] : memref<192x128xf32, #tpu.memory_space<vmem>> -> memref<96x128xf32, #tpu.memory_space<vmem>>
      %dma_start3A_172 = tpu.memref_slice %arg6[%mul3A_168] : memref<10000xi32, #tpu.memory_space<vmem>> -> memref<96xi32, #tpu.memory_space<vmem>>
      %dma_start3A_173 = arith.constant 0 : i32
      %dma_start3A_174 = arith.constant 0 : i32
      %dma_start3A_175 = tpu.memref_slice %arg2[%dma_start3A_173, %dma_start3A_174] : memref<10000x128xf32, #tpu.memory_space<hbm>> -> memref<10000x128xf32, #tpu.memory_space<hbm>>
      tpu.enqueue_indirect_dma source(%dma_start3A_175 : memref<10000x128xf32, #tpu.memory_space<hbm>>) target(%dma_start3A_171 : memref<96x128xf32, #tpu.memory_space<vmem>>) offsets(%dma_start3A_172 : memref<96xi32, #tpu.memory_space<vmem>>) semaphore(%arg18 : memref<!tpu.dma_semaphore, #tpu.memory_space<semaphore_mem>>)
      %add3A_176 = arith.constant 96 : i32
      %add3A_177 = arith.addi %mul3A_168, %add3A_176 : i32
      %dma_start3A_178 = arith.constant 96 : i32
      %dma_start3A_179 = arith.constant 0 : i32
      %dma_start3A_180 = tpu.memref_slice %arg11[%dma_start3A_178, %dma_start3A_179] : memref<192x128xf32, #tpu.memory_space<vmem>> -> memref<96x128xf32, #tpu.memory_space<vmem>>
      %dma_start3A_181 = tpu.memref_slice %arg6[%add3A_177] : memref<10000xi32, #tpu.memory_space<vmem>> -> memref<96xi32, #tpu.memory_space<vmem>>
      %dma_start3A_182 = arith.constant 0 : i32
      %dma_start3A_183 = arith.constant 0 : i32
      %dma_start3A_184 = tpu.memref_slice %arg2[%dma_start3A_182, %dma_start3A_183] : memref<10000x128xf32, #tpu.memory_space<hbm>> -> memref<10000x128xf32, #tpu.memory_space<hbm>>
      tpu.enqueue_indirect_dma source(%dma_start3A_184 : memref<10000x128xf32, #tpu.memory_space<hbm>>) target(%dma_start3A_180 : memref<96x128xf32, #tpu.memory_space<vmem>>) offsets(%dma_start3A_181 : memref<96xi32, #tpu.memory_space<vmem>>) semaphore(%arg18 : memref<!tpu.dma_semaphore, #tpu.memory_space<semaphore_mem>>)
      %dma_start3A_185 = arith.constant 0 : i32
      %dma_start3A_186 = arith.constant 0 : i32
      %dma_start3A_187 = tpu.memref_slice %arg12[%dma_start3A_185, %dma_start3A_186] : memref<192x128xf32, #tpu.memory_space<vmem>> -> memref<96x128xf32, #tpu.memory_space<vmem>>
      %dma_start3A_188 = tpu.memref_slice %arg7[%mul3A_168] : memref<10000xi32, #tpu.memory_space<vmem>> -> memref<96xi32, #tpu.memory_space<vmem>>
      %dma_start3A_189 = arith.constant 0 : i32
      %dma_start3A_190 = arith.constant 0 : i32
      %dma_start3A_191 = tpu.memref_slice %arg2[%dma_start3A_189, %dma_start3A_190] : memref<10000x128xf32, #tpu.memory_space<hbm>> -> memref<10000x128xf32, #tpu.memory_space<hbm>>
      tpu.enqueue_indirect_dma source(%dma_start3A_191 : memref<10000x128xf32, #tpu.memory_space<hbm>>) target(%dma_start3A_187 : memref<96x128xf32, #tpu.memory_space<vmem>>) offsets(%dma_start3A_188 : memref<96xi32, #tpu.memory_space<vmem>>) semaphore(%arg19 : memref<!tpu.dma_semaphore, #tpu.memory_space<semaphore_mem>>)
      %add3A_192 = arith.constant 96 : i32
      %add3A_193 = arith.addi %mul3A_168, %add3A_192 : i32
      %dma_start3A_194 = arith.constant 96 : i32
      %dma_start3A_195 = arith.constant 0 : i32
      %dma_start3A_196 = tpu.memref_slice %arg12[%dma_start3A_194, %dma_start3A_195] : memref<192x128xf32, #tpu.memory_space<vmem>> -> memref<96x128xf32, #tpu.memory_space<vmem>>
      %dma_start3A_197 = tpu.memref_slice %arg7[%add3A_193] : memref<10000xi32, #tpu.memory_space<vmem>> -> memref<96xi32, #tpu.memory_space<vmem>>
      %dma_start3A_198 = arith.constant 0 : i32
      %dma_start3A_199 = arith.constant 0 : i32
      %dma_start3A_200 = tpu.memref_slice %arg2[%dma_start3A_198, %dma_start3A_199] : memref<10000x128xf32, #tpu.memory_space<hbm>> -> memref<10000x128xf32, #tpu.memory_space<hbm>>
      tpu.enqueue_indirect_dma source(%dma_start3A_200 : memref<10000x128xf32, #tpu.memory_space<hbm>>) target(%dma_start3A_196 : memref<96x128xf32, #tpu.memory_space<vmem>>) offsets(%dma_start3A_197 : memref<96xi32, #tpu.memory_space<vmem>>) semaphore(%arg19 : memref<!tpu.dma_semaphore, #tpu.memory_space<semaphore_mem>>)
      %dma_wait3A_201 = arith.constant 0 : i32
      %dma_wait3A_202 = arith.constant 0 : i32
      %dma_wait3A_203 = tpu.memref_slice %arg9[%dma_wait3A_201, %dma_wait3A_202] : memref<192x128xf32, #tpu.memory_space<vmem>> -> memref<96x128xf32, #tpu.memory_space<vmem>>
      %dma_wait3A_204 = tpu.memref_slice %arg6[%mul3A_162] : memref<10000xi32, #tpu.memory_space<vmem>> -> memref<96xi32, #tpu.memory_space<vmem>>
      %dma_wait3A_205 = arith.constant 0 : i32
      %dma_wait3A_206 = arith.constant 0 : i32
      %dma_wait3A_207 = tpu.memref_slice %arg2[%dma_wait3A_205, %dma_wait3A_206] : memref<10000x128xf32, #tpu.memory_space<hbm>> -> memref<10000x128xf32, #tpu.memory_space<hbm>>
      tpu.wait_indirect_dma semaphore(%arg16 : memref<!tpu.dma_semaphore, #tpu.memory_space<semaphore_mem>>) src(%dma_wait3A_207 : memref<10000x128xf32, #tpu.memory_space<hbm>>) dst(%dma_wait3A_203 : memref<96x128xf32, #tpu.memory_space<vmem>>)
      %add3A_208 = arith.constant 96 : i32
      %add3A_209 = arith.addi %mul3A_162, %add3A_208 : i32
      %dma_wait3A_210 = arith.constant 96 : i32
      %dma_wait3A_211 = arith.constant 0 : i32
      %dma_wait3A_212 = tpu.memref_slice %arg9[%dma_wait3A_210, %dma_wait3A_211] : memref<192x128xf32, #tpu.memory_space<vmem>> -> memref<96x128xf32, #tpu.memory_space<vmem>>
      %dma_wait3A_213 = tpu.memref_slice %arg6[%add3A_209] : memref<10000xi32, #tpu.memory_space<vmem>> -> memref<96xi32, #tpu.memory_space<vmem>>
      %dma_wait3A_214 = arith.constant 0 : i32
      %dma_wait3A_215 = arith.constant 0 : i32
      %dma_wait3A_216 = tpu.memref_slice %arg2[%dma_wait3A_214, %dma_wait3A_215] : memref<10000x128xf32, #tpu.memory_space<hbm>> -> memref<10000x128xf32, #tpu.memory_space<hbm>>
      tpu.wait_indirect_dma semaphore(%arg16 : memref<!tpu.dma_semaphore, #tpu.memory_space<semaphore_mem>>) src(%dma_wait3A_216 : memref<10000x128xf32, #tpu.memory_space<hbm>>) dst(%dma_wait3A_212 : memref<96x128xf32, #tpu.memory_space<vmem>>)
      %dma_wait3A_217 = arith.constant 0 : i32
      %dma_wait3A_218 = arith.constant 0 : i32
      %dma_wait3A_219 = tpu.memref_slice %arg10[%dma_wait3A_217, %dma_wait3A_218] : memref<192x128xf32, #tpu.memory_space<vmem>> -> memref<96x128xf32, #tpu.memory_space<vmem>>
      %dma_wait3A_220 = tpu.memref_slice %arg7[%mul3A_162] : memref<10000xi32, #tpu.memory_space<vmem>> -> memref<96xi32, #tpu.memory_space<vmem>>
      %dma_wait3A_221 = arith.constant 0 : i32
      %dma_wait3A_222 = arith.constant 0 : i32
      %dma_wait3A_223 = tpu.memref_slice %arg2[%dma_wait3A_221, %dma_wait3A_222] : memref<10000x128xf32, #tpu.memory_space<hbm>> -> memref<10000x128xf32, #tpu.memory_space<hbm>>
      tpu.wait_indirect_dma semaphore(%arg17 : memref<!tpu.dma_semaphore, #tpu.memory_space<semaphore_mem>>) src(%dma_wait3A_223 : memref<10000x128xf32, #tpu.memory_space<hbm>>) dst(%dma_wait3A_219 : memref<96x128xf32, #tpu.memory_space<vmem>>)
      %add3A_224 = arith.constant 96 : i32
      %add3A_225 = arith.addi %mul3A_162, %add3A_224 : i32
      %dma_wait3A_226 = arith.constant 96 : i32
      %dma_wait3A_227 = arith.constant 0 : i32
      %dma_wait3A_228 = tpu.memref_slice %arg10[%dma_wait3A_226, %dma_wait3A_227] : memref<192x128xf32, #tpu.memory_space<vmem>> -> memref<96x128xf32, #tpu.memory_space<vmem>>
      %dma_wait3A_229 = tpu.memref_slice %arg7[%add3A_225] : memref<10000xi32, #tpu.memory_space<vmem>> -> memref<96xi32, #tpu.memory_space<vmem>>
      %dma_wait3A_230 = arith.constant 0 : i32
      %dma_wait3A_231 = arith.constant 0 : i32
      %dma_wait3A_232 = tpu.memref_slice %arg2[%dma_wait3A_230, %dma_wait3A_231] : memref<10000x128xf32, #tpu.memory_space<hbm>> -> memref<10000x128xf32, #tpu.memory_space<hbm>>
      tpu.wait_indirect_dma semaphore(%arg17 : memref<!tpu.dma_semaphore, #tpu.memory_space<semaphore_mem>>) src(%dma_wait3A_232 : memref<10000x128xf32, #tpu.memory_space<hbm>>) dst(%dma_wait3A_228 : memref<96x128xf32, #tpu.memory_space<vmem>>)
      %parallel_loop3A_233 = arith.constant 0 : i32
      %parallel_loop3A_234 = arith.constant 192 : i32
      %parallel_loop3A_235 = arith.constant 1 : i32
      scf.for %parallel_loop3A_1813 = %parallel_loop3A_233 to %parallel_loop3A_234 step %parallel_loop3A_235  : i32 {
        %parallel_loop3A_1814 = arith.index_cast %parallel_loop3A_1813 : i32 to index
        %parallel_loop3A_1815 = arith.constant 0 : index
        %parallel_loop3A_1816 = tpu.vector_load %arg9[%parallel_loop3A_1814, %parallel_loop3A_1815] {strides = array<i32>} : memref<192x128xf32, #tpu.memory_space<vmem>>, vector<16xf32>,
        %parallel_loop3A_1817 = arith.index_cast %parallel_loop3A_1813 : i32 to index
        %parallel_loop3A_1818 = arith.constant 16 : index
        %parallel_loop3A_1819 = tpu.vector_load %arg9[%parallel_loop3A_1817, %parallel_loop3A_1818] {strides = array<i32>} : memref<192x128xf32, #tpu.memory_space<vmem>>, vector<16xf32>,
        %parallel_loop3A_1820 = arith.index_cast %parallel_loop3A_1813 : i32 to index
        %parallel_loop3A_1821 = arith.constant 32 : index
        %parallel_loop3A_1822 = tpu.vector_load %arg9[%parallel_loop3A_1820, %parallel_loop3A_1821] {strides = array<i32>} : memref<192x128xf32, #tpu.memory_space<vmem>>, vector<16xf32>,
        %parallel_loop3A_1823 = arith.index_cast %parallel_loop3A_1813 : i32 to index
        %parallel_loop3A_1824 = arith.constant 48 : index
        %parallel_loop3A_1825 = tpu.vector_load %arg9[%parallel_loop3A_1823, %parallel_loop3A_1824] {strides = array<i32>} : memref<192x128xf32, #tpu.memory_space<vmem>>, vector<16xf32>,
        %parallel_loop3A_1826 = arith.index_cast %parallel_loop3A_1813 : i32 to index
        %parallel_loop3A_1827 = arith.constant 64 : index
        %parallel_loop3A_1828 = tpu.vector_load %arg9[%parallel_loop3A_1826, %parallel_loop3A_1827] {strides = array<i32>} : memref<192x128xf32, #tpu.memory_space<vmem>>, vector<16xf32>,
        %parallel_loop3A_1829 = arith.index_cast %parallel_loop3A_1813 : i32 to index
        %parallel_loop3A_1830 = arith.constant 80 : index
        %parallel_loop3A_1831 = tpu.vector_load %arg9[%parallel_loop3A_1829, %parallel_loop3A_1830] {strides = array<i32>} : memref<192x128xf32, #tpu.memory_space<vmem>>, vector<16xf32>,
        %parallel_loop3A_1832 = arith.index_cast %parallel_loop3A_1813 : i32 to index
        %parallel_loop3A_1833 = arith.constant 96 : index
        %parallel_loop3A_1834 = tpu.vector_load %arg9[%parallel_loop3A_1832, %parallel_loop3A_1833] {strides = array<i32>} : memref<192x128xf32, #tpu.memory_space<vmem>>, vector<16xf32>,
        %parallel_loop3A_1835 = arith.index_cast %parallel_loop3A_1813 : i32 to index
        %parallel_loop3A_1836 = arith.constant 112 : index
        %parallel_loop3A_1837 = tpu.vector_load %arg9[%parallel_loop3A_1835, %parallel_loop3A_1836] {strides = array<i32>} : memref<192x128xf32, #tpu.memory_space<vmem>>, vector<16xf32>,
        %parallel_loop3A_1838 = arith.index_cast %parallel_loop3A_1813 : i32 to index
        %parallel_loop3A_1839 = arith.constant 0 : index
        %parallel_loop3A_1840 = tpu.vector_load %arg10[%parallel_loop3A_1838, %parallel_loop3A_1839] {strides = array<i32>} : memref<192x128xf32, #tpu.memory_space<vmem>>, vector<16xf32>,
        %parallel_loop3A_1841 = arith.index_cast %parallel_loop3A_1813 : i32 to index
        %parallel_loop3A_1842 = arith.constant 16 : index
        %parallel_loop3A_1843 = tpu.vector_load %arg10[%parallel_loop3A_1841, %parallel_loop3A_1842] {strides = array<i32>} : memref<192x128xf32, #tpu.memory_space<vmem>>, vector<16xf32>,
        %parallel_loop3A_1844 = arith.index_cast %parallel_loop3A_1813 : i32 to index
        %parallel_loop3A_1845 = arith.constant 32 : index
        %parallel_loop3A_1846 = tpu.vector_load %arg10[%parallel_loop3A_1844, %parallel_loop3A_1845] {strides = array<i32>} : memref<192x128xf32, #tpu.memory_space<vmem>>, vector<16xf32>,
        %parallel_loop3A_1847 = arith.index_cast %parallel_loop3A_1813 : i32 to index
        %parallel_loop3A_1848 = arith.constant 48 : index
        %parallel_loop3A_1849 = tpu.vector_load %arg10[%parallel_loop3A_1847, %parallel_loop3A_1848] {strides = array<i32>} : memref<192x128xf32, #tpu.memory_space<vmem>>, vector<16xf32>,
        %parallel_loop3A_1850 = arith.index_cast %parallel_loop3A_1813 : i32 to index
        %parallel_loop3A_1851 = arith.constant 64 : index
        %parallel_loop3A_1852 = tpu.vector_load %arg10[%parallel_loop3A_1850, %parallel_loop3A_1851] {strides = array<i32>} : memref<192x128xf32, #tpu.memory_space<vmem>>, vector<16xf32>,
        %parallel_loop3A_1853 = arith.index_cast %parallel_loop3A_1813 : i32 to index
        %parallel_loop3A_1854 = arith.constant 80 : index
        %parallel_loop3A_1855 = tpu.vector_load %arg10[%parallel_loop3A_1853, %parallel_loop3A_1854] {strides = array<i32>} : memref<192x128xf32, #tpu.memory_space<vmem>>, vector<16xf32>,
        %parallel_loop3A_1856 = arith.index_cast %parallel_loop3A_1813 : i32 to index
        %parallel_loop3A_1857 = arith.constant 96 : index
        %parallel_loop3A_1858 = tpu.vector_load %arg10[%parallel_loop3A_1856, %parallel_loop3A_1857] {strides = array<i32>} : memref<192x128xf32, #tpu.memory_space<vmem>>, vector<16xf32>,
        %parallel_loop3A_1859 = arith.index_cast %parallel_loop3A_1813 : i32 to index
        %parallel_loop3A_1860 = arith.constant 112 : index
        %parallel_loop3A_1861 = tpu.vector_load %arg10[%parallel_loop3A_1859, %parallel_loop3A_1860] {strides = array<i32>} : memref<192x128xf32, #tpu.memory_space<vmem>>, vector<16xf32>,
        %parallel_loop3A_1862 = arith.mulf %parallel_loop3A_1816, %parallel_loop3A_1840 : vector<16xf32>
        %parallel_loop3A_1863 = arith.mulf %parallel_loop3A_1819, %parallel_loop3A_1843 : vector<16xf32>
        %parallel_loop3A_1864 = arith.mulf %parallel_loop3A_1822, %parallel_loop3A_1846 : vector<16xf32>
        %parallel_loop3A_1865 = arith.mulf %parallel_loop3A_1825, %parallel_loop3A_1849 : vector<16xf32>
        %parallel_loop3A_1866 = arith.mulf %parallel_loop3A_1828, %parallel_loop3A_1852 : vector<16xf32>
        %parallel_loop3A_1867 = arith.mulf %parallel_loop3A_1831, %parallel_loop3A_1855 : vector<16xf32>
        %parallel_loop3A_1868 = arith.mulf %parallel_loop3A_1834, %parallel_loop3A_1858 : vector<16xf32>
        %parallel_loop3A_1869 = arith.mulf %parallel_loop3A_1837, %parallel_loop3A_1861 : vector<16xf32>
        %parallel_loop3A_1870 = arith.addf %parallel_loop3A_1862, %parallel_loop3A_1863 : vector<16xf32>
        %parallel_loop3A_1871 = arith.addf %parallel_loop3A_1864, %parallel_loop3A_1865 : vector<16xf32>
        %parallel_loop3A_1872 = arith.addf %parallel_loop3A_1870, %parallel_loop3A_1871 : vector<16xf32>
        %parallel_loop3A_1873 = arith.addf %parallel_loop3A_1866, %parallel_loop3A_1867 : vector<16xf32>
        %parallel_loop3A_1874 = arith.addf %parallel_loop3A_1868, %parallel_loop3A_1869 : vector<16xf32>
        %parallel_loop3A_1875 = arith.addf %parallel_loop3A_1873, %parallel_loop3A_1874 : vector<16xf32>
        %parallel_loop3A_1876 = arith.addf %parallel_loop3A_1872, %parallel_loop3A_1875 : vector<16xf32>
        %parallel_loop3A_1877 = arith.constant true
        %parallel_loop3A_1878 = vector.broadcast %parallel_loop3A_1877 : i1 to vector<16xi1>
        %parallel_loop3A_1879 = tpu.scan <sum>, %parallel_loop3A_1876 masked %parallel_loop3A_1878 : vector<16xf32>, vector<16xi1> -> vector<16xf32>
        %parallel_loop3A_1880 = arith.mulf %parallel_loop3A_1816, %parallel_loop3A_1816 : vector<16xf32>
        %parallel_loop3A_1881 = arith.mulf %parallel_loop3A_1819, %parallel_loop3A_1819 : vector<16xf32>
        %parallel_loop3A_1882 = arith.mulf %parallel_loop3A_1822, %parallel_loop3A_1822 : vector<16xf32>
        %parallel_loop3A_1883 = arith.mulf %parallel_loop3A_1825, %parallel_loop3A_1825 : vector<16xf32>
        %parallel_loop3A_1884 = arith.mulf %parallel_loop3A_1828, %parallel_loop3A_1828 : vector<16xf32>
        %parallel_loop3A_1885 = arith.mulf %parallel_loop3A_1831, %parallel_loop3A_1831 : vector<16xf32>
        %parallel_loop3A_1886 = arith.mulf %parallel_loop3A_1834, %parallel_loop3A_1834 : vector<16xf32>
        %parallel_loop3A_1887 = arith.mulf %parallel_loop3A_1837, %parallel_loop3A_1837 : vector<16xf32>
        %parallel_loop3A_1888 = arith.addf %parallel_loop3A_1880, %parallel_loop3A_1881 : vector<16xf32>
        %parallel_loop3A_1889 = arith.addf %parallel_loop3A_1882, %parallel_loop3A_1883 : vector<16xf32>
        %parallel_loop3A_1890 = arith.addf %parallel_loop3A_1888, %parallel_loop3A_1889 : vector<16xf32>
        %parallel_loop3A_1891 = arith.addf %parallel_loop3A_1884, %parallel_loop3A_1885 : vector<16xf32>
        %parallel_loop3A_1892 = arith.addf %parallel_loop3A_1886, %parallel_loop3A_1887 : vector<16xf32>
        %parallel_loop3A_1893 = arith.addf %parallel_loop3A_1891, %parallel_loop3A_1892 : vector<16xf32>
        %parallel_loop3A_1894 = arith.addf %parallel_loop3A_1890, %parallel_loop3A_1893 : vector<16xf32>
        %parallel_loop3A_1895 = arith.constant true
        %parallel_loop3A_1896 = vector.broadcast %parallel_loop3A_1895 : i1 to vector<16xi1>
        %parallel_loop3A_1897 = tpu.scan <sum>, %parallel_loop3A_1894 masked %parallel_loop3A_1896 : vector<16xf32>, vector<16xi1> -> vector<16xf32>
        %parallel_loop3A_1898 = arith.mulf %parallel_loop3A_1840, %parallel_loop3A_1840 : vector<16xf32>
        %parallel_loop3A_1899 = arith.mulf %parallel_loop3A_1843, %parallel_loop3A_1843 : vector<16xf32>
        %parallel_loop3A_1900 = arith.mulf %parallel_loop3A_1846, %parallel_loop3A_1846 : vector<16xf32>
        %parallel_loop3A_1901 = arith.mulf %parallel_loop3A_1849, %parallel_loop3A_1849 : vector<16xf32>
        %parallel_loop3A_1902 = arith.mulf %parallel_loop3A_1852, %parallel_loop3A_1852 : vector<16xf32>
        %parallel_loop3A_1903 = arith.mulf %parallel_loop3A_1855, %parallel_loop3A_1855 : vector<16xf32>
        %parallel_loop3A_1904 = arith.mulf %parallel_loop3A_1858, %parallel_loop3A_1858 : vector<16xf32>
        %parallel_loop3A_1905 = arith.mulf %parallel_loop3A_1861, %parallel_loop3A_1861 : vector<16xf32>
        %parallel_loop3A_1906 = arith.addf %parallel_loop3A_1898, %parallel_loop3A_1899 : vector<16xf32>
        %parallel_loop3A_1907 = arith.addf %parallel_loop3A_1900, %parallel_loop3A_1901 : vector<16xf32>
        %parallel_loop3A_1908 = arith.addf %parallel_loop3A_1906, %parallel_loop3A_1907 : vector<16xf32>
        %parallel_loop3A_1909 = arith.addf %parallel_loop3A_1902, %parallel_loop3A_1903 : vector<16xf32>
        %parallel_loop3A_1910 = arith.addf %parallel_loop3A_1904, %parallel_loop3A_1905 : vector<16xf32>
        %parallel_loop3A_1911 = arith.addf %parallel_loop3A_1909, %parallel_loop3A_1910 : vector<16xf32>
        %parallel_loop3A_1912 = arith.addf %parallel_loop3A_1908, %parallel_loop3A_1911 : vector<16xf32>
        %parallel_loop3A_1913 = arith.constant true
        %parallel_loop3A_1914 = vector.broadcast %parallel_loop3A_1913 : i1 to vector<16xi1>
        %parallel_loop3A_1915 = tpu.scan <sum>, %parallel_loop3A_1912 masked %parallel_loop3A_1914 : vector<16xf32>, vector<16xi1> -> vector<16xf32>
        %parallel_loop3A_1916 = vector.broadcast %parallel_loop3A_1813 : i32 to vector<16xi32>
        tpu.vector_store_idx %arg13[%parallel_loop3A_1916], %parallel_loop3A_1879 masked %eq3A_4 : memref<192xf32, #tpu.memory_space<vmem>>[vector<16xi32>], vector<16xf32>, vector<16xi1>
        tpu.vector_store_idx %arg14[%parallel_loop3A_1916], %parallel_loop3A_1897 masked %eq3A_4 : memref<192xf32, #tpu.memory_space<vmem>>[vector<16xi32>], vector<16xf32>, vector<16xi1>
        tpu.vector_store_idx %arg15[%parallel_loop3A_1916], %parallel_loop3A_1915 masked %eq3A_4 : memref<192xf32, #tpu.memory_space<vmem>>[vector<16xi32>], vector<16xf32>, vector<16xi1>
      } {sc.loop_unroll_factor = 4 : i64, sc.parallel_access}
      %get3A_236 = arith.constant 0 : index
      %get3A_237 = tpu.vector_load %arg13[%get3A_236] {strides = array<i32>} : memref<192xf32, #tpu.memory_space<vmem>>, vector<16xf32>,
      %get3A_238 = arith.constant 0 : index
      %get3A_239 = tpu.vector_load %arg14[%get3A_238] {strides = array<i32>} : memref<192xf32, #tpu.memory_space<vmem>>, vector<16xf32>,
      %get3A_240 = arith.constant 0 : index
      %get3A_241 = tpu.vector_load %arg15[%get3A_240] {strides = array<i32>} : memref<192xf32, #tpu.memory_space<vmem>>, vector<16xf32>,
      %mul3A_242 = arith.mulf %get3A_239, %get3A_241 : vector<16xf32>
      %ge3A_243 = arith.constant 1.000000e-16 : f32
      %ge3A_244 = vector.broadcast %ge3A_243 : f32 to vector<16xf32>
      %ge3A_245 = arith.cmpf oge, %mul3A_242, %ge3A_244 : vector<16xf32>
      %bitcast_convert_type3A_246 = tpu.bitcast %mul3A_242 : vector<16xf32> -> vector<16xi32>
      %shift_right_arithmetic3A_247 = arith.constant 1 : i32
      %shift_right_arithmetic3A_248 = vector.broadcast %shift_right_arithmetic3A_247 : i32 to vector<16xi32>
      %shift_right_arithmetic3A_249 = arith.shrsi %bitcast_convert_type3A_246, %shift_right_arithmetic3A_248 : vector<16xi32>
      %sub3A_250 = arith.constant 1597463007 : i32
      %sub3A_251 = vector.broadcast %sub3A_250 : i32 to vector<16xi32>
      %sub3A_252 = arith.subi %sub3A_251, %shift_right_arithmetic3A_249 : vector<16xi32>
      %bitcast_convert_type3A_253 = tpu.bitcast %sub3A_252 : vector<16xi32> -> vector<16xf32>
      %mul3A_254 = arith.constant 5.000000e-01 : f32
      %mul3A_255 = vector.broadcast %mul3A_254 : f32 to vector<16xf32>
      %mul3A_256 = arith.mulf %mul3A_255, %mul3A_242 : vector<16xf32>
      %mul3A_257 = arith.mulf %mul3A_256, %bitcast_convert_type3A_253 : vector<16xf32>
      %mul3A_258 = arith.mulf %mul3A_257, %bitcast_convert_type3A_253 : vector<16xf32>
      %sub3A_259 = arith.constant 1.500000e+00 : f32
      %sub3A_260 = vector.broadcast %sub3A_259 : f32 to vector<16xf32>
      %sub3A_261 = arith.subf %sub3A_260, %mul3A_258 : vector<16xf32>
      %mul3A_262 = arith.mulf %bitcast_convert_type3A_253, %sub3A_261 : vector<16xf32>
      %mul3A_263 = arith.constant 5.000000e-01 : f32
      %mul3A_264 = vector.broadcast %mul3A_263 : f32 to vector<16xf32>
      %mul3A_265 = arith.mulf %mul3A_264, %mul3A_242 : vector<16xf32>
      %mul3A_266 = arith.mulf %mul3A_265, %mul3A_262 : vector<16xf32>
      %mul3A_267 = arith.mulf %mul3A_266, %mul3A_262 : vector<16xf32>
      %sub3A_268 = arith.constant 1.500000e+00 : f32
      %sub3A_269 = vector.broadcast %sub3A_268 : f32 to vector<16xf32>
      %sub3A_270 = arith.subf %sub3A_269, %mul3A_267 : vector<16xf32>
      %mul3A_271 = arith.mulf %mul3A_262, %sub3A_270 : vector<16xf32>
      %mul3A_272 = arith.constant 5.000000e-01 : f32
      %mul3A_273 = vector.broadcast %mul3A_272 : f32 to vector<16xf32>
      %mul3A_274 = arith.mulf %mul3A_273, %mul3A_242 : vector<16xf32>
      %mul3A_275 = arith.mulf %mul3A_274, %mul3A_271 : vector<16xf32>
      %mul3A_276 = arith.mulf %mul3A_275, %mul3A_271 : vector<16xf32>
      %sub3A_277 = arith.constant 1.500000e+00 : f32
      %sub3A_278 = vector.broadcast %sub3A_277 : f32 to vector<16xf32>
      %sub3A_279 = arith.subf %sub3A_278, %mul3A_276 : vector<16xf32>
      %mul3A_280 = arith.mulf %mul3A_271, %sub3A_279 : vector<16xf32>
      %mul3A_281 = arith.mulf %get3A_237, %mul3A_280 : vector<16xf32>
      %mul3A_282 = arith.constant 1.000000e+08 : f32
      %mul3A_283 = vector.broadcast %mul3A_282 : f32 to vector<16xf32>
      %mul3A_284 = arith.mulf %get3A_237, %mul3A_283 : vector<16xf32>
      %select_n3A_285 = arith.select %ge3A_245, %mul3A_281, %mul3A_284 : vector<16xi1>, vector<16xf32>
      %neg3A_286 = arith.constant 0.000000e+00 : f32
      %neg3A_287 = vector.broadcast %neg3A_286 : f32 to vector<16xf32>
      %neg3A_288 = arith.subf %neg3A_287, %select_n3A_285 : vector<16xf32>
      %exp3A_289 = math.exp %neg3A_288 : vector<16xf32>
      %add3A_290 = arith.constant 1.000000e+00 : f32
      %add3A_291 = vector.broadcast %add3A_290 : f32 to vector<16xf32>
      %add3A_292 = arith.addf %add3A_291, %exp3A_289 : vector<16xf32>
      %div3A_293 = arith.constant 1.000000e+00 : f32
      %div3A_294 = vector.broadcast %div3A_293 : f32 to vector<16xf32>
      %div3A_295 = arith.divf %div3A_294, %add3A_292 : vector<16xf32>
      %add3A_296 = arith.constant 0 : i32
      %add3A_297 = arith.addi %mul3A_162, %add3A_296 : i32
      %swap3A_298 = arith.index_cast %add3A_297 : i32 to index
      %swap3A_299 = tpu.vector_load %arg8[%swap3A_298] {strides = array<i32>} : memref<10000xf32, #tpu.memory_space<vmem>>, vector<16xf32>,
      tpu.vector_store %arg8[%swap3A_298], %div3A_295 {strides = array<i32>} : memref<10000xf32, #tpu.memory_space<vmem>>, vector<16xf32>,
      %get3A_300 = arith.constant 16 : index
      %get3A_301 = tpu.vector_load %arg13[%get3A_300] {strides = array<i32>} : memref<192xf32, #tpu.memory_space<vmem>>, vector<16xf32>,
      %get3A_302 = arith.constant 16 : index
      %get3A_303 = tpu.vector_load %arg14[%get3A_302] {strides = array<i32>} : memref<192xf32, #tpu.memory_space<vmem>>, vector<16xf32>,
      %get3A_304 = arith.constant 16 : index
      %get3A_305 = tpu.vector_load %arg15[%get3A_304] {strides = array<i32>} : memref<192xf32, #tpu.memory_space<vmem>>, vector<16xf32>,
      %mul3A_306 = arith.mulf %get3A_303, %get3A_305 : vector<16xf32>
      %ge3A_307 = arith.constant 1.000000e-16 : f32
      %ge3A_308 = vector.broadcast %ge3A_307 : f32 to vector<16xf32>
      %ge3A_309 = arith.cmpf oge, %mul3A_306, %ge3A_308 : vector<16xf32>
      %bitcast_convert_type3A_310 = tpu.bitcast %mul3A_306 : vector<16xf32> -> vector<16xi32>
      %shift_right_arithmetic3A_311 = arith.constant 1 : i32
      %shift_right_arithmetic3A_312 = vector.broadcast %shift_right_arithmetic3A_311 : i32 to vector<16xi32>
      %shift_right_arithmetic3A_313 = arith.shrsi %bitcast_convert_type3A_310, %shift_right_arithmetic3A_312 : vector<16xi32>
      %sub3A_314 = arith.constant 1597463007 : i32
      %sub3A_315 = vector.broadcast %sub3A_314 : i32 to vector<16xi32>
      %sub3A_316 = arith.subi %sub3A_315, %shift_right_arithmetic3A_313 : vector<16xi32>
      %bitcast_convert_type3A_317 = tpu.bitcast %sub3A_316 : vector<16xi32> -> vector<16xf32>
      %mul3A_318 = arith.constant 5.000000e-01 : f32
      %mul3A_319 = vector.broadcast %mul3A_318 : f32 to vector<16xf32>
      %mul3A_320 = arith.mulf %mul3A_319, %mul3A_306 : vector<16xf32>
      %mul3A_321 = arith.mulf %mul3A_320, %bitcast_convert_type3A_317 : vector<16xf32>
      %mul3A_322 = arith.mulf %mul3A_321, %bitcast_convert_type3A_317 : vector<16xf32>
      %sub3A_323 = arith.constant 1.500000e+00 : f32
      %sub3A_324 = vector.broadcast %sub3A_323 : f32 to vector<16xf32>
      %sub3A_325 = arith.subf %sub3A_324, %mul3A_322 : vector<16xf32>
      %mul3A_326 = arith.mulf %bitcast_convert_type3A_317, %sub3A_325 : vector<16xf32>
      %mul3A_327 = arith.constant 5.000000e-01 : f32
      %mul3A_328 = vector.broadcast %mul3A_327 : f32 to vector<16xf32>
      %mul3A_329 = arith.mulf %mul3A_328, %mul3A_306 : vector<16xf32>
      %mul3A_330 = arith.mulf %mul3A_329, %mul3A_326 : vector<16xf32>
      %mul3A_331 = arith.mulf %mul3A_330, %mul3A_326 : vector<16xf32>
      %sub3A_332 = arith.constant 1.500000e+00 : f32
      %sub3A_333 = vector.broadcast %sub3A_332 : f32 to vector<16xf32>
      %sub3A_334 = arith.subf %sub3A_333, %mul3A_331 : vector<16xf32>
      %mul3A_335 = arith.mulf %mul3A_326, %sub3A_334 : vector<16xf32>
      %mul3A_336 = arith.constant 5.000000e-01 : f32
      %mul3A_337 = vector.broadcast %mul3A_336 : f32 to vector<16xf32>
      %mul3A_338 = arith.mulf %mul3A_337, %mul3A_306 : vector<16xf32>
      %mul3A_339 = arith.mulf %mul3A_338, %mul3A_335 : vector<16xf32>
      %mul3A_340 = arith.mulf %mul3A_339, %mul3A_335 : vector<16xf32>
      %sub3A_341 = arith.constant 1.500000e+00 : f32
      %sub3A_342 = vector.broadcast %sub3A_341 : f32 to vector<16xf32>
      %sub3A_343 = arith.subf %sub3A_342, %mul3A_340 : vector<16xf32>
      %mul3A_344 = arith.mulf %mul3A_335, %sub3A_343 : vector<16xf32>
      %mul3A_345 = arith.mulf %get3A_301, %mul3A_344 : vector<16xf32>
      %mul3A_346 = arith.constant 1.000000e+08 : f32
      %mul3A_347 = vector.broadcast %mul3A_346 : f32 to vector<16xf32>
      %mul3A_348 = arith.mulf %get3A_301, %mul3A_347 : vector<16xf32>
      %select_n3A_349 = arith.select %ge3A_309, %mul3A_345, %mul3A_348 : vector<16xi1>, vector<16xf32>
      %neg3A_350 = arith.constant 0.000000e+00 : f32
      %neg3A_351 = vector.broadcast %neg3A_350 : f32 to vector<16xf32>
      %neg3A_352 = arith.subf %neg3A_351, %select_n3A_349 : vector<16xf32>
      %exp3A_353 = math.exp %neg3A_352 : vector<16xf32>
      %add3A_354 = arith.constant 1.000000e+00 : f32
      %add3A_355 = vector.broadcast %add3A_354 : f32 to vector<16xf32>
      %add3A_356 = arith.addf %add3A_355, %exp3A_353 : vector<16xf32>
      %div3A_357 = arith.constant 1.000000e+00 : f32
      %div3A_358 = vector.broadcast %div3A_357 : f32 to vector<16xf32>
      %div3A_359 = arith.divf %div3A_358, %add3A_356 : vector<16xf32>
      %add3A_360 = arith.constant 16 : i32
      %add3A_361 = arith.addi %mul3A_162, %add3A_360 : i32
      %swap3A_362 = arith.index_cast %add3A_361 : i32 to index
      %swap3A_363 = tpu.vector_load %arg8[%swap3A_362] {strides = array<i32>} : memref<10000xf32, #tpu.memory_space<vmem>>, vector<16xf32>,
      tpu.vector_store %arg8[%swap3A_362], %div3A_359 {strides = array<i32>} : memref<10000xf32, #tpu.memory_space<vmem>>, vector<16xf32>,
      %get3A_364 = arith.constant 32 : index
      %get3A_365 = tpu.vector_load %arg13[%get3A_364] {strides = array<i32>} : memref<192xf32, #tpu.memory_space<vmem>>, vector<16xf32>,
      %get3A_366 = arith.constant 32 : index
      %get3A_367 = tpu.vector_load %arg14[%get3A_366] {strides = array<i32>} : memref<192xf32, #tpu.memory_space<vmem>>, vector<16xf32>,
      %get3A_368 = arith.constant 32 : index
      %get3A_369 = tpu.vector_load %arg15[%get3A_368] {strides = array<i32>} : memref<192xf32, #tpu.memory_space<vmem>>, vector<16xf32>,
      %mul3A_370 = arith.mulf %get3A_367, %get3A_369 : vector<16xf32>
      %ge3A_371 = arith.constant 1.000000e-16 : f32
      %ge3A_372 = vector.broadcast %ge3A_371 : f32 to vector<16xf32>
      %ge3A_373 = arith.cmpf oge, %mul3A_370, %ge3A_372 : vector<16xf32>
      %bitcast_convert_type3A_374 = tpu.bitcast %mul3A_370 : vector<16xf32> -> vector<16xi32>
      %shift_right_arithmetic3A_375 = arith.constant 1 : i32
      %shift_right_arithmetic3A_376 = vector.broadcast %shift_right_arithmetic3A_375 : i32 to vector<16xi32>
      %shift_right_arithmetic3A_377 = arith.shrsi %bitcast_convert_type3A_374, %shift_right_arithmetic3A_376 : vector<16xi32>
      %sub3A_378 = arith.constant 1597463007 : i32
      %sub3A_379 = vector.broadcast %sub3A_378 : i32 to vector<16xi32>
      %sub3A_380 = arith.subi %sub3A_379, %shift_right_arithmetic3A_377 : vector<16xi32>
      %bitcast_convert_type3A_381 = tpu.bitcast %sub3A_380 : vector<16xi32> -> vector<16xf32>
      %mul3A_382 = arith.constant 5.000000e-01 : f32
      %mul3A_383 = vector.broadcast %mul3A_382 : f32 to vector<16xf32>
      %mul3A_384 = arith.mulf %mul3A_383, %mul3A_370 : vector<16xf32>
      %mul3A_385 = arith.mulf %mul3A_384, %bitcast_convert_type3A_381 : vector<16xf32>
      %mul3A_386 = arith.mulf %mul3A_385, %bitcast_convert_type3A_381 : vector<16xf32>
      %sub3A_387 = arith.constant 1.500000e+00 : f32
      %sub3A_388 = vector.broadcast %sub3A_387 : f32 to vector<16xf32>
      %sub3A_389 = arith.subf %sub3A_388, %mul3A_386 : vector<16xf32>
      %mul3A_390 = arith.mulf %bitcast_convert_type3A_381, %sub3A_389 : vector<16xf32>
      %mul3A_391 = arith.constant 5.000000e-01 : f32
      %mul3A_392 = vector.broadcast %mul3A_391 : f32 to vector<16xf32>
      %mul3A_393 = arith.mulf %mul3A_392, %mul3A_370 : vector<16xf32>
      %mul3A_394 = arith.mulf %mul3A_393, %mul3A_390 : vector<16xf32>
      %mul3A_395 = arith.mulf %mul3A_394, %mul3A_390 : vector<16xf32>
      %sub3A_396 = arith.constant 1.500000e+00 : f32
      %sub3A_397 = vector.broadcast %sub3A_396 : f32 to vector<16xf32>
      %sub3A_398 = arith.subf %sub3A_397, %mul3A_395 : vector<16xf32>
      %mul3A_399 = arith.mulf %mul3A_390, %sub3A_398 : vector<16xf32>
      %mul3A_400 = arith.constant 5.000000e-01 : f32
      %mul3A_401 = vector.broadcast %mul3A_400 : f32 to vector<16xf32>
      %mul3A_402 = arith.mulf %mul3A_401, %mul3A_370 : vector<16xf32>
      %mul3A_403 = arith.mulf %mul3A_402, %mul3A_399 : vector<16xf32>
      %mul3A_404 = arith.mulf %mul3A_403, %mul3A_399 : vector<16xf32>
      %sub3A_405 = arith.constant 1.500000e+00 : f32
      %sub3A_406 = vector.broadcast %sub3A_405 : f32 to vector<16xf32>
      %sub3A_407 = arith.subf %sub3A_406, %mul3A_404 : vector<16xf32>
      %mul3A_408 = arith.mulf %mul3A_399, %sub3A_407 : vector<16xf32>
      %mul3A_409 = arith.mulf %get3A_365, %mul3A_408 : vector<16xf32>
      %mul3A_410 = arith.constant 1.000000e+08 : f32
      %mul3A_411 = vector.broadcast %mul3A_410 : f32 to vector<16xf32>
      %mul3A_412 = arith.mulf %get3A_365, %mul3A_411 : vector<16xf32>
      %select_n3A_413 = arith.select %ge3A_373, %mul3A_409, %mul3A_412 : vector<16xi1>, vector<16xf32>
      %neg3A_414 = arith.constant 0.000000e+00 : f32
      %neg3A_415 = vector.broadcast %neg3A_414 : f32 to vector<16xf32>
      %neg3A_416 = arith.subf %neg3A_415, %select_n3A_413 : vector<16xf32>
      %exp3A_417 = math.exp %neg3A_416 : vector<16xf32>
      %add3A_418 = arith.constant 1.000000e+00 : f32
      %add3A_419 = vector.broadcast %add3A_418 : f32 to vector<16xf32>
      %add3A_420 = arith.addf %add3A_419, %exp3A_417 : vector<16xf32>
      %div3A_421 = arith.constant 1.000000e+00 : f32
      %div3A_422 = vector.broadcast %div3A_421 : f32 to vector<16xf32>
      %div3A_423 = arith.divf %div3A_422, %add3A_420 : vector<16xf32>
      %add3A_424 = arith.constant 32 : i32
      %add3A_425 = arith.addi %mul3A_162, %add3A_424 : i32
      %swap3A_426 = arith.index_cast %add3A_425 : i32 to index
      %swap3A_427 = tpu.vector_load %arg8[%swap3A_426] {strides = array<i32>} : memref<10000xf32, #tpu.memory_space<vmem>>, vector<16xf32>,
      tpu.vector_store %arg8[%swap3A_426], %div3A_423 {strides = array<i32>} : memref<10000xf32, #tpu.memory_space<vmem>>, vector<16xf32>,
      %get3A_428 = arith.constant 48 : index
      %get3A_429 = tpu.vector_load %arg13[%get3A_428] {strides = array<i32>} : memref<192xf32, #tpu.memory_space<vmem>>, vector<16xf32>,
      %get3A_430 = arith.constant 48 : index
      %get3A_431 = tpu.vector_load %arg14[%get3A_430] {strides = array<i32>} : memref<192xf32, #tpu.memory_space<vmem>>, vector<16xf32>,
      %get3A_432 = arith.constant 48 : index
      %get3A_433 = tpu.vector_load %arg15[%get3A_432] {strides = array<i32>} : memref<192xf32, #tpu.memory_space<vmem>>, vector<16xf32>,
      %mul3A_434 = arith.mulf %get3A_431, %get3A_433 : vector<16xf32>
      %ge3A_435 = arith.constant 1.000000e-16 : f32
      %ge3A_436 = vector.broadcast %ge3A_435 : f32 to vector<16xf32>
      %ge3A_437 = arith.cmpf oge, %mul3A_434, %ge3A_436 : vector<16xf32>
      %bitcast_convert_type3A_438 = tpu.bitcast %mul3A_434 : vector<16xf32> -> vector<16xi32>
      %shift_right_arithmetic3A_439 = arith.constant 1 : i32
      %shift_right_arithmetic3A_440 = vector.broadcast %shift_right_arithmetic3A_439 : i32 to vector<16xi32>
      %shift_right_arithmetic3A_441 = arith.shrsi %bitcast_convert_type3A_438, %shift_right_arithmetic3A_440 : vector<16xi32>
      %sub3A_442 = arith.constant 1597463007 : i32
      %sub3A_443 = vector.broadcast %sub3A_442 : i32 to vector<16xi32>
      %sub3A_444 = arith.subi %sub3A_443, %shift_right_arithmetic3A_441 : vector<16xi32>
      %bitcast_convert_type3A_445 = tpu.bitcast %sub3A_444 : vector<16xi32> -> vector<16xf32>
      %mul3A_446 = arith.constant 5.000000e-01 : f32
      %mul3A_447 = vector.broadcast %mul3A_446 : f32 to vector<16xf32>
      %mul3A_448 = arith.mulf %mul3A_447, %mul3A_434 : vector<16xf32>
      %mul3A_449 = arith.mulf %mul3A_448, %bitcast_convert_type3A_445 : vector<16xf32>
      %mul3A_450 = arith.mulf %mul3A_449, %bitcast_convert_type3A_445 : vector<16xf32>
      %sub3A_451 = arith.constant 1.500000e+00 : f32
      %sub3A_452 = vector.broadcast %sub3A_451 : f32 to vector<16xf32>
      %sub3A_453 = arith.subf %sub3A_452, %mul3A_450 : vector<16xf32>
      %mul3A_454 = arith.mulf %bitcast_convert_type3A_445, %sub3A_453 : vector<16xf32>
      %mul3A_455 = arith.constant 5.000000e-01 : f32
      %mul3A_456 = vector.broadcast %mul3A_455 : f32 to vector<16xf32>
      %mul3A_457 = arith.mulf %mul3A_456, %mul3A_434 : vector<16xf32>
      %mul3A_458 = arith.mulf %mul3A_457, %mul3A_454 : vector<16xf32>
      %mul3A_459 = arith.mulf %mul3A_458, %mul3A_454 : vector<16xf32>
      %sub3A_460 = arith.constant 1.500000e+00 : f32
      %sub3A_461 = vector.broadcast %sub3A_460 : f32 to vector<16xf32>
      %sub3A_462 = arith.subf %sub3A_461, %mul3A_459 : vector<16xf32>
      %mul3A_463 = arith.mulf %mul3A_454, %sub3A_462 : vector<16xf32>
      %mul3A_464 = arith.constant 5.000000e-01 : f32
      %mul3A_465 = vector.broadcast %mul3A_464 : f32 to vector<16xf32>
      %mul3A_466 = arith.mulf %mul3A_465, %mul3A_434 : vector<16xf32>
      %mul3A_467 = arith.mulf %mul3A_466, %mul3A_463 : vector<16xf32>
      %mul3A_468 = arith.mulf %mul3A_467, %mul3A_463 : vector<16xf32>
      %sub3A_469 = arith.constant 1.500000e+00 : f32
      %sub3A_470 = vector.broadcast %sub3A_469 : f32 to vector<16xf32>
      %sub3A_471 = arith.subf %sub3A_470, %mul3A_468 : vector<16xf32>
      %mul3A_472 = arith.mulf %mul3A_463, %sub3A_471 : vector<16xf32>
      %mul3A_473 = arith.mulf %get3A_429, %mul3A_472 : vector<16xf32>
      %mul3A_474 = arith.constant 1.000000e+08 : f32
      %mul3A_475 = vector.broadcast %mul3A_474 : f32 to vector<16xf32>
      %mul3A_476 = arith.mulf %get3A_429, %mul3A_475 : vector<16xf32>
      %select_n3A_477 = arith.select %ge3A_437, %mul3A_473, %mul3A_476 : vector<16xi1>, vector<16xf32>
      %neg3A_478 = arith.constant 0.000000e+00 : f32
      %neg3A_479 = vector.broadcast %neg3A_478 : f32 to vector<16xf32>
      %neg3A_480 = arith.subf %neg3A_479, %select_n3A_477 : vector<16xf32>
      %exp3A_481 = math.exp %neg3A_480 : vector<16xf32>
      %add3A_482 = arith.constant 1.000000e+00 : f32
      %add3A_483 = vector.broadcast %add3A_482 : f32 to vector<16xf32>
      %add3A_484 = arith.addf %add3A_483, %exp3A_481 : vector<16xf32>
      %div3A_485 = arith.constant 1.000000e+00 : f32
      %div3A_486 = vector.broadcast %div3A_485 : f32 to vector<16xf32>
      %div3A_487 = arith.divf %div3A_486, %add3A_484 : vector<16xf32>
      %add3A_488 = arith.constant 48 : i32
      %add3A_489 = arith.addi %mul3A_162, %add3A_488 : i32
      %swap3A_490 = arith.index_cast %add3A_489 : i32 to index
      %swap3A_491 = tpu.vector_load %arg8[%swap3A_490] {strides = array<i32>} : memref<10000xf32, #tpu.memory_space<vmem>>, vector<16xf32>,
      tpu.vector_store %arg8[%swap3A_490], %div3A_487 {strides = array<i32>} : memref<10000xf32, #tpu.memory_space<vmem>>, vector<16xf32>,
      %get3A_492 = arith.constant 64 : index
      %get3A_493 = tpu.vector_load %arg13[%get3A_492] {strides = array<i32>} : memref<192xf32, #tpu.memory_space<vmem>>, vector<16xf32>,
      %get3A_494 = arith.constant 64 : index
      %get3A_495 = tpu.vector_load %arg14[%get3A_494] {strides = array<i32>} : memref<192xf32, #tpu.memory_space<vmem>>, vector<16xf32>,
      %get3A_496 = arith.constant 64 : index
      %get3A_497 = tpu.vector_load %arg15[%get3A_496] {strides = array<i32>} : memref<192xf32, #tpu.memory_space<vmem>>, vector<16xf32>,
      %mul3A_498 = arith.mulf %get3A_495, %get3A_497 : vector<16xf32>
      %ge3A_499 = arith.constant 1.000000e-16 : f32
      %ge3A_500 = vector.broadcast %ge3A_499 : f32 to vector<16xf32>
      %ge3A_501 = arith.cmpf oge, %mul3A_498, %ge3A_500 : vector<16xf32>
      %bitcast_convert_type3A_502 = tpu.bitcast %mul3A_498 : vector<16xf32> -> vector<16xi32>
      %shift_right_arithmetic3A_503 = arith.constant 1 : i32
      %shift_right_arithmetic3A_504 = vector.broadcast %shift_right_arithmetic3A_503 : i32 to vector<16xi32>
      %shift_right_arithmetic3A_505 = arith.shrsi %bitcast_convert_type3A_502, %shift_right_arithmetic3A_504 : vector<16xi32>
      %sub3A_506 = arith.constant 1597463007 : i32
      %sub3A_507 = vector.broadcast %sub3A_506 : i32 to vector<16xi32>
      %sub3A_508 = arith.subi %sub3A_507, %shift_right_arithmetic3A_505 : vector<16xi32>
      %bitcast_convert_type3A_509 = tpu.bitcast %sub3A_508 : vector<16xi32> -> vector<16xf32>
      %mul3A_510 = arith.constant 5.000000e-01 : f32
      %mul3A_511 = vector.broadcast %mul3A_510 : f32 to vector<16xf32>
      %mul3A_512 = arith.mulf %mul3A_511, %mul3A_498 : vector<16xf32>
      %mul3A_513 = arith.mulf %mul3A_512, %bitcast_convert_type3A_509 : vector<16xf32>
      %mul3A_514 = arith.mulf %mul3A_513, %bitcast_convert_type3A_509 : vector<16xf32>
      %sub3A_515 = arith.constant 1.500000e+00 : f32
      %sub3A_516 = vector.broadcast %sub3A_515 : f32 to vector<16xf32>
      %sub3A_517 = arith.subf %sub3A_516, %mul3A_514 : vector<16xf32>
      %mul3A_518 = arith.mulf %bitcast_convert_type3A_509, %sub3A_517 : vector<16xf32>
      %mul3A_519 = arith.constant 5.000000e-01 : f32
      %mul3A_520 = vector.broadcast %mul3A_519 : f32 to vector<16xf32>
      %mul3A_521 = arith.mulf %mul3A_520, %mul3A_498 : vector<16xf32>
      %mul3A_522 = arith.mulf %mul3A_521, %mul3A_518 : vector<16xf32>
      %mul3A_523 = arith.mulf %mul3A_522, %mul3A_518 : vector<16xf32>
      %sub3A_524 = arith.constant 1.500000e+00 : f32
      %sub3A_525 = vector.broadcast %sub3A_524 : f32 to vector<16xf32>
      %sub3A_526 = arith.subf %sub3A_525, %mul3A_523 : vector<16xf32>
      %mul3A_527 = arith.mulf %mul3A_518, %sub3A_526 : vector<16xf32>
      %mul3A_528 = arith.constant 5.000000e-01 : f32
      %mul3A_529 = vector.broadcast %mul3A_528 : f32 to vector<16xf32>
      %mul3A_530 = arith.mulf %mul3A_529, %mul3A_498 : vector<16xf32>
      %mul3A_531 = arith.mulf %mul3A_530, %mul3A_527 : vector<16xf32>
      %mul3A_532 = arith.mulf %mul3A_531, %mul3A_527 : vector<16xf32>
      %sub3A_533 = arith.constant 1.500000e+00 : f32
      %sub3A_534 = vector.broadcast %sub3A_533 : f32 to vector<16xf32>
      %sub3A_535 = arith.subf %sub3A_534, %mul3A_532 : vector<16xf32>
      %mul3A_536 = arith.mulf %mul3A_527, %sub3A_535 : vector<16xf32>
      %mul3A_537 = arith.mulf %get3A_493, %mul3A_536 : vector<16xf32>
      %mul3A_538 = arith.constant 1.000000e+08 : f32
      %mul3A_539 = vector.broadcast %mul3A_538 : f32 to vector<16xf32>
      %mul3A_540 = arith.mulf %get3A_493, %mul3A_539 : vector<16xf32>
      %select_n3A_541 = arith.select %ge3A_501, %mul3A_537, %mul3A_540 : vector<16xi1>, vector<16xf32>
      %neg3A_542 = arith.constant 0.000000e+00 : f32
      %neg3A_543 = vector.broadcast %neg3A_542 : f32 to vector<16xf32>
      %neg3A_544 = arith.subf %neg3A_543, %select_n3A_541 : vector<16xf32>
      %exp3A_545 = math.exp %neg3A_544 : vector<16xf32>
      %add3A_546 = arith.constant 1.000000e+00 : f32
      %add3A_547 = vector.broadcast %add3A_546 : f32 to vector<16xf32>
      %add3A_548 = arith.addf %add3A_547, %exp3A_545 : vector<16xf32>
      %div3A_549 = arith.constant 1.000000e+00 : f32
      %div3A_550 = vector.broadcast %div3A_549 : f32 to vector<16xf32>
      %div3A_551 = arith.divf %div3A_550, %add3A_548 : vector<16xf32>
      %add3A_552 = arith.constant 64 : i32
      %add3A_553 = arith.addi %mul3A_162, %add3A_552 : i32
      %swap3A_554 = arith.index_cast %add3A_553 : i32 to index
      %swap3A_555 = tpu.vector_load %arg8[%swap3A_554] {strides = array<i32>} : memref<10000xf32, #tpu.memory_space<vmem>>, vector<16xf32>,
      tpu.vector_store %arg8[%swap3A_554], %div3A_551 {strides = array<i32>} : memref<10000xf32, #tpu.memory_space<vmem>>, vector<16xf32>,
      %get3A_556 = arith.constant 80 : index
      %get3A_557 = tpu.vector_load %arg13[%get3A_556] {strides = array<i32>} : memref<192xf32, #tpu.memory_space<vmem>>, vector<16xf32>,
      %get3A_558 = arith.constant 80 : index
      %get3A_559 = tpu.vector_load %arg14[%get3A_558] {strides = array<i32>} : memref<192xf32, #tpu.memory_space<vmem>>, vector<16xf32>,
      %get3A_560 = arith.constant 80 : index
      %get3A_561 = tpu.vector_load %arg15[%get3A_560] {strides = array<i32>} : memref<192xf32, #tpu.memory_space<vmem>>, vector<16xf32>,
      %mul3A_562 = arith.mulf %get3A_559, %get3A_561 : vector<16xf32>
      %ge3A_563 = arith.constant 1.000000e-16 : f32
      %ge3A_564 = vector.broadcast %ge3A_563 : f32 to vector<16xf32>
      %ge3A_565 = arith.cmpf oge, %mul3A_562, %ge3A_564 : vector<16xf32>
      %bitcast_convert_type3A_566 = tpu.bitcast %mul3A_562 : vector<16xf32> -> vector<16xi32>
      %shift_right_arithmetic3A_567 = arith.constant 1 : i32
      %shift_right_arithmetic3A_568 = vector.broadcast %shift_right_arithmetic3A_567 : i32 to vector<16xi32>
      %shift_right_arithmetic3A_569 = arith.shrsi %bitcast_convert_type3A_566, %shift_right_arithmetic3A_568 : vector<16xi32>
      %sub3A_570 = arith.constant 1597463007 : i32
      %sub3A_571 = vector.broadcast %sub3A_570 : i32 to vector<16xi32>
      %sub3A_572 = arith.subi %sub3A_571, %shift_right_arithmetic3A_569 : vector<16xi32>
      %bitcast_convert_type3A_573 = tpu.bitcast %sub3A_572 : vector<16xi32> -> vector<16xf32>
      %mul3A_574 = arith.constant 5.000000e-01 : f32
      %mul3A_575 = vector.broadcast %mul3A_574 : f32 to vector<16xf32>
      %mul3A_576 = arith.mulf %mul3A_575, %mul3A_562 : vector<16xf32>
      %mul3A_577 = arith.mulf %mul3A_576, %bitcast_convert_type3A_573 : vector<16xf32>
      %mul3A_578 = arith.mulf %mul3A_577, %bitcast_convert_type3A_573 : vector<16xf32>
      %sub3A_579 = arith.constant 1.500000e+00 : f32
      %sub3A_580 = vector.broadcast %sub3A_579 : f32 to vector<16xf32>
      %sub3A_581 = arith.subf %sub3A_580, %mul3A_578 : vector<16xf32>
      %mul3A_582 = arith.mulf %bitcast_convert_type3A_573, %sub3A_581 : vector<16xf32>
      %mul3A_583 = arith.constant 5.000000e-01 : f32
      %mul3A_584 = vector.broadcast %mul3A_583 : f32 to vector<16xf32>
      %mul3A_585 = arith.mulf %mul3A_584, %mul3A_562 : vector<16xf32>
      %mul3A_586 = arith.mulf %mul3A_585, %mul3A_582 : vector<16xf32>
      %mul3A_587 = arith.mulf %mul3A_586, %mul3A_582 : vector<16xf32>
      %sub3A_588 = arith.constant 1.500000e+00 : f32
      %sub3A_589 = vector.broadcast %sub3A_588 : f32 to vector<16xf32>
      %sub3A_590 = arith.subf %sub3A_589, %mul3A_587 : vector<16xf32>
      %mul3A_591 = arith.mulf %mul3A_582, %sub3A_590 : vector<16xf32>
      %mul3A_592 = arith.constant 5.000000e-01 : f32
      %mul3A_593 = vector.broadcast %mul3A_592 : f32 to vector<16xf32>
      %mul3A_594 = arith.mulf %mul3A_593, %mul3A_562 : vector<16xf32>
      %mul3A_595 = arith.mulf %mul3A_594, %mul3A_591 : vector<16xf32>
      %mul3A_596 = arith.mulf %mul3A_595, %mul3A_591 : vector<16xf32>
      %sub3A_597 = arith.constant 1.500000e+00 : f32
      %sub3A_598 = vector.broadcast %sub3A_597 : f32 to vector<16xf32>
      %sub3A_599 = arith.subf %sub3A_598, %mul3A_596 : vector<16xf32>
      %mul3A_600 = arith.mulf %mul3A_591, %sub3A_599 : vector<16xf32>
      %mul3A_601 = arith.mulf %get3A_557, %mul3A_600 : vector<16xf32>
      %mul3A_602 = arith.constant 1.000000e+08 : f32
      %mul3A_603 = vector.broadcast %mul3A_602 : f32 to vector<16xf32>
      %mul3A_604 = arith.mulf %get3A_557, %mul3A_603 : vector<16xf32>
      %select_n3A_605 = arith.select %ge3A_565, %mul3A_601, %mul3A_604 : vector<16xi1>, vector<16xf32>
      %neg3A_606 = arith.constant 0.000000e+00 : f32
      %neg3A_607 = vector.broadcast %neg3A_606 : f32 to vector<16xf32>
      %neg3A_608 = arith.subf %neg3A_607, %select_n3A_605 : vector<16xf32>
      %exp3A_609 = math.exp %neg3A_608 : vector<16xf32>
      %add3A_610 = arith.constant 1.000000e+00 : f32
      %add3A_611 = vector.broadcast %add3A_610 : f32 to vector<16xf32>
      %add3A_612 = arith.addf %add3A_611, %exp3A_609 : vector<16xf32>
      %div3A_613 = arith.constant 1.000000e+00 : f32
      %div3A_614 = vector.broadcast %div3A_613 : f32 to vector<16xf32>
      %div3A_615 = arith.divf %div3A_614, %add3A_612 : vector<16xf32>
      %add3A_616 = arith.constant 80 : i32
      %add3A_617 = arith.addi %mul3A_162, %add3A_616 : i32
      %swap3A_618 = arith.index_cast %add3A_617 : i32 to index
      %swap3A_619 = tpu.vector_load %arg8[%swap3A_618] {strides = array<i32>} : memref<10000xf32, #tpu.memory_space<vmem>>, vector<16xf32>,
      tpu.vector_store %arg8[%swap3A_618], %div3A_615 {strides = array<i32>} : memref<10000xf32, #tpu.memory_space<vmem>>, vector<16xf32>,
      %get3A_620 = arith.constant 96 : index
      %get3A_621 = tpu.vector_load %arg13[%get3A_620] {strides = array<i32>} : memref<192xf32, #tpu.memory_space<vmem>>, vector<16xf32>,
      %get3A_622 = arith.constant 96 : index
      %get3A_623 = tpu.vector_load %arg14[%get3A_622] {strides = array<i32>} : memref<192xf32, #tpu.memory_space<vmem>>, vector<16xf32>,
      %get3A_624 = arith.constant 96 : index
      %get3A_625 = tpu.vector_load %arg15[%get3A_624] {strides = array<i32>} : memref<192xf32, #tpu.memory_space<vmem>>, vector<16xf32>,
      %mul3A_626 = arith.mulf %get3A_623, %get3A_625 : vector<16xf32>
      %ge3A_627 = arith.constant 1.000000e-16 : f32
      %ge3A_628 = vector.broadcast %ge3A_627 : f32 to vector<16xf32>
      %ge3A_629 = arith.cmpf oge, %mul3A_626, %ge3A_628 : vector<16xf32>
      %bitcast_convert_type3A_630 = tpu.bitcast %mul3A_626 : vector<16xf32> -> vector<16xi32>
      %shift_right_arithmetic3A_631 = arith.constant 1 : i32
      %shift_right_arithmetic3A_632 = vector.broadcast %shift_right_arithmetic3A_631 : i32 to vector<16xi32>
      %shift_right_arithmetic3A_633 = arith.shrsi %bitcast_convert_type3A_630, %shift_right_arithmetic3A_632 : vector<16xi32>
      %sub3A_634 = arith.constant 1597463007 : i32
      %sub3A_635 = vector.broadcast %sub3A_634 : i32 to vector<16xi32>
      %sub3A_636 = arith.subi %sub3A_635, %shift_right_arithmetic3A_633 : vector<16xi32>
      %bitcast_convert_type3A_637 = tpu.bitcast %sub3A_636 : vector<16xi32> -> vector<16xf32>
      %mul3A_638 = arith.constant 5.000000e-01 : f32
      %mul3A_639 = vector.broadcast %mul3A_638 : f32 to vector<16xf32>
      %mul3A_640 = arith.mulf %mul3A_639, %mul3A_626 : vector<16xf32>
      %mul3A_641 = arith.mulf %mul3A_640, %bitcast_convert_type3A_637 : vector<16xf32>
      %mul3A_642 = arith.mulf %mul3A_641, %bitcast_convert_type3A_637 : vector<16xf32>
      %sub3A_643 = arith.constant 1.500000e+00 : f32
      %sub3A_644 = vector.broadcast %sub3A_643 : f32 to vector<16xf32>
      %sub3A_645 = arith.subf %sub3A_644, %mul3A_642 : vector<16xf32>
      %mul3A_646 = arith.mulf %bitcast_convert_type3A_637, %sub3A_645 : vector<16xf32>
      %mul3A_647 = arith.constant 5.000000e-01 : f32
      %mul3A_648 = vector.broadcast %mul3A_647 : f32 to vector<16xf32>
      %mul3A_649 = arith.mulf %mul3A_648, %mul3A_626 : vector<16xf32>
      %mul3A_650 = arith.mulf %mul3A_649, %mul3A_646 : vector<16xf32>
      %mul3A_651 = arith.mulf %mul3A_650, %mul3A_646 : vector<16xf32>
      %sub3A_652 = arith.constant 1.500000e+00 : f32
      %sub3A_653 = vector.broadcast %sub3A_652 : f32 to vector<16xf32>
      %sub3A_654 = arith.subf %sub3A_653, %mul3A_651 : vector<16xf32>
      %mul3A_655 = arith.mulf %mul3A_646, %sub3A_654 : vector<16xf32>
      %mul3A_656 = arith.constant 5.000000e-01 : f32
      %mul3A_657 = vector.broadcast %mul3A_656 : f32 to vector<16xf32>
      %mul3A_658 = arith.mulf %mul3A_657, %mul3A_626 : vector<16xf32>
      %mul3A_659 = arith.mulf %mul3A_658, %mul3A_655 : vector<16xf32>
      %mul3A_660 = arith.mulf %mul3A_659, %mul3A_655 : vector<16xf32>
      %sub3A_661 = arith.constant 1.500000e+00 : f32
      %sub3A_662 = vector.broadcast %sub3A_661 : f32 to vector<16xf32>
      %sub3A_663 = arith.subf %sub3A_662, %mul3A_660 : vector<16xf32>
      %mul3A_664 = arith.mulf %mul3A_655, %sub3A_663 : vector<16xf32>
      %mul3A_665 = arith.mulf %get3A_621, %mul3A_664 : vector<16xf32>
      %mul3A_666 = arith.constant 1.000000e+08 : f32
      %mul3A_667 = vector.broadcast %mul3A_666 : f32 to vector<16xf32>
      %mul3A_668 = arith.mulf %get3A_621, %mul3A_667 : vector<16xf32>
      %select_n3A_669 = arith.select %ge3A_629, %mul3A_665, %mul3A_668 : vector<16xi1>, vector<16xf32>
      %neg3A_670 = arith.constant 0.000000e+00 : f32
      %neg3A_671 = vector.broadcast %neg3A_670 : f32 to vector<16xf32>
      %neg3A_672 = arith.subf %neg3A_671, %select_n3A_669 : vector<16xf32>
      %exp3A_673 = math.exp %neg3A_672 : vector<16xf32>
      %add3A_674 = arith.constant 1.000000e+00 : f32
      %add3A_675 = vector.broadcast %add3A_674 : f32 to vector<16xf32>
      %add3A_676 = arith.addf %add3A_675, %exp3A_673 : vector<16xf32>
      %div3A_677 = arith.constant 1.000000e+00 : f32
      %div3A_678 = vector.broadcast %div3A_677 : f32 to vector<16xf32>
      %div3A_679 = arith.divf %div3A_678, %add3A_676 : vector<16xf32>
      %add3A_680 = arith.constant 96 : i32
      %add3A_681 = arith.addi %mul3A_162, %add3A_680 : i32
      %swap3A_682 = arith.index_cast %add3A_681 : i32 to index
      %swap3A_683 = tpu.vector_load %arg8[%swap3A_682] {strides = array<i32>} : memref<10000xf32, #tpu.memory_space<vmem>>, vector<16xf32>,
      tpu.vector_store %arg8[%swap3A_682], %div3A_679 {strides = array<i32>} : memref<10000xf32, #tpu.memory_space<vmem>>, vector<16xf32>,
      %get3A_684 = arith.constant 112 : index
      %get3A_685 = tpu.vector_load %arg13[%get3A_684] {strides = array<i32>} : memref<192xf32, #tpu.memory_space<vmem>>, vector<16xf32>,
      %get3A_686 = arith.constant 112 : index
      %get3A_687 = tpu.vector_load %arg14[%get3A_686] {strides = array<i32>} : memref<192xf32, #tpu.memory_space<vmem>>, vector<16xf32>,
      %get3A_688 = arith.constant 112 : index
      %get3A_689 = tpu.vector_load %arg15[%get3A_688] {strides = array<i32>} : memref<192xf32, #tpu.memory_space<vmem>>, vector<16xf32>,
      %mul3A_690 = arith.mulf %get3A_687, %get3A_689 : vector<16xf32>
      %ge3A_691 = arith.constant 1.000000e-16 : f32
      %ge3A_692 = vector.broadcast %ge3A_691 : f32 to vector<16xf32>
      %ge3A_693 = arith.cmpf oge, %mul3A_690, %ge3A_692 : vector<16xf32>
      %bitcast_convert_type3A_694 = tpu.bitcast %mul3A_690 : vector<16xf32> -> vector<16xi32>
      %shift_right_arithmetic3A_695 = arith.constant 1 : i32
      %shift_right_arithmetic3A_696 = vector.broadcast %shift_right_arithmetic3A_695 : i32 to vector<16xi32>
      %shift_right_arithmetic3A_697 = arith.shrsi %bitcast_convert_type3A_694, %shift_right_arithmetic3A_696 : vector<16xi32>
      %sub3A_698 = arith.constant 1597463007 : i32
      %sub3A_699 = vector.broadcast %sub3A_698 : i32 to vector<16xi32>
      %sub3A_700 = arith.subi %sub3A_699, %shift_right_arithmetic3A_697 : vector<16xi32>
      %bitcast_convert_type3A_701 = tpu.bitcast %sub3A_700 : vector<16xi32> -> vector<16xf32>
      %mul3A_702 = arith.constant 5.000000e-01 : f32
      %mul3A_703 = vector.broadcast %mul3A_702 : f32 to vector<16xf32>
      %mul3A_704 = arith.mulf %mul3A_703, %mul3A_690 : vector<16xf32>
      %mul3A_705 = arith.mulf %mul3A_704, %bitcast_convert_type3A_701 : vector<16xf32>
      %mul3A_706 = arith.mulf %mul3A_705, %bitcast_convert_type3A_701 : vector<16xf32>
      %sub3A_707 = arith.constant 1.500000e+00 : f32
      %sub3A_708 = vector.broadcast %sub3A_707 : f32 to vector<16xf32>
      %sub3A_709 = arith.subf %sub3A_708, %mul3A_706 : vector<16xf32>
      %mul3A_710 = arith.mulf %bitcast_convert_type3A_701, %sub3A_709 : vector<16xf32>
      %mul3A_711 = arith.constant 5.000000e-01 : f32
      %mul3A_712 = vector.broadcast %mul3A_711 : f32 to vector<16xf32>
      %mul3A_713 = arith.mulf %mul3A_712, %mul3A_690 : vector<16xf32>
      %mul3A_714 = arith.mulf %mul3A_713, %mul3A_710 : vector<16xf32>
      %mul3A_715 = arith.mulf %mul3A_714, %mul3A_710 : vector<16xf32>
      %sub3A_716 = arith.constant 1.500000e+00 : f32
      %sub3A_717 = vector.broadcast %sub3A_716 : f32 to vector<16xf32>
      %sub3A_718 = arith.subf %sub3A_717, %mul3A_715 : vector<16xf32>
      %mul3A_719 = arith.mulf %mul3A_710, %sub3A_718 : vector<16xf32>
      %mul3A_720 = arith.constant 5.000000e-01 : f32
      %mul3A_721 = vector.broadcast %mul3A_720 : f32 to vector<16xf32>
      %mul3A_722 = arith.mulf %mul3A_721, %mul3A_690 : vector<16xf32>
      %mul3A_723 = arith.mulf %mul3A_722, %mul3A_719 : vector<16xf32>
      %mul3A_724 = arith.mulf %mul3A_723, %mul3A_719 : vector<16xf32>
      %sub3A_725 = arith.constant 1.500000e+00 : f32
      %sub3A_726 = vector.broadcast %sub3A_725 : f32 to vector<16xf32>
      %sub3A_727 = arith.subf %sub3A_726, %mul3A_724 : vector<16xf32>
      %mul3A_728 = arith.mulf %mul3A_719, %sub3A_727 : vector<16xf32>
      %mul3A_729 = arith.mulf %get3A_685, %mul3A_728 : vector<16xf32>
      %mul3A_730 = arith.constant 1.000000e+08 : f32
      %mul3A_731 = vector.broadcast %mul3A_730 : f32 to vector<16xf32>
      %mul3A_732 = arith.mulf %get3A_685, %mul3A_731 : vector<16xf32>
      %select_n3A_733 = arith.select %ge3A_693, %mul3A_729, %mul3A_732 : vector<16xi1>, vector<16xf32>
      %neg3A_734 = arith.constant 0.000000e+00 : f32
      %neg3A_735 = vector.broadcast %neg3A_734 : f32 to vector<16xf32>
      %neg3A_736 = arith.subf %neg3A_735, %select_n3A_733 : vector<16xf32>
      %exp3A_737 = math.exp %neg3A_736 : vector<16xf32>
      %add3A_738 = arith.constant 1.000000e+00 : f32
      %add3A_739 = vector.broadcast %add3A_738 : f32 to vector<16xf32>
      %add3A_740 = arith.addf %add3A_739, %exp3A_737 : vector<16xf32>
      %div3A_741 = arith.constant 1.000000e+00 : f32
      %div3A_742 = vector.broadcast %div3A_741 : f32 to vector<16xf32>
      %div3A_743 = arith.divf %div3A_742, %add3A_740 : vector<16xf32>
      %add3A_744 = arith.constant 112 : i32
      %add3A_745 = arith.addi %mul3A_162, %add3A_744 : i32
      %swap3A_746 = arith.index_cast %add3A_745 : i32 to index
      %swap3A_747 = tpu.vector_load %arg8[%swap3A_746] {strides = array<i32>} : memref<10000xf32, #tpu.memory_space<vmem>>, vector<16xf32>,
      tpu.vector_store %arg8[%swap3A_746], %div3A_743 {strides = array<i32>} : memref<10000xf32, #tpu.memory_space<vmem>>, vector<16xf32>,
      %get3A_748 = arith.constant 128 : index
      %get3A_749 = tpu.vector_load %arg13[%get3A_748] {strides = array<i32>} : memref<192xf32, #tpu.memory_space<vmem>>, vector<16xf32>,
      %get3A_750 = arith.constant 128 : index
      %get3A_751 = tpu.vector_load %arg14[%get3A_750] {strides = array<i32>} : memref<192xf32, #tpu.memory_space<vmem>>, vector<16xf32>,
      %get3A_752 = arith.constant 128 : index
      %get3A_753 = tpu.vector_load %arg15[%get3A_752] {strides = array<i32>} : memref<192xf32, #tpu.memory_space<vmem>>, vector<16xf32>,
      %mul3A_754 = arith.mulf %get3A_751, %get3A_753 : vector<16xf32>
      %ge3A_755 = arith.constant 1.000000e-16 : f32
      %ge3A_756 = vector.broadcast %ge3A_755 : f32 to vector<16xf32>
      %ge3A_757 = arith.cmpf oge, %mul3A_754, %ge3A_756 : vector<16xf32>
      %bitcast_convert_type3A_758 = tpu.bitcast %mul3A_754 : vector<16xf32> -> vector<16xi32>
      %shift_right_arithmetic3A_759 = arith.constant 1 : i32
      %shift_right_arithmetic3A_760 = vector.broadcast %shift_right_arithmetic3A_759 : i32 to vector<16xi32>
      %shift_right_arithmetic3A_761 = arith.shrsi %bitcast_convert_type3A_758, %shift_right_arithmetic3A_760 : vector<16xi32>
      %sub3A_762 = arith.constant 1597463007 : i32
      %sub3A_763 = vector.broadcast %sub3A_762 : i32 to vector<16xi32>
      %sub3A_764 = arith.subi %sub3A_763, %shift_right_arithmetic3A_761 : vector<16xi32>
      %bitcast_convert_type3A_765 = tpu.bitcast %sub3A_764 : vector<16xi32> -> vector<16xf32>
      %mul3A_766 = arith.constant 5.000000e-01 : f32
      %mul3A_767 = vector.broadcast %mul3A_766 : f32 to vector<16xf32>
      %mul3A_768 = arith.mulf %mul3A_767, %mul3A_754 : vector<16xf32>
      %mul3A_769 = arith.mulf %mul3A_768, %bitcast_convert_type3A_765 : vector<16xf32>
      %mul3A_770 = arith.mulf %mul3A_769, %bitcast_convert_type3A_765 : vector<16xf32>
      %sub3A_771 = arith.constant 1.500000e+00 : f32
      %sub3A_772 = vector.broadcast %sub3A_771 : f32 to vector<16xf32>
      %sub3A_773 = arith.subf %sub3A_772, %mul3A_770 : vector<16xf32>
      %mul3A_774 = arith.mulf %bitcast_convert_type3A_765, %sub3A_773 : vector<16xf32>
      %mul3A_775 = arith.constant 5.000000e-01 : f32
      %mul3A_776 = vector.broadcast %mul3A_775 : f32 to vector<16xf32>
      %mul3A_777 = arith.mulf %mul3A_776, %mul3A_754 : vector<16xf32>
      %mul3A_778 = arith.mulf %mul3A_777, %mul3A_774 : vector<16xf32>
      %mul3A_779 = arith.mulf %mul3A_778, %mul3A_774 : vector<16xf32>
      %sub3A_780 = arith.constant 1.500000e+00 : f32
      %sub3A_781 = vector.broadcast %sub3A_780 : f32 to vector<16xf32>
      %sub3A_782 = arith.subf %sub3A_781, %mul3A_779 : vector<16xf32>
      %mul3A_783 = arith.mulf %mul3A_774, %sub3A_782 : vector<16xf32>
      %mul3A_784 = arith.constant 5.000000e-01 : f32
      %mul3A_785 = vector.broadcast %mul3A_784 : f32 to vector<16xf32>
      %mul3A_786 = arith.mulf %mul3A_785, %mul3A_754 : vector<16xf32>
      %mul3A_787 = arith.mulf %mul3A_786, %mul3A_783 : vector<16xf32>
      %mul3A_788 = arith.mulf %mul3A_787, %mul3A_783 : vector<16xf32>
      %sub3A_789 = arith.constant 1.500000e+00 : f32
      %sub3A_790 = vector.broadcast %sub3A_789 : f32 to vector<16xf32>
      %sub3A_791 = arith.subf %sub3A_790, %mul3A_788 : vector<16xf32>
      %mul3A_792 = arith.mulf %mul3A_783, %sub3A_791 : vector<16xf32>
      %mul3A_793 = arith.mulf %get3A_749, %mul3A_792 : vector<16xf32>
      %mul3A_794 = arith.constant 1.000000e+08 : f32
      %mul3A_795 = vector.broadcast %mul3A_794 : f32 to vector<16xf32>
      %mul3A_796 = arith.mulf %get3A_749, %mul3A_795 : vector<16xf32>
      %select_n3A_797 = arith.select %ge3A_757, %mul3A_793, %mul3A_796 : vector<16xi1>, vector<16xf32>
      %neg3A_798 = arith.constant 0.000000e+00 : f32
      %neg3A_799 = vector.broadcast %neg3A_798 : f32 to vector<16xf32>
      %neg3A_800 = arith.subf %neg3A_799, %select_n3A_797 : vector<16xf32>
      %exp3A_801 = math.exp %neg3A_800 : vector<16xf32>
      %add3A_802 = arith.constant 1.000000e+00 : f32
      %add3A_803 = vector.broadcast %add3A_802 : f32 to vector<16xf32>
      %add3A_804 = arith.addf %add3A_803, %exp3A_801 : vector<16xf32>
      %div3A_805 = arith.constant 1.000000e+00 : f32
      %div3A_806 = vector.broadcast %div3A_805 : f32 to vector<16xf32>
      %div3A_807 = arith.divf %div3A_806, %add3A_804 : vector<16xf32>
      %add3A_808 = arith.constant 128 : i32
      %add3A_809 = arith.addi %mul3A_162, %add3A_808 : i32
      %swap3A_810 = arith.index_cast %add3A_809 : i32 to index
      %swap3A_811 = tpu.vector_load %arg8[%swap3A_810] {strides = array<i32>} : memref<10000xf32, #tpu.memory_space<vmem>>, vector<16xf32>,
      tpu.vector_store %arg8[%swap3A_810], %div3A_807 {strides = array<i32>} : memref<10000xf32, #tpu.memory_space<vmem>>, vector<16xf32>,
      %get3A_812 = arith.constant 144 : index
      %get3A_813 = tpu.vector_load %arg13[%get3A_812] {strides = array<i32>} : memref<192xf32, #tpu.memory_space<vmem>>, vector<16xf32>,
      %get3A_814 = arith.constant 144 : index
      %get3A_815 = tpu.vector_load %arg14[%get3A_814] {strides = array<i32>} : memref<192xf32, #tpu.memory_space<vmem>>, vector<16xf32>,
      %get3A_816 = arith.constant 144 : index
      %get3A_817 = tpu.vector_load %arg15[%get3A_816] {strides = array<i32>} : memref<192xf32, #tpu.memory_space<vmem>>, vector<16xf32>,
      %mul3A_818 = arith.mulf %get3A_815, %get3A_817 : vector<16xf32>
      %ge3A_819 = arith.constant 1.000000e-16 : f32
      %ge3A_820 = vector.broadcast %ge3A_819 : f32 to vector<16xf32>
      %ge3A_821 = arith.cmpf oge, %mul3A_818, %ge3A_820 : vector<16xf32>
      %bitcast_convert_type3A_822 = tpu.bitcast %mul3A_818 : vector<16xf32> -> vector<16xi32>
      %shift_right_arithmetic3A_823 = arith.constant 1 : i32
      %shift_right_arithmetic3A_824 = vector.broadcast %shift_right_arithmetic3A_823 : i32 to vector<16xi32>
      %shift_right_arithmetic3A_825 = arith.shrsi %bitcast_convert_type3A_822, %shift_right_arithmetic3A_824 : vector<16xi32>
      %sub3A_826 = arith.constant 1597463007 : i32
      %sub3A_827 = vector.broadcast %sub3A_826 : i32 to vector<16xi32>
      %sub3A_828 = arith.subi %sub3A_827, %shift_right_arithmetic3A_825 : vector<16xi32>
      %bitcast_convert_type3A_829 = tpu.bitcast %sub3A_828 : vector<16xi32> -> vector<16xf32>
      %mul3A_830 = arith.constant 5.000000e-01 : f32
      %mul3A_831 = vector.broadcast %mul3A_830 : f32 to vector<16xf32>
      %mul3A_832 = arith.mulf %mul3A_831, %mul3A_818 : vector<16xf32>
      %mul3A_833 = arith.mulf %mul3A_832, %bitcast_convert_type3A_829 : vector<16xf32>
      %mul3A_834 = arith.mulf %mul3A_833, %bitcast_convert_type3A_829 : vector<16xf32>
      %sub3A_835 = arith.constant 1.500000e+00 : f32
      %sub3A_836 = vector.broadcast %sub3A_835 : f32 to vector<16xf32>
      %sub3A_837 = arith.subf %sub3A_836, %mul3A_834 : vector<16xf32>
      %mul3A_838 = arith.mulf %bitcast_convert_type3A_829, %sub3A_837 : vector<16xf32>
      %mul3A_839 = arith.constant 5.000000e-01 : f32
      %mul3A_840 = vector.broadcast %mul3A_839 : f32 to vector<16xf32>
      %mul3A_841 = arith.mulf %mul3A_840, %mul3A_818 : vector<16xf32>
      %mul3A_842 = arith.mulf %mul3A_841, %mul3A_838 : vector<16xf32>
      %mul3A_843 = arith.mulf %mul3A_842, %mul3A_838 : vector<16xf32>
      %sub3A_844 = arith.constant 1.500000e+00 : f32
      %sub3A_845 = vector.broadcast %sub3A_844 : f32 to vector<16xf32>
      %sub3A_846 = arith.subf %sub3A_845, %mul3A_843 : vector<16xf32>
      %mul3A_847 = arith.mulf %mul3A_838, %sub3A_846 : vector<16xf32>
      %mul3A_848 = arith.constant 5.000000e-01 : f32
      %mul3A_849 = vector.broadcast %mul3A_848 : f32 to vector<16xf32>
      %mul3A_850 = arith.mulf %mul3A_849, %mul3A_818 : vector<16xf32>
      %mul3A_851 = arith.mulf %mul3A_850, %mul3A_847 : vector<16xf32>
      %mul3A_852 = arith.mulf %mul3A_851, %mul3A_847 : vector<16xf32>
      %sub3A_853 = arith.constant 1.500000e+00 : f32
      %sub3A_854 = vector.broadcast %sub3A_853 : f32 to vector<16xf32>
      %sub3A_855 = arith.subf %sub3A_854, %mul3A_852 : vector<16xf32>
      %mul3A_856 = arith.mulf %mul3A_847, %sub3A_855 : vector<16xf32>
      %mul3A_857 = arith.mulf %get3A_813, %mul3A_856 : vector<16xf32>
      %mul3A_858 = arith.constant 1.000000e+08 : f32
      %mul3A_859 = vector.broadcast %mul3A_858 : f32 to vector<16xf32>
      %mul3A_860 = arith.mulf %get3A_813, %mul3A_859 : vector<16xf32>
      %select_n3A_861 = arith.select %ge3A_821, %mul3A_857, %mul3A_860 : vector<16xi1>, vector<16xf32>
      %neg3A_862 = arith.constant 0.000000e+00 : f32
      %neg3A_863 = vector.broadcast %neg3A_862 : f32 to vector<16xf32>
      %neg3A_864 = arith.subf %neg3A_863, %select_n3A_861 : vector<16xf32>
      %exp3A_865 = math.exp %neg3A_864 : vector<16xf32>
      %add3A_866 = arith.constant 1.000000e+00 : f32
      %add3A_867 = vector.broadcast %add3A_866 : f32 to vector<16xf32>
      %add3A_868 = arith.addf %add3A_867, %exp3A_865 : vector<16xf32>
      %div3A_869 = arith.constant 1.000000e+00 : f32
      %div3A_870 = vector.broadcast %div3A_869 : f32 to vector<16xf32>
      %div3A_871 = arith.divf %div3A_870, %add3A_868 : vector<16xf32>
      %add3A_872 = arith.constant 144 : i32
      %add3A_873 = arith.addi %mul3A_162, %add3A_872 : i32
      %swap3A_874 = arith.index_cast %add3A_873 : i32 to index
      %swap3A_875 = tpu.vector_load %arg8[%swap3A_874] {strides = array<i32>} : memref<10000xf32, #tpu.memory_space<vmem>>, vector<16xf32>,
      tpu.vector_store %arg8[%swap3A_874], %div3A_871 {strides = array<i32>} : memref<10000xf32, #tpu.memory_space<vmem>>, vector<16xf32>,
      %get3A_876 = arith.constant 160 : index
      %get3A_877 = tpu.vector_load %arg13[%get3A_876] {strides = array<i32>} : memref<192xf32, #tpu.memory_space<vmem>>, vector<16xf32>,
      %get3A_878 = arith.constant 160 : index
      %get3A_879 = tpu.vector_load %arg14[%get3A_878] {strides = array<i32>} : memref<192xf32, #tpu.memory_space<vmem>>, vector<16xf32>,
      %get3A_880 = arith.constant 160 : index
      %get3A_881 = tpu.vector_load %arg15[%get3A_880] {strides = array<i32>} : memref<192xf32, #tpu.memory_space<vmem>>, vector<16xf32>,
      %mul3A_882 = arith.mulf %get3A_879, %get3A_881 : vector<16xf32>
      %ge3A_883 = arith.constant 1.000000e-16 : f32
      %ge3A_884 = vector.broadcast %ge3A_883 : f32 to vector<16xf32>
      %ge3A_885 = arith.cmpf oge, %mul3A_882, %ge3A_884 : vector<16xf32>
      %bitcast_convert_type3A_886 = tpu.bitcast %mul3A_882 : vector<16xf32> -> vector<16xi32>
      %shift_right_arithmetic3A_887 = arith.constant 1 : i32
      %shift_right_arithmetic3A_888 = vector.broadcast %shift_right_arithmetic3A_887 : i32 to vector<16xi32>
      %shift_right_arithmetic3A_889 = arith.shrsi %bitcast_convert_type3A_886, %shift_right_arithmetic3A_888 : vector<16xi32>
      %sub3A_890 = arith.constant 1597463007 : i32
      %sub3A_891 = vector.broadcast %sub3A_890 : i32 to vector<16xi32>
      %sub3A_892 = arith.subi %sub3A_891, %shift_right_arithmetic3A_889 : vector<16xi32>
      %bitcast_convert_type3A_893 = tpu.bitcast %sub3A_892 : vector<16xi32> -> vector<16xf32>
      %mul3A_894 = arith.constant 5.000000e-01 : f32
      %mul3A_895 = vector.broadcast %mul3A_894 : f32 to vector<16xf32>
      %mul3A_896 = arith.mulf %mul3A_895, %mul3A_882 : vector<16xf32>
      %mul3A_897 = arith.mulf %mul3A_896, %bitcast_convert_type3A_893 : vector<16xf32>
      %mul3A_898 = arith.mulf %mul3A_897, %bitcast_convert_type3A_893 : vector<16xf32>
      %sub3A_899 = arith.constant 1.500000e+00 : f32
      %sub3A_900 = vector.broadcast %sub3A_899 : f32 to vector<16xf32>
      %sub3A_901 = arith.subf %sub3A_900, %mul3A_898 : vector<16xf32>
      %mul3A_902 = arith.mulf %bitcast_convert_type3A_893, %sub3A_901 : vector<16xf32>
      %mul3A_903 = arith.constant 5.000000e-01 : f32
      %mul3A_904 = vector.broadcast %mul3A_903 : f32 to vector<16xf32>
      %mul3A_905 = arith.mulf %mul3A_904, %mul3A_882 : vector<16xf32>
      %mul3A_906 = arith.mulf %mul3A_905, %mul3A_902 : vector<16xf32>
      %mul3A_907 = arith.mulf %mul3A_906, %mul3A_902 : vector<16xf32>
      %sub3A_908 = arith.constant 1.500000e+00 : f32
      %sub3A_909 = vector.broadcast %sub3A_908 : f32 to vector<16xf32>
      %sub3A_910 = arith.subf %sub3A_909, %mul3A_907 : vector<16xf32>
      %mul3A_911 = arith.mulf %mul3A_902, %sub3A_910 : vector<16xf32>
      %mul3A_912 = arith.constant 5.000000e-01 : f32
      %mul3A_913 = vector.broadcast %mul3A_912 : f32 to vector<16xf32>
      %mul3A_914 = arith.mulf %mul3A_913, %mul3A_882 : vector<16xf32>
      %mul3A_915 = arith.mulf %mul3A_914, %mul3A_911 : vector<16xf32>
      %mul3A_916 = arith.mulf %mul3A_915, %mul3A_911 : vector<16xf32>
      %sub3A_917 = arith.constant 1.500000e+00 : f32
      %sub3A_918 = vector.broadcast %sub3A_917 : f32 to vector<16xf32>
      %sub3A_919 = arith.subf %sub3A_918, %mul3A_916 : vector<16xf32>
      %mul3A_920 = arith.mulf %mul3A_911, %sub3A_919 : vector<16xf32>
      %mul3A_921 = arith.mulf %get3A_877, %mul3A_920 : vector<16xf32>
      %mul3A_922 = arith.constant 1.000000e+08 : f32
      %mul3A_923 = vector.broadcast %mul3A_922 : f32 to vector<16xf32>
      %mul3A_924 = arith.mulf %get3A_877, %mul3A_923 : vector<16xf32>
      %select_n3A_925 = arith.select %ge3A_885, %mul3A_921, %mul3A_924 : vector<16xi1>, vector<16xf32>
      %neg3A_926 = arith.constant 0.000000e+00 : f32
      %neg3A_927 = vector.broadcast %neg3A_926 : f32 to vector<16xf32>
      %neg3A_928 = arith.subf %neg3A_927, %select_n3A_925 : vector<16xf32>
      %exp3A_929 = math.exp %neg3A_928 : vector<16xf32>
      %add3A_930 = arith.constant 1.000000e+00 : f32
      %add3A_931 = vector.broadcast %add3A_930 : f32 to vector<16xf32>
      %add3A_932 = arith.addf %add3A_931, %exp3A_929 : vector<16xf32>
      %div3A_933 = arith.constant 1.000000e+00 : f32
      %div3A_934 = vector.broadcast %div3A_933 : f32 to vector<16xf32>
      %div3A_935 = arith.divf %div3A_934, %add3A_932 : vector<16xf32>
      %add3A_936 = arith.constant 160 : i32
      %add3A_937 = arith.addi %mul3A_162, %add3A_936 : i32
      %swap3A_938 = arith.index_cast %add3A_937 : i32 to index
      %swap3A_939 = tpu.vector_load %arg8[%swap3A_938] {strides = array<i32>} : memref<10000xf32, #tpu.memory_space<vmem>>, vector<16xf32>,
      tpu.vector_store %arg8[%swap3A_938], %div3A_935 {strides = array<i32>} : memref<10000xf32, #tpu.memory_space<vmem>>, vector<16xf32>,
      %get3A_940 = arith.constant 176 : index
      %get3A_941 = tpu.vector_load %arg13[%get3A_940] {strides = array<i32>} : memref<192xf32, #tpu.memory_space<vmem>>, vector<16xf32>,
      %get3A_942 = arith.constant 176 : index
      %get3A_943 = tpu.vector_load %arg14[%get3A_942] {strides = array<i32>} : memref<192xf32, #tpu.memory_space<vmem>>, vector<16xf32>,
      %get3A_944 = arith.constant 176 : index
      %get3A_945 = tpu.vector_load %arg15[%get3A_944] {strides = array<i32>} : memref<192xf32, #tpu.memory_space<vmem>>, vector<16xf32>,
      %mul3A_946 = arith.mulf %get3A_943, %get3A_945 : vector<16xf32>
      %ge3A_947 = arith.constant 1.000000e-16 : f32
      %ge3A_948 = vector.broadcast %ge3A_947 : f32 to vector<16xf32>
      %ge3A_949 = arith.cmpf oge, %mul3A_946, %ge3A_948 : vector<16xf32>
      %bitcast_convert_type3A_950 = tpu.bitcast %mul3A_946 : vector<16xf32> -> vector<16xi32>
      %shift_right_arithmetic3A_951 = arith.constant 1 : i32
      %shift_right_arithmetic3A_952 = vector.broadcast %shift_right_arithmetic3A_951 : i32 to vector<16xi32>
      %shift_right_arithmetic3A_953 = arith.shrsi %bitcast_convert_type3A_950, %shift_right_arithmetic3A_952 : vector<16xi32>
      %sub3A_954 = arith.constant 1597463007 : i32
      %sub3A_955 = vector.broadcast %sub3A_954 : i32 to vector<16xi32>
      %sub3A_956 = arith.subi %sub3A_955, %shift_right_arithmetic3A_953 : vector<16xi32>
      %bitcast_convert_type3A_957 = tpu.bitcast %sub3A_956 : vector<16xi32> -> vector<16xf32>
      %mul3A_958 = arith.constant 5.000000e-01 : f32
      %mul3A_959 = vector.broadcast %mul3A_958 : f32 to vector<16xf32>
      %mul3A_960 = arith.mulf %mul3A_959, %mul3A_946 : vector<16xf32>
      %mul3A_961 = arith.mulf %mul3A_960, %bitcast_convert_type3A_957 : vector<16xf32>
      %mul3A_962 = arith.mulf %mul3A_961, %bitcast_convert_type3A_957 : vector<16xf32>
      %sub3A_963 = arith.constant 1.500000e+00 : f32
      %sub3A_964 = vector.broadcast %sub3A_963 : f32 to vector<16xf32>
      %sub3A_965 = arith.subf %sub3A_964, %mul3A_962 : vector<16xf32>
      %mul3A_966 = arith.mulf %bitcast_convert_type3A_957, %sub3A_965 : vector<16xf32>
      %mul3A_967 = arith.constant 5.000000e-01 : f32
      %mul3A_968 = vector.broadcast %mul3A_967 : f32 to vector<16xf32>
      %mul3A_969 = arith.mulf %mul3A_968, %mul3A_946 : vector<16xf32>
      %mul3A_970 = arith.mulf %mul3A_969, %mul3A_966 : vector<16xf32>
      %mul3A_971 = arith.mulf %mul3A_970, %mul3A_966 : vector<16xf32>
      %sub3A_972 = arith.constant 1.500000e+00 : f32
      %sub3A_973 = vector.broadcast %sub3A_972 : f32 to vector<16xf32>
      %sub3A_974 = arith.subf %sub3A_973, %mul3A_971 : vector<16xf32>
      %mul3A_975 = arith.mulf %mul3A_966, %sub3A_974 : vector<16xf32>
      %mul3A_976 = arith.constant 5.000000e-01 : f32
      %mul3A_977 = vector.broadcast %mul3A_976 : f32 to vector<16xf32>
      %mul3A_978 = arith.mulf %mul3A_977, %mul3A_946 : vector<16xf32>
      %mul3A_979 = arith.mulf %mul3A_978, %mul3A_975 : vector<16xf32>
      %mul3A_980 = arith.mulf %mul3A_979, %mul3A_975 : vector<16xf32>
      %sub3A_981 = arith.constant 1.500000e+00 : f32
      %sub3A_982 = vector.broadcast %sub3A_981 : f32 to vector<16xf32>
      %sub3A_983 = arith.subf %sub3A_982, %mul3A_980 : vector<16xf32>
      %mul3A_984 = arith.mulf %mul3A_975, %sub3A_983 : vector<16xf32>
      %mul3A_985 = arith.mulf %get3A_941, %mul3A_984 : vector<16xf32>
      %mul3A_986 = arith.constant 1.000000e+08 : f32
      %mul3A_987 = vector.broadcast %mul3A_986 : f32 to vector<16xf32>
      %mul3A_988 = arith.mulf %get3A_941, %mul3A_987 : vector<16xf32>
      %select_n3A_989 = arith.select %ge3A_949, %mul3A_985, %mul3A_988 : vector<16xi1>, vector<16xf32>
      %neg3A_990 = arith.constant 0.000000e+00 : f32
      %neg3A_991 = vector.broadcast %neg3A_990 : f32 to vector<16xf32>
      %neg3A_992 = arith.subf %neg3A_991, %select_n3A_989 : vector<16xf32>
      %exp3A_993 = math.exp %neg3A_992 : vector<16xf32>
      %add3A_994 = arith.constant 1.000000e+00 : f32
      %add3A_995 = vector.broadcast %add3A_994 : f32 to vector<16xf32>
      %add3A_996 = arith.addf %add3A_995, %exp3A_993 : vector<16xf32>
      %div3A_997 = arith.constant 1.000000e+00 : f32
      %div3A_998 = vector.broadcast %div3A_997 : f32 to vector<16xf32>
      %div3A_999 = arith.divf %div3A_998, %add3A_996 : vector<16xf32>
      %add3A_1000 = arith.constant 176 : i32
      %add3A_1001 = arith.addi %mul3A_162, %add3A_1000 : i32
      %swap3A_1002 = arith.index_cast %add3A_1001 : i32 to index
      %swap3A_1003 = tpu.vector_load %arg8[%swap3A_1002] {strides = array<i32>} : memref<10000xf32, #tpu.memory_space<vmem>>, vector<16xf32>,
      tpu.vector_store %arg8[%swap3A_1002], %div3A_999 {strides = array<i32>} : memref<10000xf32, #tpu.memory_space<vmem>>, vector<16xf32>,
      %mul3A_1004 = arith.constant 2 : i32
      %mul3A_1005 = arith.muli %mul3A_1004, %scan3A_158 : i32
      %add3A_1006 = arith.constant 2 : i32
      %add3A_1007 = arith.addi %mul3A_1005, %add3A_1006 : i32
      %lt3A = arith.constant 52 : i32
      %lt3A_1008 = arith.cmpi slt, %add3A_1007, %lt3A : i32
      %convert_element_type3A = arith.extui %lt3A_1008 : i1 to i32
      %cond3A = arith.constant 0 : i32
      %cond3A_1009 = arith.cmpi ne, %convert_element_type3A, %cond3A : i32
      scf.if %cond3A_1009 {
        %add3A_1813 = arith.constant 192 : i32
        %add3A_1814 = arith.addi %mul3A_168, %add3A_1813 : i32
        %dma_start3A_1815 = arith.constant 0 : i32
        %dma_start3A_1816 = arith.constant 0 : i32
        %dma_start3A_1817 = tpu.memref_slice %arg9[%dma_start3A_1815, %dma_start3A_1816] : memref<192x128xf32, #tpu.memory_space<vmem>> -> memref<96x128xf32, #tpu.memory_space<vmem>>
        %dma_start3A_1818 = tpu.memref_slice %arg6[%add3A_1814] : memref<10000xi32, #tpu.memory_space<vmem>> -> memref<96xi32, #tpu.memory_space<vmem>>
        %dma_start3A_1819 = arith.constant 0 : i32
        %dma_start3A_1820 = arith.constant 0 : i32
        %dma_start3A_1821 = tpu.memref_slice %arg2[%dma_start3A_1819, %dma_start3A_1820] : memref<10000x128xf32, #tpu.memory_space<hbm>> -> memref<10000x128xf32, #tpu.memory_space<hbm>>
        tpu.enqueue_indirect_dma source(%dma_start3A_1821 : memref<10000x128xf32, #tpu.memory_space<hbm>>) target(%dma_start3A_1817 : memref<96x128xf32, #tpu.memory_space<vmem>>) offsets(%dma_start3A_1818 : memref<96xi32, #tpu.memory_space<vmem>>) semaphore(%arg16 : memref<!tpu.dma_semaphore, #tpu.memory_space<semaphore_mem>>)
        %add3A_1822 = arith.constant 96 : i32
        %add3A_1823 = arith.addi %add3A_1814, %add3A_1822 : i32
        %dma_start3A_1824 = arith.constant 96 : i32
        %dma_start3A_1825 = arith.constant 0 : i32
        %dma_start3A_1826 = tpu.memref_slice %arg9[%dma_start3A_1824, %dma_start3A_1825] : memref<192x128xf32, #tpu.memory_space<vmem>> -> memref<96x128xf32, #tpu.memory_space<vmem>>
        %dma_start3A_1827 = tpu.memref_slice %arg6[%add3A_1823] : memref<10000xi32, #tpu.memory_space<vmem>> -> memref<96xi32, #tpu.memory_space<vmem>>
        %dma_start3A_1828 = arith.constant 0 : i32
        %dma_start3A_1829 = arith.constant 0 : i32
        %dma_start3A_1830 = tpu.memref_slice %arg2[%dma_start3A_1828, %dma_start3A_1829] : memref<10000x128xf32, #tpu.memory_space<hbm>> -> memref<10000x128xf32, #tpu.memory_space<hbm>>
        tpu.enqueue_indirect_dma source(%dma_start3A_1830 : memref<10000x128xf32, #tpu.memory_space<hbm>>) target(%dma_start3A_1826 : memref<96x128xf32, #tpu.memory_space<vmem>>) offsets(%dma_start3A_1827 : memref<96xi32, #tpu.memory_space<vmem>>) semaphore(%arg16 : memref<!tpu.dma_semaphore, #tpu.memory_space<semaphore_mem>>)
        %dma_start3A_1831 = arith.constant 0 : i32
        %dma_start3A_1832 = arith.constant 0 : i32
        %dma_start3A_1833 = tpu.memref_slice %arg10[%dma_start3A_1831, %dma_start3A_1832] : memref<192x128xf32, #tpu.memory_space<vmem>> -> memref<96x128xf32, #tpu.memory_space<vmem>>
        %dma_start3A_1834 = tpu.memref_slice %arg7[%add3A_1814] : memref<10000xi32, #tpu.memory_space<vmem>> -> memref<96xi32, #tpu.memory_space<vmem>>
        %dma_start3A_1835 = arith.constant 0 : i32
        %dma_start3A_1836 = arith.constant 0 : i32
        %dma_start3A_1837 = tpu.memref_slice %arg2[%dma_start3A_1835, %dma_start3A_1836] : memref<10000x128xf32, #tpu.memory_space<hbm>> -> memref<10000x128xf32, #tpu.memory_space<hbm>>
        tpu.enqueue_indirect_dma source(%dma_start3A_1837 : memref<10000x128xf32, #tpu.memory_space<hbm>>) target(%dma_start3A_1833 : memref<96x128xf32, #tpu.memory_space<vmem>>) offsets(%dma_start3A_1834 : memref<96xi32, #tpu.memory_space<vmem>>) semaphore(%arg17 : memref<!tpu.dma_semaphore, #tpu.memory_space<semaphore_mem>>)
        %add3A_1838 = arith.constant 96 : i32
        %add3A_1839 = arith.addi %add3A_1814, %add3A_1838 : i32
        %dma_start3A_1840 = arith.constant 96 : i32
        %dma_start3A_1841 = arith.constant 0 : i32
        %dma_start3A_1842 = tpu.memref_slice %arg10[%dma_start3A_1840, %dma_start3A_1841] : memref<192x128xf32, #tpu.memory_space<vmem>> -> memref<96x128xf32, #tpu.memory_space<vmem>>
        %dma_start3A_1843 = tpu.memref_slice %arg7[%add3A_1839] : memref<10000xi32, #tpu.memory_space<vmem>> -> memref<96xi32, #tpu.memory_space<vmem>>
        %dma_start3A_1844 = arith.constant 0 : i32
        %dma_start3A_1845 = arith.constant 0 : i32
        %dma_start3A_1846 = tpu.memref_slice %arg2[%dma_start3A_1844, %dma_start3A_1845] : memref<10000x128xf32, #tpu.memory_space<hbm>> -> memref<10000x128xf32, #tpu.memory_space<hbm>>
        tpu.enqueue_indirect_dma source(%dma_start3A_1846 : memref<10000x128xf32, #tpu.memory_space<hbm>>) target(%dma_start3A_1842 : memref<96x128xf32, #tpu.memory_space<vmem>>) offsets(%dma_start3A_1843 : memref<96xi32, #tpu.memory_space<vmem>>) semaphore(%arg17 : memref<!tpu.dma_semaphore, #tpu.memory_space<semaphore_mem>>)
      } else {
      }
      %dma_wait3A_1010 = arith.constant 0 : i32
      %dma_wait3A_1011 = arith.constant 0 : i32
      %dma_wait3A_1012 = tpu.memref_slice %arg11[%dma_wait3A_1010, %dma_wait3A_1011] : memref<192x128xf32, #tpu.memory_space<vmem>> -> memref<96x128xf32, #tpu.memory_space<vmem>>
      %dma_wait3A_1013 = tpu.memref_slice %arg6[%mul3A_168] : memref<10000xi32, #tpu.memory_space<vmem>> -> memref<96xi32, #tpu.memory_space<vmem>>
      %dma_wait3A_1014 = arith.constant 0 : i32
      %dma_wait3A_1015 = arith.constant 0 : i32
      %dma_wait3A_1016 = tpu.memref_slice %arg2[%dma_wait3A_1014, %dma_wait3A_1015] : memref<10000x128xf32, #tpu.memory_space<hbm>> -> memref<10000x128xf32, #tpu.memory_space<hbm>>
      tpu.wait_indirect_dma semaphore(%arg18 : memref<!tpu.dma_semaphore, #tpu.memory_space<semaphore_mem>>) src(%dma_wait3A_1016 : memref<10000x128xf32, #tpu.memory_space<hbm>>) dst(%dma_wait3A_1012 : memref<96x128xf32, #tpu.memory_space<vmem>>)
      %add3A_1017 = arith.constant 96 : i32
      %add3A_1018 = arith.addi %mul3A_168, %add3A_1017 : i32
      %dma_wait3A_1019 = arith.constant 96 : i32
      %dma_wait3A_1020 = arith.constant 0 : i32
      %dma_wait3A_1021 = tpu.memref_slice %arg11[%dma_wait3A_1019, %dma_wait3A_1020] : memref<192x128xf32, #tpu.memory_space<vmem>> -> memref<96x128xf32, #tpu.memory_space<vmem>>
      %dma_wait3A_1022 = tpu.memref_slice %arg6[%add3A_1018] : memref<10000xi32, #tpu.memory_space<vmem>> -> memref<96xi32, #tpu.memory_space<vmem>>
      %dma_wait3A_1023 = arith.constant 0 : i32
      %dma_wait3A_1024 = arith.constant 0 : i32
      %dma_wait3A_1025 = tpu.memref_slice %arg2[%dma_wait3A_1023, %dma_wait3A_1024] : memref<10000x128xf32, #tpu.memory_space<hbm>> -> memref<10000x128xf32, #tpu.memory_space<hbm>>
      tpu.wait_indirect_dma semaphore(%arg18 : memref<!tpu.dma_semaphore, #tpu.memory_space<semaphore_mem>>) src(%dma_wait3A_1025 : memref<10000x128xf32, #tpu.memory_space<hbm>>) dst(%dma_wait3A_1021 : memref<96x128xf32, #tpu.memory_space<vmem>>)
      %dma_wait3A_1026 = arith.constant 0 : i32
      %dma_wait3A_1027 = arith.constant 0 : i32
      %dma_wait3A_1028 = tpu.memref_slice %arg12[%dma_wait3A_1026, %dma_wait3A_1027] : memref<192x128xf32, #tpu.memory_space<vmem>> -> memref<96x128xf32, #tpu.memory_space<vmem>>
      %dma_wait3A_1029 = tpu.memref_slice %arg7[%mul3A_168] : memref<10000xi32, #tpu.memory_space<vmem>> -> memref<96xi32, #tpu.memory_space<vmem>>
      %dma_wait3A_1030 = arith.constant 0 : i32
      %dma_wait3A_1031 = arith.constant 0 : i32
      %dma_wait3A_1032 = tpu.memref_slice %arg2[%dma_wait3A_1030, %dma_wait3A_1031] : memref<10000x128xf32, #tpu.memory_space<hbm>> -> memref<10000x128xf32, #tpu.memory_space<hbm>>
      tpu.wait_indirect_dma semaphore(%arg19 : memref<!tpu.dma_semaphore, #tpu.memory_space<semaphore_mem>>) src(%dma_wait3A_1032 : memref<10000x128xf32, #tpu.memory_space<hbm>>) dst(%dma_wait3A_1028 : memref<96x128xf32, #tpu.memory_space<vmem>>)
      %add3A_1033 = arith.constant 96 : i32
      %add3A_1034 = arith.addi %mul3A_168, %add3A_1033 : i32
      %dma_wait3A_1035 = arith.constant 96 : i32
      %dma_wait3A_1036 = arith.constant 0 : i32
      %dma_wait3A_1037 = tpu.memref_slice %arg12[%dma_wait3A_1035, %dma_wait3A_1036] : memref<192x128xf32, #tpu.memory_space<vmem>> -> memref<96x128xf32, #tpu.memory_space<vmem>>
      %dma_wait3A_1038 = tpu.memref_slice %arg7[%add3A_1034] : memref<10000xi32, #tpu.memory_space<vmem>> -> memref<96xi32, #tpu.memory_space<vmem>>
      %dma_wait3A_1039 = arith.constant 0 : i32
      %dma_wait3A_1040 = arith.constant 0 : i32
      %dma_wait3A_1041 = tpu.memref_slice %arg2[%dma_wait3A_1039, %dma_wait3A_1040] : memref<10000x128xf32, #tpu.memory_space<hbm>> -> memref<10000x128xf32, #tpu.memory_space<hbm>>
      tpu.wait_indirect_dma semaphore(%arg19 : memref<!tpu.dma_semaphore, #tpu.memory_space<semaphore_mem>>) src(%dma_wait3A_1041 : memref<10000x128xf32, #tpu.memory_space<hbm>>) dst(%dma_wait3A_1037 : memref<96x128xf32, #tpu.memory_space<vmem>>)
      %parallel_loop3A_1042 = arith.constant 0 : i32
      %parallel_loop3A_1043 = arith.constant 192 : i32
      %parallel_loop3A_1044 = arith.constant 1 : i32
      scf.for %parallel_loop3A_1813 = %parallel_loop3A_1042 to %parallel_loop3A_1043 step %parallel_loop3A_1044  : i32 {
        %parallel_loop3A_1814 = arith.index_cast %parallel_loop3A_1813 : i32 to index
        %parallel_loop3A_1815 = arith.constant 0 : index
        %parallel_loop3A_1816 = tpu.vector_load %arg11[%parallel_loop3A_1814, %parallel_loop3A_1815] {strides = array<i32>} : memref<192x128xf32, #tpu.memory_space<vmem>>, vector<16xf32>,
        %parallel_loop3A_1817 = arith.index_cast %parallel_loop3A_1813 : i32 to index
        %parallel_loop3A_1818 = arith.constant 16 : index
        %parallel_loop3A_1819 = tpu.vector_load %arg11[%parallel_loop3A_1817, %parallel_loop3A_1818] {strides = array<i32>} : memref<192x128xf32, #tpu.memory_space<vmem>>, vector<16xf32>,
        %parallel_loop3A_1820 = arith.index_cast %parallel_loop3A_1813 : i32 to index
        %parallel_loop3A_1821 = arith.constant 32 : index
        %parallel_loop3A_1822 = tpu.vector_load %arg11[%parallel_loop3A_1820, %parallel_loop3A_1821] {strides = array<i32>} : memref<192x128xf32, #tpu.memory_space<vmem>>, vector<16xf32>,
        %parallel_loop3A_1823 = arith.index_cast %parallel_loop3A_1813 : i32 to index
        %parallel_loop3A_1824 = arith.constant 48 : index
        %parallel_loop3A_1825 = tpu.vector_load %arg11[%parallel_loop3A_1823, %parallel_loop3A_1824] {strides = array<i32>} : memref<192x128xf32, #tpu.memory_space<vmem>>, vector<16xf32>,
        %parallel_loop3A_1826 = arith.index_cast %parallel_loop3A_1813 : i32 to index
        %parallel_loop3A_1827 = arith.constant 64 : index
        %parallel_loop3A_1828 = tpu.vector_load %arg11[%parallel_loop3A_1826, %parallel_loop3A_1827] {strides = array<i32>} : memref<192x128xf32, #tpu.memory_space<vmem>>, vector<16xf32>,
        %parallel_loop3A_1829 = arith.index_cast %parallel_loop3A_1813 : i32 to index
        %parallel_loop3A_1830 = arith.constant 80 : index
        %parallel_loop3A_1831 = tpu.vector_load %arg11[%parallel_loop3A_1829, %parallel_loop3A_1830] {strides = array<i32>} : memref<192x128xf32, #tpu.memory_space<vmem>>, vector<16xf32>,
        %parallel_loop3A_1832 = arith.index_cast %parallel_loop3A_1813 : i32 to index
        %parallel_loop3A_1833 = arith.constant 96 : index
        %parallel_loop3A_1834 = tpu.vector_load %arg11[%parallel_loop3A_1832, %parallel_loop3A_1833] {strides = array<i32>} : memref<192x128xf32, #tpu.memory_space<vmem>>, vector<16xf32>,
        %parallel_loop3A_1835 = arith.index_cast %parallel_loop3A_1813 : i32 to index
        %parallel_loop3A_1836 = arith.constant 112 : index
        %parallel_loop3A_1837 = tpu.vector_load %arg11[%parallel_loop3A_1835, %parallel_loop3A_1836] {strides = array<i32>} : memref<192x128xf32, #tpu.memory_space<vmem>>, vector<16xf32>,
        %parallel_loop3A_1838 = arith.index_cast %parallel_loop3A_1813 : i32 to index
        %parallel_loop3A_1839 = arith.constant 0 : index
        %parallel_loop3A_1840 = tpu.vector_load %arg12[%parallel_loop3A_1838, %parallel_loop3A_1839] {strides = array<i32>} : memref<192x128xf32, #tpu.memory_space<vmem>>, vector<16xf32>,
        %parallel_loop3A_1841 = arith.index_cast %parallel_loop3A_1813 : i32 to index
        %parallel_loop3A_1842 = arith.constant 16 : index
        %parallel_loop3A_1843 = tpu.vector_load %arg12[%parallel_loop3A_1841, %parallel_loop3A_1842] {strides = array<i32>} : memref<192x128xf32, #tpu.memory_space<vmem>>, vector<16xf32>,
        %parallel_loop3A_1844 = arith.index_cast %parallel_loop3A_1813 : i32 to index
        %parallel_loop3A_1845 = arith.constant 32 : index
        %parallel_loop3A_1846 = tpu.vector_load %arg12[%parallel_loop3A_1844, %parallel_loop3A_1845] {strides = array<i32>} : memref<192x128xf32, #tpu.memory_space<vmem>>, vector<16xf32>,
        %parallel_loop3A_1847 = arith.index_cast %parallel_loop3A_1813 : i32 to index
        %parallel_loop3A_1848 = arith.constant 48 : index
        %parallel_loop3A_1849 = tpu.vector_load %arg12[%parallel_loop3A_1847, %parallel_loop3A_1848] {strides = array<i32>} : memref<192x128xf32, #tpu.memory_space<vmem>>, vector<16xf32>,
        %parallel_loop3A_1850 = arith.index_cast %parallel_loop3A_1813 : i32 to index
        %parallel_loop3A_1851 = arith.constant 64 : index
        %parallel_loop3A_1852 = tpu.vector_load %arg12[%parallel_loop3A_1850, %parallel_loop3A_1851] {strides = array<i32>} : memref<192x128xf32, #tpu.memory_space<vmem>>, vector<16xf32>,
        %parallel_loop3A_1853 = arith.index_cast %parallel_loop3A_1813 : i32 to index
        %parallel_loop3A_1854 = arith.constant 80 : index
        %parallel_loop3A_1855 = tpu.vector_load %arg12[%parallel_loop3A_1853, %parallel_loop3A_1854] {strides = array<i32>} : memref<192x128xf32, #tpu.memory_space<vmem>>, vector<16xf32>,
        %parallel_loop3A_1856 = arith.index_cast %parallel_loop3A_1813 : i32 to index
        %parallel_loop3A_1857 = arith.constant 96 : index
        %parallel_loop3A_1858 = tpu.vector_load %arg12[%parallel_loop3A_1856, %parallel_loop3A_1857] {strides = array<i32>} : memref<192x128xf32, #tpu.memory_space<vmem>>, vector<16xf32>,
        %parallel_loop3A_1859 = arith.index_cast %parallel_loop3A_1813 : i32 to index
        %parallel_loop3A_1860 = arith.constant 112 : index
        %parallel_loop3A_1861 = tpu.vector_load %arg12[%parallel_loop3A_1859, %parallel_loop3A_1860] {strides = array<i32>} : memref<192x128xf32, #tpu.memory_space<vmem>>, vector<16xf32>,
        %parallel_loop3A_1862 = arith.mulf %parallel_loop3A_1816, %parallel_loop3A_1840 : vector<16xf32>
        %parallel_loop3A_1863 = arith.mulf %parallel_loop3A_1819, %parallel_loop3A_1843 : vector<16xf32>
        %parallel_loop3A_1864 = arith.mulf %parallel_loop3A_1822, %parallel_loop3A_1846 : vector<16xf32>
        %parallel_loop3A_1865 = arith.mulf %parallel_loop3A_1825, %parallel_loop3A_1849 : vector<16xf32>
        %parallel_loop3A_1866 = arith.mulf %parallel_loop3A_1828, %parallel_loop3A_1852 : vector<16xf32>
        %parallel_loop3A_1867 = arith.mulf %parallel_loop3A_1831, %parallel_loop3A_1855 : vector<16xf32>
        %parallel_loop3A_1868 = arith.mulf %parallel_loop3A_1834, %parallel_loop3A_1858 : vector<16xf32>
        %parallel_loop3A_1869 = arith.mulf %parallel_loop3A_1837, %parallel_loop3A_1861 : vector<16xf32>
        %parallel_loop3A_1870 = arith.addf %parallel_loop3A_1862, %parallel_loop3A_1863 : vector<16xf32>
        %parallel_loop3A_1871 = arith.addf %parallel_loop3A_1864, %parallel_loop3A_1865 : vector<16xf32>
        %parallel_loop3A_1872 = arith.addf %parallel_loop3A_1870, %parallel_loop3A_1871 : vector<16xf32>
        %parallel_loop3A_1873 = arith.addf %parallel_loop3A_1866, %parallel_loop3A_1867 : vector<16xf32>
        %parallel_loop3A_1874 = arith.addf %parallel_loop3A_1868, %parallel_loop3A_1869 : vector<16xf32>
        %parallel_loop3A_1875 = arith.addf %parallel_loop3A_1873, %parallel_loop3A_1874 : vector<16xf32>
        %parallel_loop3A_1876 = arith.addf %parallel_loop3A_1872, %parallel_loop3A_1875 : vector<16xf32>
        %parallel_loop3A_1877 = arith.constant true
        %parallel_loop3A_1878 = vector.broadcast %parallel_loop3A_1877 : i1 to vector<16xi1>
        %parallel_loop3A_1879 = tpu.scan <sum>, %parallel_loop3A_1876 masked %parallel_loop3A_1878 : vector<16xf32>, vector<16xi1> -> vector<16xf32>
        %parallel_loop3A_1880 = arith.mulf %parallel_loop3A_1816, %parallel_loop3A_1816 : vector<16xf32>
        %parallel_loop3A_1881 = arith.mulf %parallel_loop3A_1819, %parallel_loop3A_1819 : vector<16xf32>
        %parallel_loop3A_1882 = arith.mulf %parallel_loop3A_1822, %parallel_loop3A_1822 : vector<16xf32>
        %parallel_loop3A_1883 = arith.mulf %parallel_loop3A_1825, %parallel_loop3A_1825 : vector<16xf32>
        %parallel_loop3A_1884 = arith.mulf %parallel_loop3A_1828, %parallel_loop3A_1828 : vector<16xf32>
        %parallel_loop3A_1885 = arith.mulf %parallel_loop3A_1831, %parallel_loop3A_1831 : vector<16xf32>
        %parallel_loop3A_1886 = arith.mulf %parallel_loop3A_1834, %parallel_loop3A_1834 : vector<16xf32>
        %parallel_loop3A_1887 = arith.mulf %parallel_loop3A_1837, %parallel_loop3A_1837 : vector<16xf32>
        %parallel_loop3A_1888 = arith.addf %parallel_loop3A_1880, %parallel_loop3A_1881 : vector<16xf32>
        %parallel_loop3A_1889 = arith.addf %parallel_loop3A_1882, %parallel_loop3A_1883 : vector<16xf32>
        %parallel_loop3A_1890 = arith.addf %parallel_loop3A_1888, %parallel_loop3A_1889 : vector<16xf32>
        %parallel_loop3A_1891 = arith.addf %parallel_loop3A_1884, %parallel_loop3A_1885 : vector<16xf32>
        %parallel_loop3A_1892 = arith.addf %parallel_loop3A_1886, %parallel_loop3A_1887 : vector<16xf32>
        %parallel_loop3A_1893 = arith.addf %parallel_loop3A_1891, %parallel_loop3A_1892 : vector<16xf32>
        %parallel_loop3A_1894 = arith.addf %parallel_loop3A_1890, %parallel_loop3A_1893 : vector<16xf32>
        %parallel_loop3A_1895 = arith.constant true
        %parallel_loop3A_1896 = vector.broadcast %parallel_loop3A_1895 : i1 to vector<16xi1>
        %parallel_loop3A_1897 = tpu.scan <sum>, %parallel_loop3A_1894 masked %parallel_loop3A_1896 : vector<16xf32>, vector<16xi1> -> vector<16xf32>
        %parallel_loop3A_1898 = arith.mulf %parallel_loop3A_1840, %parallel_loop3A_1840 : vector<16xf32>
        %parallel_loop3A_1899 = arith.mulf %parallel_loop3A_1843, %parallel_loop3A_1843 : vector<16xf32>
        %parallel_loop3A_1900 = arith.mulf %parallel_loop3A_1846, %parallel_loop3A_1846 : vector<16xf32>
        %parallel_loop3A_1901 = arith.mulf %parallel_loop3A_1849, %parallel_loop3A_1849 : vector<16xf32>
        %parallel_loop3A_1902 = arith.mulf %parallel_loop3A_1852, %parallel_loop3A_1852 : vector<16xf32>
        %parallel_loop3A_1903 = arith.mulf %parallel_loop3A_1855, %parallel_loop3A_1855 : vector<16xf32>
        %parallel_loop3A_1904 = arith.mulf %parallel_loop3A_1858, %parallel_loop3A_1858 : vector<16xf32>
        %parallel_loop3A_1905 = arith.mulf %parallel_loop3A_1861, %parallel_loop3A_1861 : vector<16xf32>
        %parallel_loop3A_1906 = arith.addf %parallel_loop3A_1898, %parallel_loop3A_1899 : vector<16xf32>
        %parallel_loop3A_1907 = arith.addf %parallel_loop3A_1900, %parallel_loop3A_1901 : vector<16xf32>
        %parallel_loop3A_1908 = arith.addf %parallel_loop3A_1906, %parallel_loop3A_1907 : vector<16xf32>
        %parallel_loop3A_1909 = arith.addf %parallel_loop3A_1902, %parallel_loop3A_1903 : vector<16xf32>
        %parallel_loop3A_1910 = arith.addf %parallel_loop3A_1904, %parallel_loop3A_1905 : vector<16xf32>
        %parallel_loop3A_1911 = arith.addf %parallel_loop3A_1909, %parallel_loop3A_1910 : vector<16xf32>
        %parallel_loop3A_1912 = arith.addf %parallel_loop3A_1908, %parallel_loop3A_1911 : vector<16xf32>
        %parallel_loop3A_1913 = arith.constant true
        %parallel_loop3A_1914 = vector.broadcast %parallel_loop3A_1913 : i1 to vector<16xi1>
        %parallel_loop3A_1915 = tpu.scan <sum>, %parallel_loop3A_1912 masked %parallel_loop3A_1914 : vector<16xf32>, vector<16xi1> -> vector<16xf32>
        %parallel_loop3A_1916 = vector.broadcast %parallel_loop3A_1813 : i32 to vector<16xi32>
        tpu.vector_store_idx %arg13[%parallel_loop3A_1916], %parallel_loop3A_1879 masked %eq3A_4 : memref<192xf32, #tpu.memory_space<vmem>>[vector<16xi32>], vector<16xf32>, vector<16xi1>
        tpu.vector_store_idx %arg14[%parallel_loop3A_1916], %parallel_loop3A_1897 masked %eq3A_4 : memref<192xf32, #tpu.memory_space<vmem>>[vector<16xi32>], vector<16xf32>, vector<16xi1>
        tpu.vector_store_idx %arg15[%parallel_loop3A_1916], %parallel_loop3A_1915 masked %eq3A_4 : memref<192xf32, #tpu.memory_space<vmem>>[vector<16xi32>], vector<16xf32>, vector<16xi1>
      } {sc.loop_unroll_factor = 4 : i64, sc.parallel_access}
      %get3A_1045 = arith.constant 0 : index
      %get3A_1046 = tpu.vector_load %arg13[%get3A_1045] {strides = array<i32>} : memref<192xf32, #tpu.memory_space<vmem>>, vector<16xf32>,
      %get3A_1047 = arith.constant 0 : index
      %get3A_1048 = tpu.vector_load %arg14[%get3A_1047] {strides = array<i32>} : memref<192xf32, #tpu.memory_space<vmem>>, vector<16xf32>,
      %get3A_1049 = arith.constant 0 : index
      %get3A_1050 = tpu.vector_load %arg15[%get3A_1049] {strides = array<i32>} : memref<192xf32, #tpu.memory_space<vmem>>, vector<16xf32>,
      %mul3A_1051 = arith.mulf %get3A_1048, %get3A_1050 : vector<16xf32>
      %ge3A_1052 = arith.constant 1.000000e-16 : f32
      %ge3A_1053 = vector.broadcast %ge3A_1052 : f32 to vector<16xf32>
      %ge3A_1054 = arith.cmpf oge, %mul3A_1051, %ge3A_1053 : vector<16xf32>
      %bitcast_convert_type3A_1055 = tpu.bitcast %mul3A_1051 : vector<16xf32> -> vector<16xi32>
      %shift_right_arithmetic3A_1056 = arith.constant 1 : i32
      %shift_right_arithmetic3A_1057 = vector.broadcast %shift_right_arithmetic3A_1056 : i32 to vector<16xi32>
      %shift_right_arithmetic3A_1058 = arith.shrsi %bitcast_convert_type3A_1055, %shift_right_arithmetic3A_1057 : vector<16xi32>
      %sub3A_1059 = arith.constant 1597463007 : i32
      %sub3A_1060 = vector.broadcast %sub3A_1059 : i32 to vector<16xi32>
      %sub3A_1061 = arith.subi %sub3A_1060, %shift_right_arithmetic3A_1058 : vector<16xi32>
      %bitcast_convert_type3A_1062 = tpu.bitcast %sub3A_1061 : vector<16xi32> -> vector<16xf32>
      %mul3A_1063 = arith.constant 5.000000e-01 : f32
      %mul3A_1064 = vector.broadcast %mul3A_1063 : f32 to vector<16xf32>
      %mul3A_1065 = arith.mulf %mul3A_1064, %mul3A_1051 : vector<16xf32>
      %mul3A_1066 = arith.mulf %mul3A_1065, %bitcast_convert_type3A_1062 : vector<16xf32>
      %mul3A_1067 = arith.mulf %mul3A_1066, %bitcast_convert_type3A_1062 : vector<16xf32>
      %sub3A_1068 = arith.constant 1.500000e+00 : f32
      %sub3A_1069 = vector.broadcast %sub3A_1068 : f32 to vector<16xf32>
      %sub3A_1070 = arith.subf %sub3A_1069, %mul3A_1067 : vector<16xf32>
      %mul3A_1071 = arith.mulf %bitcast_convert_type3A_1062, %sub3A_1070 : vector<16xf32>
      %mul3A_1072 = arith.constant 5.000000e-01 : f32
      %mul3A_1073 = vector.broadcast %mul3A_1072 : f32 to vector<16xf32>
      %mul3A_1074 = arith.mulf %mul3A_1073, %mul3A_1051 : vector<16xf32>
      %mul3A_1075 = arith.mulf %mul3A_1074, %mul3A_1071 : vector<16xf32>
      %mul3A_1076 = arith.mulf %mul3A_1075, %mul3A_1071 : vector<16xf32>
      %sub3A_1077 = arith.constant 1.500000e+00 : f32
      %sub3A_1078 = vector.broadcast %sub3A_1077 : f32 to vector<16xf32>
      %sub3A_1079 = arith.subf %sub3A_1078, %mul3A_1076 : vector<16xf32>
      %mul3A_1080 = arith.mulf %mul3A_1071, %sub3A_1079 : vector<16xf32>
      %mul3A_1081 = arith.constant 5.000000e-01 : f32
      %mul3A_1082 = vector.broadcast %mul3A_1081 : f32 to vector<16xf32>
      %mul3A_1083 = arith.mulf %mul3A_1082, %mul3A_1051 : vector<16xf32>
      %mul3A_1084 = arith.mulf %mul3A_1083, %mul3A_1080 : vector<16xf32>
      %mul3A_1085 = arith.mulf %mul3A_1084, %mul3A_1080 : vector<16xf32>
      %sub3A_1086 = arith.constant 1.500000e+00 : f32
      %sub3A_1087 = vector.broadcast %sub3A_1086 : f32 to vector<16xf32>
      %sub3A_1088 = arith.subf %sub3A_1087, %mul3A_1085 : vector<16xf32>
      %mul3A_1089 = arith.mulf %mul3A_1080, %sub3A_1088 : vector<16xf32>
      %mul3A_1090 = arith.mulf %get3A_1046, %mul3A_1089 : vector<16xf32>
      %mul3A_1091 = arith.constant 1.000000e+08 : f32
      %mul3A_1092 = vector.broadcast %mul3A_1091 : f32 to vector<16xf32>
      %mul3A_1093 = arith.mulf %get3A_1046, %mul3A_1092 : vector<16xf32>
      %select_n3A_1094 = arith.select %ge3A_1054, %mul3A_1090, %mul3A_1093 : vector<16xi1>, vector<16xf32>
      %neg3A_1095 = arith.constant 0.000000e+00 : f32
      %neg3A_1096 = vector.broadcast %neg3A_1095 : f32 to vector<16xf32>
      %neg3A_1097 = arith.subf %neg3A_1096, %select_n3A_1094 : vector<16xf32>
      %exp3A_1098 = math.exp %neg3A_1097 : vector<16xf32>
      %add3A_1099 = arith.constant 1.000000e+00 : f32
      %add3A_1100 = vector.broadcast %add3A_1099 : f32 to vector<16xf32>
      %add3A_1101 = arith.addf %add3A_1100, %exp3A_1098 : vector<16xf32>
      %div3A_1102 = arith.constant 1.000000e+00 : f32
      %div3A_1103 = vector.broadcast %div3A_1102 : f32 to vector<16xf32>
      %div3A_1104 = arith.divf %div3A_1103, %add3A_1101 : vector<16xf32>
      %add3A_1105 = arith.constant 0 : i32
      %add3A_1106 = arith.addi %mul3A_168, %add3A_1105 : i32
      %swap3A_1107 = arith.index_cast %add3A_1106 : i32 to index
      %swap3A_1108 = tpu.vector_load %arg8[%swap3A_1107] {strides = array<i32>} : memref<10000xf32, #tpu.memory_space<vmem>>, vector<16xf32>,
      tpu.vector_store %arg8[%swap3A_1107], %div3A_1104 {strides = array<i32>} : memref<10000xf32, #tpu.memory_space<vmem>>, vector<16xf32>,
      %get3A_1109 = arith.constant 16 : index
      %get3A_1110 = tpu.vector_load %arg13[%get3A_1109] {strides = array<i32>} : memref<192xf32, #tpu.memory_space<vmem>>, vector<16xf32>,
      %get3A_1111 = arith.constant 16 : index
      %get3A_1112 = tpu.vector_load %arg14[%get3A_1111] {strides = array<i32>} : memref<192xf32, #tpu.memory_space<vmem>>, vector<16xf32>,
      %get3A_1113 = arith.constant 16 : index
      %get3A_1114 = tpu.vector_load %arg15[%get3A_1113] {strides = array<i32>} : memref<192xf32, #tpu.memory_space<vmem>>, vector<16xf32>,
      %mul3A_1115 = arith.mulf %get3A_1112, %get3A_1114 : vector<16xf32>
      %ge3A_1116 = arith.constant 1.000000e-16 : f32
      %ge3A_1117 = vector.broadcast %ge3A_1116 : f32 to vector<16xf32>
      %ge3A_1118 = arith.cmpf oge, %mul3A_1115, %ge3A_1117 : vector<16xf32>
      %bitcast_convert_type3A_1119 = tpu.bitcast %mul3A_1115 : vector<16xf32> -> vector<16xi32>
      %shift_right_arithmetic3A_1120 = arith.constant 1 : i32
      %shift_right_arithmetic3A_1121 = vector.broadcast %shift_right_arithmetic3A_1120 : i32 to vector<16xi32>
      %shift_right_arithmetic3A_1122 = arith.shrsi %bitcast_convert_type3A_1119, %shift_right_arithmetic3A_1121 : vector<16xi32>
      %sub3A_1123 = arith.constant 1597463007 : i32
      %sub3A_1124 = vector.broadcast %sub3A_1123 : i32 to vector<16xi32>
      %sub3A_1125 = arith.subi %sub3A_1124, %shift_right_arithmetic3A_1122 : vector<16xi32>
      %bitcast_convert_type3A_1126 = tpu.bitcast %sub3A_1125 : vector<16xi32> -> vector<16xf32>
      %mul3A_1127 = arith.constant 5.000000e-01 : f32
      %mul3A_1128 = vector.broadcast %mul3A_1127 : f32 to vector<16xf32>
      %mul3A_1129 = arith.mulf %mul3A_1128, %mul3A_1115 : vector<16xf32>
      %mul3A_1130 = arith.mulf %mul3A_1129, %bitcast_convert_type3A_1126 : vector<16xf32>
      %mul3A_1131 = arith.mulf %mul3A_1130, %bitcast_convert_type3A_1126 : vector<16xf32>
      %sub3A_1132 = arith.constant 1.500000e+00 : f32
      %sub3A_1133 = vector.broadcast %sub3A_1132 : f32 to vector<16xf32>
      %sub3A_1134 = arith.subf %sub3A_1133, %mul3A_1131 : vector<16xf32>
      %mul3A_1135 = arith.mulf %bitcast_convert_type3A_1126, %sub3A_1134 : vector<16xf32>
      %mul3A_1136 = arith.constant 5.000000e-01 : f32
      %mul3A_1137 = vector.broadcast %mul3A_1136 : f32 to vector<16xf32>
      %mul3A_1138 = arith.mulf %mul3A_1137, %mul3A_1115 : vector<16xf32>
      %mul3A_1139 = arith.mulf %mul3A_1138, %mul3A_1135 : vector<16xf32>
      %mul3A_1140 = arith.mulf %mul3A_1139, %mul3A_1135 : vector<16xf32>
      %sub3A_1141 = arith.constant 1.500000e+00 : f32
      %sub3A_1142 = vector.broadcast %sub3A_1141 : f32 to vector<16xf32>
      %sub3A_1143 = arith.subf %sub3A_1142, %mul3A_1140 : vector<16xf32>
      %mul3A_1144 = arith.mulf %mul3A_1135, %sub3A_1143 : vector<16xf32>
      %mul3A_1145 = arith.constant 5.000000e-01 : f32
      %mul3A_1146 = vector.broadcast %mul3A_1145 : f32 to vector<16xf32>
      %mul3A_1147 = arith.mulf %mul3A_1146, %mul3A_1115 : vector<16xf32>
      %mul3A_1148 = arith.mulf %mul3A_1147, %mul3A_1144 : vector<16xf32>
      %mul3A_1149 = arith.mulf %mul3A_1148, %mul3A_1144 : vector<16xf32>
      %sub3A_1150 = arith.constant 1.500000e+00 : f32
      %sub3A_1151 = vector.broadcast %sub3A_1150 : f32 to vector<16xf32>
      %sub3A_1152 = arith.subf %sub3A_1151, %mul3A_1149 : vector<16xf32>
      %mul3A_1153 = arith.mulf %mul3A_1144, %sub3A_1152 : vector<16xf32>
      %mul3A_1154 = arith.mulf %get3A_1110, %mul3A_1153 : vector<16xf32>
      %mul3A_1155 = arith.constant 1.000000e+08 : f32
      %mul3A_1156 = vector.broadcast %mul3A_1155 : f32 to vector<16xf32>
      %mul3A_1157 = arith.mulf %get3A_1110, %mul3A_1156 : vector<16xf32>
      %select_n3A_1158 = arith.select %ge3A_1118, %mul3A_1154, %mul3A_1157 : vector<16xi1>, vector<16xf32>
      %neg3A_1159 = arith.constant 0.000000e+00 : f32
      %neg3A_1160 = vector.broadcast %neg3A_1159 : f32 to vector<16xf32>
      %neg3A_1161 = arith.subf %neg3A_1160, %select_n3A_1158 : vector<16xf32>
      %exp3A_1162 = math.exp %neg3A_1161 : vector<16xf32>
      %add3A_1163 = arith.constant 1.000000e+00 : f32
      %add3A_1164 = vector.broadcast %add3A_1163 : f32 to vector<16xf32>
      %add3A_1165 = arith.addf %add3A_1164, %exp3A_1162 : vector<16xf32>
      %div3A_1166 = arith.constant 1.000000e+00 : f32
      %div3A_1167 = vector.broadcast %div3A_1166 : f32 to vector<16xf32>
      %div3A_1168 = arith.divf %div3A_1167, %add3A_1165 : vector<16xf32>
      %add3A_1169 = arith.constant 16 : i32
      %add3A_1170 = arith.addi %mul3A_168, %add3A_1169 : i32
      %swap3A_1171 = arith.index_cast %add3A_1170 : i32 to index
      %swap3A_1172 = tpu.vector_load %arg8[%swap3A_1171] {strides = array<i32>} : memref<10000xf32, #tpu.memory_space<vmem>>, vector<16xf32>,
      tpu.vector_store %arg8[%swap3A_1171], %div3A_1168 {strides = array<i32>} : memref<10000xf32, #tpu.memory_space<vmem>>, vector<16xf32>,
      %get3A_1173 = arith.constant 32 : index
      %get3A_1174 = tpu.vector_load %arg13[%get3A_1173] {strides = array<i32>} : memref<192xf32, #tpu.memory_space<vmem>>, vector<16xf32>,
      %get3A_1175 = arith.constant 32 : index
      %get3A_1176 = tpu.vector_load %arg14[%get3A_1175] {strides = array<i32>} : memref<192xf32, #tpu.memory_space<vmem>>, vector<16xf32>,
      %get3A_1177 = arith.constant 32 : index
      %get3A_1178 = tpu.vector_load %arg15[%get3A_1177] {strides = array<i32>} : memref<192xf32, #tpu.memory_space<vmem>>, vector<16xf32>,
      %mul3A_1179 = arith.mulf %get3A_1176, %get3A_1178 : vector<16xf32>
      %ge3A_1180 = arith.constant 1.000000e-16 : f32
      %ge3A_1181 = vector.broadcast %ge3A_1180 : f32 to vector<16xf32>
      %ge3A_1182 = arith.cmpf oge, %mul3A_1179, %ge3A_1181 : vector<16xf32>
      %bitcast_convert_type3A_1183 = tpu.bitcast %mul3A_1179 : vector<16xf32> -> vector<16xi32>
      %shift_right_arithmetic3A_1184 = arith.constant 1 : i32
      %shift_right_arithmetic3A_1185 = vector.broadcast %shift_right_arithmetic3A_1184 : i32 to vector<16xi32>
      %shift_right_arithmetic3A_1186 = arith.shrsi %bitcast_convert_type3A_1183, %shift_right_arithmetic3A_1185 : vector<16xi32>
      %sub3A_1187 = arith.constant 1597463007 : i32
      %sub3A_1188 = vector.broadcast %sub3A_1187 : i32 to vector<16xi32>
      %sub3A_1189 = arith.subi %sub3A_1188, %shift_right_arithmetic3A_1186 : vector<16xi32>
      %bitcast_convert_type3A_1190 = tpu.bitcast %sub3A_1189 : vector<16xi32> -> vector<16xf32>
      %mul3A_1191 = arith.constant 5.000000e-01 : f32
      %mul3A_1192 = vector.broadcast %mul3A_1191 : f32 to vector<16xf32>
      %mul3A_1193 = arith.mulf %mul3A_1192, %mul3A_1179 : vector<16xf32>
      %mul3A_1194 = arith.mulf %mul3A_1193, %bitcast_convert_type3A_1190 : vector<16xf32>
      %mul3A_1195 = arith.mulf %mul3A_1194, %bitcast_convert_type3A_1190 : vector<16xf32>
      %sub3A_1196 = arith.constant 1.500000e+00 : f32
      %sub3A_1197 = vector.broadcast %sub3A_1196 : f32 to vector<16xf32>
      %sub3A_1198 = arith.subf %sub3A_1197, %mul3A_1195 : vector<16xf32>
      %mul3A_1199 = arith.mulf %bitcast_convert_type3A_1190, %sub3A_1198 : vector<16xf32>
      %mul3A_1200 = arith.constant 5.000000e-01 : f32
      %mul3A_1201 = vector.broadcast %mul3A_1200 : f32 to vector<16xf32>
      %mul3A_1202 = arith.mulf %mul3A_1201, %mul3A_1179 : vector<16xf32>
      %mul3A_1203 = arith.mulf %mul3A_1202, %mul3A_1199 : vector<16xf32>
      %mul3A_1204 = arith.mulf %mul3A_1203, %mul3A_1199 : vector<16xf32>
      %sub3A_1205 = arith.constant 1.500000e+00 : f32
      %sub3A_1206 = vector.broadcast %sub3A_1205 : f32 to vector<16xf32>
      %sub3A_1207 = arith.subf %sub3A_1206, %mul3A_1204 : vector<16xf32>
      %mul3A_1208 = arith.mulf %mul3A_1199, %sub3A_1207 : vector<16xf32>
      %mul3A_1209 = arith.constant 5.000000e-01 : f32
      %mul3A_1210 = vector.broadcast %mul3A_1209 : f32 to vector<16xf32>
      %mul3A_1211 = arith.mulf %mul3A_1210, %mul3A_1179 : vector<16xf32>
      %mul3A_1212 = arith.mulf %mul3A_1211, %mul3A_1208 : vector<16xf32>
      %mul3A_1213 = arith.mulf %mul3A_1212, %mul3A_1208 : vector<16xf32>
      %sub3A_1214 = arith.constant 1.500000e+00 : f32
      %sub3A_1215 = vector.broadcast %sub3A_1214 : f32 to vector<16xf32>
      %sub3A_1216 = arith.subf %sub3A_1215, %mul3A_1213 : vector<16xf32>
      %mul3A_1217 = arith.mulf %mul3A_1208, %sub3A_1216 : vector<16xf32>
      %mul3A_1218 = arith.mulf %get3A_1174, %mul3A_1217 : vector<16xf32>
      %mul3A_1219 = arith.constant 1.000000e+08 : f32
      %mul3A_1220 = vector.broadcast %mul3A_1219 : f32 to vector<16xf32>
      %mul3A_1221 = arith.mulf %get3A_1174, %mul3A_1220 : vector<16xf32>
      %select_n3A_1222 = arith.select %ge3A_1182, %mul3A_1218, %mul3A_1221 : vector<16xi1>, vector<16xf32>
      %neg3A_1223 = arith.constant 0.000000e+00 : f32
      %neg3A_1224 = vector.broadcast %neg3A_1223 : f32 to vector<16xf32>
      %neg3A_1225 = arith.subf %neg3A_1224, %select_n3A_1222 : vector<16xf32>
      %exp3A_1226 = math.exp %neg3A_1225 : vector<16xf32>
      %add3A_1227 = arith.constant 1.000000e+00 : f32
      %add3A_1228 = vector.broadcast %add3A_1227 : f32 to vector<16xf32>
      %add3A_1229 = arith.addf %add3A_1228, %exp3A_1226 : vector<16xf32>
      %div3A_1230 = arith.constant 1.000000e+00 : f32
      %div3A_1231 = vector.broadcast %div3A_1230 : f32 to vector<16xf32>
      %div3A_1232 = arith.divf %div3A_1231, %add3A_1229 : vector<16xf32>
      %add3A_1233 = arith.constant 32 : i32
      %add3A_1234 = arith.addi %mul3A_168, %add3A_1233 : i32
      %swap3A_1235 = arith.index_cast %add3A_1234 : i32 to index
      %swap3A_1236 = tpu.vector_load %arg8[%swap3A_1235] {strides = array<i32>} : memref<10000xf32, #tpu.memory_space<vmem>>, vector<16xf32>,
      tpu.vector_store %arg8[%swap3A_1235], %div3A_1232 {strides = array<i32>} : memref<10000xf32, #tpu.memory_space<vmem>>, vector<16xf32>,
      %get3A_1237 = arith.constant 48 : index
      %get3A_1238 = tpu.vector_load %arg13[%get3A_1237] {strides = array<i32>} : memref<192xf32, #tpu.memory_space<vmem>>, vector<16xf32>,
      %get3A_1239 = arith.constant 48 : index
      %get3A_1240 = tpu.vector_load %arg14[%get3A_1239] {strides = array<i32>} : memref<192xf32, #tpu.memory_space<vmem>>, vector<16xf32>,
      %get3A_1241 = arith.constant 48 : index
      %get3A_1242 = tpu.vector_load %arg15[%get3A_1241] {strides = array<i32>} : memref<192xf32, #tpu.memory_space<vmem>>, vector<16xf32>,
      %mul3A_1243 = arith.mulf %get3A_1240, %get3A_1242 : vector<16xf32>
      %ge3A_1244 = arith.constant 1.000000e-16 : f32
      %ge3A_1245 = vector.broadcast %ge3A_1244 : f32 to vector<16xf32>
      %ge3A_1246 = arith.cmpf oge, %mul3A_1243, %ge3A_1245 : vector<16xf32>
      %bitcast_convert_type3A_1247 = tpu.bitcast %mul3A_1243 : vector<16xf32> -> vector<16xi32>
      %shift_right_arithmetic3A_1248 = arith.constant 1 : i32
      %shift_right_arithmetic3A_1249 = vector.broadcast %shift_right_arithmetic3A_1248 : i32 to vector<16xi32>
      %shift_right_arithmetic3A_1250 = arith.shrsi %bitcast_convert_type3A_1247, %shift_right_arithmetic3A_1249 : vector<16xi32>
      %sub3A_1251 = arith.constant 1597463007 : i32
      %sub3A_1252 = vector.broadcast %sub3A_1251 : i32 to vector<16xi32>
      %sub3A_1253 = arith.subi %sub3A_1252, %shift_right_arithmetic3A_1250 : vector<16xi32>
      %bitcast_convert_type3A_1254 = tpu.bitcast %sub3A_1253 : vector<16xi32> -> vector<16xf32>
      %mul3A_1255 = arith.constant 5.000000e-01 : f32
      %mul3A_1256 = vector.broadcast %mul3A_1255 : f32 to vector<16xf32>
      %mul3A_1257 = arith.mulf %mul3A_1256, %mul3A_1243 : vector<16xf32>
      %mul3A_1258 = arith.mulf %mul3A_1257, %bitcast_convert_type3A_1254 : vector<16xf32>
      %mul3A_1259 = arith.mulf %mul3A_1258, %bitcast_convert_type3A_1254 : vector<16xf32>
      %sub3A_1260 = arith.constant 1.500000e+00 : f32
      %sub3A_1261 = vector.broadcast %sub3A_1260 : f32 to vector<16xf32>
      %sub3A_1262 = arith.subf %sub3A_1261, %mul3A_1259 : vector<16xf32>
      %mul3A_1263 = arith.mulf %bitcast_convert_type3A_1254, %sub3A_1262 : vector<16xf32>
      %mul3A_1264 = arith.constant 5.000000e-01 : f32
      %mul3A_1265 = vector.broadcast %mul3A_1264 : f32 to vector<16xf32>
      %mul3A_1266 = arith.mulf %mul3A_1265, %mul3A_1243 : vector<16xf32>
      %mul3A_1267 = arith.mulf %mul3A_1266, %mul3A_1263 : vector<16xf32>
      %mul3A_1268 = arith.mulf %mul3A_1267, %mul3A_1263 : vector<16xf32>
      %sub3A_1269 = arith.constant 1.500000e+00 : f32
      %sub3A_1270 = vector.broadcast %sub3A_1269 : f32 to vector<16xf32>
      %sub3A_1271 = arith.subf %sub3A_1270, %mul3A_1268 : vector<16xf32>
      %mul3A_1272 = arith.mulf %mul3A_1263, %sub3A_1271 : vector<16xf32>
      %mul3A_1273 = arith.constant 5.000000e-01 : f32
      %mul3A_1274 = vector.broadcast %mul3A_1273 : f32 to vector<16xf32>
      %mul3A_1275 = arith.mulf %mul3A_1274, %mul3A_1243 : vector<16xf32>
      %mul3A_1276 = arith.mulf %mul3A_1275, %mul3A_1272 : vector<16xf32>
      %mul3A_1277 = arith.mulf %mul3A_1276, %mul3A_1272 : vector<16xf32>
      %sub3A_1278 = arith.constant 1.500000e+00 : f32
      %sub3A_1279 = vector.broadcast %sub3A_1278 : f32 to vector<16xf32>
      %sub3A_1280 = arith.subf %sub3A_1279, %mul3A_1277 : vector<16xf32>
      %mul3A_1281 = arith.mulf %mul3A_1272, %sub3A_1280 : vector<16xf32>
      %mul3A_1282 = arith.mulf %get3A_1238, %mul3A_1281 : vector<16xf32>
      %mul3A_1283 = arith.constant 1.000000e+08 : f32
      %mul3A_1284 = vector.broadcast %mul3A_1283 : f32 to vector<16xf32>
      %mul3A_1285 = arith.mulf %get3A_1238, %mul3A_1284 : vector<16xf32>
      %select_n3A_1286 = arith.select %ge3A_1246, %mul3A_1282, %mul3A_1285 : vector<16xi1>, vector<16xf32>
      %neg3A_1287 = arith.constant 0.000000e+00 : f32
      %neg3A_1288 = vector.broadcast %neg3A_1287 : f32 to vector<16xf32>
      %neg3A_1289 = arith.subf %neg3A_1288, %select_n3A_1286 : vector<16xf32>
      %exp3A_1290 = math.exp %neg3A_1289 : vector<16xf32>
      %add3A_1291 = arith.constant 1.000000e+00 : f32
      %add3A_1292 = vector.broadcast %add3A_1291 : f32 to vector<16xf32>
      %add3A_1293 = arith.addf %add3A_1292, %exp3A_1290 : vector<16xf32>
      %div3A_1294 = arith.constant 1.000000e+00 : f32
      %div3A_1295 = vector.broadcast %div3A_1294 : f32 to vector<16xf32>
      %div3A_1296 = arith.divf %div3A_1295, %add3A_1293 : vector<16xf32>
      %add3A_1297 = arith.constant 48 : i32
      %add3A_1298 = arith.addi %mul3A_168, %add3A_1297 : i32
      %swap3A_1299 = arith.index_cast %add3A_1298 : i32 to index
      %swap3A_1300 = tpu.vector_load %arg8[%swap3A_1299] {strides = array<i32>} : memref<10000xf32, #tpu.memory_space<vmem>>, vector<16xf32>,
      tpu.vector_store %arg8[%swap3A_1299], %div3A_1296 {strides = array<i32>} : memref<10000xf32, #tpu.memory_space<vmem>>, vector<16xf32>,
      %get3A_1301 = arith.constant 64 : index
      %get3A_1302 = tpu.vector_load %arg13[%get3A_1301] {strides = array<i32>} : memref<192xf32, #tpu.memory_space<vmem>>, vector<16xf32>,
      %get3A_1303 = arith.constant 64 : index
      %get3A_1304 = tpu.vector_load %arg14[%get3A_1303] {strides = array<i32>} : memref<192xf32, #tpu.memory_space<vmem>>, vector<16xf32>,
      %get3A_1305 = arith.constant 64 : index
      %get3A_1306 = tpu.vector_load %arg15[%get3A_1305] {strides = array<i32>} : memref<192xf32, #tpu.memory_space<vmem>>, vector<16xf32>,
      %mul3A_1307 = arith.mulf %get3A_1304, %get3A_1306 : vector<16xf32>
      %ge3A_1308 = arith.constant 1.000000e-16 : f32
      %ge3A_1309 = vector.broadcast %ge3A_1308 : f32 to vector<16xf32>
      %ge3A_1310 = arith.cmpf oge, %mul3A_1307, %ge3A_1309 : vector<16xf32>
      %bitcast_convert_type3A_1311 = tpu.bitcast %mul3A_1307 : vector<16xf32> -> vector<16xi32>
      %shift_right_arithmetic3A_1312 = arith.constant 1 : i32
      %shift_right_arithmetic3A_1313 = vector.broadcast %shift_right_arithmetic3A_1312 : i32 to vector<16xi32>
      %shift_right_arithmetic3A_1314 = arith.shrsi %bitcast_convert_type3A_1311, %shift_right_arithmetic3A_1313 : vector<16xi32>
      %sub3A_1315 = arith.constant 1597463007 : i32
      %sub3A_1316 = vector.broadcast %sub3A_1315 : i32 to vector<16xi32>
      %sub3A_1317 = arith.subi %sub3A_1316, %shift_right_arithmetic3A_1314 : vector<16xi32>
      %bitcast_convert_type3A_1318 = tpu.bitcast %sub3A_1317 : vector<16xi32> -> vector<16xf32>
      %mul3A_1319 = arith.constant 5.000000e-01 : f32
      %mul3A_1320 = vector.broadcast %mul3A_1319 : f32 to vector<16xf32>
      %mul3A_1321 = arith.mulf %mul3A_1320, %mul3A_1307 : vector<16xf32>
      %mul3A_1322 = arith.mulf %mul3A_1321, %bitcast_convert_type3A_1318 : vector<16xf32>
      %mul3A_1323 = arith.mulf %mul3A_1322, %bitcast_convert_type3A_1318 : vector<16xf32>
      %sub3A_1324 = arith.constant 1.500000e+00 : f32
      %sub3A_1325 = vector.broadcast %sub3A_1324 : f32 to vector<16xf32>
      %sub3A_1326 = arith.subf %sub3A_1325, %mul3A_1323 : vector<16xf32>
      %mul3A_1327 = arith.mulf %bitcast_convert_type3A_1318, %sub3A_1326 : vector<16xf32>
      %mul3A_1328 = arith.constant 5.000000e-01 : f32
      %mul3A_1329 = vector.broadcast %mul3A_1328 : f32 to vector<16xf32>
      %mul3A_1330 = arith.mulf %mul3A_1329, %mul3A_1307 : vector<16xf32>
      %mul3A_1331 = arith.mulf %mul3A_1330, %mul3A_1327 : vector<16xf32>
      %mul3A_1332 = arith.mulf %mul3A_1331, %mul3A_1327 : vector<16xf32>
      %sub3A_1333 = arith.constant 1.500000e+00 : f32
      %sub3A_1334 = vector.broadcast %sub3A_1333 : f32 to vector<16xf32>
      %sub3A_1335 = arith.subf %sub3A_1334, %mul3A_1332 : vector<16xf32>
      %mul3A_1336 = arith.mulf %mul3A_1327, %sub3A_1335 : vector<16xf32>
      %mul3A_1337 = arith.constant 5.000000e-01 : f32
      %mul3A_1338 = vector.broadcast %mul3A_1337 : f32 to vector<16xf32>
      %mul3A_1339 = arith.mulf %mul3A_1338, %mul3A_1307 : vector<16xf32>
      %mul3A_1340 = arith.mulf %mul3A_1339, %mul3A_1336 : vector<16xf32>
      %mul3A_1341 = arith.mulf %mul3A_1340, %mul3A_1336 : vector<16xf32>
      %sub3A_1342 = arith.constant 1.500000e+00 : f32
      %sub3A_1343 = vector.broadcast %sub3A_1342 : f32 to vector<16xf32>
      %sub3A_1344 = arith.subf %sub3A_1343, %mul3A_1341 : vector<16xf32>
      %mul3A_1345 = arith.mulf %mul3A_1336, %sub3A_1344 : vector<16xf32>
      %mul3A_1346 = arith.mulf %get3A_1302, %mul3A_1345 : vector<16xf32>
      %mul3A_1347 = arith.constant 1.000000e+08 : f32
      %mul3A_1348 = vector.broadcast %mul3A_1347 : f32 to vector<16xf32>
      %mul3A_1349 = arith.mulf %get3A_1302, %mul3A_1348 : vector<16xf32>
      %select_n3A_1350 = arith.select %ge3A_1310, %mul3A_1346, %mul3A_1349 : vector<16xi1>, vector<16xf32>
      %neg3A_1351 = arith.constant 0.000000e+00 : f32
      %neg3A_1352 = vector.broadcast %neg3A_1351 : f32 to vector<16xf32>
      %neg3A_1353 = arith.subf %neg3A_1352, %select_n3A_1350 : vector<16xf32>
      %exp3A_1354 = math.exp %neg3A_1353 : vector<16xf32>
      %add3A_1355 = arith.constant 1.000000e+00 : f32
      %add3A_1356 = vector.broadcast %add3A_1355 : f32 to vector<16xf32>
      %add3A_1357 = arith.addf %add3A_1356, %exp3A_1354 : vector<16xf32>
      %div3A_1358 = arith.constant 1.000000e+00 : f32
      %div3A_1359 = vector.broadcast %div3A_1358 : f32 to vector<16xf32>
      %div3A_1360 = arith.divf %div3A_1359, %add3A_1357 : vector<16xf32>
      %add3A_1361 = arith.constant 64 : i32
      %add3A_1362 = arith.addi %mul3A_168, %add3A_1361 : i32
      %swap3A_1363 = arith.index_cast %add3A_1362 : i32 to index
      %swap3A_1364 = tpu.vector_load %arg8[%swap3A_1363] {strides = array<i32>} : memref<10000xf32, #tpu.memory_space<vmem>>, vector<16xf32>,
      tpu.vector_store %arg8[%swap3A_1363], %div3A_1360 {strides = array<i32>} : memref<10000xf32, #tpu.memory_space<vmem>>, vector<16xf32>,
      %get3A_1365 = arith.constant 80 : index
      %get3A_1366 = tpu.vector_load %arg13[%get3A_1365] {strides = array<i32>} : memref<192xf32, #tpu.memory_space<vmem>>, vector<16xf32>,
      %get3A_1367 = arith.constant 80 : index
      %get3A_1368 = tpu.vector_load %arg14[%get3A_1367] {strides = array<i32>} : memref<192xf32, #tpu.memory_space<vmem>>, vector<16xf32>,
      %get3A_1369 = arith.constant 80 : index
      %get3A_1370 = tpu.vector_load %arg15[%get3A_1369] {strides = array<i32>} : memref<192xf32, #tpu.memory_space<vmem>>, vector<16xf32>,
      %mul3A_1371 = arith.mulf %get3A_1368, %get3A_1370 : vector<16xf32>
      %ge3A_1372 = arith.constant 1.000000e-16 : f32
      %ge3A_1373 = vector.broadcast %ge3A_1372 : f32 to vector<16xf32>
      %ge3A_1374 = arith.cmpf oge, %mul3A_1371, %ge3A_1373 : vector<16xf32>
      %bitcast_convert_type3A_1375 = tpu.bitcast %mul3A_1371 : vector<16xf32> -> vector<16xi32>
      %shift_right_arithmetic3A_1376 = arith.constant 1 : i32
      %shift_right_arithmetic3A_1377 = vector.broadcast %shift_right_arithmetic3A_1376 : i32 to vector<16xi32>
      %shift_right_arithmetic3A_1378 = arith.shrsi %bitcast_convert_type3A_1375, %shift_right_arithmetic3A_1377 : vector<16xi32>
      %sub3A_1379 = arith.constant 1597463007 : i32
      %sub3A_1380 = vector.broadcast %sub3A_1379 : i32 to vector<16xi32>
      %sub3A_1381 = arith.subi %sub3A_1380, %shift_right_arithmetic3A_1378 : vector<16xi32>
      %bitcast_convert_type3A_1382 = tpu.bitcast %sub3A_1381 : vector<16xi32> -> vector<16xf32>
      %mul3A_1383 = arith.constant 5.000000e-01 : f32
      %mul3A_1384 = vector.broadcast %mul3A_1383 : f32 to vector<16xf32>
      %mul3A_1385 = arith.mulf %mul3A_1384, %mul3A_1371 : vector<16xf32>
      %mul3A_1386 = arith.mulf %mul3A_1385, %bitcast_convert_type3A_1382 : vector<16xf32>
      %mul3A_1387 = arith.mulf %mul3A_1386, %bitcast_convert_type3A_1382 : vector<16xf32>
      %sub3A_1388 = arith.constant 1.500000e+00 : f32
      %sub3A_1389 = vector.broadcast %sub3A_1388 : f32 to vector<16xf32>
      %sub3A_1390 = arith.subf %sub3A_1389, %mul3A_1387 : vector<16xf32>
      %mul3A_1391 = arith.mulf %bitcast_convert_type3A_1382, %sub3A_1390 : vector<16xf32>
      %mul3A_1392 = arith.constant 5.000000e-01 : f32
      %mul3A_1393 = vector.broadcast %mul3A_1392 : f32 to vector<16xf32>
      %mul3A_1394 = arith.mulf %mul3A_1393, %mul3A_1371 : vector<16xf32>
      %mul3A_1395 = arith.mulf %mul3A_1394, %mul3A_1391 : vector<16xf32>
      %mul3A_1396 = arith.mulf %mul3A_1395, %mul3A_1391 : vector<16xf32>
      %sub3A_1397 = arith.constant 1.500000e+00 : f32
      %sub3A_1398 = vector.broadcast %sub3A_1397 : f32 to vector<16xf32>
      %sub3A_1399 = arith.subf %sub3A_1398, %mul3A_1396 : vector<16xf32>
      %mul3A_1400 = arith.mulf %mul3A_1391, %sub3A_1399 : vector<16xf32>
      %mul3A_1401 = arith.constant 5.000000e-01 : f32
      %mul3A_1402 = vector.broadcast %mul3A_1401 : f32 to vector<16xf32>
      %mul3A_1403 = arith.mulf %mul3A_1402, %mul3A_1371 : vector<16xf32>
      %mul3A_1404 = arith.mulf %mul3A_1403, %mul3A_1400 : vector<16xf32>
      %mul3A_1405 = arith.mulf %mul3A_1404, %mul3A_1400 : vector<16xf32>
      %sub3A_1406 = arith.constant 1.500000e+00 : f32
      %sub3A_1407 = vector.broadcast %sub3A_1406 : f32 to vector<16xf32>
      %sub3A_1408 = arith.subf %sub3A_1407, %mul3A_1405 : vector<16xf32>
      %mul3A_1409 = arith.mulf %mul3A_1400, %sub3A_1408 : vector<16xf32>
      %mul3A_1410 = arith.mulf %get3A_1366, %mul3A_1409 : vector<16xf32>
      %mul3A_1411 = arith.constant 1.000000e+08 : f32
      %mul3A_1412 = vector.broadcast %mul3A_1411 : f32 to vector<16xf32>
      %mul3A_1413 = arith.mulf %get3A_1366, %mul3A_1412 : vector<16xf32>
      %select_n3A_1414 = arith.select %ge3A_1374, %mul3A_1410, %mul3A_1413 : vector<16xi1>, vector<16xf32>
      %neg3A_1415 = arith.constant 0.000000e+00 : f32
      %neg3A_1416 = vector.broadcast %neg3A_1415 : f32 to vector<16xf32>
      %neg3A_1417 = arith.subf %neg3A_1416, %select_n3A_1414 : vector<16xf32>
      %exp3A_1418 = math.exp %neg3A_1417 : vector<16xf32>
      %add3A_1419 = arith.constant 1.000000e+00 : f32
      %add3A_1420 = vector.broadcast %add3A_1419 : f32 to vector<16xf32>
      %add3A_1421 = arith.addf %add3A_1420, %exp3A_1418 : vector<16xf32>
      %div3A_1422 = arith.constant 1.000000e+00 : f32
      %div3A_1423 = vector.broadcast %div3A_1422 : f32 to vector<16xf32>
      %div3A_1424 = arith.divf %div3A_1423, %add3A_1421 : vector<16xf32>
      %add3A_1425 = arith.constant 80 : i32
      %add3A_1426 = arith.addi %mul3A_168, %add3A_1425 : i32
      %swap3A_1427 = arith.index_cast %add3A_1426 : i32 to index
      %swap3A_1428 = tpu.vector_load %arg8[%swap3A_1427] {strides = array<i32>} : memref<10000xf32, #tpu.memory_space<vmem>>, vector<16xf32>,
      tpu.vector_store %arg8[%swap3A_1427], %div3A_1424 {strides = array<i32>} : memref<10000xf32, #tpu.memory_space<vmem>>, vector<16xf32>,
      %get3A_1429 = arith.constant 96 : index
      %get3A_1430 = tpu.vector_load %arg13[%get3A_1429] {strides = array<i32>} : memref<192xf32, #tpu.memory_space<vmem>>, vector<16xf32>,
      %get3A_1431 = arith.constant 96 : index
      %get3A_1432 = tpu.vector_load %arg14[%get3A_1431] {strides = array<i32>} : memref<192xf32, #tpu.memory_space<vmem>>, vector<16xf32>,
      %get3A_1433 = arith.constant 96 : index
      %get3A_1434 = tpu.vector_load %arg15[%get3A_1433] {strides = array<i32>} : memref<192xf32, #tpu.memory_space<vmem>>, vector<16xf32>,
      %mul3A_1435 = arith.mulf %get3A_1432, %get3A_1434 : vector<16xf32>
      %ge3A_1436 = arith.constant 1.000000e-16 : f32
      %ge3A_1437 = vector.broadcast %ge3A_1436 : f32 to vector<16xf32>
      %ge3A_1438 = arith.cmpf oge, %mul3A_1435, %ge3A_1437 : vector<16xf32>
      %bitcast_convert_type3A_1439 = tpu.bitcast %mul3A_1435 : vector<16xf32> -> vector<16xi32>
      %shift_right_arithmetic3A_1440 = arith.constant 1 : i32
      %shift_right_arithmetic3A_1441 = vector.broadcast %shift_right_arithmetic3A_1440 : i32 to vector<16xi32>
      %shift_right_arithmetic3A_1442 = arith.shrsi %bitcast_convert_type3A_1439, %shift_right_arithmetic3A_1441 : vector<16xi32>
      %sub3A_1443 = arith.constant 1597463007 : i32
      %sub3A_1444 = vector.broadcast %sub3A_1443 : i32 to vector<16xi32>
      %sub3A_1445 = arith.subi %sub3A_1444, %shift_right_arithmetic3A_1442 : vector<16xi32>
      %bitcast_convert_type3A_1446 = tpu.bitcast %sub3A_1445 : vector<16xi32> -> vector<16xf32>
      %mul3A_1447 = arith.constant 5.000000e-01 : f32
      %mul3A_1448 = vector.broadcast %mul3A_1447 : f32 to vector<16xf32>
      %mul3A_1449 = arith.mulf %mul3A_1448, %mul3A_1435 : vector<16xf32>
      %mul3A_1450 = arith.mulf %mul3A_1449, %bitcast_convert_type3A_1446 : vector<16xf32>
      %mul3A_1451 = arith.mulf %mul3A_1450, %bitcast_convert_type3A_1446 : vector<16xf32>
      %sub3A_1452 = arith.constant 1.500000e+00 : f32
      %sub3A_1453 = vector.broadcast %sub3A_1452 : f32 to vector<16xf32>
      %sub3A_1454 = arith.subf %sub3A_1453, %mul3A_1451 : vector<16xf32>
      %mul3A_1455 = arith.mulf %bitcast_convert_type3A_1446, %sub3A_1454 : vector<16xf32>
      %mul3A_1456 = arith.constant 5.000000e-01 : f32
      %mul3A_1457 = vector.broadcast %mul3A_1456 : f32 to vector<16xf32>
      %mul3A_1458 = arith.mulf %mul3A_1457, %mul3A_1435 : vector<16xf32>
      %mul3A_1459 = arith.mulf %mul3A_1458, %mul3A_1455 : vector<16xf32>
      %mul3A_1460 = arith.mulf %mul3A_1459, %mul3A_1455 : vector<16xf32>
      %sub3A_1461 = arith.constant 1.500000e+00 : f32
      %sub3A_1462 = vector.broadcast %sub3A_1461 : f32 to vector<16xf32>
      %sub3A_1463 = arith.subf %sub3A_1462, %mul3A_1460 : vector<16xf32>
      %mul3A_1464 = arith.mulf %mul3A_1455, %sub3A_1463 : vector<16xf32>
      %mul3A_1465 = arith.constant 5.000000e-01 : f32
      %mul3A_1466 = vector.broadcast %mul3A_1465 : f32 to vector<16xf32>
      %mul3A_1467 = arith.mulf %mul3A_1466, %mul3A_1435 : vector<16xf32>
      %mul3A_1468 = arith.mulf %mul3A_1467, %mul3A_1464 : vector<16xf32>
      %mul3A_1469 = arith.mulf %mul3A_1468, %mul3A_1464 : vector<16xf32>
      %sub3A_1470 = arith.constant 1.500000e+00 : f32
      %sub3A_1471 = vector.broadcast %sub3A_1470 : f32 to vector<16xf32>
      %sub3A_1472 = arith.subf %sub3A_1471, %mul3A_1469 : vector<16xf32>
      %mul3A_1473 = arith.mulf %mul3A_1464, %sub3A_1472 : vector<16xf32>
      %mul3A_1474 = arith.mulf %get3A_1430, %mul3A_1473 : vector<16xf32>
      %mul3A_1475 = arith.constant 1.000000e+08 : f32
      %mul3A_1476 = vector.broadcast %mul3A_1475 : f32 to vector<16xf32>
      %mul3A_1477 = arith.mulf %get3A_1430, %mul3A_1476 : vector<16xf32>
      %select_n3A_1478 = arith.select %ge3A_1438, %mul3A_1474, %mul3A_1477 : vector<16xi1>, vector<16xf32>
      %neg3A_1479 = arith.constant 0.000000e+00 : f32
      %neg3A_1480 = vector.broadcast %neg3A_1479 : f32 to vector<16xf32>
      %neg3A_1481 = arith.subf %neg3A_1480, %select_n3A_1478 : vector<16xf32>
      %exp3A_1482 = math.exp %neg3A_1481 : vector<16xf32>
      %add3A_1483 = arith.constant 1.000000e+00 : f32
      %add3A_1484 = vector.broadcast %add3A_1483 : f32 to vector<16xf32>
      %add3A_1485 = arith.addf %add3A_1484, %exp3A_1482 : vector<16xf32>
      %div3A_1486 = arith.constant 1.000000e+00 : f32
      %div3A_1487 = vector.broadcast %div3A_1486 : f32 to vector<16xf32>
      %div3A_1488 = arith.divf %div3A_1487, %add3A_1485 : vector<16xf32>
      %add3A_1489 = arith.constant 96 : i32
      %add3A_1490 = arith.addi %mul3A_168, %add3A_1489 : i32
      %swap3A_1491 = arith.index_cast %add3A_1490 : i32 to index
      %swap3A_1492 = tpu.vector_load %arg8[%swap3A_1491] {strides = array<i32>} : memref<10000xf32, #tpu.memory_space<vmem>>, vector<16xf32>,
      tpu.vector_store %arg8[%swap3A_1491], %div3A_1488 {strides = array<i32>} : memref<10000xf32, #tpu.memory_space<vmem>>, vector<16xf32>,
      %get3A_1493 = arith.constant 112 : index
      %get3A_1494 = tpu.vector_load %arg13[%get3A_1493] {strides = array<i32>} : memref<192xf32, #tpu.memory_space<vmem>>, vector<16xf32>,
      %get3A_1495 = arith.constant 112 : index
      %get3A_1496 = tpu.vector_load %arg14[%get3A_1495] {strides = array<i32>} : memref<192xf32, #tpu.memory_space<vmem>>, vector<16xf32>,
      %get3A_1497 = arith.constant 112 : index
      %get3A_1498 = tpu.vector_load %arg15[%get3A_1497] {strides = array<i32>} : memref<192xf32, #tpu.memory_space<vmem>>, vector<16xf32>,
      %mul3A_1499 = arith.mulf %get3A_1496, %get3A_1498 : vector<16xf32>
      %ge3A_1500 = arith.constant 1.000000e-16 : f32
      %ge3A_1501 = vector.broadcast %ge3A_1500 : f32 to vector<16xf32>
      %ge3A_1502 = arith.cmpf oge, %mul3A_1499, %ge3A_1501 : vector<16xf32>
      %bitcast_convert_type3A_1503 = tpu.bitcast %mul3A_1499 : vector<16xf32> -> vector<16xi32>
      %shift_right_arithmetic3A_1504 = arith.constant 1 : i32
      %shift_right_arithmetic3A_1505 = vector.broadcast %shift_right_arithmetic3A_1504 : i32 to vector<16xi32>
      %shift_right_arithmetic3A_1506 = arith.shrsi %bitcast_convert_type3A_1503, %shift_right_arithmetic3A_1505 : vector<16xi32>
      %sub3A_1507 = arith.constant 1597463007 : i32
      %sub3A_1508 = vector.broadcast %sub3A_1507 : i32 to vector<16xi32>
      %sub3A_1509 = arith.subi %sub3A_1508, %shift_right_arithmetic3A_1506 : vector<16xi32>
      %bitcast_convert_type3A_1510 = tpu.bitcast %sub3A_1509 : vector<16xi32> -> vector<16xf32>
      %mul3A_1511 = arith.constant 5.000000e-01 : f32
      %mul3A_1512 = vector.broadcast %mul3A_1511 : f32 to vector<16xf32>
      %mul3A_1513 = arith.mulf %mul3A_1512, %mul3A_1499 : vector<16xf32>
      %mul3A_1514 = arith.mulf %mul3A_1513, %bitcast_convert_type3A_1510 : vector<16xf32>
      %mul3A_1515 = arith.mulf %mul3A_1514, %bitcast_convert_type3A_1510 : vector<16xf32>
      %sub3A_1516 = arith.constant 1.500000e+00 : f32
      %sub3A_1517 = vector.broadcast %sub3A_1516 : f32 to vector<16xf32>
      %sub3A_1518 = arith.subf %sub3A_1517, %mul3A_1515 : vector<16xf32>
      %mul3A_1519 = arith.mulf %bitcast_convert_type3A_1510, %sub3A_1518 : vector<16xf32>
      %mul3A_1520 = arith.constant 5.000000e-01 : f32
      %mul3A_1521 = vector.broadcast %mul3A_1520 : f32 to vector<16xf32>
      %mul3A_1522 = arith.mulf %mul3A_1521, %mul3A_1499 : vector<16xf32>
      %mul3A_1523 = arith.mulf %mul3A_1522, %mul3A_1519 : vector<16xf32>
      %mul3A_1524 = arith.mulf %mul3A_1523, %mul3A_1519 : vector<16xf32>
      %sub3A_1525 = arith.constant 1.500000e+00 : f32
      %sub3A_1526 = vector.broadcast %sub3A_1525 : f32 to vector<16xf32>
      %sub3A_1527 = arith.subf %sub3A_1526, %mul3A_1524 : vector<16xf32>
      %mul3A_1528 = arith.mulf %mul3A_1519, %sub3A_1527 : vector<16xf32>
      %mul3A_1529 = arith.constant 5.000000e-01 : f32
      %mul3A_1530 = vector.broadcast %mul3A_1529 : f32 to vector<16xf32>
      %mul3A_1531 = arith.mulf %mul3A_1530, %mul3A_1499 : vector<16xf32>
      %mul3A_1532 = arith.mulf %mul3A_1531, %mul3A_1528 : vector<16xf32>
      %mul3A_1533 = arith.mulf %mul3A_1532, %mul3A_1528 : vector<16xf32>
      %sub3A_1534 = arith.constant 1.500000e+00 : f32
      %sub3A_1535 = vector.broadcast %sub3A_1534 : f32 to vector<16xf32>
      %sub3A_1536 = arith.subf %sub3A_1535, %mul3A_1533 : vector<16xf32>
      %mul3A_1537 = arith.mulf %mul3A_1528, %sub3A_1536 : vector<16xf32>
      %mul3A_1538 = arith.mulf %get3A_1494, %mul3A_1537 : vector<16xf32>
      %mul3A_1539 = arith.constant 1.000000e+08 : f32
      %mul3A_1540 = vector.broadcast %mul3A_1539 : f32 to vector<16xf32>
      %mul3A_1541 = arith.mulf %get3A_1494, %mul3A_1540 : vector<16xf32>
      %select_n3A_1542 = arith.select %ge3A_1502, %mul3A_1538, %mul3A_1541 : vector<16xi1>, vector<16xf32>
      %neg3A_1543 = arith.constant 0.000000e+00 : f32
      %neg3A_1544 = vector.broadcast %neg3A_1543 : f32 to vector<16xf32>
      %neg3A_1545 = arith.subf %neg3A_1544, %select_n3A_1542 : vector<16xf32>
      %exp3A_1546 = math.exp %neg3A_1545 : vector<16xf32>
      %add3A_1547 = arith.constant 1.000000e+00 : f32
      %add3A_1548 = vector.broadcast %add3A_1547 : f32 to vector<16xf32>
      %add3A_1549 = arith.addf %add3A_1548, %exp3A_1546 : vector<16xf32>
      %div3A_1550 = arith.constant 1.000000e+00 : f32
      %div3A_1551 = vector.broadcast %div3A_1550 : f32 to vector<16xf32>
      %div3A_1552 = arith.divf %div3A_1551, %add3A_1549 : vector<16xf32>
      %add3A_1553 = arith.constant 112 : i32
      %add3A_1554 = arith.addi %mul3A_168, %add3A_1553 : i32
      %swap3A_1555 = arith.index_cast %add3A_1554 : i32 to index
      %swap3A_1556 = tpu.vector_load %arg8[%swap3A_1555] {strides = array<i32>} : memref<10000xf32, #tpu.memory_space<vmem>>, vector<16xf32>,
      tpu.vector_store %arg8[%swap3A_1555], %div3A_1552 {strides = array<i32>} : memref<10000xf32, #tpu.memory_space<vmem>>, vector<16xf32>,
      %get3A_1557 = arith.constant 128 : index
      %get3A_1558 = tpu.vector_load %arg13[%get3A_1557] {strides = array<i32>} : memref<192xf32, #tpu.memory_space<vmem>>, vector<16xf32>,
      %get3A_1559 = arith.constant 128 : index
      %get3A_1560 = tpu.vector_load %arg14[%get3A_1559] {strides = array<i32>} : memref<192xf32, #tpu.memory_space<vmem>>, vector<16xf32>,
      %get3A_1561 = arith.constant 128 : index
      %get3A_1562 = tpu.vector_load %arg15[%get3A_1561] {strides = array<i32>} : memref<192xf32, #tpu.memory_space<vmem>>, vector<16xf32>,
      %mul3A_1563 = arith.mulf %get3A_1560, %get3A_1562 : vector<16xf32>
      %ge3A_1564 = arith.constant 1.000000e-16 : f32
      %ge3A_1565 = vector.broadcast %ge3A_1564 : f32 to vector<16xf32>
      %ge3A_1566 = arith.cmpf oge, %mul3A_1563, %ge3A_1565 : vector<16xf32>
      %bitcast_convert_type3A_1567 = tpu.bitcast %mul3A_1563 : vector<16xf32> -> vector<16xi32>
      %shift_right_arithmetic3A_1568 = arith.constant 1 : i32
      %shift_right_arithmetic3A_1569 = vector.broadcast %shift_right_arithmetic3A_1568 : i32 to vector<16xi32>
      %shift_right_arithmetic3A_1570 = arith.shrsi %bitcast_convert_type3A_1567, %shift_right_arithmetic3A_1569 : vector<16xi32>
      %sub3A_1571 = arith.constant 1597463007 : i32
      %sub3A_1572 = vector.broadcast %sub3A_1571 : i32 to vector<16xi32>
      %sub3A_1573 = arith.subi %sub3A_1572, %shift_right_arithmetic3A_1570 : vector<16xi32>
      %bitcast_convert_type3A_1574 = tpu.bitcast %sub3A_1573 : vector<16xi32> -> vector<16xf32>
      %mul3A_1575 = arith.constant 5.000000e-01 : f32
      %mul3A_1576 = vector.broadcast %mul3A_1575 : f32 to vector<16xf32>
      %mul3A_1577 = arith.mulf %mul3A_1576, %mul3A_1563 : vector<16xf32>
      %mul3A_1578 = arith.mulf %mul3A_1577, %bitcast_convert_type3A_1574 : vector<16xf32>
      %mul3A_1579 = arith.mulf %mul3A_1578, %bitcast_convert_type3A_1574 : vector<16xf32>
      %sub3A_1580 = arith.constant 1.500000e+00 : f32
      %sub3A_1581 = vector.broadcast %sub3A_1580 : f32 to vector<16xf32>
      %sub3A_1582 = arith.subf %sub3A_1581, %mul3A_1579 : vector<16xf32>
      %mul3A_1583 = arith.mulf %bitcast_convert_type3A_1574, %sub3A_1582 : vector<16xf32>
      %mul3A_1584 = arith.constant 5.000000e-01 : f32
      %mul3A_1585 = vector.broadcast %mul3A_1584 : f32 to vector<16xf32>
      %mul3A_1586 = arith.mulf %mul3A_1585, %mul3A_1563 : vector<16xf32>
      %mul3A_1587 = arith.mulf %mul3A_1586, %mul3A_1583 : vector<16xf32>
      %mul3A_1588 = arith.mulf %mul3A_1587, %mul3A_1583 : vector<16xf32>
      %sub3A_1589 = arith.constant 1.500000e+00 : f32
      %sub3A_1590 = vector.broadcast %sub3A_1589 : f32 to vector<16xf32>
      %sub3A_1591 = arith.subf %sub3A_1590, %mul3A_1588 : vector<16xf32>
      %mul3A_1592 = arith.mulf %mul3A_1583, %sub3A_1591 : vector<16xf32>
      %mul3A_1593 = arith.constant 5.000000e-01 : f32
      %mul3A_1594 = vector.broadcast %mul3A_1593 : f32 to vector<16xf32>
      %mul3A_1595 = arith.mulf %mul3A_1594, %mul3A_1563 : vector<16xf32>
      %mul3A_1596 = arith.mulf %mul3A_1595, %mul3A_1592 : vector<16xf32>
      %mul3A_1597 = arith.mulf %mul3A_1596, %mul3A_1592 : vector<16xf32>
      %sub3A_1598 = arith.constant 1.500000e+00 : f32
      %sub3A_1599 = vector.broadcast %sub3A_1598 : f32 to vector<16xf32>
      %sub3A_1600 = arith.subf %sub3A_1599, %mul3A_1597 : vector<16xf32>
      %mul3A_1601 = arith.mulf %mul3A_1592, %sub3A_1600 : vector<16xf32>
      %mul3A_1602 = arith.mulf %get3A_1558, %mul3A_1601 : vector<16xf32>
      %mul3A_1603 = arith.constant 1.000000e+08 : f32
      %mul3A_1604 = vector.broadcast %mul3A_1603 : f32 to vector<16xf32>
      %mul3A_1605 = arith.mulf %get3A_1558, %mul3A_1604 : vector<16xf32>
      %select_n3A_1606 = arith.select %ge3A_1566, %mul3A_1602, %mul3A_1605 : vector<16xi1>, vector<16xf32>
      %neg3A_1607 = arith.constant 0.000000e+00 : f32
      %neg3A_1608 = vector.broadcast %neg3A_1607 : f32 to vector<16xf32>
      %neg3A_1609 = arith.subf %neg3A_1608, %select_n3A_1606 : vector<16xf32>
      %exp3A_1610 = math.exp %neg3A_1609 : vector<16xf32>
      %add3A_1611 = arith.constant 1.000000e+00 : f32
      %add3A_1612 = vector.broadcast %add3A_1611 : f32 to vector<16xf32>
      %add3A_1613 = arith.addf %add3A_1612, %exp3A_1610 : vector<16xf32>
      %div3A_1614 = arith.constant 1.000000e+00 : f32
      %div3A_1615 = vector.broadcast %div3A_1614 : f32 to vector<16xf32>
      %div3A_1616 = arith.divf %div3A_1615, %add3A_1613 : vector<16xf32>
      %add3A_1617 = arith.constant 128 : i32
      %add3A_1618 = arith.addi %mul3A_168, %add3A_1617 : i32
      %swap3A_1619 = arith.index_cast %add3A_1618 : i32 to index
      %swap3A_1620 = tpu.vector_load %arg8[%swap3A_1619] {strides = array<i32>} : memref<10000xf32, #tpu.memory_space<vmem>>, vector<16xf32>,
      tpu.vector_store %arg8[%swap3A_1619], %div3A_1616 {strides = array<i32>} : memref<10000xf32, #tpu.memory_space<vmem>>, vector<16xf32>,
      %get3A_1621 = arith.constant 144 : index
      %get3A_1622 = tpu.vector_load %arg13[%get3A_1621] {strides = array<i32>} : memref<192xf32, #tpu.memory_space<vmem>>, vector<16xf32>,
      %get3A_1623 = arith.constant 144 : index
      %get3A_1624 = tpu.vector_load %arg14[%get3A_1623] {strides = array<i32>} : memref<192xf32, #tpu.memory_space<vmem>>, vector<16xf32>,
      %get3A_1625 = arith.constant 144 : index
      %get3A_1626 = tpu.vector_load %arg15[%get3A_1625] {strides = array<i32>} : memref<192xf32, #tpu.memory_space<vmem>>, vector<16xf32>,
      %mul3A_1627 = arith.mulf %get3A_1624, %get3A_1626 : vector<16xf32>
      %ge3A_1628 = arith.constant 1.000000e-16 : f32
      %ge3A_1629 = vector.broadcast %ge3A_1628 : f32 to vector<16xf32>
      %ge3A_1630 = arith.cmpf oge, %mul3A_1627, %ge3A_1629 : vector<16xf32>
      %bitcast_convert_type3A_1631 = tpu.bitcast %mul3A_1627 : vector<16xf32> -> vector<16xi32>
      %shift_right_arithmetic3A_1632 = arith.constant 1 : i32
      %shift_right_arithmetic3A_1633 = vector.broadcast %shift_right_arithmetic3A_1632 : i32 to vector<16xi32>
      %shift_right_arithmetic3A_1634 = arith.shrsi %bitcast_convert_type3A_1631, %shift_right_arithmetic3A_1633 : vector<16xi32>
      %sub3A_1635 = arith.constant 1597463007 : i32
      %sub3A_1636 = vector.broadcast %sub3A_1635 : i32 to vector<16xi32>
      %sub3A_1637 = arith.subi %sub3A_1636, %shift_right_arithmetic3A_1634 : vector<16xi32>
      %bitcast_convert_type3A_1638 = tpu.bitcast %sub3A_1637 : vector<16xi32> -> vector<16xf32>
      %mul3A_1639 = arith.constant 5.000000e-01 : f32
      %mul3A_1640 = vector.broadcast %mul3A_1639 : f32 to vector<16xf32>
      %mul3A_1641 = arith.mulf %mul3A_1640, %mul3A_1627 : vector<16xf32>
      %mul3A_1642 = arith.mulf %mul3A_1641, %bitcast_convert_type3A_1638 : vector<16xf32>
      %mul3A_1643 = arith.mulf %mul3A_1642, %bitcast_convert_type3A_1638 : vector<16xf32>
      %sub3A_1644 = arith.constant 1.500000e+00 : f32
      %sub3A_1645 = vector.broadcast %sub3A_1644 : f32 to vector<16xf32>
      %sub3A_1646 = arith.subf %sub3A_1645, %mul3A_1643 : vector<16xf32>
      %mul3A_1647 = arith.mulf %bitcast_convert_type3A_1638, %sub3A_1646 : vector<16xf32>
      %mul3A_1648 = arith.constant 5.000000e-01 : f32
      %mul3A_1649 = vector.broadcast %mul3A_1648 : f32 to vector<16xf32>
      %mul3A_1650 = arith.mulf %mul3A_1649, %mul3A_1627 : vector<16xf32>
      %mul3A_1651 = arith.mulf %mul3A_1650, %mul3A_1647 : vector<16xf32>
      %mul3A_1652 = arith.mulf %mul3A_1651, %mul3A_1647 : vector<16xf32>
      %sub3A_1653 = arith.constant 1.500000e+00 : f32
      %sub3A_1654 = vector.broadcast %sub3A_1653 : f32 to vector<16xf32>
      %sub3A_1655 = arith.subf %sub3A_1654, %mul3A_1652 : vector<16xf32>
      %mul3A_1656 = arith.mulf %mul3A_1647, %sub3A_1655 : vector<16xf32>
      %mul3A_1657 = arith.constant 5.000000e-01 : f32
      %mul3A_1658 = vector.broadcast %mul3A_1657 : f32 to vector<16xf32>
      %mul3A_1659 = arith.mulf %mul3A_1658, %mul3A_1627 : vector<16xf32>
      %mul3A_1660 = arith.mulf %mul3A_1659, %mul3A_1656 : vector<16xf32>
      %mul3A_1661 = arith.mulf %mul3A_1660, %mul3A_1656 : vector<16xf32>
      %sub3A_1662 = arith.constant 1.500000e+00 : f32
      %sub3A_1663 = vector.broadcast %sub3A_1662 : f32 to vector<16xf32>
      %sub3A_1664 = arith.subf %sub3A_1663, %mul3A_1661 : vector<16xf32>
      %mul3A_1665 = arith.mulf %mul3A_1656, %sub3A_1664 : vector<16xf32>
      %mul3A_1666 = arith.mulf %get3A_1622, %mul3A_1665 : vector<16xf32>
      %mul3A_1667 = arith.constant 1.000000e+08 : f32
      %mul3A_1668 = vector.broadcast %mul3A_1667 : f32 to vector<16xf32>
      %mul3A_1669 = arith.mulf %get3A_1622, %mul3A_1668 : vector<16xf32>
      %select_n3A_1670 = arith.select %ge3A_1630, %mul3A_1666, %mul3A_1669 : vector<16xi1>, vector<16xf32>
      %neg3A_1671 = arith.constant 0.000000e+00 : f32
      %neg3A_1672 = vector.broadcast %neg3A_1671 : f32 to vector<16xf32>
      %neg3A_1673 = arith.subf %neg3A_1672, %select_n3A_1670 : vector<16xf32>
      %exp3A_1674 = math.exp %neg3A_1673 : vector<16xf32>
      %add3A_1675 = arith.constant 1.000000e+00 : f32
      %add3A_1676 = vector.broadcast %add3A_1675 : f32 to vector<16xf32>
      %add3A_1677 = arith.addf %add3A_1676, %exp3A_1674 : vector<16xf32>
      %div3A_1678 = arith.constant 1.000000e+00 : f32
      %div3A_1679 = vector.broadcast %div3A_1678 : f32 to vector<16xf32>
      %div3A_1680 = arith.divf %div3A_1679, %add3A_1677 : vector<16xf32>
      %add3A_1681 = arith.constant 144 : i32
      %add3A_1682 = arith.addi %mul3A_168, %add3A_1681 : i32
      %swap3A_1683 = arith.index_cast %add3A_1682 : i32 to index
      %swap3A_1684 = tpu.vector_load %arg8[%swap3A_1683] {strides = array<i32>} : memref<10000xf32, #tpu.memory_space<vmem>>, vector<16xf32>,
      tpu.vector_store %arg8[%swap3A_1683], %div3A_1680 {strides = array<i32>} : memref<10000xf32, #tpu.memory_space<vmem>>, vector<16xf32>,
      %get3A_1685 = arith.constant 160 : index
      %get3A_1686 = tpu.vector_load %arg13[%get3A_1685] {strides = array<i32>} : memref<192xf32, #tpu.memory_space<vmem>>, vector<16xf32>,
      %get3A_1687 = arith.constant 160 : index
      %get3A_1688 = tpu.vector_load %arg14[%get3A_1687] {strides = array<i32>} : memref<192xf32, #tpu.memory_space<vmem>>, vector<16xf32>,
      %get3A_1689 = arith.constant 160 : index
      %get3A_1690 = tpu.vector_load %arg15[%get3A_1689] {strides = array<i32>} : memref<192xf32, #tpu.memory_space<vmem>>, vector<16xf32>,
      %mul3A_1691 = arith.mulf %get3A_1688, %get3A_1690 : vector<16xf32>
      %ge3A_1692 = arith.constant 1.000000e-16 : f32
      %ge3A_1693 = vector.broadcast %ge3A_1692 : f32 to vector<16xf32>
      %ge3A_1694 = arith.cmpf oge, %mul3A_1691, %ge3A_1693 : vector<16xf32>
      %bitcast_convert_type3A_1695 = tpu.bitcast %mul3A_1691 : vector<16xf32> -> vector<16xi32>
      %shift_right_arithmetic3A_1696 = arith.constant 1 : i32
      %shift_right_arithmetic3A_1697 = vector.broadcast %shift_right_arithmetic3A_1696 : i32 to vector<16xi32>
      %shift_right_arithmetic3A_1698 = arith.shrsi %bitcast_convert_type3A_1695, %shift_right_arithmetic3A_1697 : vector<16xi32>
      %sub3A_1699 = arith.constant 1597463007 : i32
      %sub3A_1700 = vector.broadcast %sub3A_1699 : i32 to vector<16xi32>
      %sub3A_1701 = arith.subi %sub3A_1700, %shift_right_arithmetic3A_1698 : vector<16xi32>
      %bitcast_convert_type3A_1702 = tpu.bitcast %sub3A_1701 : vector<16xi32> -> vector<16xf32>
      %mul3A_1703 = arith.constant 5.000000e-01 : f32
      %mul3A_1704 = vector.broadcast %mul3A_1703 : f32 to vector<16xf32>
      %mul3A_1705 = arith.mulf %mul3A_1704, %mul3A_1691 : vector<16xf32>
      %mul3A_1706 = arith.mulf %mul3A_1705, %bitcast_convert_type3A_1702 : vector<16xf32>
      %mul3A_1707 = arith.mulf %mul3A_1706, %bitcast_convert_type3A_1702 : vector<16xf32>
      %sub3A_1708 = arith.constant 1.500000e+00 : f32
      %sub3A_1709 = vector.broadcast %sub3A_1708 : f32 to vector<16xf32>
      %sub3A_1710 = arith.subf %sub3A_1709, %mul3A_1707 : vector<16xf32>
      %mul3A_1711 = arith.mulf %bitcast_convert_type3A_1702, %sub3A_1710 : vector<16xf32>
      %mul3A_1712 = arith.constant 5.000000e-01 : f32
      %mul3A_1713 = vector.broadcast %mul3A_1712 : f32 to vector<16xf32>
      %mul3A_1714 = arith.mulf %mul3A_1713, %mul3A_1691 : vector<16xf32>
      %mul3A_1715 = arith.mulf %mul3A_1714, %mul3A_1711 : vector<16xf32>
      %mul3A_1716 = arith.mulf %mul3A_1715, %mul3A_1711 : vector<16xf32>
      %sub3A_1717 = arith.constant 1.500000e+00 : f32
      %sub3A_1718 = vector.broadcast %sub3A_1717 : f32 to vector<16xf32>
      %sub3A_1719 = arith.subf %sub3A_1718, %mul3A_1716 : vector<16xf32>
      %mul3A_1720 = arith.mulf %mul3A_1711, %sub3A_1719 : vector<16xf32>
      %mul3A_1721 = arith.constant 5.000000e-01 : f32
      %mul3A_1722 = vector.broadcast %mul3A_1721 : f32 to vector<16xf32>
      %mul3A_1723 = arith.mulf %mul3A_1722, %mul3A_1691 : vector<16xf32>
      %mul3A_1724 = arith.mulf %mul3A_1723, %mul3A_1720 : vector<16xf32>
      %mul3A_1725 = arith.mulf %mul3A_1724, %mul3A_1720 : vector<16xf32>
      %sub3A_1726 = arith.constant 1.500000e+00 : f32
      %sub3A_1727 = vector.broadcast %sub3A_1726 : f32 to vector<16xf32>
      %sub3A_1728 = arith.subf %sub3A_1727, %mul3A_1725 : vector<16xf32>
      %mul3A_1729 = arith.mulf %mul3A_1720, %sub3A_1728 : vector<16xf32>
      %mul3A_1730 = arith.mulf %get3A_1686, %mul3A_1729 : vector<16xf32>
      %mul3A_1731 = arith.constant 1.000000e+08 : f32
      %mul3A_1732 = vector.broadcast %mul3A_1731 : f32 to vector<16xf32>
      %mul3A_1733 = arith.mulf %get3A_1686, %mul3A_1732 : vector<16xf32>
      %select_n3A_1734 = arith.select %ge3A_1694, %mul3A_1730, %mul3A_1733 : vector<16xi1>, vector<16xf32>
      %neg3A_1735 = arith.constant 0.000000e+00 : f32
      %neg3A_1736 = vector.broadcast %neg3A_1735 : f32 to vector<16xf32>
      %neg3A_1737 = arith.subf %neg3A_1736, %select_n3A_1734 : vector<16xf32>
      %exp3A_1738 = math.exp %neg3A_1737 : vector<16xf32>
      %add3A_1739 = arith.constant 1.000000e+00 : f32
      %add3A_1740 = vector.broadcast %add3A_1739 : f32 to vector<16xf32>
      %add3A_1741 = arith.addf %add3A_1740, %exp3A_1738 : vector<16xf32>
      %div3A_1742 = arith.constant 1.000000e+00 : f32
      %div3A_1743 = vector.broadcast %div3A_1742 : f32 to vector<16xf32>
      %div3A_1744 = arith.divf %div3A_1743, %add3A_1741 : vector<16xf32>
      %add3A_1745 = arith.constant 160 : i32
      %add3A_1746 = arith.addi %mul3A_168, %add3A_1745 : i32
      %swap3A_1747 = arith.index_cast %add3A_1746 : i32 to index
      %swap3A_1748 = tpu.vector_load %arg8[%swap3A_1747] {strides = array<i32>} : memref<10000xf32, #tpu.memory_space<vmem>>, vector<16xf32>,
      tpu.vector_store %arg8[%swap3A_1747], %div3A_1744 {strides = array<i32>} : memref<10000xf32, #tpu.memory_space<vmem>>, vector<16xf32>,
      %get3A_1749 = arith.constant 176 : index
      %get3A_1750 = tpu.vector_load %arg13[%get3A_1749] {strides = array<i32>} : memref<192xf32, #tpu.memory_space<vmem>>, vector<16xf32>,
      %get3A_1751 = arith.constant 176 : index
      %get3A_1752 = tpu.vector_load %arg14[%get3A_1751] {strides = array<i32>} : memref<192xf32, #tpu.memory_space<vmem>>, vector<16xf32>,
      %get3A_1753 = arith.constant 176 : index
      %get3A_1754 = tpu.vector_load %arg15[%get3A_1753] {strides = array<i32>} : memref<192xf32, #tpu.memory_space<vmem>>, vector<16xf32>,
      %mul3A_1755 = arith.mulf %get3A_1752, %get3A_1754 : vector<16xf32>
      %ge3A_1756 = arith.constant 1.000000e-16 : f32
      %ge3A_1757 = vector.broadcast %ge3A_1756 : f32 to vector<16xf32>
      %ge3A_1758 = arith.cmpf oge, %mul3A_1755, %ge3A_1757 : vector<16xf32>
      %bitcast_convert_type3A_1759 = tpu.bitcast %mul3A_1755 : vector<16xf32> -> vector<16xi32>
      %shift_right_arithmetic3A_1760 = arith.constant 1 : i32
      %shift_right_arithmetic3A_1761 = vector.broadcast %shift_right_arithmetic3A_1760 : i32 to vector<16xi32>
      %shift_right_arithmetic3A_1762 = arith.shrsi %bitcast_convert_type3A_1759, %shift_right_arithmetic3A_1761 : vector<16xi32>
      %sub3A_1763 = arith.constant 1597463007 : i32
      %sub3A_1764 = vector.broadcast %sub3A_1763 : i32 to vector<16xi32>
      %sub3A_1765 = arith.subi %sub3A_1764, %shift_right_arithmetic3A_1762 : vector<16xi32>
      %bitcast_convert_type3A_1766 = tpu.bitcast %sub3A_1765 : vector<16xi32> -> vector<16xf32>
      %mul3A_1767 = arith.constant 5.000000e-01 : f32
      %mul3A_1768 = vector.broadcast %mul3A_1767 : f32 to vector<16xf32>
      %mul3A_1769 = arith.mulf %mul3A_1768, %mul3A_1755 : vector<16xf32>
      %mul3A_1770 = arith.mulf %mul3A_1769, %bitcast_convert_type3A_1766 : vector<16xf32>
      %mul3A_1771 = arith.mulf %mul3A_1770, %bitcast_convert_type3A_1766 : vector<16xf32>
      %sub3A_1772 = arith.constant 1.500000e+00 : f32
      %sub3A_1773 = vector.broadcast %sub3A_1772 : f32 to vector<16xf32>
      %sub3A_1774 = arith.subf %sub3A_1773, %mul3A_1771 : vector<16xf32>
      %mul3A_1775 = arith.mulf %bitcast_convert_type3A_1766, %sub3A_1774 : vector<16xf32>
      %mul3A_1776 = arith.constant 5.000000e-01 : f32
      %mul3A_1777 = vector.broadcast %mul3A_1776 : f32 to vector<16xf32>
      %mul3A_1778 = arith.mulf %mul3A_1777, %mul3A_1755 : vector<16xf32>
      %mul3A_1779 = arith.mulf %mul3A_1778, %mul3A_1775 : vector<16xf32>
      %mul3A_1780 = arith.mulf %mul3A_1779, %mul3A_1775 : vector<16xf32>
      %sub3A_1781 = arith.constant 1.500000e+00 : f32
      %sub3A_1782 = vector.broadcast %sub3A_1781 : f32 to vector<16xf32>
      %sub3A_1783 = arith.subf %sub3A_1782, %mul3A_1780 : vector<16xf32>
      %mul3A_1784 = arith.mulf %mul3A_1775, %sub3A_1783 : vector<16xf32>
      %mul3A_1785 = arith.constant 5.000000e-01 : f32
      %mul3A_1786 = vector.broadcast %mul3A_1785 : f32 to vector<16xf32>
      %mul3A_1787 = arith.mulf %mul3A_1786, %mul3A_1755 : vector<16xf32>
      %mul3A_1788 = arith.mulf %mul3A_1787, %mul3A_1784 : vector<16xf32>
      %mul3A_1789 = arith.mulf %mul3A_1788, %mul3A_1784 : vector<16xf32>
      %sub3A_1790 = arith.constant 1.500000e+00 : f32
      %sub3A_1791 = vector.broadcast %sub3A_1790 : f32 to vector<16xf32>
      %sub3A_1792 = arith.subf %sub3A_1791, %mul3A_1789 : vector<16xf32>
      %mul3A_1793 = arith.mulf %mul3A_1784, %sub3A_1792 : vector<16xf32>
      %mul3A_1794 = arith.mulf %get3A_1750, %mul3A_1793 : vector<16xf32>
      %mul3A_1795 = arith.constant 1.000000e+08 : f32
      %mul3A_1796 = vector.broadcast %mul3A_1795 : f32 to vector<16xf32>
      %mul3A_1797 = arith.mulf %get3A_1750, %mul3A_1796 : vector<16xf32>
      %select_n3A_1798 = arith.select %ge3A_1758, %mul3A_1794, %mul3A_1797 : vector<16xi1>, vector<16xf32>
      %neg3A_1799 = arith.constant 0.000000e+00 : f32
      %neg3A_1800 = vector.broadcast %neg3A_1799 : f32 to vector<16xf32>
      %neg3A_1801 = arith.subf %neg3A_1800, %select_n3A_1798 : vector<16xf32>
      %exp3A_1802 = math.exp %neg3A_1801 : vector<16xf32>
      %add3A_1803 = arith.constant 1.000000e+00 : f32
      %add3A_1804 = vector.broadcast %add3A_1803 : f32 to vector<16xf32>
      %add3A_1805 = arith.addf %add3A_1804, %exp3A_1802 : vector<16xf32>
      %div3A_1806 = arith.constant 1.000000e+00 : f32
      %div3A_1807 = vector.broadcast %div3A_1806 : f32 to vector<16xf32>
      %div3A_1808 = arith.divf %div3A_1807, %add3A_1805 : vector<16xf32>
      %add3A_1809 = arith.constant 176 : i32
      %add3A_1810 = arith.addi %mul3A_168, %add3A_1809 : i32
      %swap3A_1811 = arith.index_cast %add3A_1810 : i32 to index
      %swap3A_1812 = tpu.vector_load %arg8[%swap3A_1811] {strides = array<i32>} : memref<10000xf32, #tpu.memory_space<vmem>>, vector<16xf32>,
      tpu.vector_store %arg8[%swap3A_1811], %div3A_1808 {strides = array<i32>} : memref<10000xf32, #tpu.memory_space<vmem>>, vector<16xf32>,
    }
    %scan3A_40 = arith.constant 26 : i32
    %dma_start3A_41 = arith.constant 0 : i32
    %dma_start3A_42 = arith.constant 0 : i32
    %dma_start3A_43 = tpu.memref_slice %arg9[%dma_start3A_41, %dma_start3A_42] : memref<192x128xf32, #tpu.memory_space<vmem>> -> memref<8x128xf32, #tpu.memory_space<vmem>>
    %dma_start3A_44 = arith.constant 9984 : i32
    %dma_start3A_45 = tpu.memref_slice %arg6[%dma_start3A_44] : memref<10000xi32, #tpu.memory_space<vmem>> -> memref<8xi32, #tpu.memory_space<vmem>>
    %dma_start3A_46 = arith.constant 0 : i32
    %dma_start3A_47 = arith.constant 0 : i32
    %dma_start3A_48 = tpu.memref_slice %arg2[%dma_start3A_46, %dma_start3A_47] : memref<10000x128xf32, #tpu.memory_space<hbm>> -> memref<10000x128xf32, #tpu.memory_space<hbm>>
    tpu.enqueue_indirect_dma source(%dma_start3A_48 : memref<10000x128xf32, #tpu.memory_space<hbm>>) target(%dma_start3A_43 : memref<8x128xf32, #tpu.memory_space<vmem>>) offsets(%dma_start3A_45 : memref<8xi32, #tpu.memory_space<vmem>>) semaphore(%arg16 : memref<!tpu.dma_semaphore, #tpu.memory_space<semaphore_mem>>)
    %dma_start3A_49 = arith.constant 8 : i32
    %dma_start3A_50 = arith.constant 0 : i32
    %dma_start3A_51 = tpu.memref_slice %arg9[%dma_start3A_49, %dma_start3A_50] : memref<192x128xf32, #tpu.memory_space<vmem>> -> memref<8x128xf32, #tpu.memory_space<vmem>>
    %dma_start3A_52 = arith.constant 9992 : i32
    %dma_start3A_53 = tpu.memref_slice %arg6[%dma_start3A_52] : memref<10000xi32, #tpu.memory_space<vmem>> -> memref<8xi32, #tpu.memory_space<vmem>>
    %dma_start3A_54 = arith.constant 0 : i32
    %dma_start3A_55 = arith.constant 0 : i32
    %dma_start3A_56 = tpu.memref_slice %arg2[%dma_start3A_54, %dma_start3A_55] : memref<10000x128xf32, #tpu.memory_space<hbm>> -> memref<10000x128xf32, #tpu.memory_space<hbm>>
    tpu.enqueue_indirect_dma source(%dma_start3A_56 : memref<10000x128xf32, #tpu.memory_space<hbm>>) target(%dma_start3A_51 : memref<8x128xf32, #tpu.memory_space<vmem>>) offsets(%dma_start3A_53 : memref<8xi32, #tpu.memory_space<vmem>>) semaphore(%arg16 : memref<!tpu.dma_semaphore, #tpu.memory_space<semaphore_mem>>)
    %dma_start3A_57 = arith.constant 0 : i32
    %dma_start3A_58 = arith.constant 0 : i32
    %dma_start3A_59 = tpu.memref_slice %arg10[%dma_start3A_57, %dma_start3A_58] : memref<192x128xf32, #tpu.memory_space<vmem>> -> memref<8x128xf32, #tpu.memory_space<vmem>>
    %dma_start3A_60 = arith.constant 9984 : i32
    %dma_start3A_61 = tpu.memref_slice %arg7[%dma_start3A_60] : memref<10000xi32, #tpu.memory_space<vmem>> -> memref<8xi32, #tpu.memory_space<vmem>>
    %dma_start3A_62 = arith.constant 0 : i32
    %dma_start3A_63 = arith.constant 0 : i32
    %dma_start3A_64 = tpu.memref_slice %arg2[%dma_start3A_62, %dma_start3A_63] : memref<10000x128xf32, #tpu.memory_space<hbm>> -> memref<10000x128xf32, #tpu.memory_space<hbm>>
    tpu.enqueue_indirect_dma source(%dma_start3A_64 : memref<10000x128xf32, #tpu.memory_space<hbm>>) target(%dma_start3A_59 : memref<8x128xf32, #tpu.memory_space<vmem>>) offsets(%dma_start3A_61 : memref<8xi32, #tpu.memory_space<vmem>>) semaphore(%arg17 : memref<!tpu.dma_semaphore, #tpu.memory_space<semaphore_mem>>)
    %dma_start3A_65 = arith.constant 8 : i32
    %dma_start3A_66 = arith.constant 0 : i32
    %dma_start3A_67 = tpu.memref_slice %arg10[%dma_start3A_65, %dma_start3A_66] : memref<192x128xf32, #tpu.memory_space<vmem>> -> memref<8x128xf32, #tpu.memory_space<vmem>>
    %dma_start3A_68 = arith.constant 9992 : i32
    %dma_start3A_69 = tpu.memref_slice %arg7[%dma_start3A_68] : memref<10000xi32, #tpu.memory_space<vmem>> -> memref<8xi32, #tpu.memory_space<vmem>>
    %dma_start3A_70 = arith.constant 0 : i32
    %dma_start3A_71 = arith.constant 0 : i32
    %dma_start3A_72 = tpu.memref_slice %arg2[%dma_start3A_70, %dma_start3A_71] : memref<10000x128xf32, #tpu.memory_space<hbm>> -> memref<10000x128xf32, #tpu.memory_space<hbm>>
    tpu.enqueue_indirect_dma source(%dma_start3A_72 : memref<10000x128xf32, #tpu.memory_space<hbm>>) target(%dma_start3A_67 : memref<8x128xf32, #tpu.memory_space<vmem>>) offsets(%dma_start3A_69 : memref<8xi32, #tpu.memory_space<vmem>>) semaphore(%arg17 : memref<!tpu.dma_semaphore, #tpu.memory_space<semaphore_mem>>)
    %dma_wait3A = arith.constant 0 : i32
    %dma_wait3A_73 = arith.constant 0 : i32
    %dma_wait3A_74 = tpu.memref_slice %arg9[%dma_wait3A, %dma_wait3A_73] : memref<192x128xf32, #tpu.memory_space<vmem>> -> memref<8x128xf32, #tpu.memory_space<vmem>>
    %dma_wait3A_75 = arith.constant 9984 : i32
    %dma_wait3A_76 = tpu.memref_slice %arg6[%dma_wait3A_75] : memref<10000xi32, #tpu.memory_space<vmem>> -> memref<8xi32, #tpu.memory_space<vmem>>
    %dma_wait3A_77 = arith.constant 0 : i32
    %dma_wait3A_78 = arith.constant 0 : i32
    %dma_wait3A_79 = tpu.memref_slice %arg2[%dma_wait3A_77, %dma_wait3A_78] : memref<10000x128xf32, #tpu.memory_space<hbm>> -> memref<10000x128xf32, #tpu.memory_space<hbm>>
    tpu.wait_indirect_dma semaphore(%arg16 : memref<!tpu.dma_semaphore, #tpu.memory_space<semaphore_mem>>) src(%dma_wait3A_79 : memref<10000x128xf32, #tpu.memory_space<hbm>>) dst(%dma_wait3A_74 : memref<8x128xf32, #tpu.memory_space<vmem>>)
    %dma_wait3A_80 = arith.constant 8 : i32
    %dma_wait3A_81 = arith.constant 0 : i32
    %dma_wait3A_82 = tpu.memref_slice %arg9[%dma_wait3A_80, %dma_wait3A_81] : memref<192x128xf32, #tpu.memory_space<vmem>> -> memref<8x128xf32, #tpu.memory_space<vmem>>
    %dma_wait3A_83 = arith.constant 9992 : i32
    %dma_wait3A_84 = tpu.memref_slice %arg6[%dma_wait3A_83] : memref<10000xi32, #tpu.memory_space<vmem>> -> memref<8xi32, #tpu.memory_space<vmem>>
    %dma_wait3A_85 = arith.constant 0 : i32
    %dma_wait3A_86 = arith.constant 0 : i32
    %dma_wait3A_87 = tpu.memref_slice %arg2[%dma_wait3A_85, %dma_wait3A_86] : memref<10000x128xf32, #tpu.memory_space<hbm>> -> memref<10000x128xf32, #tpu.memory_space<hbm>>
    tpu.wait_indirect_dma semaphore(%arg16 : memref<!tpu.dma_semaphore, #tpu.memory_space<semaphore_mem>>) src(%dma_wait3A_87 : memref<10000x128xf32, #tpu.memory_space<hbm>>) dst(%dma_wait3A_82 : memref<8x128xf32, #tpu.memory_space<vmem>>)
    %dma_wait3A_88 = arith.constant 0 : i32
    %dma_wait3A_89 = arith.constant 0 : i32
    %dma_wait3A_90 = tpu.memref_slice %arg10[%dma_wait3A_88, %dma_wait3A_89] : memref<192x128xf32, #tpu.memory_space<vmem>> -> memref<8x128xf32, #tpu.memory_space<vmem>>
    %dma_wait3A_91 = arith.constant 9984 : i32
    %dma_wait3A_92 = tpu.memref_slice %arg7[%dma_wait3A_91] : memref<10000xi32, #tpu.memory_space<vmem>> -> memref<8xi32, #tpu.memory_space<vmem>>
    %dma_wait3A_93 = arith.constant 0 : i32
    %dma_wait3A_94 = arith.constant 0 : i32
    %dma_wait3A_95 = tpu.memref_slice %arg2[%dma_wait3A_93, %dma_wait3A_94] : memref<10000x128xf32, #tpu.memory_space<hbm>> -> memref<10000x128xf32, #tpu.memory_space<hbm>>
    tpu.wait_indirect_dma semaphore(%arg17 : memref<!tpu.dma_semaphore, #tpu.memory_space<semaphore_mem>>) src(%dma_wait3A_95 : memref<10000x128xf32, #tpu.memory_space<hbm>>) dst(%dma_wait3A_90 : memref<8x128xf32, #tpu.memory_space<vmem>>)
    %dma_wait3A_96 = arith.constant 8 : i32
    %dma_wait3A_97 = arith.constant 0 : i32
    %dma_wait3A_98 = tpu.memref_slice %arg10[%dma_wait3A_96, %dma_wait3A_97] : memref<192x128xf32, #tpu.memory_space<vmem>> -> memref<8x128xf32, #tpu.memory_space<vmem>>
    %dma_wait3A_99 = arith.constant 9992 : i32
    %dma_wait3A_100 = tpu.memref_slice %arg7[%dma_wait3A_99] : memref<10000xi32, #tpu.memory_space<vmem>> -> memref<8xi32, #tpu.memory_space<vmem>>
    %dma_wait3A_101 = arith.constant 0 : i32
    %dma_wait3A_102 = arith.constant 0 : i32
    %dma_wait3A_103 = tpu.memref_slice %arg2[%dma_wait3A_101, %dma_wait3A_102] : memref<10000x128xf32, #tpu.memory_space<hbm>> -> memref<10000x128xf32, #tpu.memory_space<hbm>>
    tpu.wait_indirect_dma semaphore(%arg17 : memref<!tpu.dma_semaphore, #tpu.memory_space<semaphore_mem>>) src(%dma_wait3A_103 : memref<10000x128xf32, #tpu.memory_space<hbm>>) dst(%dma_wait3A_98 : memref<8x128xf32, #tpu.memory_space<vmem>>)
    %parallel_loop3A = arith.constant 0 : i32
    %parallel_loop3A_104 = arith.constant 16 : i32
    %parallel_loop3A_105 = arith.constant 1 : i32
    scf.for %parallel_loop3A_158 = %parallel_loop3A to %parallel_loop3A_104 step %parallel_loop3A_105  : i32 {
      %parallel_loop3A_159 = arith.index_cast %parallel_loop3A_158 : i32 to index
      %parallel_loop3A_160 = arith.constant 0 : index
      %parallel_loop3A_161 = tpu.vector_load %arg9[%parallel_loop3A_159, %parallel_loop3A_160] {strides = array<i32>} : memref<192x128xf32, #tpu.memory_space<vmem>>, vector<16xf32>,
      %parallel_loop3A_162 = arith.index_cast %parallel_loop3A_158 : i32 to index
      %parallel_loop3A_163 = arith.constant 16 : index
      %parallel_loop3A_164 = tpu.vector_load %arg9[%parallel_loop3A_162, %parallel_loop3A_163] {strides = array<i32>} : memref<192x128xf32, #tpu.memory_space<vmem>>, vector<16xf32>,
      %parallel_loop3A_165 = arith.index_cast %parallel_loop3A_158 : i32 to index
      %parallel_loop3A_166 = arith.constant 32 : index
      %parallel_loop3A_167 = tpu.vector_load %arg9[%parallel_loop3A_165, %parallel_loop3A_166] {strides = array<i32>} : memref<192x128xf32, #tpu.memory_space<vmem>>, vector<16xf32>,
      %parallel_loop3A_168 = arith.index_cast %parallel_loop3A_158 : i32 to index
      %parallel_loop3A_169 = arith.constant 48 : index
      %parallel_loop3A_170 = tpu.vector_load %arg9[%parallel_loop3A_168, %parallel_loop3A_169] {strides = array<i32>} : memref<192x128xf32, #tpu.memory_space<vmem>>, vector<16xf32>,
      %parallel_loop3A_171 = arith.index_cast %parallel_loop3A_158 : i32 to index
      %parallel_loop3A_172 = arith.constant 64 : index
      %parallel_loop3A_173 = tpu.vector_load %arg9[%parallel_loop3A_171, %parallel_loop3A_172] {strides = array<i32>} : memref<192x128xf32, #tpu.memory_space<vmem>>, vector<16xf32>,
      %parallel_loop3A_174 = arith.index_cast %parallel_loop3A_158 : i32 to index
      %parallel_loop3A_175 = arith.constant 80 : index
      %parallel_loop3A_176 = tpu.vector_load %arg9[%parallel_loop3A_174, %parallel_loop3A_175] {strides = array<i32>} : memref<192x128xf32, #tpu.memory_space<vmem>>, vector<16xf32>,
      %parallel_loop3A_177 = arith.index_cast %parallel_loop3A_158 : i32 to index
      %parallel_loop3A_178 = arith.constant 96 : index
      %parallel_loop3A_179 = tpu.vector_load %arg9[%parallel_loop3A_177, %parallel_loop3A_178] {strides = array<i32>} : memref<192x128xf32, #tpu.memory_space<vmem>>, vector<16xf32>,
      %parallel_loop3A_180 = arith.index_cast %parallel_loop3A_158 : i32 to index
      %parallel_loop3A_181 = arith.constant 112 : index
      %parallel_loop3A_182 = tpu.vector_load %arg9[%parallel_loop3A_180, %parallel_loop3A_181] {strides = array<i32>} : memref<192x128xf32, #tpu.memory_space<vmem>>, vector<16xf32>,
      %parallel_loop3A_183 = arith.index_cast %parallel_loop3A_158 : i32 to index
      %parallel_loop3A_184 = arith.constant 0 : index
      %parallel_loop3A_185 = tpu.vector_load %arg10[%parallel_loop3A_183, %parallel_loop3A_184] {strides = array<i32>} : memref<192x128xf32, #tpu.memory_space<vmem>>, vector<16xf32>,
      %parallel_loop3A_186 = arith.index_cast %parallel_loop3A_158 : i32 to index
      %parallel_loop3A_187 = arith.constant 16 : index
      %parallel_loop3A_188 = tpu.vector_load %arg10[%parallel_loop3A_186, %parallel_loop3A_187] {strides = array<i32>} : memref<192x128xf32, #tpu.memory_space<vmem>>, vector<16xf32>,
      %parallel_loop3A_189 = arith.index_cast %parallel_loop3A_158 : i32 to index
      %parallel_loop3A_190 = arith.constant 32 : index
      %parallel_loop3A_191 = tpu.vector_load %arg10[%parallel_loop3A_189, %parallel_loop3A_190] {strides = array<i32>} : memref<192x128xf32, #tpu.memory_space<vmem>>, vector<16xf32>,
      %parallel_loop3A_192 = arith.index_cast %parallel_loop3A_158 : i32 to index
      %parallel_loop3A_193 = arith.constant 48 : index
      %parallel_loop3A_194 = tpu.vector_load %arg10[%parallel_loop3A_192, %parallel_loop3A_193] {strides = array<i32>} : memref<192x128xf32, #tpu.memory_space<vmem>>, vector<16xf32>,
      %parallel_loop3A_195 = arith.index_cast %parallel_loop3A_158 : i32 to index
      %parallel_loop3A_196 = arith.constant 64 : index
      %parallel_loop3A_197 = tpu.vector_load %arg10[%parallel_loop3A_195, %parallel_loop3A_196] {strides = array<i32>} : memref<192x128xf32, #tpu.memory_space<vmem>>, vector<16xf32>,
      %parallel_loop3A_198 = arith.index_cast %parallel_loop3A_158 : i32 to index
      %parallel_loop3A_199 = arith.constant 80 : index
      %parallel_loop3A_200 = tpu.vector_load %arg10[%parallel_loop3A_198, %parallel_loop3A_199] {strides = array<i32>} : memref<192x128xf32, #tpu.memory_space<vmem>>, vector<16xf32>,
      %parallel_loop3A_201 = arith.index_cast %parallel_loop3A_158 : i32 to index
      %parallel_loop3A_202 = arith.constant 96 : index
      %parallel_loop3A_203 = tpu.vector_load %arg10[%parallel_loop3A_201, %parallel_loop3A_202] {strides = array<i32>} : memref<192x128xf32, #tpu.memory_space<vmem>>, vector<16xf32>,
      %parallel_loop3A_204 = arith.index_cast %parallel_loop3A_158 : i32 to index
      %parallel_loop3A_205 = arith.constant 112 : index
      %parallel_loop3A_206 = tpu.vector_load %arg10[%parallel_loop3A_204, %parallel_loop3A_205] {strides = array<i32>} : memref<192x128xf32, #tpu.memory_space<vmem>>, vector<16xf32>,
      %parallel_loop3A_207 = arith.mulf %parallel_loop3A_161, %parallel_loop3A_185 : vector<16xf32>
      %parallel_loop3A_208 = arith.mulf %parallel_loop3A_164, %parallel_loop3A_188 : vector<16xf32>
      %parallel_loop3A_209 = arith.mulf %parallel_loop3A_167, %parallel_loop3A_191 : vector<16xf32>
      %parallel_loop3A_210 = arith.mulf %parallel_loop3A_170, %parallel_loop3A_194 : vector<16xf32>
      %parallel_loop3A_211 = arith.mulf %parallel_loop3A_173, %parallel_loop3A_197 : vector<16xf32>
      %parallel_loop3A_212 = arith.mulf %parallel_loop3A_176, %parallel_loop3A_200 : vector<16xf32>
      %parallel_loop3A_213 = arith.mulf %parallel_loop3A_179, %parallel_loop3A_203 : vector<16xf32>
      %parallel_loop3A_214 = arith.mulf %parallel_loop3A_182, %parallel_loop3A_206 : vector<16xf32>
      %parallel_loop3A_215 = arith.addf %parallel_loop3A_207, %parallel_loop3A_208 : vector<16xf32>
      %parallel_loop3A_216 = arith.addf %parallel_loop3A_209, %parallel_loop3A_210 : vector<16xf32>
      %parallel_loop3A_217 = arith.addf %parallel_loop3A_215, %parallel_loop3A_216 : vector<16xf32>
      %parallel_loop3A_218 = arith.addf %parallel_loop3A_211, %parallel_loop3A_212 : vector<16xf32>
      %parallel_loop3A_219 = arith.addf %parallel_loop3A_213, %parallel_loop3A_214 : vector<16xf32>
      %parallel_loop3A_220 = arith.addf %parallel_loop3A_218, %parallel_loop3A_219 : vector<16xf32>
      %parallel_loop3A_221 = arith.addf %parallel_loop3A_217, %parallel_loop3A_220 : vector<16xf32>
      %parallel_loop3A_222 = arith.constant true
      %parallel_loop3A_223 = vector.broadcast %parallel_loop3A_222 : i1 to vector<16xi1>
      %parallel_loop3A_224 = tpu.scan <sum>, %parallel_loop3A_221 masked %parallel_loop3A_223 : vector<16xf32>, vector<16xi1> -> vector<16xf32>
      %parallel_loop3A_225 = arith.mulf %parallel_loop3A_161, %parallel_loop3A_161 : vector<16xf32>
      %parallel_loop3A_226 = arith.mulf %parallel_loop3A_164, %parallel_loop3A_164 : vector<16xf32>
      %parallel_loop3A_227 = arith.mulf %parallel_loop3A_167, %parallel_loop3A_167 : vector<16xf32>
      %parallel_loop3A_228 = arith.mulf %parallel_loop3A_170, %parallel_loop3A_170 : vector<16xf32>
      %parallel_loop3A_229 = arith.mulf %parallel_loop3A_173, %parallel_loop3A_173 : vector<16xf32>
      %parallel_loop3A_230 = arith.mulf %parallel_loop3A_176, %parallel_loop3A_176 : vector<16xf32>
      %parallel_loop3A_231 = arith.mulf %parallel_loop3A_179, %parallel_loop3A_179 : vector<16xf32>
      %parallel_loop3A_232 = arith.mulf %parallel_loop3A_182, %parallel_loop3A_182 : vector<16xf32>
      %parallel_loop3A_233 = arith.addf %parallel_loop3A_225, %parallel_loop3A_226 : vector<16xf32>
      %parallel_loop3A_234 = arith.addf %parallel_loop3A_227, %parallel_loop3A_228 : vector<16xf32>
      %parallel_loop3A_235 = arith.addf %parallel_loop3A_233, %parallel_loop3A_234 : vector<16xf32>
      %parallel_loop3A_236 = arith.addf %parallel_loop3A_229, %parallel_loop3A_230 : vector<16xf32>
      %parallel_loop3A_237 = arith.addf %parallel_loop3A_231, %parallel_loop3A_232 : vector<16xf32>
      %parallel_loop3A_238 = arith.addf %parallel_loop3A_236, %parallel_loop3A_237 : vector<16xf32>
      %parallel_loop3A_239 = arith.addf %parallel_loop3A_235, %parallel_loop3A_238 : vector<16xf32>
      %parallel_loop3A_240 = arith.constant true
      %parallel_loop3A_241 = vector.broadcast %parallel_loop3A_240 : i1 to vector<16xi1>
      %parallel_loop3A_242 = tpu.scan <sum>, %parallel_loop3A_239 masked %parallel_loop3A_241 : vector<16xf32>, vector<16xi1> -> vector<16xf32>
      %parallel_loop3A_243 = arith.mulf %parallel_loop3A_185, %parallel_loop3A_185 : vector<16xf32>
      %parallel_loop3A_244 = arith.mulf %parallel_loop3A_188, %parallel_loop3A_188 : vector<16xf32>
      %parallel_loop3A_245 = arith.mulf %parallel_loop3A_191, %parallel_loop3A_191 : vector<16xf32>
      %parallel_loop3A_246 = arith.mulf %parallel_loop3A_194, %parallel_loop3A_194 : vector<16xf32>
      %parallel_loop3A_247 = arith.mulf %parallel_loop3A_197, %parallel_loop3A_197 : vector<16xf32>
      %parallel_loop3A_248 = arith.mulf %parallel_loop3A_200, %parallel_loop3A_200 : vector<16xf32>
      %parallel_loop3A_249 = arith.mulf %parallel_loop3A_203, %parallel_loop3A_203 : vector<16xf32>
      %parallel_loop3A_250 = arith.mulf %parallel_loop3A_206, %parallel_loop3A_206 : vector<16xf32>
      %parallel_loop3A_251 = arith.addf %parallel_loop3A_243, %parallel_loop3A_244 : vector<16xf32>
      %parallel_loop3A_252 = arith.addf %parallel_loop3A_245, %parallel_loop3A_246 : vector<16xf32>
      %parallel_loop3A_253 = arith.addf %parallel_loop3A_251, %parallel_loop3A_252 : vector<16xf32>
      %parallel_loop3A_254 = arith.addf %parallel_loop3A_247, %parallel_loop3A_248 : vector<16xf32>
      %parallel_loop3A_255 = arith.addf %parallel_loop3A_249, %parallel_loop3A_250 : vector<16xf32>
      %parallel_loop3A_256 = arith.addf %parallel_loop3A_254, %parallel_loop3A_255 : vector<16xf32>
      %parallel_loop3A_257 = arith.addf %parallel_loop3A_253, %parallel_loop3A_256 : vector<16xf32>
      %parallel_loop3A_258 = arith.constant true
      %parallel_loop3A_259 = vector.broadcast %parallel_loop3A_258 : i1 to vector<16xi1>
      %parallel_loop3A_260 = tpu.scan <sum>, %parallel_loop3A_257 masked %parallel_loop3A_259 : vector<16xf32>, vector<16xi1> -> vector<16xf32>
      %parallel_loop3A_261 = vector.broadcast %parallel_loop3A_158 : i32 to vector<16xi32>
      tpu.vector_store_idx %arg13[%parallel_loop3A_261], %parallel_loop3A_224 masked %eq3A_4 : memref<192xf32, #tpu.memory_space<vmem>>[vector<16xi32>], vector<16xf32>, vector<16xi1>
      tpu.vector_store_idx %arg14[%parallel_loop3A_261], %parallel_loop3A_242 masked %eq3A_4 : memref<192xf32, #tpu.memory_space<vmem>>[vector<16xi32>], vector<16xf32>, vector<16xi1>
      tpu.vector_store_idx %arg15[%parallel_loop3A_261], %parallel_loop3A_260 masked %eq3A_4 : memref<192xf32, #tpu.memory_space<vmem>>[vector<16xi32>], vector<16xf32>, vector<16xi1>
    } {sc.loop_unroll_factor = 4 : i64, sc.parallel_access}
    %get3A = arith.constant 0 : index
    %get3A_106 = tpu.vector_load %arg13[%get3A] {strides = array<i32>} : memref<192xf32, #tpu.memory_space<vmem>>, vector<16xf32>,
    %get3A_107 = arith.constant 0 : index
    %get3A_108 = tpu.vector_load %arg14[%get3A_107] {strides = array<i32>} : memref<192xf32, #tpu.memory_space<vmem>>, vector<16xf32>,
    %get3A_109 = arith.constant 0 : index
    %get3A_110 = tpu.vector_load %arg15[%get3A_109] {strides = array<i32>} : memref<192xf32, #tpu.memory_space<vmem>>, vector<16xf32>,
    %mul3A_111 = arith.mulf %get3A_108, %get3A_110 : vector<16xf32>
    %ge3A = arith.constant 1.000000e-16 : f32
    %ge3A_112 = vector.broadcast %ge3A : f32 to vector<16xf32>
    %ge3A_113 = arith.cmpf oge, %mul3A_111, %ge3A_112 : vector<16xf32>
    %bitcast_convert_type3A = tpu.bitcast %mul3A_111 : vector<16xf32> -> vector<16xi32>
    %shift_right_arithmetic3A = arith.constant 1 : i32
    %shift_right_arithmetic3A_114 = vector.broadcast %shift_right_arithmetic3A : i32 to vector<16xi32>
    %shift_right_arithmetic3A_115 = arith.shrsi %bitcast_convert_type3A, %shift_right_arithmetic3A_114 : vector<16xi32>
    %sub3A = arith.constant 1597463007 : i32
    %sub3A_116 = vector.broadcast %sub3A : i32 to vector<16xi32>
    %sub3A_117 = arith.subi %sub3A_116, %shift_right_arithmetic3A_115 : vector<16xi32>
    %bitcast_convert_type3A_118 = tpu.bitcast %sub3A_117 : vector<16xi32> -> vector<16xf32>
    %mul3A_119 = arith.constant 5.000000e-01 : f32
    %mul3A_120 = vector.broadcast %mul3A_119 : f32 to vector<16xf32>
    %mul3A_121 = arith.mulf %mul3A_120, %mul3A_111 : vector<16xf32>
    %mul3A_122 = arith.mulf %mul3A_121, %bitcast_convert_type3A_118 : vector<16xf32>
    %mul3A_123 = arith.mulf %mul3A_122, %bitcast_convert_type3A_118 : vector<16xf32>
    %sub3A_124 = arith.constant 1.500000e+00 : f32
    %sub3A_125 = vector.broadcast %sub3A_124 : f32 to vector<16xf32>
    %sub3A_126 = arith.subf %sub3A_125, %mul3A_123 : vector<16xf32>
    %mul3A_127 = arith.mulf %bitcast_convert_type3A_118, %sub3A_126 : vector<16xf32>
    %mul3A_128 = arith.constant 5.000000e-01 : f32
    %mul3A_129 = vector.broadcast %mul3A_128 : f32 to vector<16xf32>
    %mul3A_130 = arith.mulf %mul3A_129, %mul3A_111 : vector<16xf32>
    %mul3A_131 = arith.mulf %mul3A_130, %mul3A_127 : vector<16xf32>
    %mul3A_132 = arith.mulf %mul3A_131, %mul3A_127 : vector<16xf32>
    %sub3A_133 = arith.constant 1.500000e+00 : f32
    %sub3A_134 = vector.broadcast %sub3A_133 : f32 to vector<16xf32>
    %sub3A_135 = arith.subf %sub3A_134, %mul3A_132 : vector<16xf32>
    %mul3A_136 = arith.mulf %mul3A_127, %sub3A_135 : vector<16xf32>
    %mul3A_137 = arith.constant 5.000000e-01 : f32
    %mul3A_138 = vector.broadcast %mul3A_137 : f32 to vector<16xf32>
    %mul3A_139 = arith.mulf %mul3A_138, %mul3A_111 : vector<16xf32>
    %mul3A_140 = arith.mulf %mul3A_139, %mul3A_136 : vector<16xf32>
    %mul3A_141 = arith.mulf %mul3A_140, %mul3A_136 : vector<16xf32>
    %sub3A_142 = arith.constant 1.500000e+00 : f32
    %sub3A_143 = vector.broadcast %sub3A_142 : f32 to vector<16xf32>
    %sub3A_144 = arith.subf %sub3A_143, %mul3A_141 : vector<16xf32>
    %mul3A_145 = arith.mulf %mul3A_136, %sub3A_144 : vector<16xf32>
    %mul3A_146 = arith.mulf %get3A_106, %mul3A_145 : vector<16xf32>
    %mul3A_147 = arith.constant 1.000000e+08 : f32
    %mul3A_148 = vector.broadcast %mul3A_147 : f32 to vector<16xf32>
    %mul3A_149 = arith.mulf %get3A_106, %mul3A_148 : vector<16xf32>
    %select_n3A = arith.select %ge3A_113, %mul3A_146, %mul3A_149 : vector<16xi1>, vector<16xf32>
    %neg3A = arith.constant 0.000000e+00 : f32
    %neg3A_150 = vector.broadcast %neg3A : f32 to vector<16xf32>
    %neg3A_151 = arith.subf %neg3A_150, %select_n3A : vector<16xf32>
    %exp3A = math.exp %neg3A_151 : vector<16xf32>
    %add3A_152 = arith.constant 1.000000e+00 : f32
    %add3A_153 = vector.broadcast %add3A_152 : f32 to vector<16xf32>
    %add3A_154 = arith.addf %add3A_153, %exp3A : vector<16xf32>
    %div3A = arith.constant 1.000000e+00 : f32
    %div3A_155 = vector.broadcast %div3A : f32 to vector<16xf32>
    %div3A_156 = arith.divf %div3A_155, %add3A_154 : vector<16xf32>
    %swap3A = arith.constant 9984 : index
    %swap3A_157 = tpu.vector_load %arg8[%swap3A] {strides = array<i32>} : memref<10000xf32, #tpu.memory_space<vmem>>, vector<16xf32>,
    tpu.vector_store %arg8[%swap3A], %div3A_156 {strides = array<i32>} : memref<10000xf32, #tpu.memory_space<vmem>>, vector<16xf32>,
    "tpu.region"() ({
      %run_scoped3A = tpu.sem_alloc : memref<!tpu.dma_semaphore, #tpu.memory_space<semaphore_mem>>
      %dma_start3A_158 = tpu.memref_slice %arg5[%mul3A_2] : memref<320000xf32, #tpu.memory_space<hbm>> -> memref<10000xf32, #tpu.memory_space<hbm>>
      %dma_start3A_159 = tpu.memref_slice %arg5[%mul3A_2] : memref<320000xf32, #tpu.memory_space<hbm>> -> memref<10000xf32, #tpu.memory_space<hbm>>
      tpu.enqueue_dma source(%arg8 : memref<10000xf32, #tpu.memory_space<vmem>>) target(%dma_start3A_159 : memref<10000xf32, #tpu.memory_space<hbm>>) target_semaphore(%run_scoped3A : memref<!tpu.dma_semaphore, #tpu.memory_space<semaphore_mem>>)
      %dma_wait3A_160 = tpu.memref_slice %arg5[%mul3A_2] : memref<320000xf32, #tpu.memory_space<hbm>> -> memref<10000xf32, #tpu.memory_space<hbm>>
      %dma_wait3A_161 = tpu.memref_slice %arg5[%mul3A_2] : memref<320000xf32, #tpu.memory_space<hbm>> -> memref<10000xf32, #tpu.memory_space<hbm>>
      tpu.wait_dma2 semaphore(%run_scoped3A : memref<!tpu.dma_semaphore, #tpu.memory_space<semaphore_mem>>) src(%arg8 : memref<10000xf32, #tpu.memory_space<vmem>>) dst(%dma_wait3A_161 : memref<10000xf32, #tpu.memory_space<hbm>>)
      tpu.yield
    }) : () -> ()
    return
  }
}

</mosaic_0001>

<sc_bundles>
// kernel: kernel.3.cloned.1.call-start
scs
__scs_entry_jumppad:
0x0: {  	(pc) =	sbr.rel $0x88, $3  }
0x1: {  	(tag) =	ssettag $0x0;
	lr =	simm.s32 $0x1  }
0x2: {  	[smem:$0x3F9F] =	sst lr;
	_ =	strace $0xD0000000  }
0x3: {  	_ = 	snop  }
0x4: {  	_ = 	snop  }
0x5: {  	_ = 	snop  }
0x6: {  	_ = 	snop  }
0x7: {  	_ = 	snop  }
__scs_overlays_trampoline_lowered:
0x8: {  	[smem:$0x3FAE] =	sst s0  }
0x9: {  	[smem:$0x3FAF] =	sst s1  }
0xa: {  	[smem:$0x3FB0] =	sst s2  }
0xb: {  	[smem:$0x3FB1] =	sst s3  }
0xc: {  	[smem:$0x3FB2] =	sst s4  }
0xd: {  	[smem:$0x3FB3] =	sst s5  }
0xe: {  	[smem:$0x3FB4] =	sst s6  }
0xf: {  	[smem:$0x3FB5] =	sst s7  }
0x10: {  	[smem:$0x3FB6] =	sst s8  }
0x11: {  	[smem:$0x3FB7] =	sst s9;
	s0 =	simm.s32 @!p0 $0x0  }
0x12: {  	s1 =	sld [smem:$0x3F9D];
	s0 =	simm.s32 @p0 $0x1  }
0x13: {  	[smem:$0x3FB8] =	sst s0;
	s0 =	simm.s32 @!p1 $0x0  }
0x14: {  	s2 =	sld [smem:$0x3F9C];
	s0 =	simm.s32 @p1 $0x1  }
0x15: {  	[smem:$0x3FB9] =	sst s0;
	s0 =	simm.s32 @!p2 $0x0  }
0x16: {  	s3 =	sld [smem:$0x3FDB];
	s0 =	simm.s32 @p2 $0x1  }
0x17: {  	s4 =	simm.s32 $0x1BF5;
	[smem:$0x3FBB] =	sst s0  }
0x18: {  	s0 =	sld [smem:$0x3F9E];
	_ =	swait.ge [sflag:s4], $0x0  }
0x19: {  	s7 =	sld [smem:$0x3F9F]  }
0x1a: {  	s8 =	sadd.s32 $0xFFFFE003, lr  }
0x1b: {  	s9 =	sadd.s32 $0xFFFFFEF7, lr;
	s5 =	simm.s32 $0xFFFFFFFF;
	p2 =	slt.u32 s8, $0xFFFFF086  }
0x1c: {  	p1 =	slt.u32 s9, $0xF7A;
	s5 =	simm.s32 @!p2 $0x0  }
0x1d: {  	s5 =	simm.s32 @p1 $0x1;
	p0 =	seq.s32 s7, s2  }
0x1e: {  	s7 =	smul.u32 @!p0 $0xF7A, s2;
	p2 =	seq.s32 @!p0 s5, $0x0  }
0x1f: {  	s9 =	smul.u32 $0xF7A, s1;
	s8 =	simm.s32 @!p0 $0x1BF5;
	p2 =	por !p2, p0  }
0x20: {  	[sflag:s8] =	ssyncset.s32 @!p0 $0xFFFFF086;
	s6 =	sadd.s32 @!p0 s3, s7;
	s7 =	simm.s32 @!p0 $0x108  }
0x21: {  	s3 =	sadd.s32 s3, s9;
	s6 =	sadd.s32 @!p0 $0x88, s6;
	s7 =	simm.s32 @p2 $0x1082  }
0x22: {  	[simem:s7], [sflag:s8] =	dma.local @!p0 [hbm:s6], $0xF7A  }
0x23: {  	s9 =	sor.u32 $0xD0000000, s2;
	s6 =	simm.s32 $0x108;
	_ =	swait.ge @!p0 [sflag:s8], $0x0  }
0x24: {  	s3 =	sadd.s32 $0x88, s3;
	s6 =	simm.s32 @!p1 $0x1082;
	[sflag:s4] =	ssyncset.s32 $0xFFFFF086  }
0x25: {  	[simem:s6], [sflag:s4] =	dma.local [hbm:s3], $0xF7A  }
0x26: {  	[smem:$0x3F9F] =	sst s1;
	(tag) =	ssettag s2;
	_ =	strace s9  }
0x27: {  	s1 =	sld [smem:$0x3FAF]  }
0x28: {  	s2 =	sld [smem:$0x3FB0]  }
0x29: {  	s4 =	sld [smem:$0x3FB2]  }
0x2a: {  	p0 =	seq.s32 s5, $0x0;
	s5 =	sld [smem:$0x3FB3]  }
0x2b: {  	s6 =	sld [smem:$0x3FB4]  }
0x2c: {  	s7 =	sld [smem:$0x3FB5]  }
0x2d: {  	s3 =	simm.s32 $0x108;
	s8 =	sld [smem:$0x3FB6]  }
0x2e: {  	s3 =	simm.s32 @!p0 $0x1082;
	s9 =	sld [smem:$0x3FB7]  }
0x2f: {  	lr =	sadd.s32 s0, s3;
	s0 =	sld [smem:$0x3FAE]  }
0x30: {  	s3 =	sld [smem:$0x3FB1]  }
0x31: {  	[smem:$0x3FBA] =	sst s10  }
0x32: {  	s10 =	sld [smem:$0x3FB8];
	_ =	sdelay $0x3  }
0x33: {  	p0 =	seq.s32 s10, $0x1;
	s10 =	sld [smem:$0x3FBA];
	_ =	sdelay $0x3  }
0x34: {  	[smem:$0x3FBA] =	sst s10  }
0x35: {  	s10 =	sld [smem:$0x3FB9];
	_ =	sdelay $0x3  }
0x36: {  	p1 =	seq.s32 s10, $0x1;
	s10 =	sld [smem:$0x3FBA];
	_ =	sdelay $0x3  }
0x37: {  	[smem:$0x3FBA] =	sst s10  }
0x38: {  	s10 =	sld [smem:$0x3FBB]  }
0x39: {  	_ = 	snop;
	(pc) =	sbr.ind lr, $3  }
0x3a: {  	_ = 	snop  }
0x3b: {  	_ = 	snop  }
0x3c: {  	p2 =	seq.s32 s10, $0x1;
	s10 =	sld [smem:$0x3FBA]  }
0x3d: {  	_ =	shalt  }
0x3e: {  	_ =	shalt  }
0x3f: {  	_ =	shalt  }
0x40: {  	_ =	shalt  }
0x41: {  	_ =	shalt  }
0x42: {  	_ =	shalt  }
0x43: {  	_ =	shalt  }
0x44: {  	_ =	shalt  }
0x45: {  	_ =	shalt  }
0x46: {  	_ =	shalt  }
0x47: {  	_ =	shalt  }
0x48: {  	_ =	shalt  }
0x49: {  	_ =	shalt  }
0x4a: {  	_ =	shalt  }
0x4b: {  	_ =	shalt  }
0x4c: {  	_ =	shalt  }
0x4d: {  	_ =	shalt  }
0x4e: {  	_ =	shalt  }
0x4f: {  	_ =	shalt  }
0x50: {  	_ =	shalt  }
0x51: {  	_ =	shalt  }
0x52: {  	_ =	shalt  }
0x53: {  	_ =	shalt  }
0x54: {  	_ =	shalt  }
0x55: {  	_ =	shalt  }
0x56: {  	_ =	shalt  }
0x57: {  	_ =	shalt  }
0x58: {  	_ =	shalt  }
0x59: {  	_ =	shalt  }
0x5a: {  	_ =	shalt  }
0x5b: {  	_ =	shalt  }
0x5c: {  	_ =	shalt  }
0x5d: {  	_ =	shalt  }
0x5e: {  	_ =	shalt  }
0x5f: {  	_ =	shalt  }
0x60: {  	_ =	shalt  }
0x61: {  	_ =	shalt  }
0x62: {  	_ =	shalt  }
0x63: {  	_ =	shalt  }
0x64: {  	_ =	shalt  }
0x65: {  	_ =	shalt  }
0x66: {  	_ =	shalt  }
0x67: {  	_ =	shalt  }
0x68: {  	_ =	shalt  }
0x69: {  	_ =	shalt  }
0x6a: {  	_ =	shalt  }
0x6b: {  	_ =	shalt  }
0x6c: {  	_ =	shalt  }
0x6d: {  	_ =	shalt  }
0x6e: {  	_ =	shalt  }
0x6f: {  	_ =	shalt  }
0x70: {  	_ =	shalt  }
0x71: {  	_ =	shalt  }
0x72: {  	_ =	shalt  }
0x73: {  	_ =	shalt  }
0x74: {  	_ =	shalt  }
0x75: {  	_ =	shalt  }
0x76: {  	_ =	shalt  }
0x77: {  	_ =	shalt  }
0x78: {  	_ =	shalt  }
0x79: {  	_ =	shalt  }
0x7a: {  	_ =	shalt  }
0x7b: {  	_ =	shalt  }
0x7c: {  	_ =	shalt  }
0x7d: {  	_ =	shalt  }
0x7e: {  	_ =	shalt  }
0x7f: {  	_ =	shalt  }
0x80: {  	_ =	shalt  }
0x81: {  	_ =	shalt  }
0x82: {  	_ =	shalt  }
0x83: {  	_ =	shalt  }
0x84: {  	_ =	shalt  }
0x85: {  	_ =	shalt  }
0x86: {  	_ =	shalt  }
0x87: {  	_ =	shalt  }
.Lfunc_end0:
.L_simem_size_0:
called_computation_lowered:
.L_overlay_start_0:
0x88: {  	s2 =	sld [smem:$0x3FD9]  }
0x89: {  	s3 =	sld [smem:$0x3FFE];
	_ =	sdelay $0x1  }
0x8a: {  	s1 =	srdreg.scid  }
0x8b: {  	s0 =	sand.u32 $0x1, s1  }
0x8c: {  	s17 =	sshll.u32 s0, $0xA;
	s2 =	sadd.s32 s3, s2  }
0x8d: {  	s2 =	sadd.s32 s2, s17  }
0x8e: {  	[smem:$0x3FC6] =	sst s2  }
0x8f: {  	_ = 	snop  }
0x90: {  	s2 =	sld [smem:$0x3FC9]  }
0x91: {  	s18 =	sld [smem:$0x3FD0];
	(tm) =	ssettm $0x1  }
0x92: {  	s4 =	sld [smem:$0x3FFB];
	_ =	sdelay $0x3  }
0x93: {  	_ =	strace s4  }
0x94: {  	s4 =	sld [smem:$0x3FFC];
	_ =	sdelay $0x3  }
0x95: {  	_ =	strace s4  }
0x96: {  	s4 =	sld [smem:$0x3FFD];
	_ =	sdelay $0x3  }
0x97: {  	_ =	strace s4  }
0x98: {  	_ =	strace $0x8FFFFFFF  }
0x99: {  	s19 =	sld [smem:$0x3FDB];
	_ =	sdelay $0x1  }
0x9a: {  	s5 =	simm.s32 $_scs_section_size  }
0x9b: {  	s6 =	simm.s32 $_size__tile_overlayer_lowered;
	s7 =	simm.s32 $_tile_overlayer_lowered  }
0x9c: {  	s22 =	simm.s32 $0x1BFF;
	s21 =	sshll.u32 s7, $0x1;
	s4 =	sadd.s32 s5, s19  }
0x9d: {  	s8 =	simm.s32 $0x0;
	s20 =	sshll.u32 s6, $0x1;
	s6 =	sadd.s32 s21, s4  }
0x9e: {  	[timem:s8], [sflag:s22] =	dma.local [hbm:s6], s20  }
0x9f: {  	_ =	swait.ge [sflag:s22], s20  }
0xa0: {  	s5 =	ssub.s32 $0x0, s20;
	[sflag:s22] =	ssyncset.done $0x0  }
0xa1: {  	[sflag:s22] =	ssyncadd.s32 s5;
	_ =	sdelay $0x1  }
0xa2: {  	s23 =	simm.s32 $0x1B8B  }
0xa3: {  	_ =	swait.ge [sflag:s23], $0x1  }
0xa4: {  	[sflag:s23] =	ssyncset.done $0x0  }
0xa5: {  	s25 =	simm.s32 $0x1B8E;
	s24 =	sld [smem:$0x3FFE];
	[sflag:s23] =	ssyncadd.s32 $0xFFFFFFFF  }
0xa6: {  	s26 =	simm.s32 $execute0_lowered;
	[smem:$0x3FD2] =	sst s25  }
0xa7: {  	s6 =	sshll.u32 s26, $0x1;
	_ =	strace $0x80000046;
	[dreg:$0x1] =	wrdreg $0xFFFFFFFF  }
0xa8: {  	s28 =	simm.s32 $_size_execute0_lowered;
	s4 =	sadd.s32 s4, s6;
	[dreg:$0x0] =	wrdreg $0x0  }
0xa9: {  	s6 =	sshll.u32 s28, $0x1;
	[dreg:$0x2] =	wrdreg s4  }
0xaa: {  	[dreg:$0x3] =	wrdreg s6  }
0xab: {  	[dreg:$0x4] =	wrdreg $0xC0  }
0xac: {  	_ =	task [dreg:s8], $0x5FFFF  }
0xad: {  	[dreg:$0x1] =	wrdreg $0xFFFFFFFF  }
0xae: {  	[dreg:$0x0] =	wrdreg $0x60  }
0xaf: {  	[dreg:$0x2] =	wrdreg s2  }
0xb0: {  	[dreg:$0x3] =	wrdreg s24  }
0xb1: {  	[dreg:$0x4] =	wrdreg s18  }
0xb2: {  	[dreg:$0x5] =	wrdreg $0x9  }
0xb3: {  	_ =	task.clear_ibuf [dreg:s8], $0x6FFFF;
	_ =	strace $0x90000046  }
0xb4: {  	s29 =	simm.s32 $0x9;
	_ =	strace $0x80000048  }
0xb5: {  	_ =	swait.ge [sflag:s29], $0x1  }
0xb6: {  	[sflag:s29] =	ssyncadd.s32 $0xFFFFFFFF  }
0xb7: {  	_ =	strace $0x90000048  }
0xb8: {  	_ =	sfence  }
0xb9: {  	s30 =	sld [smem:$0x0];
	_ =	sdelay $0x2  }
0xba: {  	s31 =	sshll.u32 s1, $0xD;
	s1 =	sshrl.u32 s1, $0x2  }
0xbb: {  	s3 =	sand.u32 $0x4000, s31;
	s1 =	sadd.s32 s1, s30  }
0xbc: {  	s0 =	sor.u32 s3, s0;
	s1 =	sshll.u32 s1, $0x11  }
0xbd: {  	s0 =	sor.u32 s1, s0  }
0xbe: {  	s0 =	sadd.s32 $0x8F2B, s0  }
0xbf: {  	[sflag:s0] =	ssyncadd.remote.s32 $0x1  }
0xc0: {  	_ =	sfence.sel $0xFFFF  }
0xc1: {  	[dreg:$0x0] =	wrdreg $0xFFFFFFFF;
	(pc) =	sbr.abs _section_cstart, $3  }
0xc2: {  	[dreg:$0x1] =	wrdreg $0xFFFFFFFF  }
0xc3: {  	_ =	task.clear_ibuf [dreg:s8], $0x2FFFF;
	_ =	strace $0x9FFFFFFF  }
0xc4: {  	(tm) =	ssettm $0x7FFFFFFF  }
0xc5: {  	_ =	shalt  }
tec
execute0_lowered:
.L_overlay_start_1:
0x0: {  	(tag) =	ssettag $0x1  }
0x1: {  	s1 =	rddreg [dreg:$0x0]  }
0x2: {  	s0 =	srdreg.scid;
	s4 =	rddreg [dreg:$0x1]  }
0x3: {  	s2 =	stileid.u32;
	s6 =	rddreg [dreg:$0x2];
	s3 =	simm.s32 $0x0  }
0x4: {  	s8 =	simm.s32 $0x5;
	s10 =	simm.s32 $0x60;
	s14 =	simm.s32 $0x7680  }
0x5: {  	s13 =	simm.s32 $0xD680;
	s16 =	simm.s32 $0x13680;
	s17 =	simm.s32 $0x16680  }
0x6: {  	s18 =	simm.s32 $0x19680;
	s19 =	simm.s32 $0x1C680;
	s20 =	simm.s32 $0x1  }
0x7: {  	s21 =	simm.s32 $0x2;
	s22 =	simm.s32 $0x1F680;
	s23 =	simm.s32 $0x1F780  }
0x8: {  	s24 =	simm.s32 $0x1F880;
	s0 =	sand.u32 $0x1, s0;
	s2 =	sshll.u32 s2, $0x1  }
0x9: {  	s25 =	simm.s32 $0x3;
	s26 =	simm.s32 $0x4;
	s2 =	sor.u32 s0, s2  }
0xa: {  	s28 =	simm.s32 $0x8;
	s0 =	ssub.s32 $0x2, s0;
	s2 =	smul.u32 $0x4E2, s2  }
0xb: {  	s15 =	simm.s32 $0x0;
	[smem:$0x7FF] =	sst s3;
	s5 =	sshrl.u32 s0, $0x1  }
0xc: {  	_ =	strace $0x80000047;
	s0 =	ssub.s32 s0, s5;
	s4 =	sadd.s32 s4, s2  }
0xd: {  	vm0 =	vcmask $0x3F3C;
	s6 =	sadd.s32 s6, s2;
	s7 =	smax.u32 s0, $0x1;
	s5 =	sadd.s32 $0x9E00, s4  }
.LBB2_1:
0xe: {  	[tilespmem:s3], [sflag:$0x5] =	stream.linear.gather [hbm4b:s5+s3], $0x2710, $0x38;
	[tilespmem:$0x1F980] =	vst v63  }
0xf: {  	_ =	swait.ge [sflag:s8], $0x2710  }
0x10: {  	[sflag:s8] =	ssyncset.done $0x0  }
0x11: {  	s0 =	simm.s32 $0x2780;
	[sflag:s8] =	ssyncadd.s32 $0xFFFFD8F0  }
0x12: {  	[tilespmem:s0], [sflag:$0x5] =	stream.linear.gather [hbm4b:s4+s3], $0x2710, $0x38;
	[tilespmem:$0x1F980] =	vst v63  }
0x13: {  	_ =	swait.ge [sflag:s8], $0x2710  }
0x14: {  	[sflag:s8] =	ssyncset.done $0x0  }
0x15: {  	[sflag:s8] =	ssyncadd.s32 $0xFFFFD8F0  }
0x16: {  	[tilespmem:s14], [sflag:$0x1] =	stream.indirect.gather [hbm4b:s1+s10], $0x80, s3, s10, $0xb8;
	[tilespmem:$0x1F980] =	vst v63  }
0x17: {  	s2 =	simm.s32 $0xA680  }
0x18: {  	[tilespmem:s2], [sflag:$0x1] =	stream.indirect.gather [hbm4b:s1+s10], $0x80, s10, s10, $0xb8;
	[tilespmem:$0x1F980] =	vst v63  }
0x19: {  	_ = 	snop  }
0x1a: {  	[tilespmem:s13], [sflag:$0x2] =	stream.indirect.gather [hbm4b:s1+s10], $0x80, s0, s10, $0xb8;
	[tilespmem:$0x1F980] =	vst v63  }
0x1b: {  	s30 =	simm.s32 $0x27E0;
	s31 =	simm.s32 $0x10680;
	s29 =	simm.s32 $0x0  }
0x1c: {  	[tilespmem:s31], [sflag:$0x2] =	stream.indirect.gather [hbm4b:s1+s10], $0x80, s30, s10, $0xb8;
	[tilespmem:$0x1F980] =	vst v63  }
.LBB2_2:
0x1d: {  	s30 =	smul.u32 $0x180, s29;
	_ =	sdelay $0x1  }
0x1e: {  	s2 =	sadd.s32 $0xC0, s30  }
0x1f: {  	[tilespmem:s16], [sflag:$0x3] =	stream.indirect.gather [hbm4b:s1+s10], $0x80, s2, s10, $0xb8;
	[tilespmem:$0x1F980] =	vst v63  }
0x20: {  	s31 =	sadd.s32 $0x120, s30  }
0x21: {  	[tilespmem:s17], [sflag:$0x3] =	stream.indirect.gather [hbm4b:s1+s10], $0x80, s31, s10, $0xb8;
	[tilespmem:$0x1F980] =	vst v63  }
0x22: {  	s0 =	sadd.s32 $0x2840, s30  }
0x23: {  	[tilespmem:s18], [sflag:$0x4] =	stream.indirect.gather [hbm4b:s1+s10], $0x80, s0, s10, $0xb8;
	[tilespmem:$0x1F980] =	vst v63  }
0x24: {  	s12 =	sadd.s32 $0x28A0, s30  }
0x25: {  	[tilespmem:s19], [sflag:$0x4] =	stream.indirect.gather [hbm4b:s1+s10], $0x80, s12, s10, $0xb8;
	[tilespmem:$0x1F980] =	vst v63  }
0x26: {  	_ =	swait.ge [sflag:s20], $0x3000  }
0x27: {  	[sflag:s20] =	ssyncset.done $0x0  }
0x28: {  	[sflag:s20] =	ssyncadd.s32 $0xFFFFD000  }
0x29: {  	_ =	swait.ge [sflag:s20], $0x3000  }
0x2a: {  	[sflag:s20] =	ssyncset.done $0x0  }
0x2b: {  	[sflag:s20] =	ssyncadd.s32 $0xFFFFD000  }
0x2c: {  	_ =	swait.ge [sflag:s21], $0x3000  }
0x2d: {  	[sflag:s21] =	ssyncset.done $0x0  }
0x2e: {  	[sflag:s21] =	ssyncadd.s32 $0xFFFFD000  }
0x2f: {  	_ =	swait.ge [sflag:s21], $0x3000  }
0x30: {  	[sflag:s21] =	ssyncset.done $0x0  }
0x31: {  	s14 =	simm.s32 $0x7780;
	[sflag:s21] =	ssyncadd.s32 $0xFFFFD000  }
0x32: {  	v0 =	vld [tilespmem:s14+$0x80]  }
0x33: {  	v1 =	vld [tilespmem:s14+$0x90]  }
0x34: {  	v2 =	vld [tilespmem:s14+$0xA0]  }
0x35: {  	v3 =	vld [tilespmem:s14+$0xB0]  }
0x36: {  	v4 =	vld [tilespmem:s14+$0xC0]  }
0x37: {  	v5 =	vld [tilespmem:s14+$0xD0]  }
0x38: {  	v6 =	vld [tilespmem:s14+$0xE0]  }
0x39: {  	s9 =	simm.s32 $0xD780;
	v7 =	vld [tilespmem:s14+$0xF0]  }
0x3a: {  	v8 =	vld [tilespmem:s9+$0x80]  }
0x3b: {  	v9 =	vld [tilespmem:s9+$0x90]  }
0x3c: {  	v10 =	vld [tilespmem:s9+$0xA0]  }
0x3d: {  	v11 =	vld [tilespmem:s9+$0xB0]  }
0x3e: {  	v12 =	vld [tilespmem:s9+$0xC0]  }
0x3f: {  	v13 =	vld [tilespmem:s9+$0xD0]  }
0x40: {  	v14 =	vld [tilespmem:s9+$0xE0]  }
0x41: {  	v15 =	vld [tilespmem:s9+$0xF0]  }
0x42: {  	v16 =	vld [tilespmem:s14+$0xFFFFFF10]  }
0x43: {  	v17 =	vld [tilespmem:s14+$0xFFFFFF20]  }
0x44: {  	v18 =	vld [tilespmem:s14+$0xFFFFFF30]  }
0x45: {  	v21 =	vld [tilespmem:s14+$0xFFFFFF40]  }
0x46: {  	v24 =	vld [tilespmem:s14+$0xFFFFFF50];
	v19 =	vmul.f32 v8, v0;
	v20 =	vmul.f32 v9, v1  }
0x47: {  	v27 =	vld [tilespmem:s14+$0xFFFFFF60];
	v22 =	vmul.f32 v10, v2;
	v23 =	vmul.f32 v11, v3  }
0x48: {  	v30 =	vld [tilespmem:s14+$0xFFFFFF70];
	v25 =	vmul.f32 v12, v4;
	v26 =	vmul.f32 v13, v5  }
0x49: {  	v39 =	vld [tilespmem:s14+$0x0];
	v28 =	vmul.f32 v14, v6;
	v29 =	vmul.f32 v15, v7  }
0x4a: {  	v40 =	vld [tilespmem:s14+$0x10];
	v31 =	vmul.f32 v0, v0;
	v1 =	vmul.f32 v1, v1  }
0x4b: {  	v41 =	vld [tilespmem:s14+$0x20];
	v2 =	vmul.f32 v2, v2;
	v3 =	vmul.f32 v3, v3  }
0x4c: {  	v42 =	vld [tilespmem:s14+$0x30];
	v4 =	vmul.f32 v4, v4;
	v5 =	vmul.f32 v5, v5  }
0x4d: {  	v57 =	vld [tilespmem:s14+$0x40];
	v6 =	vmul.f32 v6, v6;
	v7 =	vmul.f32 v7, v7  }
0x4e: {  	v58 =	vld [tilespmem:s14+$0x50];
	v8 =	vmul.f32 v8, v8;
	v9 =	vmul.f32 v9, v9  }
0x4f: {  	v59 =	vld [tilespmem:s14+$0x70];
	v12 =	vmul.f32 v12, v12;
	v13 =	vmul.f32 v13, v13  }
0x50: {  	v60 =	vld [tilespmem:s9+$0x20];
	v14 =	vmul.f32 v14, v14;
	v44 =	vmul.f32 v39, v39  }
0x51: {  	v32 =	vld [tilespmem:s9+$0xFFFFFF10];
	v45 =	vmul.f32 v40, v40;
	v46 =	vmul.f32 v41, v41  }
0x52: {  	v33 =	vld [tilespmem:s9+$0xFFFFFF20];
	v47 =	vmul.f32 v42, v42;
	v48 =	vmul.f32 v57, v57  }
0x53: {  	v34 =	vld [tilespmem:s14+$0xFFFFFFD0];
	v49 =	vmul.f32 v58, v58;
	v19 =	vadd.f32 v20, v19;
	v22 =	vadd.f32 v23, v22  }
0x54: {  	v54 =	vld [tilespmem:s9+$0xFFFFFFA0];
	v51 =	vmul.f32 v59, v59;
	v23 =	vadd.f32 v26, v25;
	v26 =	vadd.f32 v29, v28  }
0x55: {  	v41 =	vmul.f32 v60, v41;
	v20 =	vld [tilespmem:s9+$0xFFFFFF30];
	v28 =	vadd.f32 v1, v31;
	v3 =	vadd.f32 v3, v2  }
0x56: {  	v25 =	vld [tilespmem:s9+$0xFFFFFF40];
	v1 =	vmul.f32 v10, v10;
	v4 =	vadd.f32 v5, v4;
	v6 =	vadd.f32 v7, v6  }
0x57: {  	v10 =	vld [tilespmem:s9+$0xFFFFFF60];
	v5 =	vmul.f32 v11, v11;
	v2 =	vadd.f32 v22, v19;
	v11 =	vadd.f32 v26, v23  }
0x58: {  	v55 =	vld [tilespmem:s9+$0xFFFFFFB0];
	v3 =	vadd.f32 v3, v28;
	v4 =	vadd.f32 v6, v4;
	v6 =	vmul.f32 v33, v17  }
0x59: {  	v29 =	vld [tilespmem:s9+$0xFFFFFF50];
	v2 =	vadd.f32 v11, v2;
	v11 =	vmul.f32 v15, v15;
	v15 =	vadd.f32 v5, v1  }
0x5a: {  	v62 =	vld [tilespmem:s9+$0x60];
	v1 =	vmul.f32 v32, v16;
	v5 =	vadd.f32 v4, v3;
	v4 =	vmul.f32 v16, v16  }
0x5b: {  	v12 =	vadd.f32 v13, v12;
	v19 =	vld [tilespmem:s9+$0xFFFFFF70];
	v13 =	vmul.f32 v20, v18;
	v26 =	vmul.f32 v25, v21  }
0x5c: {  	v56 =	vld [tilespmem:s9+$0xFFFFFFC0];
	v8 =	vadd.f32 v9, v8;
	v31 =	vmul.f32 v10, v27;
	v20 =	vmul.f32 v20, v20  }
0x5d: {  	v22 =	vld [tilespmem:s14+$0xFFFFFFA0];
	v25 =	vmul.f32 v25, v25;
	v10 =	vmul.f32 v10, v10;
	v11 =	vadd.f32 v11, v14  }
0x5e: {  	v36 =	vld [tilespmem:s9+$0xFFFFFFE0];
	v14 =	vmul.f32 v29, v24;
	v8 =	vadd.f32 v15, v8;
	v15 =	vmul.f32 v17, v17  }
0x5f: {  	v63 =	vld [tilespmem:s9+$0x70];
	v17 =	vmul.f32 v18, v18;
	v29 =	vmul.f32 v29, v29  }
0x60: {  	v61 =	vld [tilespmem:s9+$0x50];
	v44 =	vadd.f32 v45, v44;
	(xrf2) =	vadd.scan.msk.f32 $0xffff, v2;
	v2 =	vmul.f32 v62, v62;
	v35 =	vmul.f32 v19, v30  }
0x61: {  	v52 =	vld [tilespmem:s14+$0xFFFFFF00];
	v3 =	vadd.f32 v13, v6;
	v6 =	vmul.f32 v27, v27;
	v13 =	vmul.f32 v30, v30  }
0x62: {  	v0 =	vld [tilespmem:s9+$0xFFFFFF00];
	v53 =	vadd.f32 v47, v46;
	v30 =	vmul.f32 v32, v32;
	v38 =	vmul.f32 v54, v22  }
0x63: {  	v7 =	vld [tilespmem:s14+$0xFFFFFF80];
	v22 =	vmul.f32 v22, v22;
	v32 =	vmul.f32 v54, v54;
	v54 =	vadd.f32 v49, v48  }
0x64: {  	v28 =	vld [tilespmem:s14+$0xFFFFFFC0];
	(xrf2) =	vadd.scan.msk.f32 $0xffff, v5;
	v5 =	vmul.f32 v63, v63;
	v11 =	vadd.f32 v11, v12;
	v12 =	vmul.f32 v21, v21  }
0x65: {  	v16 =	vld [tilespmem:s14+$0xFFFFFFE0];
	v21 =	vmul.f32 v24, v24;
	v14 =	vadd.f32 v14, v26;
	v26 =	vmul.f32 v33, v33  }
0x66: {  	v9 =	vld [tilespmem:s14+$0xFFFFFF90];
	v15 =	vadd.f32 v17, v15;
	v17 =	vmul.f32 v19, v19;
	v25 =	vadd.f32 v29, v25  }
0x67: {  	v27 =	vld [tilespmem:s9+$0xFFFFFF90];
	v33 =	vmul.f32 v55, v55;
	v31 =	vadd.f32 v35, v31;
	v35 =	vmul.f32 v56, v56  }
0x68: {  	v23 =	vld [tilespmem:s14+$0xFFFFFFB0];
	v8 =	vadd.f32 v11, v8;
	v11 =	vmul.f32 v0, v0;
	v20 =	vadd.f32 v20, v26  }
0x69: {  	v18 =	vld [tilespmem:s14+$0xFFFFFFF0];
	v26 =	vmul.f32 v56, v28;
	v10 =	vadd.f32 v17, v10;
	v17 =	vmul.f32 v28, v28  }
0x6a: {  	v24 =	vld [tilespmem:s9+$0xFFFFFF80];
	v6 =	vadd.f32 v13, v6;
	v28 =	vmul.f32 v36, v16;
	v16 =	vmul.f32 v16, v16  }
0x6b: {  	v19 =	vld [tilespmem:s9+$0xFFFFFFD0];
	v36 =	vmul.f32 v36, v36;
	v32 =	vadd.f32 v33, v32;
	v33 =	vmul.f32 v61, v61  }
0x6c: {  	v13 =	vld [tilespmem:s9+$0xFFFFFFF0];
	v5 =	vadd.f32 v5, v2;
	v0 =	vmul.f32 v0, v52;
	v37 =	vmul.f32 v27, v9  }
0x6d: {  	v11 =	vadd.f32 v30, v11;
	v9 =	vmul.f32 v9, v9;
	v30 =	vmul.f32 v55, v23  }
0x6e: {  	v12 =	vadd.f32 v21, v12;
	v23 =	vmul.f32 v23, v23;
	v27 =	vmul.f32 v27, v27  }
0x6f: {  	v0 =	vadd.f32 v1, v0;
	v21 =	vmul.f32 v24, v7;
	v7 =	vmul.f32 v7, v7  }
0x70: {  	v6 =	vadd.f32 v6, v12;
	v29 =	vmul.f32 v19, v34;
	v34 =	vmul.f32 v34, v34  }
0x71: {  	s0 =	simm.s32 $0x7980;
	v25 =	vadd.f32 v10, v25;
	v24 =	vmul.f32 v24, v24;
	v43 =	vmul.f32 v13, v18  }
0x72: {  	v45 =	vld [tilespmem:s0+$0x80];
	v30 =	vadd.f32 v30, v38;
	v18 =	vmul.f32 v18, v18;
	v22 =	vadd.f32 v23, v22  }
0x73: {  	v47 =	vld [tilespmem:s0+$0xA0];
	v13 =	vmul.f32 v13, v13;
	v0 =	vadd.f32 v3, v0;
	v3 =	vadd.f32 v31, v14  }
0x74: {  	s11 =	simm.s32 $0x3;
	v23 =	vld [tilespmem:s9+$0x10];
	v38 =	vmul.f32 v61, v58;
	v20 =	vadd.f32 v20, v11;
	v21 =	vadd.f32 v37, v21  }
0x75: {  	v14 =	vmov s11;
	v26 =	vadd.f32 v29, v26;
	v29 =	vld [tilespmem:s14+$0x60];
	v7 =	vadd.f32 v9, v7  }
0x76: {  	v9 =	vmul.f32 v19, v19;
	v19 =	vld [tilespmem:s9+$0x0];
	v17 =	vadd.f32 v34, v17;
	v24 =	vadd.f32 v27, v24  }
0x77: {  	s11 =	simm.s32 $0x1;
	v27 =	vld [tilespmem:s9+$0x40];
	v34 =	vmul.f32 v60, v60;
	v28 =	vadd.f32 v43, v28;
	v16 =	vadd.f32 v18, v16  }
0x78: {  	v10 =	vmov s11;
	v18 =	vld [tilespmem:s9+$0x30];
	v13 =	vadd.f32 v13, v36;
	v61 =	vadd.f32 v25, v20  }
0x79: {  	s14 =	simm.s32 $0xD980;
	v43 =	vmul.f32 v63, v59;
	v36 =	vld [tilespmem:s0+$0xC0];
	v9 =	vadd.f32 v9, v35;
	v7 =	vadd.f32 v22, v7  }
0x7a: {  	v48 =	vld [tilespmem:s14+$0x90];
	v24 =	vadd.f32 v32, v24;
	v32 =	vadd.f32 v53, v44;
	v40 =	vmul.f32 v23, v40  }
0x7b: {  	v49 =	vld [tilespmem:s14+$0xA0];
	v26 =	vadd.f32 v28, v26;
	v23 =	vmul.f32 v23, v23;
	v50 =	vmul.f32 v29, v29  }
0x7c: {  	v11 =	vld [tilespmem:s14+$0xB0];
	v16 =	vadd.f32 v16, v17;
	v39 =	vmul.f32 v19, v39;
	v19 =	vmul.f32 v19, v19  }
0x7d: {  	v12 =	vld [tilespmem:s14+$0xC0];
	v28 =	vadd.f32 v13, v9;
	v37 =	vmul.f32 v27, v57;
	v29 =	vmul.f32 v62, v29  }
0x7e: {  	v35 =	vld [tilespmem:s0+$0xB0];
	v27 =	vmul.f32 v27, v27;
	v57 =	vadd.f32 v3, v0;
	v39 =	vadd.f32 v40, v39  }
0x7f: {  	v20 =	vld [tilespmem:s14+$0xFFFFFF10];
	v42 =	vmul.f32 v18, v42;
	v37 =	vadd.f32 v38, v37;
	v29 =	vadd.f32 v43, v29  }
0x80: {  	(xrf2) =	vadd.scan.msk.f32 $0xffff, v8;
	v17 =	vld [tilespmem:s14+$0xD0];
	v18 =	vmul.f32 v18, v18;
	v55 =	vadd.f32 v51, v50;
	v8 =	vadd.f32 v23, v19  }
0x81: {  	v3 =	vld [tilespmem:s14+$0xFFFFFF00];
	v40 =	vmul.f32 v52, v52;
	v19 =	vadd.f32 v33, v27;
	v27 =	vadd.f32 v30, v21  }
0x82: {  	v62 =	vmul.f32 v49, v47;
	v38 =	vld [tilespmem:s0+$0x90];
	v41 =	vadd.f32 v42, v41;
	v18 =	vadd.f32 v18, v34  }
0x83: {  	v23 =	vld [tilespmem:s0+$0xE0];
	v63 =	vmul.f32 v11, v35;
	v1 =	vadd.f32 v4, v40;
	v29 =	vadd.f32 v29, v37  }
0x84: {  	v21 =	vld [tilespmem:s14+$0xE0];
	v52 =	vmul.f32 v12, v36;
	v34 =	vadd.f32 v55, v54;
	v56 =	vadd.f32 v5, v19  }
0x85: {  	v33 =	vld [tilespmem:s0+$0xF0];
	v31 =	vmul.f32 v35, v35;
	v30 =	vadd.f32 v41, v39;
	v37 =	vadd.f32 v18, v8  }
0x86: {  	s12 =	simm.s32 $0x0;
	v35 =	vmul.f32 v48, v48;
	v4 =	vld [tilespmem:s0+$0xD0];
	v8 =	vadd.f32 v16, v7;
	v7 =	vadd.f32 v28, v24  }
0x87: {  	v40 =	vld [tilespmem:s14+$0x80];
	v15 =	vadd.f32 v15, v1;
	v1 =	vmov s12;
	v5 =	vadd.f32 v34, v32  }
0x88: {  	v19 =	vld [tilespmem:s0+$0xFFFFFF70];
	s12 =	simm.s32 $0x2;
	v34 =	vmul.f32 v36, v36;
	v1 =	vand.u32 $0xFFFFFFFC, v1;
	v60 =	vmul.f32 v48, v38  }
0x89: {  	v9, _, _ =	vpop (xrf2);
	(xrf2) =	vadd.scan.msk.f32 $0xffff, v57;
	v16 =	vld [tilespmem:s0+$0xFFFFFF50];
	v22 =	vmov s12;
	v25 =	vmul.f32 v21, v23;
	v28 =	vmul.f32 v38, v38  }
0x8a: {  	v18 =	vld [tilespmem:s0+$0xFFFFFF60];
	v32 =	vmul.f32 v33, v33;
	v2 =	vbroadcast v1, $0x0;
	v58 =	vadd.f32 v6, v15  }
0x8b: {  	[tilespmem:v14+s22+$0x0] =	vst.idx.msk vm0, v9;
	v13 =	vand.u32 $0xFFFFFFFE, v22;
	v22 =	vld [tilespmem:s14+$0xF0];
	v6 =	vadd.f32 v29, v30;
	v29 =	vmul.f32 v47, v47  }
0x8c: {  	v9 =	vand.u32 $0xFFFFFFFD, v10;
	v24 =	vld [tilespmem:s14+$0xFFFFFF30];
	v30 =	vmul.f32 v23, v23;
	v0 =	vbroadcast v13, $0x0;
	v1, _, _ =	vpop (xrf2);
	(xrf2) =	vadd.scan.msk.f32 $0xffff, v58  }
0x8d: {  	v39 =	vadd.f32 v63, v62;
	v15 =	vld [tilespmem:s0+$0xFFFFFF40];
	v59 =	vmul.f32 v40, v45;
	v53 =	vmul.f32 v17, v4  }
0x8e: {  	v23 =	vld [tilespmem:s14+$0xFFFFFF20];
	v36 =	vmul.f32 v4, v4;
	v4 =	vadd.f32 v56, v37;
	v37 =	vmul.f32 v49, v49  }
0x8f: {  	v13 =	vld [tilespmem:s0+$0xFFFFFF20];
	[tilespmem:v14+s23+$0x0] =	vst.idx.msk vm0, v1;
	v10, _, _ =	vpop (xrf2);
	v1 =	vbroadcast v9, $0x0;
	v9 =	vadd.f32 v26, v27;
	(xrf2) =	vadd.scan.msk.f32 $0xffff, v61  }
0x90: {  	v27 =	vmul.f32 v45, v45;
	[tilespmem:v14+s24+$0x0] =	vst.idx.msk vm0, v10;
	v10 =	vld [tilespmem:s0+$0xFFFFFF10];
	v26 =	vmul.f32 v22, v33  }
0x91: {  	s9 =	simm.s32 $0x8;
	s12 =	simm.s32 $0x4;
	v38 =	vadd.f32 v60, v59;
	v14 =	vld [tilespmem:s0+$0xFFFFFF30];
	v33 =	vmul.f32 v40, v40;
	v40 =	vadd.f32 v53, v52  }
.LBB2_3:
0x92: {  	p0 =	slt.u32 s9, $0xBC;
	v41 =	vld [tilespmem:s14+$0xFFFFFF40];
	v25 =	vadd.f32 v26, v25;
	v26 =	vadd.f32 v28, v27;
	v11 =	vmul.f32 v11, v11;
	(xrf2) =	vadd.scan.msk.f32 $0xffff, v9  }
0x93: {  	v28 =	vadd.f32 v31, v29;
	v29 =	vadd.f32 v36, v34;
	v12 =	vmul.f32 v12, v12;
	v27 =	vld [tilespmem:s14+$0xFFFFFF50];
	v31, _, _ =	vpop (xrf2)  }
0x94: {  	v17 =	vmul.f32 v17, v17;
	v9 =	vadd.f32 v39, v38;
	v34 =	vld [tilespmem:s14+$0xFFFFFF60];
	v25 =	vadd.f32 v25, v40  }
0x95: {  	v30 =	vadd.f32 v32, v30;
	v21 =	vmul.f32 v21, v21;
	v32 =	vadd.f32 v35, v33;
	v36 =	vld [tilespmem:s14+$0xFFFFFF70];
	(xrf2) =	vadd.scan.msk.f32 $0xffff, v8  }
0x96: {  	v22 =	vmul.f32 v22, v22;
	v35 =	vadd.f32 v11, v37;
	v33 =	vld [tilespmem:s0+$0xFFFFFF80];
	v25 =	vadd.f32 v25, v9;
	v8, _, _ =	vpop (xrf2)  }
0x97: {  	v38 =	vadd.f32 v28, v26;
	v26 =	vadd.f32 v30, v29;
	v9 =	vmul.f32 v20, v10;
	v37 =	vld [tilespmem:s0+$0xFFFFFF90]  }
0x98: {  	v12 =	vadd.f32 v17, v12;
	v17 =	vadd.f32 v22, v21;
	v28 =	vmul.f32 v23, v13;
	v29 =	vld [tilespmem:s0+$0xFFFFFFA0];
	(xrf2) =	vadd.scan.msk.f32 $0xffff, v25  }
0x99: {  	v21 =	vmul.f32 v24, v14;
	v26 =	vadd.f32 v26, v38;
	v22 =	vmul.f32 v41, v15;
	v25 =	vld [tilespmem:s0+$0xFFFFFFB0];
	v11, _, _ =	vpop (xrf2)  }
0x9a: {  	v32 =	vadd.f32 v35, v32;
	v35 =	vadd.f32 v17, v12;
	v30 =	vmul.f32 v27, v16;
	v38 =	vld [tilespmem:s0+$0xFFFFFFC0]  }
0x9b: {  	v12 =	vadd.f32 v21, v28;
	v39 =	vmul.f32 v34, v18;
	v40 =	vmul.f32 v36, v19;
	v28 =	vld [tilespmem:s0+$0xFFFFFFD0];
	(xrf2) =	vadd.scan.msk.f32 $0xffff, v26  }
0x9c: {  	v17 =	vmul.f32 v10, v10;
	v21 =	vmul.f32 v13, v13;
	v32 =	vadd.f32 v35, v32;
	v26 =	vld [tilespmem:s0+$0xFFFFFFE0];
	v13, _, _ =	vpop (xrf2)  }
0x9d: {  	v10 =	vadd.f32 v30, v22;
	v22 =	vmul.f32 v14, v14;
	v30 =	vmul.f32 v15, v15;
	v35 =	vld [tilespmem:s0+$0xFFFFFFF0]  }
0x9e: {  	v16 =	vmul.f32 v16, v16;
	v14 =	vadd.f32 v40, v39;
	v39 =	vmul.f32 v18, v18;
	v40 =	vld [tilespmem:s14+$0xFFFFFF80];
	(xrf2) =	vadd.scan.msk.f32 $0xffff, v32  }
0x9f: {  	v19 =	vmul.f32 v19, v19;
	v15 =	vadd.f32 v22, v21;
	v21 =	vmul.f32 v3, v3;
	v22 =	vld [tilespmem:s14+$0xFFFFFF90];
	v18, _, _ =	vpop (xrf2)  }
0xa0: {  	v23 =	vmul.f32 v23, v23;
	v20 =	vmul.f32 v20, v20;
	v16 =	vadd.f32 v16, v30;
	v30 =	vld [tilespmem:s14+$0xFFFFFFA0]  }
0xa1: {  	s11 =	sadd.s32 $0x3, s12;
	v24 =	vmul.f32 v24, v24;
	v19 =	vadd.f32 v19, v39;
	v32 =	vmul.f32 v41, v41;
	v39 =	vld [tilespmem:s14+$0xFFFFFFB0];
	(xrf2) =	vadd.scan.msk.f32 $0xffff, v7  }
0xa2: {  	v42 =	vmov s11;
	v27 =	vmul.f32 v27, v27;
	v34 =	vmul.f32 v34, v34;
	v41 =	vld [tilespmem:s14+$0xFFFFFFC0];
	v43, _, _ =	vpop (xrf2);
	[tilespmem:v2+s22+$0x0] =	vst.idx.msk vm0, v31  }
0xa3: {  	v7 =	vadd.f32 v20, v21;
	v31 =	vmul.f32 v36, v36;
	v36 =	vld [tilespmem:s14+$0xFFFFFFD0];
	v44 =	vmul.f32 v40, v33  }
0xa4: {  	v20 =	vadd.f32 v24, v23;
	v33 =	vmul.f32 v33, v33;
	v23 =	vld [tilespmem:s14+$0xFFFFFFE0];
	v24 =	vmul.f32 v22, v37;
	(xrf2) =	vadd.scan.msk.f32 $0xffff, v6  }
0xa5: {  	v6 =	vadd.f32 v27, v32;
	v37 =	vmul.f32 v37, v37;
	v27 =	vld [tilespmem:s14+$0xFFFFFFF0];
	v32 =	vmul.f32 v30, v29;
	v45, _, _ =	vpop (xrf2)  }
0xa6: {  	v21 =	vadd.f32 v31, v34;
	v29 =	vmul.f32 v29, v29;
	v31 =	vmul.f32 v39, v25;
	v34 =	vld [tilespmem:s0+$0x0]  }
0xa7: {  	v25 =	vmul.f32 v25, v25;
	v46 =	vmul.f32 v41, v38;
	v47 =	vld [tilespmem:s0+$0x10];
	[tilespmem:v42+s22+$0x0] =	vst.idx.msk vm0, v43;
	(xrf2) =	vadd.scan.msk.f32 $0xffff, v5  }
0xa8: {  	v38 =	vmul.f32 v38, v38;
	v43 =	vmul.f32 v36, v28;
	v48 =	vld [tilespmem:s0+$0x20];
	[tilespmem:v42+s23+$0x0] =	vst.idx.msk vm0, v45;
	v5, _, _ =	vpop (xrf2)  }
0xa9: {  	v28 =	vmul.f32 v28, v28;
	v45 =	vmul.f32 v23, v26;
	v49 =	vld [tilespmem:s0+$0x30];
	[tilespmem:v42+s24+$0x0] =	vst.idx.msk vm0, v5  }
0xaa: {  	v5 =	vadd.f32 v24, v44;
	v24 =	vmul.f32 v26, v26;
	v42 =	vmul.f32 v27, v35;
	v26 =	vld [tilespmem:s0+$0x40];
	(xrf2) =	vadd.scan.msk.f32 $0xffff, v4  }
0xab: {  	v4 =	vadd.f32 v31, v32;
	v31 =	vmul.f32 v35, v35;
	v32 =	vmul.f32 v40, v40;
	v35 =	vld [tilespmem:s0+$0x50];
	v40, _, _ =	vpop (xrf2)  }
0xac: {  	v22 =	vmul.f32 v22, v22;
	v30 =	vmul.f32 v30, v30;
	v43 =	vadd.f32 v43, v46;
	v44 =	vld [tilespmem:s0+$0x60]  }
0xad: {  	v39 =	vmul.f32 v39, v39;
	v41 =	vmul.f32 v41, v41;
	v42 =	vadd.f32 v42, v45;
	v45 =	vld [tilespmem:s0+$0x70]  }
0xae: {  	v33 =	vadd.f32 v37, v33;
	v36 =	vmul.f32 v36, v36;
	v23 =	vmul.f32 v23, v23;
	v37 =	vld [tilespmem:s14+$0x0];
	v46, _, _ =	vpop (xrf2)  }
0xaf: {  	v25 =	vadd.f32 v25, v29;
	v27 =	vmul.f32 v27, v27;
	v50 =	vmul.f32 v34, v34;
	v29 =	vld [tilespmem:s14+$0x10]  }
0xb0: {  	v28 =	vadd.f32 v28, v38;
	v51 =	vmul.f32 v47, v47;
	v52 =	vmul.f32 v48, v48;
	v38 =	vld [tilespmem:s14+$0x20]  }
0xb1: {  	v24 =	vadd.f32 v31, v24;
	v53 =	vmul.f32 v49, v49;
	v54 =	vmul.f32 v26, v26;
	v31 =	vld [tilespmem:s14+$0x30];
	v55, _, _ =	vpop (xrf2)  }
0xb2: {  	v22 =	vadd.f32 v22, v32;
	v56 =	vmul.f32 v35, v35;
	v57 =	vmul.f32 v44, v44;
	v32 =	vld [tilespmem:s14+$0x40]  }
0xb3: {  	v30 =	vadd.f32 v39, v30;
	v58 =	vmul.f32 v45, v45;
	v39 =	vld [tilespmem:s14+$0x50];
	v34 =	vmul.f32 v37, v34  }
0xb4: {  	v36 =	vadd.f32 v36, v41;
	v37 =	vmul.f32 v37, v37;
	v41 =	vld [tilespmem:s14+$0x60];
	v47 =	vmul.f32 v29, v47;
	v59, _, _ =	vpop (xrf2)  }
0xb5: {  	v23 =	vadd.f32 v27, v23;
	v29 =	vmul.f32 v29, v29;
	v27 =	vld [tilespmem:s14+$0x70];
	v48 =	vmul.f32 v38, v48  }
0xb6: {  	v38 =	vmul.f32 v38, v38;
	v60 =	vld [tilespmem:s0+$0xFFFFFF00];
	v49 =	vmul.f32 v31, v49;
	v34 =	vadd.f32 v47, v34  }
0xb7: {  	v47 =	vadd.f32 v51, v50;
	v31 =	vmul.f32 v31, v31;
	v26 =	vmul.f32 v32, v26  }
0xb8: {  	s0 =	sadd.s32 $0x200, s0;
	v32 =	vmul.f32 v32, v32;
	v35 =	vmul.f32 v39, v35;
	v48 =	vadd.f32 v49, v48  }
0xb9: {  	v50 =	vadd.f32 v53, v52;
	v39 =	vmul.f32 v39, v39;
	v49 =	vld [tilespmem:s0+$0x80];
	v44 =	vmul.f32 v41, v44  }
0xba: {  	v51 =	vld [tilespmem:s0+$0x90];
	v45 =	vmul.f32 v27, v45;
	v26 =	vadd.f32 v35, v26;
	v35 =	vmul.f32 v41, v41  }
0xbb: {  	v53 =	vadd.f32 v56, v54;
	v41 =	vld [tilespmem:s0+$0xA0];
	v3 =	vmul.f32 v3, v60;
	v52 =	vmul.f32 v60, v60  }
0xbc: {  	v27 =	vmul.f32 v27, v27;
	v54 =	vld [tilespmem:s0+$0xB0];
	v44 =	vadd.f32 v45, v44;
	v45 =	vadd.f32 v58, v57  }
0xbd: {  	v56 =	vld [tilespmem:s0+$0xC0];
	v3 =	vadd.f32 v9, v3;
	v9 =	vadd.f32 v17, v52;
	[tilespmem:v2+s23+$0x0] =	vst.idx.msk vm0, v8  }
0xbe: {  	v8 =	vadd.f32 v29, v37;
	v29 =	vadd.f32 v31, v38;
	v52 =	vld [tilespmem:s0+$0xD0];
	[tilespmem:v2+s24+$0x0] =	vst.idx.msk vm0, v11  }
0xbf: {  	v27 =	vadd.f32 v27, v35;
	v31 =	vadd.f32 v39, v32;
	v37 =	vld [tilespmem:s0+$0xE0];
	[tilespmem:v1+s22+$0x0] =	vst.idx.msk vm0, v13  }
0xc0: {  	s14 =	sadd.s32 $0x200, s14;
	v3 =	vadd.f32 v12, v3;
	v13 =	vadd.f32 v14, v10;
	v32 =	vld [tilespmem:s0+$0xF0];
	[tilespmem:v1+s23+$0x0] =	vst.idx.msk vm0, v18  }
0xc1: {  	v2 =	vmov s12;
	v9 =	vadd.f32 v15, v9;
	v14 =	vadd.f32 v19, v16;
	v35 =	vld [tilespmem:s14+$0x80];
	[tilespmem:v1+s24+$0x0] =	vst.idx.msk vm0, v40  }
0xc2: {  	s11 =	sadd.s32 $0x1, s12;
	v7 =	vadd.f32 v20, v7;
	v6 =	vadd.f32 v21, v6;
	v1 =	vand.u32 $0xFFFFFFFC, v2;
	v39 =	vld [tilespmem:s14+$0x90];
	[tilespmem:v0+s22+$0x0] =	vst.idx.msk vm0, v46  }
0xc3: {  	v4 =	vadd.f32 v4, v5;
	v5 =	vadd.f32 v42, v43;
	v10 =	vmov s11;
	s11 =	sadd.s32 $0x2, s12;
	s12 =	smov.u32 s9;
	v46 =	vld [tilespmem:s14+$0xA0];
	[tilespmem:v0+s23+$0x0] =	vst.idx.msk vm0, v55  }
0xc4: {  	v16 =	vadd.f32 v25, v33;
	v18 =	vadd.f32 v24, v28;
	v15 =	vmov s11;
	v11 =	vld [tilespmem:s14+$0xB0];
	[tilespmem:v0+s24+$0x0] =	vst.idx.msk vm0, v59  }
0xc5: {  	v20 =	vadd.f32 v23, v36;
	v19 =	vadd.f32 v30, v22;
	v2 =	vbroadcast v1, $0x0;
	v12 =	vld [tilespmem:s14+$0xC0]  }
0xc6: {  	v23 =	vadd.f32 v48, v34;
	v24 =	vadd.f32 v44, v26;
	v0 =	vand.u32 $0xFFFFFFFD, v10;
	v17 =	vld [tilespmem:s14+$0xD0]  }
0xc7: {  	v30 =	vadd.f32 v50, v47;
	v33 =	vadd.f32 v45, v53;
	v15 =	vand.u32 $0xFFFFFFFE, v15;
	v21 =	vld [tilespmem:s14+$0xE0]  }
0xc8: {  	v38 =	vadd.f32 v29, v8;
	v40 =	vadd.f32 v27, v31;
	v1 =	vbroadcast v0, $0x0;
	v22 =	vld [tilespmem:s14+$0xF0]  }
0xc9: {  	v3 =	vadd.f32 v13, v3;
	v29 =	vadd.f32 v14, v9;
	v0 =	vbroadcast v15, $0x0;
	v10 =	vld [tilespmem:s0+$0xFFFFFF10]  }
0xca: {  	v44 =	vadd.f32 v6, v7;
	v42 =	vmul.f32 v35, v49;
	v43 =	vmul.f32 v39, v51;
	v13 =	vld [tilespmem:s0+$0xFFFFFF20]  }
0xcb: {  	v9 =	vadd.f32 v5, v4;
	v45 =	vmul.f32 v46, v41;
	v47 =	vmul.f32 v11, v54;
	v14 =	vld [tilespmem:s0+$0xFFFFFF30];
	(xrf2) =	vadd.scan.msk.f32 $0xffff, v3  }
0xcc: {  	v8 =	vadd.f32 v18, v16;
	v48 =	vmul.f32 v12, v56;
	v50 =	vmul.f32 v17, v52;
	v15 =	vld [tilespmem:s0+$0xFFFFFF40]  }
0xcd: {  	v7 =	vadd.f32 v20, v19;
	v25 =	vmul.f32 v21, v37;
	v16 =	vld [tilespmem:s0+$0xFFFFFF50];
	v26 =	vmul.f32 v22, v32  }
0xce: {  	v28 =	vmul.f32 v51, v51;
	v27 =	vmul.f32 v49, v49;
	v6 =	vadd.f32 v24, v23;
	v18 =	vld [tilespmem:s0+$0xFFFFFF60];
	(xrf2) =	vadd.scan.msk.f32 $0xffff, v29  }
.Ltmp0:
0xcf: {  	v31 =	vmul.f32 v54, v54;
	v5 =	vadd.f32 v33, v30;
	v29 =	vmul.f32 v41, v41;
	v19 =	vld [tilespmem:s0+$0xFFFFFF70];
	(pc) =	sbr.rel @p0 .LBB2_3-.Ltmp0, $4  }
0xd0: {  	v34 =	vmul.f32 v56, v56;
	v36 =	vmul.f32 v52, v52;
	v4 =	vadd.f32 v40, v38;
	v3 =	vld [tilespmem:s14+$0xFFFFFF00]  }
0xd1: {  	v30 =	vmul.f32 v37, v37;
	v32 =	vmul.f32 v32, v32;
	v20 =	vld [tilespmem:s14+$0xFFFFFF10];
	(xrf2) =	vadd.scan.msk.f32 $0xffff, v44  }
0xd2: {  	v33 =	vmul.f32 v35, v35;
	v35 =	vmul.f32 v39, v39;
	v38 =	vadd.f32 v43, v42;
	v23 =	vld [tilespmem:s14+$0xFFFFFF20]  }
0xd3: {  	s9 =	sadd.s32 $0x4, s9;
	v39 =	vadd.f32 v47, v45;
	v37 =	vmul.f32 v46, v46;
	v40 =	vadd.f32 v50, v48;
	v24 =	vld [tilespmem:s14+$0xFFFFFF30]  }
0xd4: {  	v41 =	vld [tilespmem:s14+$0xFFFFFF40];
	v25 =	vadd.f32 v26, v25  }
0xd5: {  	v42 =	vld [tilespmem:s14+$0xFFFFFF50];
	v26 =	vadd.f32 v28, v27;
	v11 =	vmul.f32 v11, v11;
	v28 =	vadd.f32 v31, v29  }
0xd6: {  	v27 =	vld [tilespmem:s14+$0xFFFFFF60];
	v29 =	vadd.f32 v36, v34;
	v47 =	vmul.f32 v12, v12;
	v17 =	vmul.f32 v17, v17  }
0xd7: {  	v31 =	vld [tilespmem:s14+$0xFFFFFF70];
	v30 =	vadd.f32 v32, v30;
	v21 =	vmul.f32 v21, v21;
	v22 =	vmul.f32 v22, v22  }
0xd8: {  	v48 =	vld [tilespmem:s0+$0xFFFFFF80];
	v56 =	vmul.f32 v3, v3;
	v50 =	vadd.f32 v11, v37;
	v11 =	vmul.f32 v20, v10  }
0xd9: {  	v49 =	vld [tilespmem:s0+$0xFFFFFF90];
	v33 =	vadd.f32 v35, v33;
	v10 =	vmul.f32 v10, v10;
	v20 =	vmul.f32 v20, v20  }
0xda: {  	v52 =	vld [tilespmem:s0+$0xFFFFFFC0];
	v29 =	vadd.f32 v30, v29;
	v30 =	vmul.f32 v23, v13;
	v13 =	vmul.f32 v13, v13  }
0xdb: {  	v55 =	vld [tilespmem:s0+$0xFFFFFFD0];
	v12 =	vadd.f32 v39, v38;
	v23 =	vmul.f32 v23, v23;
	v51 =	vmul.f32 v24, v14  }
0xdc: {  	v44 =	vld [tilespmem:s0+$0xFFFFFFE0];
	v25 =	vadd.f32 v25, v40;
	v14 =	vmul.f32 v14, v14;
	v24 =	vmul.f32 v24, v24  }
0xdd: {  	v63 =	vld [tilespmem:s14+$0xFFFFFF80];
	v26 =	vadd.f32 v28, v26;
	v53 =	vmul.f32 v41, v15;
	v54 =	vmul.f32 v42, v16  }
0xde: {  	v60 =	vld [tilespmem:s14+$0xFFFFFFD0];
	v21 =	vadd.f32 v22, v21;
	v22 =	vmul.f32 v27, v18;
	v43 =	vmul.f32 v31, v19  }
0xdf: {  	v45 =	vld [tilespmem:s14+$0xFFFFFFA0];
	v17 =	vadd.f32 v17, v47;
	v15 =	vmul.f32 v15, v15;
	v16 =	vmul.f32 v16, v16  }
0xe0: {  	v59 =	vld [tilespmem:s14+$0xFFFFFFC0];
	v12 =	vadd.f32 v25, v12;
	v18 =	vmul.f32 v18, v18;
	v19 =	vmul.f32 v19, v19  }
0xe1: {  	v57 =	vld [tilespmem:s14+$0xFFFFFFB0];
	v26 =	vadd.f32 v29, v26;
	v58 =	vmul.f32 v41, v41;
	v42 =	vmul.f32 v42, v42  }
0xe2: {  	v46 =	vld [tilespmem:s14+$0xFFFFFFE0];
	v33 =	vadd.f32 v50, v33;
	v27 =	vmul.f32 v27, v27;
	v36 =	vmul.f32 v48, v48  }
0xe3: {  	v28 =	vld [tilespmem:s0+$0xFFFFFFB0];
	v17 =	vadd.f32 v21, v17;
	v32 =	vmul.f32 v49, v49;
	v62 =	vmul.f32 v60, v55  }
0xe4: {  	v47 =	vld [tilespmem:s14+$0xFFFFFFF0];
	v20 =	vadd.f32 v20, v56;
	v38 =	vmul.f32 v52, v52;
	v40 =	vmul.f32 v55, v55  }
0xe5: {  	v37 =	vld [tilespmem:s0+$0x60];
	v35 =	vmul.f32 v63, v63;
	v41 =	vmul.f32 v59, v59;
	v30 =	vadd.f32 v51, v30  }
0xe6: {  	v25 =	vld [tilespmem:s0+$0xFFFFFFA0];
	v17 =	vadd.f32 v17, v33;
	v13 =	vadd.f32 v14, v13;
	v14 =	vmul.f32 v31, v31  }
0xe7: {  	v29 =	vld [tilespmem:s0+$0xFFFFFFF0];
	v31 =	vmul.f32 v63, v48;
	v23 =	vadd.f32 v24, v23;
	v24 =	vmul.f32 v59, v52  }
0xe8: {  	v21 =	vld [tilespmem:s14+$0xFFFFFF90];
	v33 =	vmul.f32 v57, v57;
	v34 =	vadd.f32 v54, v53;
	v22 =	vadd.f32 v43, v22  }
0xe9: {  	v50 =	vld [tilespmem:s0+$0x20];
	v15 =	vadd.f32 v16, v15;
	v18 =	vadd.f32 v19, v18;
	v61 =	vmul.f32 v57, v28  }
0xea: {  	v56 =	vld [tilespmem:s14+$0x30];
	v28 =	vmul.f32 v28, v28;
	v39 =	vadd.f32 v42, v58;
	v42 =	vmul.f32 v45, v45  }
0xeb: {  	v48 =	vld [tilespmem:s0+$0x0];
	v32 =	vadd.f32 v32, v36;
	v36 =	vmul.f32 v60, v60;
	v43 =	vmul.f32 v46, v46  }
0xec: {  	v51 =	vld [tilespmem:s0+$0x30];
	v59 =	vmul.f32 v37, v37;
	v14 =	vadd.f32 v14, v27;
	v27 =	vmul.f32 v46, v44  }
0xed: {  	v52 =	vld [tilespmem:s0+$0x40];
	v38 =	vadd.f32 v40, v38;
	v16 =	vmul.f32 v21, v49;
	v19 =	vmul.f32 v45, v25  }
0xee: {  	v54 =	vld [tilespmem:s14+$0x20];
	v24 =	vadd.f32 v62, v24;
	v25 =	vmul.f32 v25, v25;
	v53 =	vmul.f32 v47, v29  }
0xef: {  	v58 =	vld [tilespmem:s14+$0x40];
	v29 =	vmul.f32 v29, v29;
	v33 =	vadd.f32 v33, v42;
	v36 =	vadd.f32 v36, v41  }
0xf0: {  	v60 =	vld [tilespmem:s14+$0x50];
	v21 =	vmul.f32 v21, v21;
	v22 =	vadd.f32 v22, v34;
	v15 =	vadd.f32 v18, v15  }
0xf1: {  	v46 =	vld [tilespmem:s14+$0x10];
	v55 =	vmul.f32 v50, v50;
	v18 =	vadd.f32 v23, v20;
	v14 =	vadd.f32 v14, v39  }
0xf2: {  	v49 =	vld [tilespmem:s0+$0x10];
	v16 =	vadd.f32 v16, v31;
	v31 =	vmul.f32 v44, v44;
	v19 =	vadd.f32 v61, v19  }
0xf3: {  	(xrf2) =	vadd.scan.msk.f32 $0xffff, v9;
	v44 =	vld [tilespmem:s0+$0x50];
	v25 =	vadd.f32 v28, v25;
	v28 =	vmul.f32 v47, v47;
	v47 =	vmul.f32 v48, v48  }
0xf4: {  	(xrf2) =	vadd.scan.msk.f32 $0xffff, v8;
	v27 =	vadd.f32 v53, v27;
	v53 =	vld [tilespmem:s14+$0x0];
	v57 =	vmul.f32 v52, v52;
	v62 =	vmul.f32 v56, v51  }
0xf5: {  	(xrf2) =	vadd.scan.msk.f32 $0xffff, v12;
	v45 =	vld [tilespmem:s0+$0x70];
	v21 =	vadd.f32 v21, v35;
	v52 =	vmul.f32 v58, v52;
	v12 =	vmul.f32 v60, v60  }
0xf6: {  	v61 =	vld [tilespmem:s14+$0x60];
	v29 =	vadd.f32 v29, v31;
	v31 =	vmul.f32 v51, v51;
	v28 =	vadd.f32 v28, v43  }
0xf7: {  	v43 =	vmul.f32 v54, v50;
	v16 =	vadd.f32 v19, v16;
	v40 =	vmul.f32 v49, v49  }
0xf8: {  	v50 =	vld [tilespmem:s0+$0xFFFFFF00];
	v23 =	vadd.f32 v25, v32;
	v63 =	vmul.f32 v46, v49;
	v46 =	vmul.f32 v46, v46  }
0xf9: {  	v21 =	vadd.f32 v33, v21;
	v35 =	vmul.f32 v44, v44;
	v42 =	vmul.f32 v53, v48  }
0xfa: {  	v31 =	vadd.f32 v31, v55;
	v48 =	vmul.f32 v45, v45;
	v49 =	vmul.f32 v53, v53  }
0xfb: {  	(xrf2) =	vadd.scan.msk.f32 $0xffff, v26;
	v40 =	vadd.f32 v40, v47;
	v9 =	vmul.f32 v60, v44;
	v8 =	vmul.f32 v61, v37  }
0xfc: {  	(xrf2) =	vadd.scan.msk.f32 $0xffff, v17;
	v17 =	vmul.f32 v61, v61;
	v41 =	vadd.f32 v63, v42;
	v63 =	vmul.f32 v54, v54  }
0xfd: {  	v53 =	vld [tilespmem:s14+$0x70];
	v54 =	vmul.f32 v56, v56;
	v42 =	vadd.f32 v62, v43;
	v3 =	vmul.f32 v3, v50  }
0xfe: {  	v9 =	vadd.f32 v9, v52;
	v26 =	vmul.f32 v50, v50;
	v35 =	vadd.f32 v35, v57  }
0xff: {  	v56 =	vmul.f32 v58, v58;
	v61 =	vadd.f32 v48, v59;
	v3 =	vadd.f32 v11, v3  }
0x100: {  	v10 =	vadd.f32 v10, v26;
	v26 =	vadd.f32 v46, v49  }
0x101: {  	v62 =	vadd.f32 v54, v63;
	v12 =	vadd.f32 v12, v56  }
0x102: {  	v58 =	vmul.f32 v53, v45;
	v11 =	vmul.f32 v53, v53;
	v3 =	vadd.f32 v30, v3  }
0x103: {  	v63, _, _ =	vpop (xrf2);
	v10 =	vadd.f32 v13, v10;
	(xrf2) =	vadd.scan.msk.f32 $0xffff, v7;
	v7 =	vadd.f32 v27, v24  }
0x104: {  	v8 =	vadd.f32 v58, v8;
	v11 =	vadd.f32 v11, v17;
	v17, _, _ =	vpop (xrf2);
	(xrf2) =	vadd.scan.msk.f32 $0xffff, v6  }
0x105: {  	v6 =	vadd.f32 v29, v38;
	v13, _, _ =	vpop (xrf2);
	(xrf2) =	vadd.scan.msk.f32 $0xffff, v5;
	v5 =	vadd.f32 v28, v36  }
0x106: {  	v3 =	vadd.f32 v22, v3;
	v10 =	vadd.f32 v15, v10  }
0x107: {  	s14 =	sadd.s32 $0x3, s12;
	[tilespmem:v2+s22+$0x0] =	vst.idx.msk vm0, v63;
	v7 =	vadd.f32 v7, v16;
	v20, _, _ =	vpop (xrf2);
	(xrf2) =	vadd.scan.msk.f32 $0xffff, v4;
	v4 =	vadd.f32 v42, v41  }
0x108: {  	v30 =	vmov s14;
	[tilespmem:v2+s23+$0x0] =	vst.idx.msk vm0, v17;
	v8 =	vadd.f32 v8, v9;
	v9 =	vadd.f32 v14, v18  }
0x109: {  	[tilespmem:v2+s24+$0x0] =	vst.idx.msk vm0, v13;
	v2 =	vadd.f32 v61, v35;
	v6 =	vadd.f32 v6, v23;
	v19, _, _ =	vpop (xrf2);
	(xrf2) =	vadd.scan.msk.f32 $0xffff, v3  }
0x10a: {  	v3 =	vadd.f32 v31, v40;
	v5 =	vadd.f32 v5, v21;
	v24, _, _ =	vpop (xrf2);
	(xrf2) =	vadd.scan.msk.f32 $0xffff, v10  }
0x10b: {  	[tilespmem:v1+s22+$0x0] =	vst.idx.msk vm0, v20;
	v10 =	vadd.f32 v62, v26;
	v4 =	vadd.f32 v8, v4;
	v25, _, _ =	vpop (xrf2);
	(xrf2) =	vadd.scan.msk.f32 $0xffff, v9  }
0x10c: {  	[tilespmem:v1+s23+$0x0] =	vst.idx.msk vm0, v19;
	v9 =	vmov s12;
	v2 =	vadd.f32 v2, v3;
	v22, _, _ =	vpop (xrf2);
	(xrf2) =	vadd.scan.msk.f32 $0xffff, v7  }
0x10d: {  	[tilespmem:v30+s22+$0x0] =	vst.idx.msk vm0, v24;
	v7 =	vand.u32 $0xFFFFFFFC, v9;
	v9 =	vadd.f32 v11, v12;
	(xrf2) =	vadd.scan.msk.f32 $0xffff, v6  }
0x10e: {  	s9 =	sadd.s32 $0x1, s12;
	[tilespmem:v30+s23+$0x0] =	vst.idx.msk vm0, v25;
	v6 =	vbroadcast v7, $0x0;
	(xrf2) =	vadd.scan.msk.f32 $0xffff, v5;
	v3, _, _ =	vpop (xrf2)  }
0x10f: {  	v5 =	vmov s9;
	v7 =	vadd.f32 v9, v10;
	(xrf2) =	vadd.scan.msk.f32 $0xffff, v4;
	v4, _, _ =	vpop (xrf2);
	[tilespmem:v1+s24+$0x0] =	vst.idx.msk vm0, v3  }
0x110: {  	s11 =	sadd.s32 $0x2, s12;
	v1 =	vand.u32 $0xFFFFFFFD, v5;
	(xrf2) =	vadd.scan.msk.f32 $0xffff, v2;
	v2, _, _ =	vpop (xrf2);
	[tilespmem:v0+s22+$0x0] =	vst.idx.msk vm0, v4  }
0x111: {  	v1 =	vbroadcast v1, $0x0;
	(xrf2) =	vadd.scan.msk.f32 $0xffff, v7;
	[tilespmem:v0+s23+$0x0] =	vst.idx.msk vm0, v2;
	v2 =	vmov s11  }
0x112: {  	[tilespmem:v30+s24+$0x0] =	vst.idx.msk vm0, v22;
	v3, _, _ =	vpop (xrf2)  }
0x113: {  	v4, _, _ =	vpop (xrf2);
	[tilespmem:v0+s24+$0x0] =	vst.idx.msk vm0, v3;
	v0 =	vand.u32 $0xFFFFFFFE, v2  }
0x114: {  	v0 =	vbroadcast v0, $0x0;
	[tilespmem:v6+s22+$0x0] =	vst.idx.msk vm0, v4;
	v2, _, _ =	vpop (xrf2)  }
0x115: {  	v3, _, _ =	vpop (xrf2);
	[tilespmem:v6+s23+$0x0] =	vst.idx.msk vm0, v2  }
0x116: {  	v2, _, _ =	vpop (xrf2);
	[tilespmem:v6+s24+$0x0] =	vst.idx.msk vm0, v3  }
0x117: {  	v3, _, _ =	vpop (xrf2);
	[tilespmem:v1+s22+$0x0] =	vst.idx.msk vm0, v2  }
0x118: {  	v2, _, _ =	vpop (xrf2);
	[tilespmem:v1+s23+$0x0] =	vst.idx.msk vm0, v3  }
0x119: {  	v3, _, _ =	vpop (xrf2);
	[tilespmem:v1+s24+$0x0] =	vst.idx.msk vm0, v2  }
0x11a: {  	v1, _, _ =	vpop (xrf2);
	[tilespmem:v0+s22+$0x0] =	vst.idx.msk vm0, v3  }
0x11b: {  	v2, _, _ =	vpop (xrf2);
	[tilespmem:v0+s23+$0x0] =	vst.idx.msk vm0, v1  }
0x11c: {  	[tilespmem:v0+s24+$0x0] =	vst.idx.msk vm0, v2  }
0x11d: {  	v0 =	vld [tilespmem:$0x1F780]  }
0x11e: {  	v1 =	vld [tilespmem:$0x1F880];
	_ =	sdelay $0x4  }
0x11f: {  	v0 =	vmul.f32 v1, v0;
	_ =	sdelay $0x1  }
0x120: {  	v1 =	vshra.s32 v0, $0x1;
	v2 =	vmul.f32 $5.000000000e-01, v0  }
0x121: {  	v1 =	vsub.s32 $0x5F3759DF, v1  }
0x122: {  	v3 =	vmul.f32 v1, v2;
	_ =	sdelay $0x1  }
0x123: {  	v3 =	vmul.f32 v1, v3;
	_ =	sdelay $0x1  }
0x124: {  	v3 =	vsub.f32 $1.500000000e+00, v3;
	_ =	sdelay $0x1  }
0x125: {  	v1 =	vmul.f32 v1, v3;
	_ =	sdelay $0x1  }
0x126: {  	v3 =	vmul.f32 v1, v2;
	_ =	sdelay $0x1  }
0x127: {  	v3 =	vmul.f32 v3, v1;
	_ =	sdelay $0x1  }
0x128: {  	v3 =	vsub.f32 $1.500000000e+00, v3;
	_ =	sdelay $0x1  }
0x129: {  	v1 =	vmul.f32 v3, v1;
	_ =	sdelay $0x1  }
0x12a: {  	v2 =	vmul.f32 v1, v2;
	_ =	sdelay $0x1  }
0x12b: {  	v2 =	vmul.f32 v2, v1;
	_ =	sdelay $0x1  }
0x12c: {  	v3 =	vld [tilespmem:$0x1F680];
	v2 =	vsub.f32 $1.500000000e+00, v2;
	_ =	sdelay $0x1  }
0x12d: {  	v1 =	vmul.f32 v2, v1  }
0x12e: {  	vm1 =	vge.f32 v0, $1.000000020e-16  }
0x12f: {  	v0 =	vnsel vm1, $0x4CBEBC20, v1  }
0x130: {  	v0 =	vmul.f32 v0, v3;
	_ =	sdelay $0x1  }
0x131: {  	v0 =	vsub.f32 $0.0e+00, v0;
	_ =	sdelay $0x1  }
0x132: {  	v0 =	vmul.f32 $1.442695020e+00, v0;
	_ =	sdelay $0x1  }
0x133: {  	(erf) = vpow2.f32 v0;
	_ =	sdelay $0x8  }
0x134: {  	v0 =	vpop (erf)  }
0x135: {  	v0 =	vadd.f32 $1.000000000e+00, v0;
	_ =	sdelay $0x1  }
0x136: {  	(erf) = vrcp.f32 v0;
	_ =	sdelay $0x8  }
0x137: {  	v0 =	vpop (erf)  }
0x138: {  	[tilespmem:s30+$0x4F00] =	vst v0  }
0x139: {  	v0 =	vld [tilespmem:$0x1F790]  }
0x13a: {  	v1 =	vld [tilespmem:$0x1F890];
	_ =	sdelay $0x4  }
0x13b: {  	v0 =	vmul.f32 v1, v0;
	_ =	sdelay $0x1  }
0x13c: {  	v1 =	vshra.s32 v0, $0x1;
	v2 =	vmul.f32 $5.000000000e-01, v0  }
0x13d: {  	v1 =	vsub.s32 $0x5F3759DF, v1  }
0x13e: {  	v3 =	vmul.f32 v1, v2;
	_ =	sdelay $0x1  }
0x13f: {  	v3 =	vmul.f32 v1, v3;
	_ =	sdelay $0x1  }
0x140: {  	v3 =	vsub.f32 $1.500000000e+00, v3;
	_ =	sdelay $0x1  }
0x141: {  	v1 =	vmul.f32 v1, v3;
	_ =	sdelay $0x1  }
0x142: {  	v3 =	vmul.f32 v1, v2;
	_ =	sdelay $0x1  }
0x143: {  	v3 =	vmul.f32 v3, v1;
	_ =	sdelay $0x1  }
0x144: {  	v3 =	vsub.f32 $1.500000000e+00, v3;
	_ =	sdelay $0x1  }
0x145: {  	v1 =	vmul.f32 v3, v1;
	_ =	sdelay $0x1  }
0x146: {  	v2 =	vmul.f32 v1, v2;
	_ =	sdelay $0x1  }
0x147: {  	v2 =	vmul.f32 v2, v1;
	_ =	sdelay $0x1  }
0x148: {  	v3 =	vld [tilespmem:$0x1F690];
	v2 =	vsub.f32 $1.500000000e+00, v2;
	_ =	sdelay $0x1  }
0x149: {  	v1 =	vmul.f32 v2, v1  }
0x14a: {  	vm1 =	vge.f32 v0, $1.000000020e-16  }
0x14b: {  	v0 =	vnsel vm1, $0x4CBEBC20, v1  }
0x14c: {  	v0 =	vmul.f32 v0, v3;
	_ =	sdelay $0x1  }
0x14d: {  	v0 =	vsub.f32 $0.0e+00, v0;
	_ =	sdelay $0x1  }
0x14e: {  	v0 =	vmul.f32 $1.442695020e+00, v0;
	_ =	sdelay $0x1  }
0x14f: {  	(erf) = vpow2.f32 v0;
	_ =	sdelay $0x8  }
0x150: {  	v0 =	vpop (erf)  }
0x151: {  	v0 =	vadd.f32 $1.000000000e+00, v0;
	_ =	sdelay $0x1  }
0x152: {  	(erf) = vrcp.f32 v0;
	_ =	sdelay $0x8  }
0x153: {  	v0 =	vpop (erf)  }
0x154: {  	[tilespmem:s30+$0x4F10] =	vst v0  }
0x155: {  	v0 =	vld [tilespmem:$0x1F7A0]  }
0x156: {  	v1 =	vld [tilespmem:$0x1F8A0];
	_ =	sdelay $0x4  }
0x157: {  	v0 =	vmul.f32 v1, v0;
	_ =	sdelay $0x1  }
0x158: {  	v1 =	vshra.s32 v0, $0x1;
	v2 =	vmul.f32 $5.000000000e-01, v0  }
0x159: {  	v1 =	vsub.s32 $0x5F3759DF, v1  }
0x15a: {  	v3 =	vmul.f32 v1, v2;
	_ =	sdelay $0x1  }
0x15b: {  	v3 =	vmul.f32 v1, v3;
	_ =	sdelay $0x1  }
0x15c: {  	v3 =	vsub.f32 $1.500000000e+00, v3;
	_ =	sdelay $0x1  }
0x15d: {  	v1 =	vmul.f32 v1, v3;
	_ =	sdelay $0x1  }
0x15e: {  	v3 =	vmul.f32 v1, v2;
	_ =	sdelay $0x1  }
0x15f: {  	v3 =	vmul.f32 v3, v1;
	_ =	sdelay $0x1  }
0x160: {  	v3 =	vsub.f32 $1.500000000e+00, v3;
	_ =	sdelay $0x1  }
0x161: {  	v1 =	vmul.f32 v3, v1;
	_ =	sdelay $0x1  }
0x162: {  	v2 =	vmul.f32 v1, v2;
	_ =	sdelay $0x1  }
0x163: {  	v2 =	vmul.f32 v2, v1;
	_ =	sdelay $0x1  }
0x164: {  	v3 =	vld [tilespmem:$0x1F6A0];
	v2 =	vsub.f32 $1.500000000e+00, v2;
	_ =	sdelay $0x1  }
0x165: {  	v1 =	vmul.f32 v2, v1  }
0x166: {  	vm1 =	vge.f32 v0, $1.000000020e-16  }
0x167: {  	v0 =	vnsel vm1, $0x4CBEBC20, v1  }
0x168: {  	v0 =	vmul.f32 v0, v3;
	_ =	sdelay $0x1  }
0x169: {  	v0 =	vsub.f32 $0.0e+00, v0;
	_ =	sdelay $0x1  }
0x16a: {  	v0 =	vmul.f32 $1.442695020e+00, v0;
	_ =	sdelay $0x1  }
0x16b: {  	(erf) = vpow2.f32 v0;
	_ =	sdelay $0x8  }
0x16c: {  	v0 =	vpop (erf)  }
0x16d: {  	v0 =	vadd.f32 $1.000000000e+00, v0;
	_ =	sdelay $0x1  }
0x16e: {  	(erf) = vrcp.f32 v0;
	_ =	sdelay $0x8  }
0x16f: {  	v0 =	vpop (erf)  }
0x170: {  	[tilespmem:s30+$0x4F20] =	vst v0  }
0x171: {  	v0 =	vld [tilespmem:$0x1F7B0]  }
0x172: {  	v1 =	vld [tilespmem:$0x1F8B0];
	_ =	sdelay $0x4  }
0x173: {  	v0 =	vmul.f32 v1, v0;
	_ =	sdelay $0x1  }
0x174: {  	v1 =	vshra.s32 v0, $0x1;
	v2 =	vmul.f32 $5.000000000e-01, v0  }
0x175: {  	v1 =	vsub.s32 $0x5F3759DF, v1  }
0x176: {  	v3 =	vmul.f32 v1, v2;
	_ =	sdelay $0x1  }
0x177: {  	v3 =	vmul.f32 v1, v3;
	_ =	sdelay $0x1  }
0x178: {  	v3 =	vsub.f32 $1.500000000e+00, v3;
	_ =	sdelay $0x1  }
0x179: {  	v1 =	vmul.f32 v1, v3;
	_ =	sdelay $0x1  }
0x17a: {  	v3 =	vmul.f32 v1, v2;
	_ =	sdelay $0x1  }
0x17b: {  	v3 =	vmul.f32 v3, v1;
	_ =	sdelay $0x1  }
0x17c: {  	v3 =	vsub.f32 $1.500000000e+00, v3;
	_ =	sdelay $0x1  }
0x17d: {  	v1 =	vmul.f32 v3, v1;
	_ =	sdelay $0x1  }
0x17e: {  	v2 =	vmul.f32 v1, v2;
	_ =	sdelay $0x1  }
0x17f: {  	v2 =	vmul.f32 v2, v1;
	_ =	sdelay $0x1  }
0x180: {  	v3 =	vld [tilespmem:$0x1F6B0];
	v2 =	vsub.f32 $1.500000000e+00, v2;
	_ =	sdelay $0x1  }
0x181: {  	v1 =	vmul.f32 v2, v1  }
0x182: {  	vm1 =	vge.f32 v0, $1.000000020e-16  }
0x183: {  	v0 =	vnsel vm1, $0x4CBEBC20, v1  }
0x184: {  	v0 =	vmul.f32 v0, v3;
	_ =	sdelay $0x1  }
0x185: {  	v0 =	vsub.f32 $0.0e+00, v0;
	_ =	sdelay $0x1  }
0x186: {  	v0 =	vmul.f32 $1.442695020e+00, v0;
	_ =	sdelay $0x1  }
0x187: {  	(erf) = vpow2.f32 v0;
	_ =	sdelay $0x8  }
0x188: {  	v0 =	vpop (erf)  }
0x189: {  	v0 =	vadd.f32 $1.000000000e+00, v0;
	_ =	sdelay $0x1  }
0x18a: {  	(erf) = vrcp.f32 v0;
	_ =	sdelay $0x8  }
0x18b: {  	v0 =	vpop (erf)  }
0x18c: {  	[tilespmem:s30+$0x4F30] =	vst v0  }
0x18d: {  	v0 =	vld [tilespmem:$0x1F7C0]  }
0x18e: {  	v1 =	vld [tilespmem:$0x1F8C0];
	_ =	sdelay $0x4  }
0x18f: {  	v0 =	vmul.f32 v1, v0;
	_ =	sdelay $0x1  }
0x190: {  	v1 =	vshra.s32 v0, $0x1;
	v2 =	vmul.f32 $5.000000000e-01, v0  }
0x191: {  	v1 =	vsub.s32 $0x5F3759DF, v1  }
0x192: {  	v3 =	vmul.f32 v1, v2;
	_ =	sdelay $0x1  }
0x193: {  	v3 =	vmul.f32 v1, v3;
	_ =	sdelay $0x1  }
0x194: {  	v3 =	vsub.f32 $1.500000000e+00, v3;
	_ =	sdelay $0x1  }
0x195: {  	v1 =	vmul.f32 v1, v3;
	_ =	sdelay $0x1  }
0x196: {  	v3 =	vmul.f32 v1, v2;
	_ =	sdelay $0x1  }
0x197: {  	v3 =	vmul.f32 v3, v1;
	_ =	sdelay $0x1  }
0x198: {  	v3 =	vsub.f32 $1.500000000e+00, v3;
	_ =	sdelay $0x1  }
0x199: {  	v1 =	vmul.f32 v3, v1;
	_ =	sdelay $0x1  }
0x19a: {  	v2 =	vmul.f32 v1, v2;
	_ =	sdelay $0x1  }
0x19b: {  	v2 =	vmul.f32 v2, v1;
	_ =	sdelay $0x1  }
0x19c: {  	v3 =	vld [tilespmem:$0x1F6C0];
	v2 =	vsub.f32 $1.500000000e+00, v2;
	_ =	sdelay $0x1  }
0x19d: {  	v1 =	vmul.f32 v2, v1  }
0x19e: {  	vm1 =	vge.f32 v0, $1.000000020e-16  }
0x19f: {  	v0 =	vnsel vm1, $0x4CBEBC20, v1  }
0x1a0: {  	v0 =	vmul.f32 v0, v3;
	_ =	sdelay $0x1  }
0x1a1: {  	v0 =	vsub.f32 $0.0e+00, v0;
	_ =	sdelay $0x1  }
0x1a2: {  	v0 =	vmul.f32 $1.442695020e+00, v0;
	_ =	sdelay $0x1  }
0x1a3: {  	(erf) = vpow2.f32 v0;
	_ =	sdelay $0x8  }
0x1a4: {  	v0 =	vpop (erf)  }
0x1a5: {  	v0 =	vadd.f32 $1.000000000e+00, v0;
	_ =	sdelay $0x1  }
0x1a6: {  	(erf) = vrcp.f32 v0;
	_ =	sdelay $0x8  }
0x1a7: {  	v0 =	vpop (erf)  }
0x1a8: {  	[tilespmem:s30+$0x4F40] =	vst v0  }
0x1a9: {  	v0 =	vld [tilespmem:$0x1F7D0]  }
0x1aa: {  	v1 =	vld [tilespmem:$0x1F8D0];
	_ =	sdelay $0x4  }
0x1ab: {  	v0 =	vmul.f32 v1, v0;
	_ =	sdelay $0x1  }
0x1ac: {  	v1 =	vshra.s32 v0, $0x1;
	v2 =	vmul.f32 $5.000000000e-01, v0  }
0x1ad: {  	v1 =	vsub.s32 $0x5F3759DF, v1  }
0x1ae: {  	v3 =	vmul.f32 v1, v2;
	_ =	sdelay $0x1  }
0x1af: {  	v3 =	vmul.f32 v1, v3;
	_ =	sdelay $0x1  }
0x1b0: {  	v3 =	vsub.f32 $1.500000000e+00, v3;
	_ =	sdelay $0x1  }
0x1b1: {  	v1 =	vmul.f32 v1, v3;
	_ =	sdelay $0x1  }
0x1b2: {  	v3 =	vmul.f32 v1, v2;
	_ =	sdelay $0x1  }
0x1b3: {  	v3 =	vmul.f32 v3, v1;
	_ =	sdelay $0x1  }
0x1b4: {  	v3 =	vsub.f32 $1.500000000e+00, v3;
	_ =	sdelay $0x1  }
0x1b5: {  	v1 =	vmul.f32 v3, v1;
	_ =	sdelay $0x1  }
0x1b6: {  	v2 =	vmul.f32 v1, v2;
	_ =	sdelay $0x1  }
0x1b7: {  	v2 =	vmul.f32 v2, v1;
	_ =	sdelay $0x1  }
0x1b8: {  	v3 =	vld [tilespmem:$0x1F6D0];
	v2 =	vsub.f32 $1.500000000e+00, v2;
	_ =	sdelay $0x1  }
0x1b9: {  	v1 =	vmul.f32 v2, v1  }
0x1ba: {  	vm1 =	vge.f32 v0, $1.000000020e-16  }
0x1bb: {  	v0 =	vnsel vm1, $0x4CBEBC20, v1  }
0x1bc: {  	v0 =	vmul.f32 v0, v3;
	_ =	sdelay $0x1  }
0x1bd: {  	v0 =	vsub.f32 $0.0e+00, v0;
	_ =	sdelay $0x1  }
0x1be: {  	v0 =	vmul.f32 $1.442695020e+00, v0;
	_ =	sdelay $0x1  }
0x1bf: {  	(erf) = vpow2.f32 v0;
	_ =	sdelay $0x8  }
0x1c0: {  	v0 =	vpop (erf)  }
0x1c1: {  	v0 =	vadd.f32 $1.000000000e+00, v0;
	_ =	sdelay $0x1  }
0x1c2: {  	(erf) = vrcp.f32 v0;
	_ =	sdelay $0x8  }
0x1c3: {  	v0 =	vpop (erf)  }
0x1c4: {  	[tilespmem:s30+$0x4F50] =	vst v0  }
0x1c5: {  	v0 =	vld [tilespmem:$0x1F7E0]  }
0x1c6: {  	v1 =	vld [tilespmem:$0x1F8E0];
	_ =	sdelay $0x4  }
0x1c7: {  	v0 =	vmul.f32 v1, v0;
	_ =	sdelay $0x1  }
0x1c8: {  	v1 =	vshra.s32 v0, $0x1;
	v2 =	vmul.f32 $5.000000000e-01, v0  }
0x1c9: {  	v1 =	vsub.s32 $0x5F3759DF, v1  }
0x1ca: {  	v3 =	vmul.f32 v1, v2;
	_ =	sdelay $0x1  }
0x1cb: {  	v3 =	vmul.f32 v1, v3;
	_ =	sdelay $0x1  }
0x1cc: {  	v3 =	vsub.f32 $1.500000000e+00, v3;
	_ =	sdelay $0x1  }
0x1cd: {  	v1 =	vmul.f32 v1, v3;
	_ =	sdelay $0x1  }
0x1ce: {  	v3 =	vmul.f32 v1, v2;
	_ =	sdelay $0x1  }
0x1cf: {  	v3 =	vmul.f32 v3, v1;
	_ =	sdelay $0x1  }
0x1d0: {  	v3 =	vsub.f32 $1.500000000e+00, v3;
	_ =	sdelay $0x1  }
0x1d1: {  	v1 =	vmul.f32 v3, v1;
	_ =	sdelay $0x1  }
0x1d2: {  	v2 =	vmul.f32 v1, v2;
	_ =	sdelay $0x1  }
0x1d3: {  	v2 =	vmul.f32 v2, v1;
	_ =	sdelay $0x1  }
0x1d4: {  	v3 =	vld [tilespmem:$0x1F6E0];
	v2 =	vsub.f32 $1.500000000e+00, v2;
	_ =	sdelay $0x1  }
0x1d5: {  	v1 =	vmul.f32 v2, v1  }
0x1d6: {  	vm1 =	vge.f32 v0, $1.000000020e-16  }
0x1d7: {  	v0 =	vnsel vm1, $0x4CBEBC20, v1  }
0x1d8: {  	v0 =	vmul.f32 v0, v3;
	_ =	sdelay $0x1  }
0x1d9: {  	v0 =	vsub.f32 $0.0e+00, v0;
	_ =	sdelay $0x1  }
0x1da: {  	v0 =	vmul.f32 $1.442695020e+00, v0;
	_ =	sdelay $0x1  }
0x1db: {  	(erf) = vpow2.f32 v0;
	_ =	sdelay $0x8  }
0x1dc: {  	v0 =	vpop (erf)  }
0x1dd: {  	v0 =	vadd.f32 $1.000000000e+00, v0;
	_ =	sdelay $0x1  }
0x1de: {  	(erf) = vrcp.f32 v0;
	_ =	sdelay $0x8  }
0x1df: {  	v0 =	vpop (erf)  }
0x1e0: {  	[tilespmem:s30+$0x4F60] =	vst v0  }
0x1e1: {  	v0 =	vld [tilespmem:$0x1F7F0]  }
0x1e2: {  	v1 =	vld [tilespmem:$0x1F8F0];
	_ =	sdelay $0x4  }
0x1e3: {  	v0 =	vmul.f32 v1, v0;
	_ =	sdelay $0x1  }
0x1e4: {  	v1 =	vshra.s32 v0, $0x1;
	v2 =	vmul.f32 $5.000000000e-01, v0  }
0x1e5: {  	v1 =	vsub.s32 $0x5F3759DF, v1  }
0x1e6: {  	v3 =	vmul.f32 v1, v2;
	_ =	sdelay $0x1  }
0x1e7: {  	v3 =	vmul.f32 v1, v3;
	_ =	sdelay $0x1  }
0x1e8: {  	v3 =	vsub.f32 $1.500000000e+00, v3;
	_ =	sdelay $0x1  }
0x1e9: {  	v1 =	vmul.f32 v1, v3;
	_ =	sdelay $0x1  }
0x1ea: {  	v3 =	vmul.f32 v1, v2;
	_ =	sdelay $0x1  }
0x1eb: {  	v3 =	vmul.f32 v3, v1;
	_ =	sdelay $0x1  }
0x1ec: {  	v3 =	vsub.f32 $1.500000000e+00, v3;
	_ =	sdelay $0x1  }
0x1ed: {  	v1 =	vmul.f32 v3, v1;
	_ =	sdelay $0x1  }
0x1ee: {  	v2 =	vmul.f32 v1, v2;
	_ =	sdelay $0x1  }
0x1ef: {  	v2 =	vmul.f32 v2, v1;
	_ =	sdelay $0x1  }
0x1f0: {  	v3 =	vld [tilespmem:$0x1F6F0];
	v2 =	vsub.f32 $1.500000000e+00, v2;
	_ =	sdelay $0x1  }
0x1f1: {  	v1 =	vmul.f32 v2, v1  }
0x1f2: {  	vm1 =	vge.f32 v0, $1.000000020e-16  }
0x1f3: {  	v0 =	vnsel vm1, $0x4CBEBC20, v1  }
0x1f4: {  	v0 =	vmul.f32 v0, v3;
	_ =	sdelay $0x1  }
0x1f5: {  	v0 =	vsub.f32 $0.0e+00, v0;
	_ =	sdelay $0x1  }
0x1f6: {  	v0 =	vmul.f32 $1.442695020e+00, v0;
	_ =	sdelay $0x1  }
0x1f7: {  	(erf) = vpow2.f32 v0;
	_ =	sdelay $0x8  }
0x1f8: {  	v0 =	vpop (erf)  }
0x1f9: {  	v0 =	vadd.f32 $1.000000000e+00, v0;
	_ =	sdelay $0x1  }
0x1fa: {  	(erf) = vrcp.f32 v0;
	_ =	sdelay $0x8  }
0x1fb: {  	v0 =	vpop (erf)  }
0x1fc: {  	[tilespmem:s30+$0x4F70] =	vst v0  }
0x1fd: {  	v0 =	vld [tilespmem:$0x1F800]  }
0x1fe: {  	v1 =	vld [tilespmem:$0x1F900];
	_ =	sdelay $0x4  }
0x1ff: {  	v0 =	vmul.f32 v1, v0;
	_ =	sdelay $0x1  }
0x200: {  	v1 =	vshra.s32 v0, $0x1;
	v2 =	vmul.f32 $5.000000000e-01, v0  }
0x201: {  	v1 =	vsub.s32 $0x5F3759DF, v1  }
0x202: {  	v3 =	vmul.f32 v1, v2;
	_ =	sdelay $0x1  }
0x203: {  	v3 =	vmul.f32 v1, v3;
	_ =	sdelay $0x1  }
0x204: {  	v3 =	vsub.f32 $1.500000000e+00, v3;
	_ =	sdelay $0x1  }
0x205: {  	v1 =	vmul.f32 v1, v3;
	_ =	sdelay $0x1  }
0x206: {  	v3 =	vmul.f32 v1, v2;
	_ =	sdelay $0x1  }
0x207: {  	v3 =	vmul.f32 v3, v1;
	_ =	sdelay $0x1  }
0x208: {  	v3 =	vsub.f32 $1.500000000e+00, v3;
	_ =	sdelay $0x1  }
0x209: {  	v1 =	vmul.f32 v3, v1;
	_ =	sdelay $0x1  }
0x20a: {  	v2 =	vmul.f32 v1, v2;
	_ =	sdelay $0x1  }
0x20b: {  	v2 =	vmul.f32 v2, v1;
	_ =	sdelay $0x1  }
0x20c: {  	v3 =	vld [tilespmem:$0x1F700];
	v2 =	vsub.f32 $1.500000000e+00, v2;
	_ =	sdelay $0x1  }
0x20d: {  	v1 =	vmul.f32 v2, v1  }
0x20e: {  	vm1 =	vge.f32 v0, $1.000000020e-16  }
0x20f: {  	v0 =	vnsel vm1, $0x4CBEBC20, v1  }
0x210: {  	v0 =	vmul.f32 v0, v3;
	_ =	sdelay $0x1  }
0x211: {  	v0 =	vsub.f32 $0.0e+00, v0;
	_ =	sdelay $0x1  }
0x212: {  	v0 =	vmul.f32 $1.442695020e+00, v0;
	_ =	sdelay $0x1  }
0x213: {  	(erf) = vpow2.f32 v0;
	_ =	sdelay $0x8  }
0x214: {  	v0 =	vpop (erf)  }
0x215: {  	v0 =	vadd.f32 $1.000000000e+00, v0;
	_ =	sdelay $0x1  }
0x216: {  	(erf) = vrcp.f32 v0;
	_ =	sdelay $0x8  }
0x217: {  	v0 =	vpop (erf)  }
0x218: {  	[tilespmem:s30+$0x4F80] =	vst v0  }
0x219: {  	v0 =	vld [tilespmem:$0x1F810]  }
0x21a: {  	v1 =	vld [tilespmem:$0x1F910];
	_ =	sdelay $0x4  }
0x21b: {  	v0 =	vmul.f32 v1, v0;
	_ =	sdelay $0x1  }
0x21c: {  	v1 =	vshra.s32 v0, $0x1;
	v2 =	vmul.f32 $5.000000000e-01, v0  }
0x21d: {  	v1 =	vsub.s32 $0x5F3759DF, v1  }
0x21e: {  	v3 =	vmul.f32 v1, v2;
	_ =	sdelay $0x1  }
0x21f: {  	v3 =	vmul.f32 v1, v3;
	_ =	sdelay $0x1  }
0x220: {  	v3 =	vsub.f32 $1.500000000e+00, v3;
	_ =	sdelay $0x1  }
0x221: {  	v1 =	vmul.f32 v1, v3;
	_ =	sdelay $0x1  }
0x222: {  	v3 =	vmul.f32 v1, v2;
	_ =	sdelay $0x1  }
0x223: {  	v3 =	vmul.f32 v3, v1;
	_ =	sdelay $0x1  }
0x224: {  	v3 =	vsub.f32 $1.500000000e+00, v3;
	_ =	sdelay $0x1  }
0x225: {  	v1 =	vmul.f32 v3, v1;
	_ =	sdelay $0x1  }
0x226: {  	v2 =	vmul.f32 v1, v2;
	_ =	sdelay $0x1  }
0x227: {  	v2 =	vmul.f32 v2, v1;
	_ =	sdelay $0x1  }
0x228: {  	v3 =	vld [tilespmem:$0x1F710];
	v2 =	vsub.f32 $1.500000000e+00, v2;
	_ =	sdelay $0x1  }
0x229: {  	v1 =	vmul.f32 v2, v1  }
0x22a: {  	vm1 =	vge.f32 v0, $1.000000020e-16  }
0x22b: {  	v0 =	vnsel vm1, $0x4CBEBC20, v1  }
0x22c: {  	v0 =	vmul.f32 v0, v3;
	_ =	sdelay $0x1  }
0x22d: {  	v0 =	vsub.f32 $0.0e+00, v0;
	_ =	sdelay $0x1  }
0x22e: {  	v0 =	vmul.f32 $1.442695020e+00, v0;
	_ =	sdelay $0x1  }
0x22f: {  	(erf) = vpow2.f32 v0;
	_ =	sdelay $0x8  }
0x230: {  	v0 =	vpop (erf)  }
0x231: {  	v0 =	vadd.f32 $1.000000000e+00, v0;
	_ =	sdelay $0x1  }
0x232: {  	(erf) = vrcp.f32 v0;
	_ =	sdelay $0x8  }
0x233: {  	v0 =	vpop (erf)  }
0x234: {  	[tilespmem:s30+$0x4F90] =	vst v0  }
0x235: {  	v0 =	vld [tilespmem:$0x1F820]  }
0x236: {  	v1 =	vld [tilespmem:$0x1F920];
	_ =	sdelay $0x4  }
0x237: {  	v0 =	vmul.f32 v1, v0;
	_ =	sdelay $0x1  }
0x238: {  	v1 =	vshra.s32 v0, $0x1;
	v2 =	vmul.f32 $5.000000000e-01, v0  }
0x239: {  	v1 =	vsub.s32 $0x5F3759DF, v1  }
0x23a: {  	v3 =	vmul.f32 v1, v2;
	_ =	sdelay $0x1  }
0x23b: {  	v3 =	vmul.f32 v1, v3;
	_ =	sdelay $0x1  }
0x23c: {  	v3 =	vsub.f32 $1.500000000e+00, v3;
	_ =	sdelay $0x1  }
0x23d: {  	v1 =	vmul.f32 v1, v3;
	_ =	sdelay $0x1  }
0x23e: {  	v3 =	vmul.f32 v1, v2;
	_ =	sdelay $0x1  }
0x23f: {  	v3 =	vmul.f32 v3, v1;
	_ =	sdelay $0x1  }
0x240: {  	v3 =	vsub.f32 $1.500000000e+00, v3;
	_ =	sdelay $0x1  }
0x241: {  	v1 =	vmul.f32 v3, v1;
	_ =	sdelay $0x1  }
0x242: {  	v2 =	vmul.f32 v1, v2;
	_ =	sdelay $0x1  }
0x243: {  	v2 =	vmul.f32 v2, v1;
	_ =	sdelay $0x1  }
0x244: {  	v3 =	vld [tilespmem:$0x1F720];
	v2 =	vsub.f32 $1.500000000e+00, v2;
	_ =	sdelay $0x1  }
0x245: {  	v1 =	vmul.f32 v2, v1  }
0x246: {  	vm1 =	vge.f32 v0, $1.000000020e-16  }
0x247: {  	v0 =	vnsel vm1, $0x4CBEBC20, v1  }
0x248: {  	v0 =	vmul.f32 v0, v3;
	_ =	sdelay $0x1  }
0x249: {  	v0 =	vsub.f32 $0.0e+00, v0;
	_ =	sdelay $0x1  }
0x24a: {  	v0 =	vmul.f32 $1.442695020e+00, v0;
	_ =	sdelay $0x1  }
0x24b: {  	(erf) = vpow2.f32 v0;
	_ =	sdelay $0x8  }
0x24c: {  	v0 =	vpop (erf)  }
0x24d: {  	v0 =	vadd.f32 $1.000000000e+00, v0;
	_ =	sdelay $0x1  }
0x24e: {  	(erf) = vrcp.f32 v0;
	_ =	sdelay $0x8  }
0x24f: {  	v0 =	vpop (erf)  }
0x250: {  	[tilespmem:s30+$0x4FA0] =	vst v0  }
0x251: {  	v0 =	vld [tilespmem:$0x1F830]  }
0x252: {  	v1 =	vld [tilespmem:$0x1F930];
	_ =	sdelay $0x4  }
0x253: {  	v0 =	vmul.f32 v1, v0;
	_ =	sdelay $0x1  }
0x254: {  	v1 =	vshra.s32 v0, $0x1;
	v2 =	vmul.f32 $5.000000000e-01, v0  }
0x255: {  	v1 =	vsub.s32 $0x5F3759DF, v1  }
0x256: {  	v3 =	vmul.f32 v1, v2;
	_ =	sdelay $0x1  }
0x257: {  	v3 =	vmul.f32 v1, v3;
	_ =	sdelay $0x1  }
0x258: {  	v3 =	vsub.f32 $1.500000000e+00, v3;
	_ =	sdelay $0x1  }
0x259: {  	v1 =	vmul.f32 v1, v3;
	_ =	sdelay $0x1  }
0x25a: {  	v3 =	vmul.f32 v1, v2;
	_ =	sdelay $0x1  }
0x25b: {  	v3 =	vmul.f32 v3, v1;
	_ =	sdelay $0x1  }
0x25c: {  	v3 =	vsub.f32 $1.500000000e+00, v3;
	_ =	sdelay $0x1  }
0x25d: {  	v1 =	vmul.f32 v3, v1;
	_ =	sdelay $0x1  }
0x25e: {  	v2 =	vmul.f32 v1, v2;
	_ =	sdelay $0x1  }
0x25f: {  	v2 =	vmul.f32 v2, v1;
	_ =	sdelay $0x1  }
0x260: {  	v3 =	vld [tilespmem:$0x1F730];
	v2 =	vsub.f32 $1.500000000e+00, v2;
	_ =	sdelay $0x1  }
0x261: {  	v1 =	vmul.f32 v2, v1  }
0x262: {  	vm1 =	vge.f32 v0, $1.000000020e-16  }
0x263: {  	v0 =	vnsel vm1, $0x4CBEBC20, v1  }
0x264: {  	v0 =	vmul.f32 v0, v3;
	_ =	sdelay $0x1  }
0x265: {  	v0 =	vsub.f32 $0.0e+00, v0;
	_ =	sdelay $0x1  }
0x266: {  	v0 =	vmul.f32 $1.442695020e+00, v0;
	_ =	sdelay $0x1  }
0x267: {  	(erf) = vpow2.f32 v0;
	_ =	sdelay $0x8  }
0x268: {  	v0 =	vpop (erf)  }
0x269: {  	v0 =	vadd.f32 $1.000000000e+00, v0;
	_ =	sdelay $0x1  }
0x26a: {  	(erf) = vrcp.f32 v0;
	_ =	sdelay $0x8  }
0x26b: {  	p0 =	seq.s32 s29, $0x19;
	v0 =	vpop (erf)  }
0x26c: {  	s0 =	sadd.s32 @!p0 $0x180, s30;
	s9 =	simm.s32 @!p0 $0x60;
	s11 =	simm.s32 @!p0 $0x7680;
	[tilespmem:s30+$0x4FB0] =	vst v0  }
0x26d: {  	[tilespmem:s11], [sflag:$0x1] =	stream.indirect.gather @!p0 [hbm4b:s1+s9], $0x80, s0, s9, $0xb8;
	[tilespmem:$0x1F980] =	vst v63  }
0x26e: {  	s0 =	sadd.s32 @!p0 $0x1E0, s30;
	s11 =	simm.s32 @!p0 $0xA680  }
0x26f: {  	[tilespmem:s11], [sflag:$0x1] =	stream.indirect.gather @!p0 [hbm4b:s1+s9], $0x80, s0, s9, $0xb8;
	[tilespmem:$0x1F980] =	vst v63  }
0x270: {  	s0 =	sadd.s32 @!p0 $0x2900, s30;
	s11 =	simm.s32 @!p0 $0xD680  }
0x271: {  	[tilespmem:s11], [sflag:$0x2] =	stream.indirect.gather @!p0 [hbm4b:s1+s9], $0x80, s0, s9, $0xb8;
	[tilespmem:$0x1F980] =	vst v63  }
0x272: {  	s0 =	sadd.s32 @!p0 $0x2960, s30;
	s11 =	simm.s32 @!p0 $0x10680  }
0x273: {  	[tilespmem:s11], [sflag:$0x2] =	stream.indirect.gather @!p0 [hbm4b:s1+s9], $0x80, s0, s9, $0xb8;
	[tilespmem:$0x1F980] =	vst v63  }
0x274: {  	_ =	swait.ge [sflag:s25], $0x3000  }
0x275: {  	[sflag:s25] =	ssyncset.done $0x0  }
0x276: {  	[sflag:s25] =	ssyncadd.s32 $0xFFFFD000  }
0x277: {  	_ =	swait.ge [sflag:s25], $0x3000  }
0x278: {  	[sflag:s25] =	ssyncset.done $0x0  }
0x279: {  	[sflag:s25] =	ssyncadd.s32 $0xFFFFD000  }
0x27a: {  	_ =	swait.ge [sflag:s26], $0x3000  }
0x27b: {  	[sflag:s26] =	ssyncset.done $0x0  }
0x27c: {  	[sflag:s26] =	ssyncadd.s32 $0xFFFFD000  }
0x27d: {  	_ =	swait.ge [sflag:s26], $0x3000  }
0x27e: {  	[sflag:s26] =	ssyncset.done $0x0  }
0x27f: {  	s12 =	simm.s32 $0x13780;
	[sflag:s26] =	ssyncadd.s32 $0xFFFFD000  }
0x280: {  	v0 =	vld [tilespmem:s12+$0x80]  }
0x281: {  	v1 =	vld [tilespmem:s12+$0x90]  }
0x282: {  	v2 =	vld [tilespmem:s12+$0xA0]  }
0x283: {  	v3 =	vld [tilespmem:s12+$0xB0]  }
0x284: {  	v4 =	vld [tilespmem:s12+$0xC0]  }
0x285: {  	v5 =	vld [tilespmem:s12+$0xD0]  }
0x286: {  	v6 =	vld [tilespmem:s12+$0xE0]  }
0x287: {  	s14 =	simm.s32 $0x19780;
	v7 =	vld [tilespmem:s12+$0xF0]  }
0x288: {  	v8 =	vld [tilespmem:s14+$0x80]  }
0x289: {  	v9 =	vld [tilespmem:s14+$0x90]  }
0x28a: {  	v10 =	vld [tilespmem:s14+$0xA0]  }
0x28b: {  	v11 =	vld [tilespmem:s14+$0xB0]  }
0x28c: {  	v12 =	vld [tilespmem:s14+$0xC0]  }
0x28d: {  	v13 =	vld [tilespmem:s14+$0xD0]  }
0x28e: {  	v14 =	vld [tilespmem:s14+$0xE0]  }
0x28f: {  	v15 =	vld [tilespmem:s14+$0xF0]  }
0x290: {  	v16 =	vld [tilespmem:s12+$0xFFFFFF10]  }
0x291: {  	v17 =	vld [tilespmem:s12+$0xFFFFFF20];
	v19 =	vmul.f32 v8, v0;
	v20 =	vmul.f32 v9, v1  }
0x292: {  	v18 =	vld [tilespmem:s12+$0xFFFFFF30];
	v22 =	vmul.f32 v10, v2;
	v23 =	vmul.f32 v11, v3  }
0x293: {  	v21 =	vld [tilespmem:s12+$0xFFFFFF40];
	v25 =	vmul.f32 v12, v4;
	v26 =	vmul.f32 v13, v5  }
0x294: {  	v45 =	vld [tilespmem:s12+$0xFFFFFFD0];
	v28 =	vmul.f32 v14, v6;
	v29 =	vmul.f32 v15, v7  }
0x295: {  	v47 =	vld [tilespmem:s14+$0xFFFFFFA0];
	v31 =	vmul.f32 v0, v0;
	v1 =	vmul.f32 v1, v1  }
0x296: {  	v48 =	vld [tilespmem:s14+$0xFFFFFFB0];
	v2 =	vmul.f32 v2, v2;
	v3 =	vmul.f32 v3, v3  }
0x297: {  	v49 =	vld [tilespmem:s14+$0xFFFFFFC0];
	v4 =	vmul.f32 v4, v4;
	v5 =	vmul.f32 v5, v5  }
0x298: {  	v50 =	vld [tilespmem:s14+$0xFFFFFFE0];
	v6 =	vmul.f32 v6, v6;
	v7 =	vmul.f32 v7, v7  }
0x299: {  	v54 =	vld [tilespmem:s12+$0x10];
	v8 =	vmul.f32 v8, v8;
	v9 =	vmul.f32 v9, v9  }
0x29a: {  	v42 =	vld [tilespmem:s12+$0x30];
	v12 =	vmul.f32 v12, v12;
	v13 =	vmul.f32 v13, v13  }
0x29b: {  	v24 =	vld [tilespmem:s12+$0xFFFFFF50];
	v14 =	vmul.f32 v14, v14;
	v34 =	vmul.f32 v45, v45  }
0x29c: {  	v27 =	vld [tilespmem:s12+$0xFFFFFF60];
	v32 =	vmul.f32 v47, v47;
	v33 =	vmul.f32 v48, v48  }
0x29d: {  	v57 =	vld [tilespmem:s14+$0x50];
	v35 =	vmul.f32 v49, v49;
	v36 =	vmul.f32 v50, v50;
	v19 =	vadd.f32 v20, v19  }
0x29e: {  	v44 =	vld [tilespmem:s14+$0xFFFFFF20];
	v62 =	vmul.f32 v54, v54;
	v22 =	vadd.f32 v23, v22;
	v23 =	vadd.f32 v26, v25  }
0x29f: {  	v43 =	vld [tilespmem:s14+$0xFFFFFF10];
	v63 =	vmul.f32 v42, v42;
	v26 =	vadd.f32 v29, v28;
	v28 =	vadd.f32 v1, v31  }
0x2a0: {  	v20 =	vld [tilespmem:s14+$0xFFFFFF30];
	v1 =	vmul.f32 v10, v10;
	v3 =	vadd.f32 v3, v2;
	v4 =	vadd.f32 v5, v4  }
0x2a1: {  	v25 =	vld [tilespmem:s14+$0xFFFFFF40];
	v5 =	vmul.f32 v11, v11;
	v6 =	vadd.f32 v7, v6;
	v32 =	vadd.f32 v33, v32  }
0x2a2: {  	v10 =	vld [tilespmem:s14+$0xFFFFFF60];
	v33 =	vmul.f32 v57, v57;
	v2 =	vadd.f32 v22, v19;
	v11 =	vadd.f32 v26, v23  }
0x2a3: {  	v30 =	vld [tilespmem:s12+$0xFFFFFF70];
	v3 =	vadd.f32 v3, v28;
	v4 =	vadd.f32 v6, v4;
	v6 =	vmul.f32 v44, v17  }
0x2a4: {  	v29 =	vld [tilespmem:s14+$0xFFFFFF50];
	v2 =	vadd.f32 v11, v2;
	v11 =	vmul.f32 v15, v15;
	v15 =	vadd.f32 v5, v1  }
0x2a5: {  	v59 =	vld [tilespmem:s14+$0x60];
	v1 =	vmul.f32 v43, v16;
	v5 =	vadd.f32 v4, v3;
	v4 =	vmul.f32 v16, v16  }
0x2a6: {  	v12 =	vadd.f32 v13, v12;
	v19 =	vld [tilespmem:s14+$0xFFFFFF70];
	v13 =	vmul.f32 v20, v18;
	v26 =	vmul.f32 v25, v21  }
0x2a7: {  	v53 =	vld [tilespmem:s12+$0x0];
	v8 =	vadd.f32 v9, v8;
	v31 =	vmul.f32 v10, v27;
	v20 =	vmul.f32 v20, v20  }
0x2a8: {  	v22 =	vld [tilespmem:s12+$0xFFFFFFA0];
	v25 =	vmul.f32 v25, v25;
	v10 =	vmul.f32 v10, v10;
	v11 =	vadd.f32 v11, v14  }
0x2a9: {  	v60 =	vld [tilespmem:s14+$0x70];
	v14 =	vmul.f32 v29, v24;
	v8 =	vadd.f32 v15, v8;
	v15 =	vmul.f32 v17, v17  }
0x2aa: {  	v55 =	vld [tilespmem:s12+$0x20];
	v17 =	vmul.f32 v18, v18;
	v29 =	vmul.f32 v29, v29  }
0x2ab: {  	v37 =	vld [tilespmem:s12+$0x40];
	(xrf2) =	vadd.scan.msk.f32 $0xffff, v2;
	v2 =	vmul.f32 v59, v59;
	v46 =	vmul.f32 v19, v30  }
0x2ac: {  	v38 =	vld [tilespmem:s12+$0x50];
	v3 =	vadd.f32 v13, v6;
	v6 =	vmul.f32 v27, v27;
	v13 =	vmul.f32 v30, v30  }
0x2ad: {  	v0 =	vld [tilespmem:s14+$0xFFFFFF00];
	v30 =	vmul.f32 v43, v43;
	v52 =	vmul.f32 v47, v22  }
0x2ae: {  	v7 =	vld [tilespmem:s12+$0xFFFFFF80];
	v22 =	vmul.f32 v22, v22;
	(xrf2) =	vadd.scan.msk.f32 $0xffff, v5;
	v5 =	vmul.f32 v60, v60  }
0x2af: {  	v28 =	vld [tilespmem:s12+$0xFFFFFFC0];
	v11 =	vadd.f32 v11, v12;
	v12 =	vmul.f32 v21, v21;
	v21 =	vmul.f32 v24, v24  }
0x2b0: {  	v16 =	vld [tilespmem:s12+$0xFFFFFFE0];
	v14 =	vadd.f32 v14, v26;
	v26 =	vmul.f32 v44, v44;
	v15 =	vadd.f32 v17, v15  }
0x2b1: {  	v9 =	vld [tilespmem:s12+$0xFFFFFF90];
	v17 =	vmul.f32 v19, v19;
	v25 =	vadd.f32 v29, v25;
	v44 =	vmul.f32 v53, v53  }
0x2b2: {  	v27 =	vld [tilespmem:s14+$0xFFFFFF90];
	v31 =	vadd.f32 v46, v31;
	v6 =	vadd.f32 v13, v6;
	v46 =	vmul.f32 v55, v55  }
0x2b3: {  	v23 =	vld [tilespmem:s12+$0xFFFFFFB0];
	v5 =	vadd.f32 v5, v2;
	v8 =	vadd.f32 v11, v8;
	v11 =	vmul.f32 v0, v0  }
0x2b4: {  	v18 =	vld [tilespmem:s12+$0xFFFFFFF0];
	v12 =	vadd.f32 v21, v12;
	v20 =	vadd.f32 v20, v26;
	v26 =	vmul.f32 v49, v28  }
0x2b5: {  	v24 =	vld [tilespmem:s14+$0xFFFFFF80];
	v10 =	vadd.f32 v17, v10;
	v17 =	vmul.f32 v28, v28;
	v28 =	vmul.f32 v50, v16  }
0x2b6: {  	v19 =	vld [tilespmem:s14+$0xFFFFFFD0];
	v16 =	vmul.f32 v16, v16;
	v49 =	vmul.f32 v38, v38;
	v62 =	vadd.f32 v62, v44  }
0x2b7: {  	v13 =	vld [tilespmem:s14+$0xFFFFFFF0];
	v38 =	vmul.f32 v57, v38;
	v63 =	vadd.f32 v63, v46;
	v51 =	vmul.f32 v27, v9  }
0x2b8: {  	v11 =	vadd.f32 v30, v11;
	v9 =	vmul.f32 v9, v9;
	v30 =	vmul.f32 v48, v23  }
0x2b9: {  	v23 =	vmul.f32 v23, v23;
	v27 =	vmul.f32 v27, v27;
	v17 =	vadd.f32 v34, v17  }
0x2ba: {  	v48 =	vmul.f32 v37, v37;
	v6 =	vadd.f32 v6, v12;
	v21 =	vmul.f32 v24, v7  }
0x2bb: {  	v43 =	vld [tilespmem:s12+$0x70];
	v25 =	vadd.f32 v10, v25;
	v7 =	vmul.f32 v7, v7;
	v29 =	vmul.f32 v19, v45  }
0x2bc: {  	s0 =	simm.s32 $0x13980;
	v34 =	vld [tilespmem:s14+$0x20];
	v24 =	vmul.f32 v24, v24;
	v61 =	vmul.f32 v13, v18;
	v30 =	vadd.f32 v30, v52  }
0x2bd: {  	v45 =	vld [tilespmem:s0+$0x90];
	v18 =	vmul.f32 v18, v18;
	v22 =	vadd.f32 v23, v22;
	v20 =	vadd.f32 v20, v11  }
0x2be: {  	v13 =	vmul.f32 v13, v13;
	v23 =	vld [tilespmem:s14+$0x10];
	v21 =	vadd.f32 v51, v21;
	v26 =	vadd.f32 v29, v26  }
0x2bf: {  	v29 =	vld [tilespmem:s12+$0x60];
	v7 =	vadd.f32 v9, v7;
	v9 =	vmul.f32 v19, v19;
	v24 =	vadd.f32 v27, v24  }
0x2c0: {  	v58 =	vmul.f32 v43, v43;
	v19 =	vld [tilespmem:s14+$0x0];
	v28 =	vadd.f32 v61, v28;
	v16 =	vadd.f32 v18, v16  }
0x2c1: {  	v43 =	vmul.f32 v60, v43;
	v27 =	vld [tilespmem:s14+$0x40];
	v13 =	vadd.f32 v13, v36;
	v9 =	vadd.f32 v9, v35  }
0x2c2: {  	v18 =	vld [tilespmem:s14+$0x30];
	v41 =	vmul.f32 v34, v55;
	v7 =	vadd.f32 v22, v7;
	v24 =	vadd.f32 v32, v24  }
0x2c3: {  	v61 =	vld [tilespmem:s12+$0xFFFFFF00];
	v34 =	vmul.f32 v34, v34;
	v32 =	vadd.f32 v63, v62;
	v26 =	vadd.f32 v28, v26  }
0x2c4: {  	v36 =	vld [tilespmem:s0+$0xC0];
	v16 =	vadd.f32 v16, v17;
	v40 =	vmul.f32 v23, v54;
	v23 =	vmul.f32 v23, v23  }
0x2c5: {  	s14 =	simm.s32 $0x19980;
	v35 =	vld [tilespmem:s0+$0xB0];
	v54 =	vadd.f32 v49, v48;
	v56 =	vmul.f32 v29, v29;
	v39 =	vmul.f32 v19, v53  }
0x2c6: {  	v46 =	vld [tilespmem:s14+$0x80];
	v28 =	vadd.f32 v13, v9;
	v19 =	vmul.f32 v19, v19;
	v37 =	vmul.f32 v27, v37  }
0x2c7: {  	v11 =	vld [tilespmem:s14+$0xB0];
	v27 =	vmul.f32 v27, v27;
	v29 =	vmul.f32 v59, v29;
	v59 =	vadd.f32 v25, v20  }
0x2c8: {  	v12 =	vld [tilespmem:s14+$0xC0];
	v42 =	vmul.f32 v18, v42;
	v39 =	vadd.f32 v40, v39;
	v37 =	vadd.f32 v38, v37  }
0x2c9: {  	v17 =	vld [tilespmem:s14+$0xD0];
	v0 =	vmul.f32 v0, v61;
	v29 =	vadd.f32 v43, v29;
	v55 =	vadd.f32 v58, v56  }
0x2ca: {  	(xrf2) =	vadd.scan.msk.f32 $0xffff, v8;
	v48 =	vld [tilespmem:s14+$0x90];
	v53 =	vmul.f32 v61, v61;
	v8 =	vadd.f32 v23, v19;
	v19 =	vadd.f32 v33, v27  }
0x2cb: {  	v49 =	vld [tilespmem:s14+$0xA0];
	v18 =	vmul.f32 v18, v18;
	v27 =	vadd.f32 v30, v21;
	v41 =	vadd.f32 v42, v41  }
0x2cc: {  	v20 =	vld [tilespmem:s14+$0xFFFFFF10];
	v0 =	vadd.f32 v1, v0;
	v1 =	vadd.f32 v4, v53  }
0x2cd: {  	v38 =	vld [tilespmem:s0+$0xA0];
	v61 =	vmul.f32 v11, v35;
	v18 =	vadd.f32 v18, v34;
	v29 =	vadd.f32 v29, v37  }
0x2ce: {  	v23 =	vld [tilespmem:s0+$0xE0];
	v62 =	vmul.f32 v12, v36;
	v34 =	vadd.f32 v55, v54;
	v0 =	vadd.f32 v3, v0  }
0x2cf: {  	s11 =	simm.s32 $0x3;
	v33 =	vld [tilespmem:s0+$0xF0];
	v58 =	vmul.f32 v48, v45;
	v3 =	vadd.f32 v31, v14;
	v15 =	vadd.f32 v15, v1  }
0x2d0: {  	s12 =	simm.s32 $0x0;
	v21 =	vld [tilespmem:s14+$0xE0];
	v14 =	vmov s11;
	v30 =	vadd.f32 v41, v39;
	v37 =	vadd.f32 v18, v8  }
0x2d1: {  	v42 =	vld [tilespmem:s0+$0x80];
	v1 =	vmov s12;
	v39 =	vadd.f32 v5, v19;
	v8 =	vadd.f32 v16, v7  }
0x2d2: {  	v4 =	vld [tilespmem:s0+$0xD0];
	v7 =	vadd.f32 v28, v24;
	v28 =	vmul.f32 v45, v45;
	v31 =	vmul.f32 v35, v35  }
0x2d3: {  	s12 =	simm.s32 $0x2;
	v16 =	vld [tilespmem:s0+$0xFFFFFF50];
	v35 =	vmul.f32 v48, v48;
	v1 =	vand.u32 $0xFFFFFFFC, v1;
	v40 =	vadd.f32 v3, v0  }
0x2d4: {  	v18 =	vld [tilespmem:s0+$0xFFFFFF60];
	v22 =	vmov s12;
	v5 =	vadd.f32 v34, v32;
	v34 =	vmul.f32 v36, v36  }
0x2d5: {  	v9, _, _ =	vpop (xrf2);
	v19 =	vld [tilespmem:s0+$0xFFFFFF70];
	v2 =	vbroadcast v1, $0x0;
	v56 =	vadd.f32 v6, v15;
	v60 =	vmul.f32 v49, v38;
	(xrf2) =	vadd.scan.msk.f32 $0xffff, v40  }
0x2d6: {  	v24 =	vld [tilespmem:s14+$0xFFFFFF30];
	v25 =	vmul.f32 v21, v23;
	v6 =	vadd.f32 v29, v30;
	v29 =	vmul.f32 v38, v38  }
0x2d7: {  	s11 =	simm.s32 $0x1;
	v13 =	vand.u32 $0xFFFFFFFE, v22;
	v22 =	vld [tilespmem:s14+$0xF0];
	v30 =	vmul.f32 v23, v23;
	v32 =	vmul.f32 v33, v33  }
0x2d8: {  	v10 =	vmov s11;
	v15 =	vld [tilespmem:s0+$0xFFFFFF40];
	v0 =	vbroadcast v13, $0x0;
	v57 =	vmul.f32 v46, v42;
	v1, _, _ =	vpop (xrf2);
	(xrf2) =	vadd.scan.msk.f32 $0xffff, v56  }
0x2d9: {  	v3 =	vld [tilespmem:s14+$0xFFFFFF00];
	v63 =	vmul.f32 v17, v4;
	v36 =	vmul.f32 v4, v4;
	v4 =	vadd.f32 v39, v37  }
0x2da: {  	v23 =	vld [tilespmem:s14+$0xFFFFFF20];
	v37 =	vmul.f32 v49, v49;
	v39 =	vadd.f32 v61, v60;
	[tilespmem:v14+s22+$0x0] =	vst.idx.msk vm0, v9;
	v9 =	vand.u32 $0xFFFFFFFD, v10  }
0x2db: {  	v13 =	vld [tilespmem:s0+$0xFFFFFF20];
	v10, _, _ =	vpop (xrf2);
	[tilespmem:v14+s23+$0x0] =	vst.idx.msk vm0, v1;
	v1 =	vbroadcast v9, $0x0;
	v9 =	vadd.f32 v26, v27;
	(xrf2) =	vadd.scan.msk.f32 $0xffff, v59  }
0x2dc: {  	v27 =	vmul.f32 v42, v42;
	[tilespmem:v14+s24+$0x0] =	vst.idx.msk vm0, v10;
	v10 =	vld [tilespmem:s0+$0xFFFFFF10];
	v26 =	vmul.f32 v22, v33  }
0x2dd: {  	s9 =	simm.s32 $0x8;
	s12 =	simm.s32 $0x4;
	v38 =	vadd.f32 v58, v57;
	v40 =	vadd.f32 v63, v62;
	v14 =	vld [tilespmem:s0+$0xFFFFFF30];
	v33 =	vmul.f32 v46, v46  }
.LBB2_5:
0x2de: {  	p0 =	slt.u32 s9, $0xBC;
	v41 =	vld [tilespmem:s14+$0xFFFFFF40];
	v25 =	vadd.f32 v26, v25;
	v26 =	vadd.f32 v28, v27;
	v11 =	vmul.f32 v11, v11;
	(xrf2) =	vadd.scan.msk.f32 $0xffff, v9  }
0x2df: {  	v28 =	vadd.f32 v31, v29;
	v29 =	vadd.f32 v36, v34;
	v12 =	vmul.f32 v12, v12;
	v27 =	vld [tilespmem:s14+$0xFFFFFF50];
	v31, _, _ =	vpop (xrf2)  }
0x2e0: {  	v17 =	vmul.f32 v17, v17;
	v9 =	vadd.f32 v39, v38;
	v34 =	vld [tilespmem:s14+$0xFFFFFF60];
	v25 =	vadd.f32 v25, v40  }
0x2e1: {  	v30 =	vadd.f32 v32, v30;
	v21 =	vmul.f32 v21, v21;
	v32 =	vadd.f32 v35, v33;
	v36 =	vld [tilespmem:s14+$0xFFFFFF70];
	(xrf2) =	vadd.scan.msk.f32 $0xffff, v8  }
0x2e2: {  	v22 =	vmul.f32 v22, v22;
	v35 =	vadd.f32 v11, v37;
	v33 =	vld [tilespmem:s0+$0xFFFFFF80];
	v25 =	vadd.f32 v25, v9;
	v8, _, _ =	vpop (xrf2)  }
0x2e3: {  	v38 =	vadd.f32 v28, v26;
	v26 =	vadd.f32 v30, v29;
	v9 =	vmul.f32 v20, v10;
	v37 =	vld [tilespmem:s0+$0xFFFFFF90]  }
0x2e4: {  	v12 =	vadd.f32 v17, v12;
	v17 =	vadd.f32 v22, v21;
	v28 =	vmul.f32 v23, v13;
	v29 =	vld [tilespmem:s0+$0xFFFFFFA0];
	(xrf2) =	vadd.scan.msk.f32 $0xffff, v25  }
0x2e5: {  	v21 =	vmul.f32 v24, v14;
	v26 =	vadd.f32 v26, v38;
	v22 =	vmul.f32 v41, v15;
	v25 =	vld [tilespmem:s0+$0xFFFFFFB0];
	v11, _, _ =	vpop (xrf2)  }
0x2e6: {  	v32 =	vadd.f32 v35, v32;
	v35 =	vadd.f32 v17, v12;
	v30 =	vmul.f32 v27, v16;
	v38 =	vld [tilespmem:s0+$0xFFFFFFC0]  }
0x2e7: {  	v12 =	vadd.f32 v21, v28;
	v39 =	vmul.f32 v34, v18;
	v40 =	vmul.f32 v36, v19;
	v28 =	vld [tilespmem:s0+$0xFFFFFFD0];
	(xrf2) =	vadd.scan.msk.f32 $0xffff, v26  }
0x2e8: {  	v17 =	vmul.f32 v10, v10;
	v21 =	vmul.f32 v13, v13;
	v32 =	vadd.f32 v35, v32;
	v26 =	vld [tilespmem:s0+$0xFFFFFFE0];
	v13, _, _ =	vpop (xrf2)  }
0x2e9: {  	v10 =	vadd.f32 v30, v22;
	v22 =	vmul.f32 v14, v14;
	v30 =	vmul.f32 v15, v15;
	v35 =	vld [tilespmem:s0+$0xFFFFFFF0]  }
0x2ea: {  	v16 =	vmul.f32 v16, v16;
	v14 =	vadd.f32 v40, v39;
	v39 =	vmul.f32 v18, v18;
	v40 =	vld [tilespmem:s14+$0xFFFFFF80];
	(xrf2) =	vadd.scan.msk.f32 $0xffff, v32  }
0x2eb: {  	v19 =	vmul.f32 v19, v19;
	v15 =	vadd.f32 v22, v21;
	v21 =	vmul.f32 v3, v3;
	v22 =	vld [tilespmem:s14+$0xFFFFFF90];
	v18, _, _ =	vpop (xrf2)  }
0x2ec: {  	v23 =	vmul.f32 v23, v23;
	v20 =	vmul.f32 v20, v20;
	v16 =	vadd.f32 v16, v30;
	v30 =	vld [tilespmem:s14+$0xFFFFFFA0]  }
0x2ed: {  	s11 =	sadd.s32 $0x3, s12;
	v24 =	vmul.f32 v24, v24;
	v19 =	vadd.f32 v19, v39;
	v32 =	vmul.f32 v41, v41;
	v39 =	vld [tilespmem:s14+$0xFFFFFFB0];
	(xrf2) =	vadd.scan.msk.f32 $0xffff, v7  }
0x2ee: {  	v42 =	vmov s11;
	v27 =	vmul.f32 v27, v27;
	v34 =	vmul.f32 v34, v34;
	v41 =	vld [tilespmem:s14+$0xFFFFFFC0];
	v43, _, _ =	vpop (xrf2);
	[tilespmem:v2+s22+$0x0] =	vst.idx.msk vm0, v31  }
0x2ef: {  	v7 =	vadd.f32 v20, v21;
	v31 =	vmul.f32 v36, v36;
	v36 =	vld [tilespmem:s14+$0xFFFFFFD0];
	v44 =	vmul.f32 v40, v33  }
0x2f0: {  	v20 =	vadd.f32 v24, v23;
	v33 =	vmul.f32 v33, v33;
	v23 =	vld [tilespmem:s14+$0xFFFFFFE0];
	v24 =	vmul.f32 v22, v37;
	(xrf2) =	vadd.scan.msk.f32 $0xffff, v6  }
0x2f1: {  	v6 =	vadd.f32 v27, v32;
	v37 =	vmul.f32 v37, v37;
	v27 =	vld [tilespmem:s14+$0xFFFFFFF0];
	v32 =	vmul.f32 v30, v29;
	v45, _, _ =	vpop (xrf2)  }
0x2f2: {  	v21 =	vadd.f32 v31, v34;
	v29 =	vmul.f32 v29, v29;
	v31 =	vmul.f32 v39, v25;
	v34 =	vld [tilespmem:s0+$0x0]  }
0x2f3: {  	v25 =	vmul.f32 v25, v25;
	v46 =	vmul.f32 v41, v38;
	v47 =	vld [tilespmem:s0+$0x10];
	[tilespmem:v42+s22+$0x0] =	vst.idx.msk vm0, v43;
	(xrf2) =	vadd.scan.msk.f32 $0xffff, v5  }
0x2f4: {  	v38 =	vmul.f32 v38, v38;
	v43 =	vmul.f32 v36, v28;
	v48 =	vld [tilespmem:s0+$0x20];
	[tilespmem:v42+s23+$0x0] =	vst.idx.msk vm0, v45;
	v5, _, _ =	vpop (xrf2)  }
0x2f5: {  	v28 =	vmul.f32 v28, v28;
	v45 =	vmul.f32 v23, v26;
	v49 =	vld [tilespmem:s0+$0x30];
	[tilespmem:v42+s24+$0x0] =	vst.idx.msk vm0, v5  }
0x2f6: {  	v5 =	vadd.f32 v24, v44;
	v24 =	vmul.f32 v26, v26;
	v42 =	vmul.f32 v27, v35;
	v26 =	vld [tilespmem:s0+$0x40];
	(xrf2) =	vadd.scan.msk.f32 $0xffff, v4  }
0x2f7: {  	v4 =	vadd.f32 v31, v32;
	v31 =	vmul.f32 v35, v35;
	v32 =	vmul.f32 v40, v40;
	v35 =	vld [tilespmem:s0+$0x50];
	v40, _, _ =	vpop (xrf2)  }
0x2f8: {  	v22 =	vmul.f32 v22, v22;
	v30 =	vmul.f32 v30, v30;
	v43 =	vadd.f32 v43, v46;
	v44 =	vld [tilespmem:s0+$0x60]  }
0x2f9: {  	v39 =	vmul.f32 v39, v39;
	v41 =	vmul.f32 v41, v41;
	v42 =	vadd.f32 v42, v45;
	v45 =	vld [tilespmem:s0+$0x70]  }
0x2fa: {  	v33 =	vadd.f32 v37, v33;
	v36 =	vmul.f32 v36, v36;
	v23 =	vmul.f32 v23, v23;
	v37 =	vld [tilespmem:s14+$0x0];
	v46, _, _ =	vpop (xrf2)  }
0x2fb: {  	v25 =	vadd.f32 v25, v29;
	v27 =	vmul.f32 v27, v27;
	v50 =	vmul.f32 v34, v34;
	v29 =	vld [tilespmem:s14+$0x10]  }
0x2fc: {  	v28 =	vadd.f32 v28, v38;
	v51 =	vmul.f32 v47, v47;
	v52 =	vmul.f32 v48, v48;
	v38 =	vld [tilespmem:s14+$0x20]  }
0x2fd: {  	v24 =	vadd.f32 v31, v24;
	v53 =	vmul.f32 v49, v49;
	v54 =	vmul.f32 v26, v26;
	v31 =	vld [tilespmem:s14+$0x30];
	v55, _, _ =	vpop (xrf2)  }
0x2fe: {  	v22 =	vadd.f32 v22, v32;
	v56 =	vmul.f32 v35, v35;
	v57 =	vmul.f32 v44, v44;
	v32 =	vld [tilespmem:s14+$0x40]  }
0x2ff: {  	v30 =	vadd.f32 v39, v30;
	v58 =	vmul.f32 v45, v45;
	v39 =	vld [tilespmem:s14+$0x50];
	v34 =	vmul.f32 v37, v34  }
0x300: {  	v36 =	vadd.f32 v36, v41;
	v37 =	vmul.f32 v37, v37;
	v41 =	vld [tilespmem:s14+$0x60];
	v47 =	vmul.f32 v29, v47;
	v59, _, _ =	vpop (xrf2)  }
0x301: {  	v23 =	vadd.f32 v27, v23;
	v29 =	vmul.f32 v29, v29;
	v27 =	vld [tilespmem:s14+$0x70];
	v48 =	vmul.f32 v38, v48  }
0x302: {  	v38 =	vmul.f32 v38, v38;
	v60 =	vld [tilespmem:s0+$0xFFFFFF00];
	v49 =	vmul.f32 v31, v49;
	v34 =	vadd.f32 v47, v34  }
0x303: {  	v47 =	vadd.f32 v51, v50;
	v31 =	vmul.f32 v31, v31;
	v26 =	vmul.f32 v32, v26  }
0x304: {  	s0 =	sadd.s32 $0x200, s0;
	v32 =	vmul.f32 v32, v32;
	v35 =	vmul.f32 v39, v35;
	v48 =	vadd.f32 v49, v48  }
0x305: {  	v50 =	vadd.f32 v53, v52;
	v39 =	vmul.f32 v39, v39;
	v49 =	vld [tilespmem:s0+$0x80];
	v44 =	vmul.f32 v41, v44  }
0x306: {  	v51 =	vld [tilespmem:s0+$0x90];
	v45 =	vmul.f32 v27, v45;
	v26 =	vadd.f32 v35, v26;
	v35 =	vmul.f32 v41, v41  }
0x307: {  	v53 =	vadd.f32 v56, v54;
	v41 =	vld [tilespmem:s0+$0xA0];
	v3 =	vmul.f32 v3, v60;
	v52 =	vmul.f32 v60, v60  }
0x308: {  	v27 =	vmul.f32 v27, v27;
	v54 =	vld [tilespmem:s0+$0xB0];
	v44 =	vadd.f32 v45, v44;
	v45 =	vadd.f32 v58, v57  }
0x309: {  	v56 =	vld [tilespmem:s0+$0xC0];
	v3 =	vadd.f32 v9, v3;
	v9 =	vadd.f32 v17, v52;
	[tilespmem:v2+s23+$0x0] =	vst.idx.msk vm0, v8  }
0x30a: {  	v8 =	vadd.f32 v29, v37;
	v29 =	vadd.f32 v31, v38;
	v52 =	vld [tilespmem:s0+$0xD0];
	[tilespmem:v2+s24+$0x0] =	vst.idx.msk vm0, v11  }
0x30b: {  	v27 =	vadd.f32 v27, v35;
	v31 =	vadd.f32 v39, v32;
	v37 =	vld [tilespmem:s0+$0xE0];
	[tilespmem:v1+s22+$0x0] =	vst.idx.msk vm0, v13  }
0x30c: {  	s14 =	sadd.s32 $0x200, s14;
	v3 =	vadd.f32 v12, v3;
	v13 =	vadd.f32 v14, v10;
	v32 =	vld [tilespmem:s0+$0xF0];
	[tilespmem:v1+s23+$0x0] =	vst.idx.msk vm0, v18  }
0x30d: {  	v2 =	vmov s12;
	v9 =	vadd.f32 v15, v9;
	v14 =	vadd.f32 v19, v16;
	v35 =	vld [tilespmem:s14+$0x80];
	[tilespmem:v1+s24+$0x0] =	vst.idx.msk vm0, v40  }
0x30e: {  	s11 =	sadd.s32 $0x1, s12;
	v7 =	vadd.f32 v20, v7;
	v6 =	vadd.f32 v21, v6;
	v1 =	vand.u32 $0xFFFFFFFC, v2;
	v39 =	vld [tilespmem:s14+$0x90];
	[tilespmem:v0+s22+$0x0] =	vst.idx.msk vm0, v46  }
0x30f: {  	v4 =	vadd.f32 v4, v5;
	v5 =	vadd.f32 v42, v43;
	v10 =	vmov s11;
	s11 =	sadd.s32 $0x2, s12;
	s12 =	smov.u32 s9;
	v46 =	vld [tilespmem:s14+$0xA0];
	[tilespmem:v0+s23+$0x0] =	vst.idx.msk vm0, v55  }
0x310: {  	v16 =	vadd.f32 v25, v33;
	v18 =	vadd.f32 v24, v28;
	v15 =	vmov s11;
	v11 =	vld [tilespmem:s14+$0xB0];
	[tilespmem:v0+s24+$0x0] =	vst.idx.msk vm0, v59  }
0x311: {  	v20 =	vadd.f32 v23, v36;
	v19 =	vadd.f32 v30, v22;
	v2 =	vbroadcast v1, $0x0;
	v12 =	vld [tilespmem:s14+$0xC0]  }
0x312: {  	v23 =	vadd.f32 v48, v34;
	v24 =	vadd.f32 v44, v26;
	v0 =	vand.u32 $0xFFFFFFFD, v10;
	v17 =	vld [tilespmem:s14+$0xD0]  }
0x313: {  	v30 =	vadd.f32 v50, v47;
	v33 =	vadd.f32 v45, v53;
	v15 =	vand.u32 $0xFFFFFFFE, v15;
	v21 =	vld [tilespmem:s14+$0xE0]  }
0x314: {  	v38 =	vadd.f32 v29, v8;
	v40 =	vadd.f32 v27, v31;
	v1 =	vbroadcast v0, $0x0;
	v22 =	vld [tilespmem:s14+$0xF0]  }
0x315: {  	v3 =	vadd.f32 v13, v3;
	v29 =	vadd.f32 v14, v9;
	v0 =	vbroadcast v15, $0x0;
	v10 =	vld [tilespmem:s0+$0xFFFFFF10]  }
0x316: {  	v44 =	vadd.f32 v6, v7;
	v42 =	vmul.f32 v35, v49;
	v43 =	vmul.f32 v39, v51;
	v13 =	vld [tilespmem:s0+$0xFFFFFF20]  }
0x317: {  	v9 =	vadd.f32 v5, v4;
	v45 =	vmul.f32 v46, v41;
	v47 =	vmul.f32 v11, v54;
	v14 =	vld [tilespmem:s0+$0xFFFFFF30];
	(xrf2) =	vadd.scan.msk.f32 $0xffff, v3  }
0x318: {  	v8 =	vadd.f32 v18, v16;
	v48 =	vmul.f32 v12, v56;
	v50 =	vmul.f32 v17, v52;
	v15 =	vld [tilespmem:s0+$0xFFFFFF40]  }
0x319: {  	v7 =	vadd.f32 v20, v19;
	v25 =	vmul.f32 v21, v37;
	v16 =	vld [tilespmem:s0+$0xFFFFFF50];
	v26 =	vmul.f32 v22, v32  }
0x31a: {  	v28 =	vmul.f32 v51, v51;
	v27 =	vmul.f32 v49, v49;
	v6 =	vadd.f32 v24, v23;
	v18 =	vld [tilespmem:s0+$0xFFFFFF60];
	(xrf2) =	vadd.scan.msk.f32 $0xffff, v29  }
.Ltmp1:
0x31b: {  	v31 =	vmul.f32 v54, v54;
	v5 =	vadd.f32 v33, v30;
	v29 =	vmul.f32 v41, v41;
	v19 =	vld [tilespmem:s0+$0xFFFFFF70];
	(pc) =	sbr.rel @p0 .LBB2_5-.Ltmp1, $4  }
0x31c: {  	v34 =	vmul.f32 v56, v56;
	v36 =	vmul.f32 v52, v52;
	v4 =	vadd.f32 v40, v38;
	v3 =	vld [tilespmem:s14+$0xFFFFFF00]  }
0x31d: {  	v30 =	vmul.f32 v37, v37;
	v32 =	vmul.f32 v32, v32;
	v20 =	vld [tilespmem:s14+$0xFFFFFF10];
	(xrf2) =	vadd.scan.msk.f32 $0xffff, v44  }
0x31e: {  	v33 =	vmul.f32 v35, v35;
	v35 =	vmul.f32 v39, v39;
	v38 =	vadd.f32 v43, v42;
	v23 =	vld [tilespmem:s14+$0xFFFFFF20]  }
0x31f: {  	s9 =	sadd.s32 $0x4, s9;
	v39 =	vadd.f32 v47, v45;
	v37 =	vmul.f32 v46, v46;
	v40 =	vadd.f32 v50, v48;
	v24 =	vld [tilespmem:s14+$0xFFFFFF30]  }
0x320: {  	v41 =	vld [tilespmem:s14+$0xFFFFFF40];
	v25 =	vadd.f32 v26, v25;
	v52 =	vadd.f32 v28, v27  }
0x321: {  	v42 =	vld [tilespmem:s14+$0xFFFFFF50];
	v11 =	vmul.f32 v11, v11;
	v53 =	vadd.f32 v31, v29;
	v54 =	vadd.f32 v36, v34  }
0x322: {  	v27 =	vld [tilespmem:s14+$0xFFFFFF60];
	v55 =	vmul.f32 v12, v12;
	v17 =	vmul.f32 v17, v17;
	v30 =	vadd.f32 v32, v30  }
0x323: {  	v31 =	vld [tilespmem:s14+$0xFFFFFF70];
	v21 =	vmul.f32 v21, v21;
	v33 =	vadd.f32 v35, v33;
	v22 =	vmul.f32 v22, v22  }
0x324: {  	v57 =	vld [tilespmem:s0+$0xFFFFFF80];
	v49 =	vmul.f32 v13, v13;
	v50 =	vmul.f32 v14, v14;
	v56 =	vadd.f32 v39, v38  }
0x325: {  	v32 =	vld [tilespmem:s0+$0xFFFFFF90];
	v51 =	vmul.f32 v15, v15;
	v25 =	vadd.f32 v25, v40;
	v59 =	vadd.f32 v11, v37  }
0x326: {  	v28 =	vld [tilespmem:s0+$0xFFFFFFB0];
	v11 =	vmul.f32 v20, v10;
	v26 =	vadd.f32 v53, v52;
	v10 =	vmul.f32 v10, v10  }
0x327: {  	v44 =	vld [tilespmem:s0+$0xFFFFFFE0];
	v29 =	vadd.f32 v30, v54;
	v52 =	vmul.f32 v16, v16;
	v53 =	vmul.f32 v18, v18  }
0x328: {  	v35 =	vld [tilespmem:s14+$0xFFFFFF80];
	v17 =	vadd.f32 v17, v55;
	v54 =	vmul.f32 v19, v19;
	v55 =	vmul.f32 v3, v3  }
0x329: {  	v45 =	vld [tilespmem:s14+$0xFFFFFFA0];
	v21 =	vadd.f32 v22, v21;
	v58 =	vmul.f32 v20, v20;
	v60 =	vmul.f32 v23, v13  }
0x32a: {  	v46 =	vld [tilespmem:s14+$0xFFFFFFE0];
	v13 =	vadd.f32 v50, v49;
	v12 =	vadd.f32 v25, v56;
	v61 =	vmul.f32 v24, v14  }
0x32b: {  	v47 =	vld [tilespmem:s14+$0xFFFFFFF0];
	v26 =	vadd.f32 v29, v26;
	v33 =	vadd.f32 v59, v33;
	v59 =	vmul.f32 v23, v23  }
0x32c: {  	v38 =	vld [tilespmem:s0+$0xFFFFFFC0];
	v17 =	vadd.f32 v21, v17;
	v62 =	vmul.f32 v41, v15;
	v63 =	vmul.f32 v42, v16  }
0x32d: {  	v50 =	vld [tilespmem:s0+$0x20];
	v20 =	vadd.f32 v58, v55;
	v48 =	vmul.f32 v27, v18;
	v43 =	vmul.f32 v31, v19  }
0x32e: {  	v21 =	vld [tilespmem:s14+$0xFFFFFF90];
	v42 =	vmul.f32 v42, v42;
	v27 =	vmul.f32 v27, v27;
	v15 =	vadd.f32 v52, v51  }
0x32f: {  	v25 =	vld [tilespmem:s0+$0xFFFFFFA0];
	v36 =	vmul.f32 v57, v57;
	v30 =	vadd.f32 v61, v60;
	v60 =	vmul.f32 v24, v24  }
0x330: {  	v29 =	vld [tilespmem:s0+$0xFFFFFFF0];
	v61 =	vmul.f32 v41, v41;
	v34 =	vadd.f32 v63, v62;
	v62 =	vmul.f32 v31, v31  }
0x331: {  	v51 =	vld [tilespmem:s0+$0x30];
	v17 =	vadd.f32 v17, v33;
	v63 =	vmul.f32 v35, v57;
	v35 =	vmul.f32 v35, v35  }
0x332: {  	v33 =	vld [tilespmem:s14+$0xFFFFFFB0];
	v39 =	vadd.f32 v42, v61;
	v61 =	vmul.f32 v46, v44;
	v42 =	vmul.f32 v45, v45  }
0x333: {  	v18 =	vadd.f32 v54, v53;
	v41 =	vld [tilespmem:s14+$0xFFFFFFC0];
	v55 =	vmul.f32 v50, v50;
	v56 =	vmul.f32 v21, v32  }
0x334: {  	v22 =	vadd.f32 v43, v48;
	v57 =	vmul.f32 v45, v25;
	v32 =	vmul.f32 v32, v32  }
0x335: {  	v40 =	vld [tilespmem:s0+$0xFFFFFFD0];
	v15 =	vadd.f32 v18, v15;
	v25 =	vmul.f32 v25, v25;
	v53 =	vmul.f32 v47, v29  }
0x336: {  	v54 =	vld [tilespmem:s14+$0x20];
	v14 =	vadd.f32 v62, v27;
	v62 =	vmul.f32 v44, v44;
	v29 =	vmul.f32 v29, v29  }
0x337: {  	v43 =	vld [tilespmem:s14+$0xFFFFFFD0];
	v23 =	vadd.f32 v60, v59;
	v21 =	vmul.f32 v21, v21;
	v31 =	vmul.f32 v51, v51  }
0x338: {  	v37 =	vld [tilespmem:s0+$0x60];
	v22 =	vadd.f32 v22, v34;
	v58 =	vmul.f32 v33, v28;
	v59 =	vmul.f32 v41, v38  }
0x339: {  	v49 =	vld [tilespmem:s0+$0x10];
	v28 =	vmul.f32 v28, v28;
	v38 =	vmul.f32 v38, v38;
	v16 =	vadd.f32 v56, v63  }
0x33a: {  	v48 =	vld [tilespmem:s0+$0x0];
	v27 =	vadd.f32 v53, v61;
	v33 =	vmul.f32 v33, v33;
	v32 =	vadd.f32 v32, v36  }
0x33b: {  	v52 =	vld [tilespmem:s0+$0x40];
	v41 =	vmul.f32 v41, v41;
	v29 =	vadd.f32 v29, v62;
	v21 =	vadd.f32 v21, v35  }
0x33c: {  	v44 =	vld [tilespmem:s0+$0x50];
	v62 =	vmul.f32 v54, v50;
	v14 =	vadd.f32 v14, v39;
	v60 =	vmul.f32 v43, v40  }
0x33d: {  	v45 =	vld [tilespmem:s0+$0x70];
	v40 =	vmul.f32 v40, v40;
	v36 =	vmul.f32 v43, v43;
	v31 =	vadd.f32 v31, v55  }
0x33e: {  	v53 =	vld [tilespmem:s14+$0x0];
	v43 =	vmul.f32 v46, v46;
	v19 =	vadd.f32 v58, v57;
	v25 =	vadd.f32 v28, v25  }
0x33f: {  	v46 =	vld [tilespmem:s14+$0x10];
	v28 =	vmul.f32 v47, v47;
	v47 =	vmul.f32 v48, v48;
	v33 =	vadd.f32 v33, v42  }
0x340: {  	v56 =	vld [tilespmem:s14+$0x30];
	v57 =	vmul.f32 v52, v52;
	v24 =	vadd.f32 v60, v59;
	v38 =	vadd.f32 v40, v38  }
0x341: {  	v58 =	vld [tilespmem:s14+$0x40];
	v40 =	vmul.f32 v49, v49;
	v35 =	vmul.f32 v44, v44;
	v36 =	vadd.f32 v36, v41  }
0x342: {  	v59 =	vmul.f32 v37, v37;
	v60 =	vld [tilespmem:s14+$0x50];
	v28 =	vadd.f32 v28, v43;
	v16 =	vadd.f32 v19, v16  }
0x343: {  	v50 =	vld [tilespmem:s0+$0xFFFFFF00];
	v32 =	vadd.f32 v25, v32;
	v21 =	vadd.f32 v33, v21;
	v42 =	vmul.f32 v53, v48  }
0x344: {  	v48 =	vmul.f32 v45, v45;
	v40 =	vadd.f32 v40, v47;
	v63 =	vmul.f32 v46, v49  }
0x345: {  	v35 =	vadd.f32 v35, v57;
	v49 =	vmul.f32 v53, v53;
	v46 =	vmul.f32 v46, v46  }
0x346: {  	v52 =	vmul.f32 v58, v52;
	v41 =	vadd.f32 v63, v42;
	v63 =	vmul.f32 v56, v51  }
0x347: {  	v38 =	vadd.f32 v29, v38;
	v53 =	vld [tilespmem:s14+$0x70];
	v51 =	vmul.f32 v54, v54;
	v54 =	vmul.f32 v60, v44  }
0x348: {  	(xrf2) =	vadd.scan.msk.f32 $0xffff, v9;
	v43 =	vadd.f32 v28, v36;
	v44 =	vmul.f32 v3, v50;
	v42 =	vadd.f32 v63, v62  }
0x349: {  	(xrf2) =	vadd.scan.msk.f32 $0xffff, v8;
	v47 =	vmul.f32 v56, v56;
	v9 =	vadd.f32 v54, v52;
	v52 =	vadd.f32 v48, v59  }
0x34a: {  	(xrf2) =	vadd.scan.msk.f32 $0xffff, v12;
	v61 =	vld [tilespmem:s14+$0x60];
	v56 =	vmul.f32 v58, v58;
	v3 =	vadd.f32 v11, v44;
	v54 =	vadd.f32 v46, v49  }
0x34b: {  	(xrf2) =	vadd.scan.msk.f32 $0xffff, v26;
	v63 =	vmul.f32 v60, v60;
	v55 =	vadd.f32 v47, v51;
	v60 =	vadd.f32 v23, v20  }
0x34c: {  	(xrf2) =	vadd.scan.msk.f32 $0xffff, v17;
	v48 =	vadd.f32 v31, v40;
	v62 =	vmul.f32 v53, v45;
	v45 =	vmul.f32 v50, v50  }
0x34d: {  	v12 =	vadd.f32 v63, v56;
	v3 =	vadd.f32 v30, v3  }
0x34e: {  	v63 =	vadd.f32 v27, v24;
	v10 =	vadd.f32 v10, v45  }
0x34f: {  	v58 =	vmul.f32 v61, v37;
	v56, _, _ =	vpop (xrf2);
	(xrf2) =	vadd.scan.msk.f32 $0xffff, v7;
	v46 =	vadd.f32 v42, v41;
	v47 =	vadd.f32 v14, v60  }
0x350: {  	v50 =	vmul.f32 v61, v61;
	v49 =	vadd.f32 v52, v35;
	v57, _, _ =	vpop (xrf2);
	(xrf2) =	vadd.scan.msk.f32 $0xffff, v6;
	v10 =	vadd.f32 v13, v10  }
0x351: {  	s9 =	sadd.s32 $0x3, s12;
	v53 =	vmul.f32 v53, v53;
	v8 =	vadd.f32 v62, v58;
	v59, _, _ =	vpop (xrf2);
	(xrf2) =	vadd.scan.msk.f32 $0xffff, v5;
	v3 =	vadd.f32 v22, v3  }
0x352: {  	v58 =	vmov s9;
	[tilespmem:v2+s22+$0x0] =	vst.idx.msk vm0, v56;
	v61, _, _ =	vpop (xrf2);
	(xrf2) =	vadd.scan.msk.f32 $0xffff, v4;
	v10 =	vadd.f32 v15, v10  }
0x353: {  	v51 =	vadd.f32 v55, v54;
	v11 =	vadd.f32 v53, v50;
	[tilespmem:v2+s23+$0x0] =	vst.idx.msk vm0, v57;
	v62, _, _ =	vpop (xrf2);
	(xrf2) =	vadd.scan.msk.f32 $0xffff, v3  }
0x354: {  	v6 =	vadd.f32 v38, v32;
	v7 =	vadd.f32 v63, v16;
	[tilespmem:v2+s24+$0x0] =	vst.idx.msk vm0, v59;
	v34, _, _ =	vpop (xrf2);
	(xrf2) =	vadd.scan.msk.f32 $0xffff, v10  }
0x355: {  	v50 =	vmov s12;
	v8 =	vadd.f32 v8, v9;
	[tilespmem:v1+s22+$0x0] =	vst.idx.msk vm0, v61;
	v39, _, _ =	vpop (xrf2);
	(xrf2) =	vadd.scan.msk.f32 $0xffff, v47  }
0x356: {  	v5 =	vadd.f32 v43, v21;
	v52 =	vand.u32 $0xFFFFFFFC, v50;
	[tilespmem:v1+s23+$0x0] =	vst.idx.msk vm0, v62;
	v45, _, _ =	vpop (xrf2);
	(xrf2) =	vadd.scan.msk.f32 $0xffff, v7  }
0x357: {  	v53 =	vadd.f32 v11, v12;
	v4 =	vadd.f32 v8, v46;
	[tilespmem:v58+s22+$0x0] =	vst.idx.msk vm0, v34;
	(xrf2) =	vadd.scan.msk.f32 $0xffff, v6  }
0x358: {  	s11 =	sadd.s32 $0x1, s12;
	v54 =	vbroadcast v52, $0x0;
	v2 =	vadd.f32 v49, v48;
	[tilespmem:v58+s23+$0x0] =	vst.idx.msk vm0, v39;
	(xrf2) =	vadd.scan.msk.f32 $0xffff, v5  }
0x359: {  	v56 =	vmov s11;
	v57 =	vadd.f32 v53, v51;
	[tilespmem:v58+s24+$0x0] =	vst.idx.msk vm0, v45;
	v55, _, _ =	vpop (xrf2);
	(xrf2) =	vadd.scan.msk.f32 $0xffff, v4  }
0x35a: {  	v59 =	vand.u32 $0xFFFFFFFD, v56;
	v58, _, _ =	vpop (xrf2);
	[tilespmem:v1+s24+$0x0] =	vst.idx.msk vm0, v55;
	(xrf2) =	vadd.scan.msk.f32 $0xffff, v2  }
0x35b: {  	s14 =	sadd.s32 $0x2, s12;
	v1 =	vbroadcast v59, $0x0;
	v60, _, _ =	vpop (xrf2);
	[tilespmem:v0+s22+$0x0] =	vst.idx.msk vm0, v58;
	(xrf2) =	vadd.scan.msk.f32 $0xffff, v57  }
0x35c: {  	v62 =	vmov s14;
	v61, _, _ =	vpop (xrf2);
	[tilespmem:v0+s23+$0x0] =	vst.idx.msk vm0, v60  }
0x35d: {  	v8 =	vand.u32 $0xFFFFFFFE, v62;
	v63, _, _ =	vpop (xrf2);
	[tilespmem:v0+s24+$0x0] =	vst.idx.msk vm0, v61  }
0x35e: {  	v0 =	vbroadcast v8, $0x0;
	[tilespmem:v54+s22+$0x0] =	vst.idx.msk vm0, v63;
	v9, _, _ =	vpop (xrf2)  }
0x35f: {  	v10, _, _ =	vpop (xrf2);
	[tilespmem:v54+s23+$0x0] =	vst.idx.msk vm0, v9  }
0x360: {  	v11, _, _ =	vpop (xrf2);
	[tilespmem:v54+s24+$0x0] =	vst.idx.msk vm0, v10  }
0x361: {  	v12, _, _ =	vpop (xrf2);
	[tilespmem:v1+s22+$0x0] =	vst.idx.msk vm0, v11  }
0x362: {  	v13, _, _ =	vpop (xrf2);
	[tilespmem:v1+s23+$0x0] =	vst.idx.msk vm0, v12  }
0x363: {  	v14, _, _ =	vpop (xrf2);
	[tilespmem:v1+s24+$0x0] =	vst.idx.msk vm0, v13  }
0x364: {  	v15, _, _ =	vpop (xrf2);
	[tilespmem:v0+s22+$0x0] =	vst.idx.msk vm0, v14  }
0x365: {  	v16, _, _ =	vpop (xrf2);
	[tilespmem:v0+s23+$0x0] =	vst.idx.msk vm0, v15  }
0x366: {  	[tilespmem:v0+s24+$0x0] =	vst.idx.msk vm0, v16  }
0x367: {  	v0 =	vld [tilespmem:$0x1F780]  }
0x368: {  	v1 =	vld [tilespmem:$0x1F880];
	_ =	sdelay $0x4  }
0x369: {  	v0 =	vmul.f32 v1, v0;
	_ =	sdelay $0x1  }
0x36a: {  	v1 =	vshra.s32 v0, $0x1;
	v17 =	vmul.f32 $5.000000000e-01, v0  }
0x36b: {  	v1 =	vsub.s32 $0x5F3759DF, v1  }
0x36c: {  	v18 =	vmul.f32 v1, v17;
	_ =	sdelay $0x1  }
0x36d: {  	v3 =	vmul.f32 v1, v18;
	_ =	sdelay $0x1  }
0x36e: {  	v3 =	vsub.f32 $1.500000000e+00, v3;
	_ =	sdelay $0x1  }
0x36f: {  	v1 =	vmul.f32 v1, v3;
	_ =	sdelay $0x1  }
0x370: {  	v3 =	vmul.f32 v1, v17;
	_ =	sdelay $0x1  }
0x371: {  	v3 =	vmul.f32 v3, v1;
	_ =	sdelay $0x1  }
0x372: {  	v3 =	vsub.f32 $1.500000000e+00, v3;
	_ =	sdelay $0x1  }
0x373: {  	v1 =	vmul.f32 v3, v1;
	_ =	sdelay $0x1  }
0x374: {  	v2 =	vmul.f32 v1, v17;
	_ =	sdelay $0x1  }
0x375: {  	v2 =	vmul.f32 v2, v1;
	_ =	sdelay $0x1  }
0x376: {  	v19 =	vld [tilespmem:$0x1F680];
	v2 =	vsub.f32 $1.500000000e+00, v2;
	_ =	sdelay $0x1  }
0x377: {  	v1 =	vmul.f32 v2, v1  }
0x378: {  	vm1 =	vge.f32 v0, $1.000000020e-16  }
0x379: {  	v0 =	vnsel vm1, $0x4CBEBC20, v1  }
0x37a: {  	v0 =	vmul.f32 v0, v19;
	_ =	sdelay $0x1  }
0x37b: {  	v0 =	vsub.f32 $0.0e+00, v0;
	_ =	sdelay $0x1  }
0x37c: {  	v0 =	vmul.f32 $1.442695020e+00, v0;
	_ =	sdelay $0x1  }
0x37d: {  	(erf) = vpow2.f32 v0;
	_ =	sdelay $0x8  }
0x37e: {  	v0 =	vpop (erf)  }
0x37f: {  	v0 =	vadd.f32 $1.000000000e+00, v0;
	_ =	sdelay $0x1  }
0x380: {  	(erf) = vrcp.f32 v0;
	_ =	sdelay $0x8  }
0x381: {  	v0 =	vpop (erf)  }
0x382: {  	[tilespmem:s2+$0x4F00] =	vst v0  }
0x383: {  	v0 =	vld [tilespmem:$0x1F790]  }
0x384: {  	v20 =	vld [tilespmem:$0x1F890];
	_ =	sdelay $0x4  }
0x385: {  	v0 =	vmul.f32 v20, v0;
	_ =	sdelay $0x1  }
0x386: {  	v1 =	vshra.s32 v0, $0x1;
	v21 =	vmul.f32 $5.000000000e-01, v0  }
0x387: {  	v1 =	vsub.s32 $0x5F3759DF, v1  }
0x388: {  	v22 =	vmul.f32 v1, v21;
	_ =	sdelay $0x1  }
0x389: {  	v3 =	vmul.f32 v1, v22;
	_ =	sdelay $0x1  }
0x38a: {  	v3 =	vsub.f32 $1.500000000e+00, v3;
	_ =	sdelay $0x1  }
0x38b: {  	v1 =	vmul.f32 v1, v3;
	_ =	sdelay $0x1  }
0x38c: {  	v3 =	vmul.f32 v1, v21;
	_ =	sdelay $0x1  }
0x38d: {  	v3 =	vmul.f32 v3, v1;
	_ =	sdelay $0x1  }
0x38e: {  	v3 =	vsub.f32 $1.500000000e+00, v3;
	_ =	sdelay $0x1  }
0x38f: {  	v1 =	vmul.f32 v3, v1;
	_ =	sdelay $0x1  }
0x390: {  	v2 =	vmul.f32 v1, v21;
	_ =	sdelay $0x1  }
0x391: {  	v2 =	vmul.f32 v2, v1;
	_ =	sdelay $0x1  }
0x392: {  	v23 =	vld [tilespmem:$0x1F690];
	v2 =	vsub.f32 $1.500000000e+00, v2;
	_ =	sdelay $0x1  }
0x393: {  	v1 =	vmul.f32 v2, v1  }
0x394: {  	vm1 =	vge.f32 v0, $1.000000020e-16  }
0x395: {  	v0 =	vnsel vm1, $0x4CBEBC20, v1  }
0x396: {  	v0 =	vmul.f32 v0, v23;
	_ =	sdelay $0x1  }
0x397: {  	v0 =	vsub.f32 $0.0e+00, v0;
	_ =	sdelay $0x1  }
0x398: {  	v0 =	vmul.f32 $1.442695020e+00, v0;
	_ =	sdelay $0x1  }
0x399: {  	(erf) = vpow2.f32 v0;
	_ =	sdelay $0x8  }
0x39a: {  	v0 =	vpop (erf)  }
0x39b: {  	v0 =	vadd.f32 $1.000000000e+00, v0;
	_ =	sdelay $0x1  }
0x39c: {  	(erf) = vrcp.f32 v0;
	_ =	sdelay $0x8  }
0x39d: {  	v0 =	vpop (erf)  }
0x39e: {  	[tilespmem:s30+$0x4FD0] =	vst v0  }
0x39f: {  	v0 =	vld [tilespmem:$0x1F7A0]  }
0x3a0: {  	v24 =	vld [tilespmem:$0x1F8A0];
	_ =	sdelay $0x4  }
0x3a1: {  	v0 =	vmul.f32 v24, v0;
	_ =	sdelay $0x1  }
0x3a2: {  	v1 =	vshra.s32 v0, $0x1;
	v25 =	vmul.f32 $5.000000000e-01, v0  }
0x3a3: {  	v1 =	vsub.s32 $0x5F3759DF, v1  }
0x3a4: {  	v26 =	vmul.f32 v1, v25;
	_ =	sdelay $0x1  }
0x3a5: {  	v3 =	vmul.f32 v1, v26;
	_ =	sdelay $0x1  }
0x3a6: {  	v3 =	vsub.f32 $1.500000000e+00, v3;
	_ =	sdelay $0x1  }
0x3a7: {  	v1 =	vmul.f32 v1, v3;
	_ =	sdelay $0x1  }
0x3a8: {  	v3 =	vmul.f32 v1, v25;
	_ =	sdelay $0x1  }
0x3a9: {  	v3 =	vmul.f32 v3, v1;
	_ =	sdelay $0x1  }
0x3aa: {  	v3 =	vsub.f32 $1.500000000e+00, v3;
	_ =	sdelay $0x1  }
0x3ab: {  	v1 =	vmul.f32 v3, v1;
	_ =	sdelay $0x1  }
0x3ac: {  	v2 =	vmul.f32 v1, v25;
	_ =	sdelay $0x1  }
0x3ad: {  	v2 =	vmul.f32 v2, v1;
	_ =	sdelay $0x1  }
0x3ae: {  	v27 =	vld [tilespmem:$0x1F6A0];
	v2 =	vsub.f32 $1.500000000e+00, v2;
	_ =	sdelay $0x1  }
0x3af: {  	v1 =	vmul.f32 v2, v1  }
0x3b0: {  	vm1 =	vge.f32 v0, $1.000000020e-16  }
0x3b1: {  	v0 =	vnsel vm1, $0x4CBEBC20, v1  }
0x3b2: {  	v0 =	vmul.f32 v0, v27;
	_ =	sdelay $0x1  }
0x3b3: {  	v0 =	vsub.f32 $0.0e+00, v0;
	_ =	sdelay $0x1  }
0x3b4: {  	v0 =	vmul.f32 $1.442695020e+00, v0;
	_ =	sdelay $0x1  }
0x3b5: {  	(erf) = vpow2.f32 v0;
	_ =	sdelay $0x8  }
0x3b6: {  	v0 =	vpop (erf)  }
0x3b7: {  	v0 =	vadd.f32 $1.000000000e+00, v0;
	_ =	sdelay $0x1  }
0x3b8: {  	(erf) = vrcp.f32 v0;
	_ =	sdelay $0x8  }
0x3b9: {  	v0 =	vpop (erf)  }
0x3ba: {  	[tilespmem:s30+$0x4FE0] =	vst v0  }
0x3bb: {  	v0 =	vld [tilespmem:$0x1F7B0]  }
0x3bc: {  	v28 =	vld [tilespmem:$0x1F8B0];
	_ =	sdelay $0x4  }
0x3bd: {  	v0 =	vmul.f32 v28, v0;
	_ =	sdelay $0x1  }
0x3be: {  	v1 =	vshra.s32 v0, $0x1;
	v29 =	vmul.f32 $5.000000000e-01, v0  }
0x3bf: {  	v1 =	vsub.s32 $0x5F3759DF, v1  }
0x3c0: {  	v30 =	vmul.f32 v1, v29;
	_ =	sdelay $0x1  }
0x3c1: {  	v3 =	vmul.f32 v1, v30;
	_ =	sdelay $0x1  }
0x3c2: {  	v3 =	vsub.f32 $1.500000000e+00, v3;
	_ =	sdelay $0x1  }
0x3c3: {  	v1 =	vmul.f32 v1, v3;
	_ =	sdelay $0x1  }
0x3c4: {  	v3 =	vmul.f32 v1, v29;
	_ =	sdelay $0x1  }
0x3c5: {  	v3 =	vmul.f32 v3, v1;
	_ =	sdelay $0x1  }
0x3c6: {  	v3 =	vsub.f32 $1.500000000e+00, v3;
	_ =	sdelay $0x1  }
0x3c7: {  	v1 =	vmul.f32 v3, v1;
	_ =	sdelay $0x1  }
0x3c8: {  	v2 =	vmul.f32 v1, v29;
	_ =	sdelay $0x1  }
0x3c9: {  	v2 =	vmul.f32 v2, v1;
	_ =	sdelay $0x1  }
0x3ca: {  	v31 =	vld [tilespmem:$0x1F6B0];
	v2 =	vsub.f32 $1.500000000e+00, v2;
	_ =	sdelay $0x1  }
0x3cb: {  	v1 =	vmul.f32 v2, v1  }
0x3cc: {  	vm1 =	vge.f32 v0, $1.000000020e-16  }
0x3cd: {  	v0 =	vnsel vm1, $0x4CBEBC20, v1  }
0x3ce: {  	v0 =	vmul.f32 v0, v31;
	_ =	sdelay $0x1  }
0x3cf: {  	v0 =	vsub.f32 $0.0e+00, v0;
	_ =	sdelay $0x1  }
0x3d0: {  	v0 =	vmul.f32 $1.442695020e+00, v0;
	_ =	sdelay $0x1  }
0x3d1: {  	(erf) = vpow2.f32 v0;
	_ =	sdelay $0x8  }
0x3d2: {  	v0 =	vpop (erf)  }
0x3d3: {  	v0 =	vadd.f32 $1.000000000e+00, v0;
	_ =	sdelay $0x1  }
0x3d4: {  	(erf) = vrcp.f32 v0;
	_ =	sdelay $0x8  }
0x3d5: {  	v0 =	vpop (erf)  }
0x3d6: {  	[tilespmem:s30+$0x4FF0] =	vst v0  }
0x3d7: {  	v0 =	vld [tilespmem:$0x1F7C0]  }
0x3d8: {  	v32 =	vld [tilespmem:$0x1F8C0];
	_ =	sdelay $0x4  }
0x3d9: {  	v0 =	vmul.f32 v32, v0;
	_ =	sdelay $0x1  }
0x3da: {  	v1 =	vshra.s32 v0, $0x1;
	v33 =	vmul.f32 $5.000000000e-01, v0  }
0x3db: {  	v1 =	vsub.s32 $0x5F3759DF, v1  }
0x3dc: {  	v34 =	vmul.f32 v1, v33;
	_ =	sdelay $0x1  }
0x3dd: {  	v3 =	vmul.f32 v1, v34;
	_ =	sdelay $0x1  }
0x3de: {  	v3 =	vsub.f32 $1.500000000e+00, v3;
	_ =	sdelay $0x1  }
0x3df: {  	v1 =	vmul.f32 v1, v3;
	_ =	sdelay $0x1  }
0x3e0: {  	v3 =	vmul.f32 v1, v33;
	_ =	sdelay $0x1  }
0x3e1: {  	v3 =	vmul.f32 v3, v1;
	_ =	sdelay $0x1  }
0x3e2: {  	v3 =	vsub.f32 $1.500000000e+00, v3;
	_ =	sdelay $0x1  }
0x3e3: {  	v1 =	vmul.f32 v3, v1;
	_ =	sdelay $0x1  }
0x3e4: {  	v2 =	vmul.f32 v1, v33;
	_ =	sdelay $0x1  }
0x3e5: {  	v2 =	vmul.f32 v2, v1;
	_ =	sdelay $0x1  }
0x3e6: {  	v35 =	vld [tilespmem:$0x1F6C0];
	v2 =	vsub.f32 $1.500000000e+00, v2;
	_ =	sdelay $0x1  }
0x3e7: {  	v1 =	vmul.f32 v2, v1  }
0x3e8: {  	vm1 =	vge.f32 v0, $1.000000020e-16  }
0x3e9: {  	v0 =	vnsel vm1, $0x4CBEBC20, v1  }
0x3ea: {  	v0 =	vmul.f32 v0, v35;
	_ =	sdelay $0x1  }
0x3eb: {  	v0 =	vsub.f32 $0.0e+00, v0;
	_ =	sdelay $0x1  }
0x3ec: {  	v0 =	vmul.f32 $1.442695020e+00, v0;
	_ =	sdelay $0x1  }
0x3ed: {  	(erf) = vpow2.f32 v0;
	_ =	sdelay $0x8  }
0x3ee: {  	v0 =	vpop (erf)  }
0x3ef: {  	v0 =	vadd.f32 $1.000000000e+00, v0;
	_ =	sdelay $0x1  }
0x3f0: {  	(erf) = vrcp.f32 v0;
	_ =	sdelay $0x8  }
0x3f1: {  	v0 =	vpop (erf)  }
0x3f2: {  	[tilespmem:s30+$0x5000] =	vst v0  }
0x3f3: {  	v0 =	vld [tilespmem:$0x1F7D0]  }
0x3f4: {  	v36 =	vld [tilespmem:$0x1F8D0];
	_ =	sdelay $0x4  }
0x3f5: {  	v0 =	vmul.f32 v36, v0;
	_ =	sdelay $0x1  }
0x3f6: {  	v1 =	vshra.s32 v0, $0x1;
	v37 =	vmul.f32 $5.000000000e-01, v0  }
0x3f7: {  	v1 =	vsub.s32 $0x5F3759DF, v1  }
0x3f8: {  	v38 =	vmul.f32 v1, v37;
	_ =	sdelay $0x1  }
0x3f9: {  	v3 =	vmul.f32 v1, v38;
	_ =	sdelay $0x1  }
0x3fa: {  	v3 =	vsub.f32 $1.500000000e+00, v3;
	_ =	sdelay $0x1  }
0x3fb: {  	v1 =	vmul.f32 v1, v3;
	_ =	sdelay $0x1  }
0x3fc: {  	v3 =	vmul.f32 v1, v37;
	_ =	sdelay $0x1  }
0x3fd: {  	v3 =	vmul.f32 v3, v1;
	_ =	sdelay $0x1  }
0x3fe: {  	v3 =	vsub.f32 $1.500000000e+00, v3;
	_ =	sdelay $0x1  }
0x3ff: {  	v1 =	vmul.f32 v3, v1;
	_ =	sdelay $0x1  }
0x400: {  	v2 =	vmul.f32 v1, v37;
	_ =	sdelay $0x1  }
0x401: {  	v2 =	vmul.f32 v2, v1;
	_ =	sdelay $0x1  }
0x402: {  	v39 =	vld [tilespmem:$0x1F6D0];
	v2 =	vsub.f32 $1.500000000e+00, v2;
	_ =	sdelay $0x1  }
0x403: {  	v1 =	vmul.f32 v2, v1  }
0x404: {  	vm1 =	vge.f32 v0, $1.000000020e-16  }
0x405: {  	v0 =	vnsel vm1, $0x4CBEBC20, v1  }
0x406: {  	v0 =	vmul.f32 v0, v39;
	_ =	sdelay $0x1  }
0x407: {  	v0 =	vsub.f32 $0.0e+00, v0;
	_ =	sdelay $0x1  }
0x408: {  	v0 =	vmul.f32 $1.442695020e+00, v0;
	_ =	sdelay $0x1  }
0x409: {  	(erf) = vpow2.f32 v0;
	_ =	sdelay $0x8  }
0x40a: {  	v0 =	vpop (erf)  }
0x40b: {  	v0 =	vadd.f32 $1.000000000e+00, v0;
	_ =	sdelay $0x1  }
0x40c: {  	(erf) = vrcp.f32 v0;
	_ =	sdelay $0x8  }
0x40d: {  	v0 =	vpop (erf)  }
0x40e: {  	[tilespmem:s30+$0x5010] =	vst v0  }
0x40f: {  	v0 =	vld [tilespmem:$0x1F7E0]  }
0x410: {  	v40 =	vld [tilespmem:$0x1F8E0];
	_ =	sdelay $0x4  }
0x411: {  	v0 =	vmul.f32 v40, v0;
	_ =	sdelay $0x1  }
0x412: {  	v1 =	vshra.s32 v0, $0x1;
	v41 =	vmul.f32 $5.000000000e-01, v0  }
0x413: {  	v1 =	vsub.s32 $0x5F3759DF, v1  }
0x414: {  	v42 =	vmul.f32 v1, v41;
	_ =	sdelay $0x1  }
0x415: {  	v3 =	vmul.f32 v1, v42;
	_ =	sdelay $0x1  }
0x416: {  	v3 =	vsub.f32 $1.500000000e+00, v3;
	_ =	sdelay $0x1  }
0x417: {  	v1 =	vmul.f32 v1, v3;
	_ =	sdelay $0x1  }
0x418: {  	v3 =	vmul.f32 v1, v41;
	_ =	sdelay $0x1  }
0x419: {  	v3 =	vmul.f32 v3, v1;
	_ =	sdelay $0x1  }
0x41a: {  	v3 =	vsub.f32 $1.500000000e+00, v3;
	_ =	sdelay $0x1  }
0x41b: {  	v1 =	vmul.f32 v3, v1;
	_ =	sdelay $0x1  }
0x41c: {  	v2 =	vmul.f32 v1, v41;
	_ =	sdelay $0x1  }
0x41d: {  	v2 =	vmul.f32 v2, v1;
	_ =	sdelay $0x1  }
0x41e: {  	v43 =	vld [tilespmem:$0x1F6E0];
	v2 =	vsub.f32 $1.500000000e+00, v2;
	_ =	sdelay $0x1  }
0x41f: {  	v1 =	vmul.f32 v2, v1  }
0x420: {  	vm1 =	vge.f32 v0, $1.000000020e-16  }
0x421: {  	v0 =	vnsel vm1, $0x4CBEBC20, v1  }
0x422: {  	v0 =	vmul.f32 v0, v43;
	_ =	sdelay $0x1  }
0x423: {  	v0 =	vsub.f32 $0.0e+00, v0;
	_ =	sdelay $0x1  }
0x424: {  	v0 =	vmul.f32 $1.442695020e+00, v0;
	_ =	sdelay $0x1  }
0x425: {  	(erf) = vpow2.f32 v0;
	_ =	sdelay $0x8  }
0x426: {  	v0 =	vpop (erf)  }
0x427: {  	v0 =	vadd.f32 $1.000000000e+00, v0;
	_ =	sdelay $0x1  }
0x428: {  	(erf) = vrcp.f32 v0;
	_ =	sdelay $0x8  }
0x429: {  	v0 =	vpop (erf)  }
0x42a: {  	[tilespmem:s31+$0x4F00] =	vst v0  }
0x42b: {  	v0 =	vld [tilespmem:$0x1F7F0]  }
0x42c: {  	v44 =	vld [tilespmem:$0x1F8F0];
	_ =	sdelay $0x4  }
0x42d: {  	v0 =	vmul.f32 v44, v0;
	_ =	sdelay $0x1  }
0x42e: {  	v1 =	vshra.s32 v0, $0x1;
	v45 =	vmul.f32 $5.000000000e-01, v0  }
0x42f: {  	v1 =	vsub.s32 $0x5F3759DF, v1  }
0x430: {  	v46 =	vmul.f32 v1, v45;
	_ =	sdelay $0x1  }
0x431: {  	v3 =	vmul.f32 v1, v46;
	_ =	sdelay $0x1  }
0x432: {  	v3 =	vsub.f32 $1.500000000e+00, v3;
	_ =	sdelay $0x1  }
0x433: {  	v1 =	vmul.f32 v1, v3;
	_ =	sdelay $0x1  }
0x434: {  	v3 =	vmul.f32 v1, v45;
	_ =	sdelay $0x1  }
0x435: {  	v3 =	vmul.f32 v3, v1;
	_ =	sdelay $0x1  }
0x436: {  	v3 =	vsub.f32 $1.500000000e+00, v3;
	_ =	sdelay $0x1  }
0x437: {  	v1 =	vmul.f32 v3, v1;
	_ =	sdelay $0x1  }
0x438: {  	v2 =	vmul.f32 v1, v45;
	_ =	sdelay $0x1  }
0x439: {  	v2 =	vmul.f32 v2, v1;
	_ =	sdelay $0x1  }
0x43a: {  	v47 =	vld [tilespmem:$0x1F6F0];
	v2 =	vsub.f32 $1.500000000e+00, v2;
	_ =	sdelay $0x1  }
0x43b: {  	v1 =	vmul.f32 v2, v1  }
0x43c: {  	vm1 =	vge.f32 v0, $1.000000020e-16  }
0x43d: {  	v0 =	vnsel vm1, $0x4CBEBC20, v1  }
0x43e: {  	v0 =	vmul.f32 v0, v47;
	_ =	sdelay $0x1  }
0x43f: {  	v0 =	vsub.f32 $0.0e+00, v0;
	_ =	sdelay $0x1  }
0x440: {  	v0 =	vmul.f32 $1.442695020e+00, v0;
	_ =	sdelay $0x1  }
0x441: {  	(erf) = vpow2.f32 v0;
	_ =	sdelay $0x8  }
0x442: {  	v0 =	vpop (erf)  }
0x443: {  	v0 =	vadd.f32 $1.000000000e+00, v0;
	_ =	sdelay $0x1  }
0x444: {  	(erf) = vrcp.f32 v0;
	_ =	sdelay $0x8  }
0x445: {  	v0 =	vpop (erf)  }
0x446: {  	[tilespmem:s30+$0x5030] =	vst v0  }
0x447: {  	v0 =	vld [tilespmem:$0x1F800]  }
0x448: {  	v48 =	vld [tilespmem:$0x1F900];
	_ =	sdelay $0x4  }
0x449: {  	v0 =	vmul.f32 v48, v0;
	_ =	sdelay $0x1  }
0x44a: {  	v1 =	vshra.s32 v0, $0x1;
	v49 =	vmul.f32 $5.000000000e-01, v0  }
0x44b: {  	v1 =	vsub.s32 $0x5F3759DF, v1  }
0x44c: {  	v50 =	vmul.f32 v1, v49;
	_ =	sdelay $0x1  }
0x44d: {  	v3 =	vmul.f32 v1, v50;
	_ =	sdelay $0x1  }
0x44e: {  	v3 =	vsub.f32 $1.500000000e+00, v3;
	_ =	sdelay $0x1  }
0x44f: {  	v1 =	vmul.f32 v1, v3;
	_ =	sdelay $0x1  }
0x450: {  	v3 =	vmul.f32 v1, v49;
	_ =	sdelay $0x1  }
0x451: {  	v3 =	vmul.f32 v3, v1;
	_ =	sdelay $0x1  }
0x452: {  	v3 =	vsub.f32 $1.500000000e+00, v3;
	_ =	sdelay $0x1  }
0x453: {  	v1 =	vmul.f32 v3, v1;
	_ =	sdelay $0x1  }
0x454: {  	v2 =	vmul.f32 v1, v49;
	_ =	sdelay $0x1  }
0x455: {  	v2 =	vmul.f32 v2, v1;
	_ =	sdelay $0x1  }
0x456: {  	v51 =	vld [tilespmem:$0x1F700];
	v2 =	vsub.f32 $1.500000000e+00, v2;
	_ =	sdelay $0x1  }
0x457: {  	v1 =	vmul.f32 v2, v1  }
0x458: {  	vm1 =	vge.f32 v0, $1.000000020e-16  }
0x459: {  	v0 =	vnsel vm1, $0x4CBEBC20, v1  }
0x45a: {  	v0 =	vmul.f32 v0, v51;
	_ =	sdelay $0x1  }
0x45b: {  	v0 =	vsub.f32 $0.0e+00, v0;
	_ =	sdelay $0x1  }
0x45c: {  	v0 =	vmul.f32 $1.442695020e+00, v0;
	_ =	sdelay $0x1  }
0x45d: {  	(erf) = vpow2.f32 v0;
	_ =	sdelay $0x8  }
0x45e: {  	v0 =	vpop (erf)  }
0x45f: {  	v0 =	vadd.f32 $1.000000000e+00, v0;
	_ =	sdelay $0x1  }
0x460: {  	(erf) = vrcp.f32 v0;
	_ =	sdelay $0x8  }
0x461: {  	v0 =	vpop (erf)  }
0x462: {  	[tilespmem:s30+$0x5040] =	vst v0  }
0x463: {  	v0 =	vld [tilespmem:$0x1F810]  }
0x464: {  	v52 =	vld [tilespmem:$0x1F910];
	_ =	sdelay $0x4  }
0x465: {  	v0 =	vmul.f32 v52, v0;
	_ =	sdelay $0x1  }
0x466: {  	v1 =	vshra.s32 v0, $0x1;
	v53 =	vmul.f32 $5.000000000e-01, v0  }
0x467: {  	v1 =	vsub.s32 $0x5F3759DF, v1  }
0x468: {  	v54 =	vmul.f32 v1, v53;
	_ =	sdelay $0x1  }
0x469: {  	v3 =	vmul.f32 v1, v54;
	_ =	sdelay $0x1  }
0x46a: {  	v3 =	vsub.f32 $1.500000000e+00, v3;
	_ =	sdelay $0x1  }
0x46b: {  	v1 =	vmul.f32 v1, v3;
	_ =	sdelay $0x1  }
0x46c: {  	v3 =	vmul.f32 v1, v53;
	_ =	sdelay $0x1  }
0x46d: {  	v3 =	vmul.f32 v3, v1;
	_ =	sdelay $0x1  }
0x46e: {  	v3 =	vsub.f32 $1.500000000e+00, v3;
	_ =	sdelay $0x1  }
0x46f: {  	v1 =	vmul.f32 v3, v1;
	_ =	sdelay $0x1  }
0x470: {  	v2 =	vmul.f32 v1, v53;
	_ =	sdelay $0x1  }
0x471: {  	v2 =	vmul.f32 v2, v1;
	_ =	sdelay $0x1  }
0x472: {  	v55 =	vld [tilespmem:$0x1F710];
	v2 =	vsub.f32 $1.500000000e+00, v2;
	_ =	sdelay $0x1  }
0x473: {  	v1 =	vmul.f32 v2, v1  }
0x474: {  	vm1 =	vge.f32 v0, $1.000000020e-16  }
0x475: {  	v0 =	vnsel vm1, $0x4CBEBC20, v1  }
0x476: {  	v0 =	vmul.f32 v0, v55;
	_ =	sdelay $0x1  }
0x477: {  	v0 =	vsub.f32 $0.0e+00, v0;
	_ =	sdelay $0x1  }
0x478: {  	v0 =	vmul.f32 $1.442695020e+00, v0;
	_ =	sdelay $0x1  }
0x479: {  	(erf) = vpow2.f32 v0;
	_ =	sdelay $0x8  }
0x47a: {  	v0 =	vpop (erf)  }
0x47b: {  	v0 =	vadd.f32 $1.000000000e+00, v0;
	_ =	sdelay $0x1  }
0x47c: {  	(erf) = vrcp.f32 v0;
	_ =	sdelay $0x8  }
0x47d: {  	v0 =	vpop (erf)  }
0x47e: {  	[tilespmem:s30+$0x5050] =	vst v0  }
0x47f: {  	v0 =	vld [tilespmem:$0x1F820]  }
0x480: {  	v56 =	vld [tilespmem:$0x1F920];
	_ =	sdelay $0x4  }
0x481: {  	v0 =	vmul.f32 v56, v0;
	_ =	sdelay $0x1  }
0x482: {  	v1 =	vshra.s32 v0, $0x1;
	v57 =	vmul.f32 $5.000000000e-01, v0  }
0x483: {  	v1 =	vsub.s32 $0x5F3759DF, v1  }
0x484: {  	v58 =	vmul.f32 v1, v57;
	_ =	sdelay $0x1  }
0x485: {  	v3 =	vmul.f32 v1, v58;
	_ =	sdelay $0x1  }
0x486: {  	v3 =	vsub.f32 $1.500000000e+00, v3;
	_ =	sdelay $0x1  }
0x487: {  	v1 =	vmul.f32 v1, v3;
	_ =	sdelay $0x1  }
0x488: {  	v3 =	vmul.f32 v1, v57;
	_ =	sdelay $0x1  }
0x489: {  	v3 =	vmul.f32 v3, v1;
	_ =	sdelay $0x1  }
0x48a: {  	v3 =	vsub.f32 $1.500000000e+00, v3;
	_ =	sdelay $0x1  }
0x48b: {  	v1 =	vmul.f32 v3, v1;
	_ =	sdelay $0x1  }
0x48c: {  	v2 =	vmul.f32 v1, v57;
	_ =	sdelay $0x1  }
0x48d: {  	v2 =	vmul.f32 v2, v1;
	_ =	sdelay $0x1  }
0x48e: {  	v59 =	vld [tilespmem:$0x1F720];
	v2 =	vsub.f32 $1.500000000e+00, v2;
	_ =	sdelay $0x1  }
0x48f: {  	v1 =	vmul.f32 v2, v1  }
0x490: {  	vm1 =	vge.f32 v0, $1.000000020e-16  }
0x491: {  	v0 =	vnsel vm1, $0x4CBEBC20, v1  }
0x492: {  	v0 =	vmul.f32 v0, v59;
	_ =	sdelay $0x1  }
0x493: {  	v0 =	vsub.f32 $0.0e+00, v0;
	_ =	sdelay $0x1  }
0x494: {  	v0 =	vmul.f32 $1.442695020e+00, v0;
	_ =	sdelay $0x1  }
0x495: {  	(erf) = vpow2.f32 v0;
	_ =	sdelay $0x8  }
0x496: {  	v0 =	vpop (erf)  }
0x497: {  	v0 =	vadd.f32 $1.000000000e+00, v0;
	_ =	sdelay $0x1  }
0x498: {  	(erf) = vrcp.f32 v0;
	_ =	sdelay $0x8  }
0x499: {  	v0 =	vpop (erf)  }
0x49a: {  	[tilespmem:s30+$0x5060] =	vst v0  }
0x49b: {  	v0 =	vld [tilespmem:$0x1F830]  }
0x49c: {  	v60 =	vld [tilespmem:$0x1F930];
	_ =	sdelay $0x4  }
0x49d: {  	v0 =	vmul.f32 v60, v0;
	_ =	sdelay $0x1  }
0x49e: {  	v1 =	vshra.s32 v0, $0x1;
	v61 =	vmul.f32 $5.000000000e-01, v0  }
0x49f: {  	v1 =	vsub.s32 $0x5F3759DF, v1  }
0x4a0: {  	v62 =	vmul.f32 v1, v61;
	_ =	sdelay $0x1  }
0x4a1: {  	v3 =	vmul.f32 v1, v62;
	_ =	sdelay $0x1  }
0x4a2: {  	v3 =	vsub.f32 $1.500000000e+00, v3;
	_ =	sdelay $0x1  }
0x4a3: {  	v1 =	vmul.f32 v1, v3;
	_ =	sdelay $0x1  }
0x4a4: {  	v3 =	vmul.f32 v1, v61;
	_ =	sdelay $0x1  }
0x4a5: {  	v3 =	vmul.f32 v3, v1;
	_ =	sdelay $0x1  }
0x4a6: {  	v3 =	vsub.f32 $1.500000000e+00, v3;
	_ =	sdelay $0x1  }
0x4a7: {  	v1 =	vmul.f32 v3, v1;
	_ =	sdelay $0x1  }
0x4a8: {  	v2 =	vmul.f32 v1, v61;
	_ =	sdelay $0x1  }
0x4a9: {  	v2 =	vmul.f32 v2, v1;
	_ =	sdelay $0x1  }
0x4aa: {  	v63 =	vld [tilespmem:$0x1F730];
	v2 =	vsub.f32 $1.500000000e+00, v2;
	_ =	sdelay $0x1  }
0x4ab: {  	v1 =	vmul.f32 v2, v1  }
0x4ac: {  	vm1 =	vge.f32 v0, $1.000000020e-16  }
0x4ad: {  	v0 =	vnsel vm1, $0x4CBEBC20, v1  }
0x4ae: {  	v0 =	vmul.f32 v0, v63;
	_ =	sdelay $0x1  }
0x4af: {  	v0 =	vsub.f32 $0.0e+00, v0;
	_ =	sdelay $0x1  }
0x4b0: {  	v0 =	vmul.f32 $1.442695020e+00, v0;
	_ =	sdelay $0x1  }
0x4b1: {  	(erf) = vpow2.f32 v0;
	_ =	sdelay $0x8  }
0x4b2: {  	v0 =	vpop (erf)  }
0x4b3: {  	v0 =	vadd.f32 $1.000000000e+00, v0;
	_ =	sdelay $0x1  }
0x4b4: {  	(erf) = vrcp.f32 v0;
	_ =	sdelay $0x3  }
0x4b5: {  	s29 =	sadd.s32 $0x1, s29  }
0x4b6: {  	p0 =	sne.s32 s29, $0x1A  }
.Ltmp2:
0x4b7: {  	_ = 	snop;
	(pc) =	sbr.rel @p0 .LBB2_2-.Ltmp2, $3  }
0x4b8: {  	_ =	sdelay $0x1  }
0x4b9: {  	v0 =	vpop (erf)  }
0x4ba: {  	[tilespmem:s30+$0x5070] =	vst v0  }
0x4bb: {  	s14 =	simm.s32 $0x7680;
	s0 =	simm.s32 $0x2700  }
0x4bc: {  	[tilespmem:s14], [sflag:$0x1] =	stream.indirect.gather [hbm4b:s1+s28], $0x80, s0, s28, $0xb8;
	[tilespmem:$0x1F980] =	vst v63  }
0x4bd: {  	s30 =	simm.s32 $0x2708;
	s2 =	simm.s32 $0x7A80  }
0x4be: {  	[tilespmem:s2], [sflag:$0x1] =	stream.indirect.gather [hbm4b:s1+s28], $0x80, s30, s28, $0xb8;
	[tilespmem:$0x1F980] =	vst v63  }
0x4bf: {  	s31 =	simm.s32 $0x4E80  }
0x4c0: {  	[tilespmem:s13], [sflag:$0x2] =	stream.indirect.gather [hbm4b:s1+s28], $0x80, s31, s28, $0xb8;
	[tilespmem:$0x1F980] =	vst v63  }
0x4c1: {  	s9 =	simm.s32 $0xDA80;
	s2 =	simm.s32 $0x4E88  }
0x4c2: {  	[tilespmem:s9], [sflag:$0x2] =	stream.indirect.gather [hbm4b:s1+s28], $0x80, s2, s28, $0xb8;
	[tilespmem:$0x1F980] =	vst v63  }
0x4c3: {  	_ =	swait.ge [sflag:s20], $0x400  }
0x4c4: {  	[sflag:s20] =	ssyncset.done $0x0  }
0x4c5: {  	[sflag:s20] =	ssyncadd.s32 $0xFFFFFC00  }
0x4c6: {  	_ =	swait.ge [sflag:s20], $0x400  }
0x4c7: {  	[sflag:s20] =	ssyncset.done $0x0  }
0x4c8: {  	[sflag:s20] =	ssyncadd.s32 $0xFFFFFC00  }
0x4c9: {  	_ =	swait.ge [sflag:s21], $0x400  }
0x4ca: {  	[sflag:s21] =	ssyncset.done $0x0  }
0x4cb: {  	[sflag:s21] =	ssyncadd.s32 $0xFFFFFC00  }
0x4cc: {  	_ =	swait.ge [sflag:s21], $0x400  }
0x4cd: {  	[sflag:s21] =	ssyncset.done $0x0  }
0x4ce: {  	s11 =	simm.s32 $0x7780;
	[sflag:s21] =	ssyncadd.s32 $0xFFFFFC00  }
0x4cf: {  	v0 =	vld [tilespmem:s11+$0x80]  }
0x4d0: {  	v1 =	vld [tilespmem:s11+$0x90]  }
0x4d1: {  	v2 =	vld [tilespmem:s11+$0xA0]  }
0x4d2: {  	v3 =	vld [tilespmem:s11+$0xB0]  }
0x4d3: {  	v4 =	vld [tilespmem:s11+$0xC0]  }
0x4d4: {  	v5 =	vld [tilespmem:s11+$0xD0]  }
0x4d5: {  	v6 =	vld [tilespmem:s11+$0xE0]  }
0x4d6: {  	s12 =	simm.s32 $0xD780;
	v7 =	vld [tilespmem:s11+$0xF0]  }
0x4d7: {  	v8 =	vld [tilespmem:s12+$0x80]  }
0x4d8: {  	v9 =	vld [tilespmem:s12+$0x90]  }
0x4d9: {  	v10 =	vld [tilespmem:s12+$0xA0]  }
0x4da: {  	v11 =	vld [tilespmem:s12+$0xB0]  }
0x4db: {  	v12 =	vld [tilespmem:s12+$0xC0]  }
0x4dc: {  	v13 =	vld [tilespmem:s12+$0xD0]  }
0x4dd: {  	v14 =	vld [tilespmem:s12+$0xE0]  }
0x4de: {  	v15 =	vld [tilespmem:s12+$0xF0]  }
0x4df: {  	v16 =	vld [tilespmem:s11+$0xFFFFFF10]  }
0x4e0: {  	v17 =	vld [tilespmem:s11+$0xFFFFFF20]  }
0x4e1: {  	v18 =	vld [tilespmem:s11+$0xFFFFFF30]  }
0x4e2: {  	v21 =	vld [tilespmem:s11+$0xFFFFFF40];
	v19 =	vmul.f32 v8, v0;
	v20 =	vmul.f32 v9, v1  }
0x4e3: {  	v24 =	vld [tilespmem:s11+$0xFFFFFF50];
	v22 =	vmul.f32 v10, v2;
	v23 =	vmul.f32 v11, v3  }
0x4e4: {  	v27 =	vld [tilespmem:s11+$0xFFFFFF60];
	v25 =	vmul.f32 v12, v4;
	v26 =	vmul.f32 v13, v5  }
0x4e5: {  	v39 =	vld [tilespmem:s11+$0x0];
	v28 =	vmul.f32 v14, v6;
	v29 =	vmul.f32 v15, v7  }
0x4e6: {  	v40 =	vld [tilespmem:s11+$0x10];
	v31 =	vmul.f32 v0, v0;
	v1 =	vmul.f32 v1, v1  }
0x4e7: {  	v41 =	vld [tilespmem:s11+$0x20];
	v2 =	vmul.f32 v2, v2;
	v3 =	vmul.f32 v3, v3  }
0x4e8: {  	v42 =	vld [tilespmem:s11+$0x30];
	v4 =	vmul.f32 v4, v4;
	v5 =	vmul.f32 v5, v5  }
0x4e9: {  	v57 =	vld [tilespmem:s11+$0x40];
	v6 =	vmul.f32 v6, v6;
	v7 =	vmul.f32 v7, v7  }
0x4ea: {  	v58 =	vld [tilespmem:s11+$0x50];
	v8 =	vmul.f32 v8, v8;
	v9 =	vmul.f32 v9, v9  }
0x4eb: {  	v59 =	vld [tilespmem:s11+$0x70];
	v12 =	vmul.f32 v12, v12;
	v13 =	vmul.f32 v13, v13  }
0x4ec: {  	v60 =	vld [tilespmem:s12+$0x20];
	v14 =	vmul.f32 v14, v14;
	v44 =	vmul.f32 v39, v39  }
0x4ed: {  	v30 =	vld [tilespmem:s11+$0xFFFFFF70];
	v45 =	vmul.f32 v40, v40;
	v46 =	vmul.f32 v41, v41  }
0x4ee: {  	v32 =	vld [tilespmem:s12+$0xFFFFFF10];
	v47 =	vmul.f32 v42, v42;
	v48 =	vmul.f32 v57, v57  }
0x4ef: {  	v33 =	vld [tilespmem:s12+$0xFFFFFF20];
	v49 =	vmul.f32 v58, v58;
	v19 =	vadd.f32 v20, v19;
	v22 =	vadd.f32 v23, v22  }
0x4f0: {  	v34 =	vld [tilespmem:s11+$0xFFFFFFD0];
	v51 =	vmul.f32 v59, v59;
	v23 =	vadd.f32 v26, v25;
	v26 =	vadd.f32 v29, v28  }
0x4f1: {  	v41 =	vmul.f32 v60, v41;
	v20 =	vld [tilespmem:s12+$0xFFFFFF30];
	v28 =	vadd.f32 v1, v31;
	v3 =	vadd.f32 v3, v2  }
0x4f2: {  	v25 =	vld [tilespmem:s12+$0xFFFFFF40];
	v1 =	vmul.f32 v10, v10;
	v4 =	vadd.f32 v5, v4;
	v6 =	vadd.f32 v7, v6  }
0x4f3: {  	v10 =	vld [tilespmem:s12+$0xFFFFFF60];
	v5 =	vmul.f32 v11, v11;
	v2 =	vadd.f32 v22, v19;
	v11 =	vadd.f32 v26, v23  }
0x4f4: {  	v54 =	vld [tilespmem:s12+$0xFFFFFFA0];
	v3 =	vadd.f32 v3, v28;
	v4 =	vadd.f32 v6, v4;
	v6 =	vmul.f32 v33, v17  }
0x4f5: {  	v29 =	vld [tilespmem:s12+$0xFFFFFF50];
	v2 =	vadd.f32 v11, v2;
	v11 =	vmul.f32 v15, v15;
	v15 =	vadd.f32 v5, v1  }
0x4f6: {  	v62 =	vld [tilespmem:s12+$0x60];
	v1 =	vmul.f32 v32, v16;
	v5 =	vadd.f32 v4, v3;
	v4 =	vmul.f32 v16, v16  }
0x4f7: {  	v12 =	vadd.f32 v13, v12;
	v19 =	vld [tilespmem:s12+$0xFFFFFF70];
	v13 =	vmul.f32 v20, v18;
	v26 =	vmul.f32 v25, v21  }
0x4f8: {  	v55 =	vld [tilespmem:s12+$0xFFFFFFB0];
	v8 =	vadd.f32 v9, v8;
	v31 =	vmul.f32 v10, v27;
	v20 =	vmul.f32 v20, v20  }
0x4f9: {  	v22 =	vld [tilespmem:s11+$0xFFFFFFA0];
	v25 =	vmul.f32 v25, v25;
	v10 =	vmul.f32 v10, v10;
	v11 =	vadd.f32 v11, v14  }
0x4fa: {  	v56 =	vld [tilespmem:s12+$0xFFFFFFC0];
	v14 =	vmul.f32 v29, v24;
	v8 =	vadd.f32 v15, v8;
	v15 =	vmul.f32 v17, v17  }
0x4fb: {  	v63 =	vld [tilespmem:s12+$0x70];
	v17 =	vmul.f32 v18, v18;
	v29 =	vmul.f32 v29, v29  }
0x4fc: {  	v36 =	vld [tilespmem:s12+$0xFFFFFFE0];
	v44 =	vadd.f32 v45, v44;
	(xrf2) =	vadd.scan.msk.f32 $0xffff, v2;
	v2 =	vmul.f32 v62, v62;
	v35 =	vmul.f32 v19, v30  }
0x4fd: {  	v61 =	vld [tilespmem:s12+$0x50];
	v3 =	vadd.f32 v13, v6;
	v6 =	vmul.f32 v27, v27;
	v13 =	vmul.f32 v30, v30  }
0x4fe: {  	v52 =	vld [tilespmem:s11+$0xFFFFFF00];
	v53 =	vadd.f32 v47, v46;
	v30 =	vmul.f32 v32, v32;
	v38 =	vmul.f32 v54, v22  }
0x4ff: {  	v0 =	vld [tilespmem:s12+$0xFFFFFF00];
	v22 =	vmul.f32 v22, v22;
	v32 =	vmul.f32 v54, v54;
	v54 =	vadd.f32 v49, v48  }
0x500: {  	v28 =	vld [tilespmem:s11+$0xFFFFFFC0];
	(xrf2) =	vadd.scan.msk.f32 $0xffff, v5;
	v5 =	vmul.f32 v63, v63;
	v11 =	vadd.f32 v11, v12;
	v12 =	vmul.f32 v21, v21  }
0x501: {  	v16 =	vld [tilespmem:s11+$0xFFFFFFE0];
	v21 =	vmul.f32 v24, v24;
	v14 =	vadd.f32 v14, v26;
	v26 =	vmul.f32 v33, v33  }
0x502: {  	v9 =	vld [tilespmem:s11+$0xFFFFFF90];
	v15 =	vadd.f32 v17, v15;
	v17 =	vmul.f32 v19, v19;
	v25 =	vadd.f32 v29, v25  }
0x503: {  	v27 =	vld [tilespmem:s12+$0xFFFFFF90];
	v33 =	vmul.f32 v55, v55;
	v31 =	vadd.f32 v35, v31;
	v35 =	vmul.f32 v56, v56  }
0x504: {  	v23 =	vld [tilespmem:s11+$0xFFFFFFB0];
	v8 =	vadd.f32 v11, v8;
	v11 =	vmul.f32 v0, v0;
	v20 =	vadd.f32 v20, v26  }
0x505: {  	v7 =	vld [tilespmem:s11+$0xFFFFFF80];
	v26 =	vmul.f32 v56, v28;
	v10 =	vadd.f32 v17, v10;
	v17 =	vmul.f32 v28, v28  }
0x506: {  	v24 =	vld [tilespmem:s12+$0xFFFFFF80];
	v6 =	vadd.f32 v13, v6;
	v28 =	vmul.f32 v36, v16;
	v16 =	vmul.f32 v16, v16  }
0x507: {  	v19 =	vld [tilespmem:s12+$0xFFFFFFD0];
	v36 =	vmul.f32 v36, v36;
	v32 =	vadd.f32 v33, v32;
	v33 =	vmul.f32 v61, v61  }
0x508: {  	v18 =	vld [tilespmem:s11+$0xFFFFFFF0];
	v12 =	vadd.f32 v21, v12;
	v0 =	vmul.f32 v0, v52;
	v37 =	vmul.f32 v27, v9  }
0x509: {  	v13 =	vld [tilespmem:s12+$0xFFFFFFF0];
	v11 =	vadd.f32 v30, v11;
	v9 =	vmul.f32 v9, v9;
	v30 =	vmul.f32 v55, v23  }
0x50a: {  	v5 =	vadd.f32 v5, v2;
	v23 =	vmul.f32 v23, v23;
	v27 =	vmul.f32 v27, v27  }
0x50b: {  	v0 =	vadd.f32 v1, v0;
	v6 =	vadd.f32 v6, v12;
	v21 =	vmul.f32 v24, v7  }
0x50c: {  	s30 =	simm.s32 $0x1;
	v25 =	vadd.f32 v10, v25;
	v7 =	vmul.f32 v7, v7;
	v29 =	vmul.f32 v19, v34  }
0x50d: {  	s0 =	simm.s32 $0x7980;
	v10 =	vmov s30;
	v34 =	vmul.f32 v34, v34;
	v24 =	vmul.f32 v24, v24  }
0x50e: {  	v45 =	vld [tilespmem:s0+$0x80];
	v43 =	vmul.f32 v13, v18;
	v30 =	vadd.f32 v30, v38;
	v22 =	vadd.f32 v23, v22  }
0x50f: {  	v47 =	vld [tilespmem:s0+$0xA0];
	v18 =	vmul.f32 v18, v18;
	v0 =	vadd.f32 v3, v0;
	v3 =	vadd.f32 v31, v14  }
0x510: {  	v13 =	vmul.f32 v13, v13;
	v23 =	vld [tilespmem:s12+$0x10];
	v20 =	vadd.f32 v20, v11;
	v21 =	vadd.f32 v37, v21  }
0x511: {  	v38 =	vmul.f32 v61, v58;
	v26 =	vadd.f32 v29, v26;
	v29 =	vld [tilespmem:s11+$0x60];
	v7 =	vadd.f32 v9, v7  }
0x512: {  	s29 =	simm.s32 $0x3;
	v9 =	vmul.f32 v19, v19;
	v19 =	vld [tilespmem:s12+$0x0];
	v17 =	vadd.f32 v34, v17;
	v24 =	vadd.f32 v27, v24  }
0x513: {  	v14 =	vmov s29;
	v27 =	vld [tilespmem:s12+$0x40];
	v28 =	vadd.f32 v43, v28;
	v16 =	vadd.f32 v18, v16  }
0x514: {  	v34 =	vmul.f32 v60, v60;
	v18 =	vld [tilespmem:s12+$0x30];
	v13 =	vadd.f32 v13, v36;
	v61 =	vadd.f32 v25, v20  }
0x515: {  	s31 =	simm.s32 $0x2;
	v43 =	vmul.f32 v63, v59;
	v36 =	vld [tilespmem:s0+$0xC0];
	v9 =	vadd.f32 v9, v35;
	v7 =	vadd.f32 v22, v7  }
0x516: {  	s12 =	simm.s32 $0xD980;
	v35 =	vld [tilespmem:s0+$0xB0];
	v22 =	vmov s31;
	v24 =	vadd.f32 v32, v24;
	v32 =	vadd.f32 v53, v44  }
0x517: {  	v48 =	vld [tilespmem:s12+$0x90];
	v26 =	vadd.f32 v28, v26;
	v40 =	vmul.f32 v23, v40;
	v23 =	vmul.f32 v23, v23  }
0x518: {  	v49 =	vld [tilespmem:s12+$0xA0];
	v16 =	vadd.f32 v16, v17;
	v50 =	vmul.f32 v29, v29;
	v39 =	vmul.f32 v19, v39  }
0x519: {  	v11 =	vld [tilespmem:s12+$0xB0];
	v28 =	vadd.f32 v13, v9;
	v19 =	vmul.f32 v19, v19;
	v37 =	vmul.f32 v27, v57  }
0x51a: {  	v12 =	vld [tilespmem:s12+$0xC0];
	v13 =	vand.u32 $0xFFFFFFFE, v22;
	v27 =	vmul.f32 v27, v27;
	v29 =	vmul.f32 v62, v29  }
0x51b: {  	v20 =	vld [tilespmem:s12+$0xFFFFFF10];
	v57 =	vadd.f32 v3, v0;
	v0 =	vbroadcast v13, $0x0;
	v39 =	vadd.f32 v40, v39  }
0x51c: {  	v17 =	vld [tilespmem:s12+$0xD0];
	v42 =	vmul.f32 v18, v42;
	v37 =	vadd.f32 v38, v37;
	v29 =	vadd.f32 v43, v29  }
0x51d: {  	(xrf2) =	vadd.scan.msk.f32 $0xffff, v8;
	v22 =	vld [tilespmem:s12+$0xF0];
	v18 =	vmul.f32 v18, v18;
	v55 =	vadd.f32 v51, v50;
	v8 =	vadd.f32 v23, v19  }
0x51e: {  	v13 =	vld [tilespmem:s0+$0xFFFFFF20];
	v40 =	vmul.f32 v52, v52;
	v19 =	vadd.f32 v33, v27;
	v27 =	vadd.f32 v30, v21  }
0x51f: {  	v38 =	vld [tilespmem:s0+$0x90];
	v62 =	vmul.f32 v49, v47;
	v41 =	vadd.f32 v42, v41;
	v18 =	vadd.f32 v18, v34  }
0x520: {  	v23 =	vld [tilespmem:s0+$0xE0];
	v63 =	vmul.f32 v11, v35;
	v1 =	vadd.f32 v4, v40;
	v29 =	vadd.f32 v29, v37  }
0x521: {  	v21 =	vld [tilespmem:s12+$0xE0];
	v52 =	vmul.f32 v12, v36;
	v34 =	vadd.f32 v55, v54;
	v56 =	vadd.f32 v5, v19  }
0x522: {  	v33 =	vld [tilespmem:s0+$0xF0];
	v31 =	vmul.f32 v35, v35;
	v30 =	vadd.f32 v41, v39;
	v37 =	vadd.f32 v18, v8  }
0x523: {  	s9 =	simm.s32 $0x0;
	v35 =	vmul.f32 v48, v48;
	v4 =	vld [tilespmem:s0+$0xD0];
	v8 =	vadd.f32 v16, v7;
	v7 =	vadd.f32 v28, v24  }
0x524: {  	v40 =	vld [tilespmem:s12+$0x80];
	v15 =	vadd.f32 v15, v1;
	v1 =	vmov s9;
	v5 =	vadd.f32 v34, v32  }
0x525: {  	v3 =	vld [tilespmem:s12+$0xFFFFFF00];
	v9, _, _ =	vpop (xrf2);
	(xrf2) =	vadd.scan.msk.f32 $0xffff, v57;
	v34 =	vmul.f32 v36, v36;
	v1 =	vand.u32 $0xFFFFFFFC, v1;
	v60 =	vmul.f32 v48, v38  }
0x526: {  	v19 =	vld [tilespmem:s0+$0xFFFFFF70];
	v25 =	vmul.f32 v21, v23;
	v28 =	vmul.f32 v38, v38;
	v58 =	vadd.f32 v6, v15  }
0x527: {  	[tilespmem:v14+s22+$0x0] =	vst.idx.msk vm0, v9;
	v9 =	vand.u32 $0xFFFFFFFD, v10;
	v16 =	vld [tilespmem:s0+$0xFFFFFF50];
	v32 =	vmul.f32 v33, v33;
	v2 =	vbroadcast v1, $0x0  }
0x528: {  	v18 =	vld [tilespmem:s0+$0xFFFFFF60];
	v6 =	vadd.f32 v29, v30;
	v29 =	vmul.f32 v47, v47;
	v30 =	vmul.f32 v23, v23;
	v1, _, _ =	vpop (xrf2);
	(xrf2) =	vadd.scan.msk.f32 $0xffff, v58  }
0x529: {  	v24 =	vld [tilespmem:s12+$0xFFFFFF30];
	v39 =	vadd.f32 v63, v62;
	v59 =	vmul.f32 v40, v45;
	v53 =	vmul.f32 v17, v4  }
0x52a: {  	v15 =	vld [tilespmem:s0+$0xFFFFFF40];
	v36 =	vmul.f32 v4, v4;
	v4 =	vadd.f32 v56, v37;
	v37 =	vmul.f32 v49, v49  }
0x52b: {  	v23 =	vld [tilespmem:s12+$0xFFFFFF20];
	[tilespmem:v14+s23+$0x0] =	vst.idx.msk vm0, v1;
	v10, _, _ =	vpop (xrf2);
	v1 =	vbroadcast v9, $0x0;
	v9 =	vadd.f32 v26, v27;
	(xrf2) =	vadd.scan.msk.f32 $0xffff, v61  }
0x52c: {  	v26 =	vmul.f32 v22, v33;
	v27 =	vmul.f32 v45, v45;
	[tilespmem:v14+s24+$0x0] =	vst.idx.msk vm0, v10;
	v10 =	vld [tilespmem:s0+$0xFFFFFF10]  }
0x52d: {  	s2 =	simm.s32 $0x4;
	s9 =	simm.s32 $0x8;
	v38 =	vadd.f32 v60, v59;
	v33 =	vmul.f32 v40, v40;
	v40 =	vadd.f32 v53, v52;
	v14 =	vld [tilespmem:s0+$0xFFFFFF30]  }
.LBB2_8:
0x52e: {  	p0 =	slt.u32 s9, $0xC;
	v41 =	vld [tilespmem:s12+$0xFFFFFF40];
	v25 =	vadd.f32 v26, v25;
	v26 =	vadd.f32 v28, v27;
	v11 =	vmul.f32 v11, v11;
	(xrf2) =	vadd.scan.msk.f32 $0xffff, v9  }
0x52f: {  	v28 =	vadd.f32 v31, v29;
	v29 =	vadd.f32 v36, v34;
	v12 =	vmul.f32 v12, v12;
	v27 =	vld [tilespmem:s12+$0xFFFFFF50];
	v31, _, _ =	vpop (xrf2)  }
0x530: {  	v17 =	vmul.f32 v17, v17;
	v9 =	vadd.f32 v39, v38;
	v34 =	vld [tilespmem:s12+$0xFFFFFF60];
	v25 =	vadd.f32 v25, v40  }
0x531: {  	v30 =	vadd.f32 v32, v30;
	v21 =	vmul.f32 v21, v21;
	v32 =	vadd.f32 v35, v33;
	v36 =	vld [tilespmem:s12+$0xFFFFFF70];
	(xrf2) =	vadd.scan.msk.f32 $0xffff, v8  }
0x532: {  	v22 =	vmul.f32 v22, v22;
	v35 =	vadd.f32 v11, v37;
	v33 =	vld [tilespmem:s0+$0xFFFFFF80];
	v25 =	vadd.f32 v25, v9;
	v8, _, _ =	vpop (xrf2)  }
0x533: {  	v38 =	vadd.f32 v28, v26;
	v26 =	vadd.f32 v30, v29;
	v9 =	vmul.f32 v20, v10;
	v37 =	vld [tilespmem:s0+$0xFFFFFF90]  }
0x534: {  	v12 =	vadd.f32 v17, v12;
	v17 =	vadd.f32 v22, v21;
	v28 =	vmul.f32 v23, v13;
	v29 =	vld [tilespmem:s0+$0xFFFFFFA0];
	(xrf2) =	vadd.scan.msk.f32 $0xffff, v25  }
0x535: {  	v21 =	vmul.f32 v24, v14;
	v26 =	vadd.f32 v26, v38;
	v22 =	vmul.f32 v41, v15;
	v25 =	vld [tilespmem:s0+$0xFFFFFFB0];
	v11, _, _ =	vpop (xrf2)  }
0x536: {  	v32 =	vadd.f32 v35, v32;
	v35 =	vadd.f32 v17, v12;
	v30 =	vmul.f32 v27, v16;
	v38 =	vld [tilespmem:s0+$0xFFFFFFC0]  }
0x537: {  	v12 =	vadd.f32 v21, v28;
	v39 =	vmul.f32 v34, v18;
	v40 =	vmul.f32 v36, v19;
	v28 =	vld [tilespmem:s0+$0xFFFFFFD0];
	(xrf2) =	vadd.scan.msk.f32 $0xffff, v26  }
0x538: {  	v17 =	vmul.f32 v10, v10;
	v21 =	vmul.f32 v13, v13;
	v32 =	vadd.f32 v35, v32;
	v26 =	vld [tilespmem:s0+$0xFFFFFFE0];
	v13, _, _ =	vpop (xrf2)  }
0x539: {  	v10 =	vadd.f32 v30, v22;
	v22 =	vmul.f32 v14, v14;
	v30 =	vmul.f32 v15, v15;
	v35 =	vld [tilespmem:s0+$0xFFFFFFF0]  }
0x53a: {  	v16 =	vmul.f32 v16, v16;
	v14 =	vadd.f32 v40, v39;
	v39 =	vmul.f32 v18, v18;
	v40 =	vld [tilespmem:s12+$0xFFFFFF80];
	(xrf2) =	vadd.scan.msk.f32 $0xffff, v32  }
0x53b: {  	v19 =	vmul.f32 v19, v19;
	v15 =	vadd.f32 v22, v21;
	v21 =	vmul.f32 v3, v3;
	v22 =	vld [tilespmem:s12+$0xFFFFFF90];
	v18, _, _ =	vpop (xrf2)  }
0x53c: {  	v23 =	vmul.f32 v23, v23;
	v20 =	vmul.f32 v20, v20;
	v16 =	vadd.f32 v16, v30;
	v30 =	vld [tilespmem:s12+$0xFFFFFFA0]  }
0x53d: {  	s11 =	sadd.s32 $0x3, s2;
	v24 =	vmul.f32 v24, v24;
	v19 =	vadd.f32 v19, v39;
	v32 =	vmul.f32 v41, v41;
	v39 =	vld [tilespmem:s12+$0xFFFFFFB0];
	(xrf2) =	vadd.scan.msk.f32 $0xffff, v7  }
0x53e: {  	v42 =	vmov s11;
	v27 =	vmul.f32 v27, v27;
	v34 =	vmul.f32 v34, v34;
	v41 =	vld [tilespmem:s12+$0xFFFFFFC0];
	v43, _, _ =	vpop (xrf2);
	[tilespmem:v2+s22+$0x0] =	vst.idx.msk vm0, v31  }
0x53f: {  	v7 =	vadd.f32 v20, v21;
	v31 =	vmul.f32 v36, v36;
	v36 =	vld [tilespmem:s12+$0xFFFFFFD0];
	v44 =	vmul.f32 v40, v33  }
0x540: {  	v20 =	vadd.f32 v24, v23;
	v33 =	vmul.f32 v33, v33;
	v23 =	vld [tilespmem:s12+$0xFFFFFFE0];
	v24 =	vmul.f32 v22, v37;
	(xrf2) =	vadd.scan.msk.f32 $0xffff, v6  }
0x541: {  	v6 =	vadd.f32 v27, v32;
	v37 =	vmul.f32 v37, v37;
	v27 =	vld [tilespmem:s12+$0xFFFFFFF0];
	v32 =	vmul.f32 v30, v29;
	v45, _, _ =	vpop (xrf2)  }
0x542: {  	v21 =	vadd.f32 v31, v34;
	v29 =	vmul.f32 v29, v29;
	v31 =	vmul.f32 v39, v25;
	v34 =	vld [tilespmem:s0+$0x0]  }
0x543: {  	v25 =	vmul.f32 v25, v25;
	v46 =	vmul.f32 v41, v38;
	v47 =	vld [tilespmem:s0+$0x10];
	[tilespmem:v42+s22+$0x0] =	vst.idx.msk vm0, v43;
	(xrf2) =	vadd.scan.msk.f32 $0xffff, v5  }
0x544: {  	v38 =	vmul.f32 v38, v38;
	v43 =	vmul.f32 v36, v28;
	v48 =	vld [tilespmem:s0+$0x20];
	[tilespmem:v42+s23+$0x0] =	vst.idx.msk vm0, v45;
	v5, _, _ =	vpop (xrf2)  }
0x545: {  	v28 =	vmul.f32 v28, v28;
	v45 =	vmul.f32 v23, v26;
	v49 =	vld [tilespmem:s0+$0x30];
	[tilespmem:v42+s24+$0x0] =	vst.idx.msk vm0, v5  }
0x546: {  	v5 =	vadd.f32 v24, v44;
	v24 =	vmul.f32 v26, v26;
	v42 =	vmul.f32 v27, v35;
	v26 =	vld [tilespmem:s0+$0x40];
	(xrf2) =	vadd.scan.msk.f32 $0xffff, v4  }
0x547: {  	v4 =	vadd.f32 v31, v32;
	v31 =	vmul.f32 v35, v35;
	v32 =	vmul.f32 v40, v40;
	v35 =	vld [tilespmem:s0+$0x50];
	v40, _, _ =	vpop (xrf2)  }
0x548: {  	v22 =	vmul.f32 v22, v22;
	v30 =	vmul.f32 v30, v30;
	v43 =	vadd.f32 v43, v46;
	v44 =	vld [tilespmem:s0+$0x60]  }
0x549: {  	v39 =	vmul.f32 v39, v39;
	v41 =	vmul.f32 v41, v41;
	v42 =	vadd.f32 v42, v45;
	v45 =	vld [tilespmem:s0+$0x70]  }
0x54a: {  	v33 =	vadd.f32 v37, v33;
	v36 =	vmul.f32 v36, v36;
	v23 =	vmul.f32 v23, v23;
	v37 =	vld [tilespmem:s12+$0x0];
	v46, _, _ =	vpop (xrf2)  }
0x54b: {  	v25 =	vadd.f32 v25, v29;
	v27 =	vmul.f32 v27, v27;
	v50 =	vmul.f32 v34, v34;
	v29 =	vld [tilespmem:s12+$0x10]  }
0x54c: {  	v28 =	vadd.f32 v28, v38;
	v51 =	vmul.f32 v47, v47;
	v52 =	vmul.f32 v48, v48;
	v38 =	vld [tilespmem:s12+$0x20]  }
0x54d: {  	v24 =	vadd.f32 v31, v24;
	v53 =	vmul.f32 v49, v49;
	v54 =	vmul.f32 v26, v26;
	v31 =	vld [tilespmem:s12+$0x30];
	v55, _, _ =	vpop (xrf2)  }
0x54e: {  	v22 =	vadd.f32 v22, v32;
	v56 =	vmul.f32 v35, v35;
	v57 =	vmul.f32 v44, v44;
	v32 =	vld [tilespmem:s12+$0x40]  }
0x54f: {  	v30 =	vadd.f32 v39, v30;
	v58 =	vmul.f32 v45, v45;
	v39 =	vld [tilespmem:s12+$0x50];
	v34 =	vmul.f32 v37, v34  }
0x550: {  	v36 =	vadd.f32 v36, v41;
	v37 =	vmul.f32 v37, v37;
	v41 =	vld [tilespmem:s12+$0x60];
	v47 =	vmul.f32 v29, v47;
	v59, _, _ =	vpop (xrf2)  }
0x551: {  	v23 =	vadd.f32 v27, v23;
	v29 =	vmul.f32 v29, v29;
	v27 =	vld [tilespmem:s12+$0x70];
	v48 =	vmul.f32 v38, v48  }
0x552: {  	v38 =	vmul.f32 v38, v38;
	v60 =	vld [tilespmem:s0+$0xFFFFFF00];
	v49 =	vmul.f32 v31, v49;
	v34 =	vadd.f32 v47, v34  }
0x553: {  	v47 =	vadd.f32 v51, v50;
	v31 =	vmul.f32 v31, v31;
	v26 =	vmul.f32 v32, v26  }
0x554: {  	s0 =	sadd.s32 $0x200, s0;
	v32 =	vmul.f32 v32, v32;
	v35 =	vmul.f32 v39, v35;
	v48 =	vadd.f32 v49, v48  }
0x555: {  	v50 =	vadd.f32 v53, v52;
	v39 =	vmul.f32 v39, v39;
	v49 =	vld [tilespmem:s0+$0x80];
	v44 =	vmul.f32 v41, v44  }
0x556: {  	v51 =	vld [tilespmem:s0+$0x90];
	v45 =	vmul.f32 v27, v45;
	v26 =	vadd.f32 v35, v26;
	v35 =	vmul.f32 v41, v41  }
0x557: {  	v53 =	vadd.f32 v56, v54;
	v41 =	vld [tilespmem:s0+$0xA0];
	v3 =	vmul.f32 v3, v60;
	v52 =	vmul.f32 v60, v60  }
0x558: {  	v27 =	vmul.f32 v27, v27;
	v54 =	vld [tilespmem:s0+$0xB0];
	v44 =	vadd.f32 v45, v44;
	v45 =	vadd.f32 v58, v57  }
0x559: {  	v56 =	vld [tilespmem:s0+$0xC0];
	v3 =	vadd.f32 v9, v3;
	v9 =	vadd.f32 v17, v52;
	[tilespmem:v2+s23+$0x0] =	vst.idx.msk vm0, v8  }
0x55a: {  	v8 =	vadd.f32 v29, v37;
	v29 =	vadd.f32 v31, v38;
	v52 =	vld [tilespmem:s0+$0xD0];
	[tilespmem:v2+s24+$0x0] =	vst.idx.msk vm0, v11  }
0x55b: {  	v27 =	vadd.f32 v27, v35;
	v31 =	vadd.f32 v39, v32;
	v37 =	vld [tilespmem:s0+$0xE0];
	[tilespmem:v1+s22+$0x0] =	vst.idx.msk vm0, v13  }
0x55c: {  	s12 =	sadd.s32 $0x200, s12;
	v3 =	vadd.f32 v12, v3;
	v13 =	vadd.f32 v14, v10;
	v32 =	vld [tilespmem:s0+$0xF0];
	[tilespmem:v1+s23+$0x0] =	vst.idx.msk vm0, v18  }
0x55d: {  	v2 =	vmov s2;
	v9 =	vadd.f32 v15, v9;
	v14 =	vadd.f32 v19, v16;
	v35 =	vld [tilespmem:s12+$0x80];
	[tilespmem:v1+s24+$0x0] =	vst.idx.msk vm0, v40  }
0x55e: {  	s11 =	sadd.s32 $0x1, s2;
	v7 =	vadd.f32 v20, v7;
	v6 =	vadd.f32 v21, v6;
	v1 =	vand.u32 $0xFFFFFFFC, v2;
	v39 =	vld [tilespmem:s12+$0x90];
	[tilespmem:v0+s22+$0x0] =	vst.idx.msk vm0, v46  }
0x55f: {  	v4 =	vadd.f32 v4, v5;
	v5 =	vadd.f32 v42, v43;
	v10 =	vmov s11;
	s11 =	sadd.s32 $0x2, s2;
	s2 =	smov.u32 s9;
	v46 =	vld [tilespmem:s12+$0xA0];
	[tilespmem:v0+s23+$0x0] =	vst.idx.msk vm0, v55  }
0x560: {  	v16 =	vadd.f32 v25, v33;
	v18 =	vadd.f32 v24, v28;
	v15 =	vmov s11;
	v11 =	vld [tilespmem:s12+$0xB0];
	[tilespmem:v0+s24+$0x0] =	vst.idx.msk vm0, v59  }
0x561: {  	v20 =	vadd.f32 v23, v36;
	v19 =	vadd.f32 v30, v22;
	v2 =	vbroadcast v1, $0x0;
	v12 =	vld [tilespmem:s12+$0xC0]  }
0x562: {  	v23 =	vadd.f32 v48, v34;
	v24 =	vadd.f32 v44, v26;
	v0 =	vand.u32 $0xFFFFFFFD, v10;
	v17 =	vld [tilespmem:s12+$0xD0]  }
0x563: {  	v30 =	vadd.f32 v50, v47;
	v33 =	vadd.f32 v45, v53;
	v15 =	vand.u32 $0xFFFFFFFE, v15;
	v21 =	vld [tilespmem:s12+$0xE0]  }
0x564: {  	v38 =	vadd.f32 v29, v8;
	v40 =	vadd.f32 v27, v31;
	v1 =	vbroadcast v0, $0x0;
	v22 =	vld [tilespmem:s12+$0xF0]  }
0x565: {  	v3 =	vadd.f32 v13, v3;
	v29 =	vadd.f32 v14, v9;
	v0 =	vbroadcast v15, $0x0;
	v10 =	vld [tilespmem:s0+$0xFFFFFF10]  }
0x566: {  	v44 =	vadd.f32 v6, v7;
	v42 =	vmul.f32 v35, v49;
	v43 =	vmul.f32 v39, v51;
	v13 =	vld [tilespmem:s0+$0xFFFFFF20]  }
0x567: {  	v9 =	vadd.f32 v5, v4;
	v45 =	vmul.f32 v46, v41;
	v47 =	vmul.f32 v11, v54;
	v14 =	vld [tilespmem:s0+$0xFFFFFF30];
	(xrf2) =	vadd.scan.msk.f32 $0xffff, v3  }
0x568: {  	v8 =	vadd.f32 v18, v16;
	v48 =	vmul.f32 v12, v56;
	v50 =	vmul.f32 v17, v52;
	v15 =	vld [tilespmem:s0+$0xFFFFFF40]  }
0x569: {  	v7 =	vadd.f32 v20, v19;
	v25 =	vmul.f32 v21, v37;
	v16 =	vld [tilespmem:s0+$0xFFFFFF50];
	v26 =	vmul.f32 v22, v32  }
0x56a: {  	v28 =	vmul.f32 v51, v51;
	v27 =	vmul.f32 v49, v49;
	v6 =	vadd.f32 v24, v23;
	v18 =	vld [tilespmem:s0+$0xFFFFFF60];
	(xrf2) =	vadd.scan.msk.f32 $0xffff, v29  }
.Ltmp3:
0x56b: {  	v31 =	vmul.f32 v54, v54;
	v5 =	vadd.f32 v33, v30;
	v29 =	vmul.f32 v41, v41;
	v19 =	vld [tilespmem:s0+$0xFFFFFF70];
	(pc) =	sbr.rel @p0 .LBB2_8-.Ltmp3, $4  }
0x56c: {  	v34 =	vmul.f32 v56, v56;
	v36 =	vmul.f32 v52, v52;
	v4 =	vadd.f32 v40, v38;
	v3 =	vld [tilespmem:s12+$0xFFFFFF00]  }
0x56d: {  	v30 =	vmul.f32 v37, v37;
	v32 =	vmul.f32 v32, v32;
	v20 =	vld [tilespmem:s12+$0xFFFFFF10];
	(xrf2) =	vadd.scan.msk.f32 $0xffff, v44  }
0x56e: {  	v33 =	vmul.f32 v35, v35;
	v35 =	vmul.f32 v39, v39;
	v38 =	vadd.f32 v43, v42;
	v23 =	vld [tilespmem:s12+$0xFFFFFF20]  }
0x56f: {  	s9 =	sadd.s32 $0x4, s9;
	v39 =	vadd.f32 v47, v45;
	v37 =	vmul.f32 v46, v46;
	v40 =	vadd.f32 v50, v48;
	v24 =	vld [tilespmem:s12+$0xFFFFFF30]  }
0x570: {  	v41 =	vld [tilespmem:s12+$0xFFFFFF40];
	v25 =	vadd.f32 v26, v25  }
0x571: {  	v42 =	vld [tilespmem:s12+$0xFFFFFF50];
	v52 =	vadd.f32 v28, v27;
	v11 =	vmul.f32 v11, v11;
	v53 =	vadd.f32 v31, v29  }
0x572: {  	v27 =	vld [tilespmem:s12+$0xFFFFFF60];
	v54 =	vadd.f32 v36, v34;
	v55 =	vmul.f32 v12, v12;
	v17 =	vmul.f32 v17, v17  }
0x573: {  	v31 =	vld [tilespmem:s12+$0xFFFFFF70];
	v30 =	vadd.f32 v32, v30;
	v21 =	vmul.f32 v21, v21;
	v22 =	vmul.f32 v22, v22  }
0x574: {  	v57 =	vld [tilespmem:s0+$0xFFFFFF80];
	v33 =	vadd.f32 v35, v33;
	v49 =	vmul.f32 v13, v13;
	v50 =	vmul.f32 v14, v14  }
0x575: {  	v32 =	vld [tilespmem:s0+$0xFFFFFF90];
	v51 =	vmul.f32 v15, v15;
	v56 =	vadd.f32 v39, v38;
	v25 =	vadd.f32 v25, v40  }
0x576: {  	v28 =	vld [tilespmem:s0+$0xFFFFFFB0];
	v59 =	vadd.f32 v11, v37;
	v11 =	vmul.f32 v20, v10;
	v26 =	vadd.f32 v53, v52  }
0x577: {  	v44 =	vld [tilespmem:s0+$0xFFFFFFE0];
	v29 =	vadd.f32 v30, v54;
	v52 =	vmul.f32 v16, v16;
	v53 =	vmul.f32 v18, v18  }
0x578: {  	v35 =	vld [tilespmem:s12+$0xFFFFFF80];
	v17 =	vadd.f32 v17, v55;
	v54 =	vmul.f32 v19, v19;
	v55 =	vmul.f32 v3, v3  }
0x579: {  	v45 =	vld [tilespmem:s12+$0xFFFFFFA0];
	v21 =	vadd.f32 v22, v21;
	v58 =	vmul.f32 v20, v20;
	v60 =	vmul.f32 v23, v13  }
0x57a: {  	v46 =	vld [tilespmem:s12+$0xFFFFFFE0];
	v13 =	vadd.f32 v50, v49;
	v12 =	vadd.f32 v25, v56;
	v61 =	vmul.f32 v24, v14  }
0x57b: {  	v47 =	vld [tilespmem:s12+$0xFFFFFFF0];
	v26 =	vadd.f32 v29, v26;
	v33 =	vadd.f32 v59, v33;
	v59 =	vmul.f32 v23, v23  }
0x57c: {  	v38 =	vld [tilespmem:s0+$0xFFFFFFC0];
	v17 =	vadd.f32 v21, v17;
	v62 =	vmul.f32 v41, v15;
	v63 =	vmul.f32 v42, v16  }
0x57d: {  	v50 =	vld [tilespmem:s0+$0x20];
	v20 =	vadd.f32 v58, v55;
	v48 =	vmul.f32 v27, v18;
	v43 =	vmul.f32 v31, v19  }
0x57e: {  	v21 =	vld [tilespmem:s12+$0xFFFFFF90];
	v42 =	vmul.f32 v42, v42;
	v27 =	vmul.f32 v27, v27;
	v15 =	vadd.f32 v52, v51  }
0x57f: {  	v25 =	vld [tilespmem:s0+$0xFFFFFFA0];
	v36 =	vmul.f32 v57, v57;
	v30 =	vadd.f32 v61, v60;
	v60 =	vmul.f32 v24, v24  }
0x580: {  	v29 =	vld [tilespmem:s0+$0xFFFFFFF0];
	v61 =	vmul.f32 v41, v41;
	v34 =	vadd.f32 v63, v62;
	v62 =	vmul.f32 v31, v31  }
0x581: {  	v51 =	vld [tilespmem:s0+$0x30];
	v17 =	vadd.f32 v17, v33;
	v63 =	vmul.f32 v35, v57;
	v35 =	vmul.f32 v35, v35  }
0x582: {  	v33 =	vld [tilespmem:s12+$0xFFFFFFB0];
	v39 =	vadd.f32 v42, v61;
	v61 =	vmul.f32 v46, v44;
	v42 =	vmul.f32 v45, v45  }
0x583: {  	v18 =	vadd.f32 v54, v53;
	v41 =	vld [tilespmem:s12+$0xFFFFFFC0];
	v55 =	vmul.f32 v50, v50;
	v56 =	vmul.f32 v21, v32  }
0x584: {  	v40 =	vld [tilespmem:s0+$0xFFFFFFD0];
	v22 =	vadd.f32 v43, v48;
	v57 =	vmul.f32 v45, v25;
	v32 =	vmul.f32 v32, v32  }
0x585: {  	v37 =	vld [tilespmem:s0+$0x60];
	v15 =	vadd.f32 v18, v15;
	v25 =	vmul.f32 v25, v25;
	v53 =	vmul.f32 v47, v29  }
0x586: {  	v49 =	vld [tilespmem:s0+$0x10];
	v14 =	vadd.f32 v62, v27;
	v62 =	vmul.f32 v44, v44;
	v29 =	vmul.f32 v29, v29  }
0x587: {  	v43 =	vld [tilespmem:s12+$0xFFFFFFD0];
	v23 =	vadd.f32 v60, v59;
	v21 =	vmul.f32 v21, v21;
	v31 =	vmul.f32 v51, v51  }
0x588: {  	v52 =	vld [tilespmem:s0+$0x40];
	v22 =	vadd.f32 v22, v34;
	v58 =	vmul.f32 v33, v28;
	v59 =	vmul.f32 v41, v38  }
0x589: {  	v54 =	vld [tilespmem:s12+$0x20];
	v28 =	vmul.f32 v28, v28;
	v38 =	vmul.f32 v38, v38;
	v16 =	vadd.f32 v56, v63  }
0x58a: {  	v48 =	vld [tilespmem:s0+$0x0];
	v27 =	vadd.f32 v53, v61;
	v33 =	vmul.f32 v33, v33;
	v32 =	vadd.f32 v32, v36  }
0x58b: {  	v44 =	vld [tilespmem:s0+$0x50];
	v41 =	vmul.f32 v41, v41;
	v29 =	vadd.f32 v29, v62;
	v21 =	vadd.f32 v21, v35  }
0x58c: {  	v45 =	vld [tilespmem:s0+$0x70];
	v14 =	vadd.f32 v14, v39;
	v60 =	vmul.f32 v43, v40;
	v40 =	vmul.f32 v40, v40  }
0x58d: {  	v53 =	vld [tilespmem:s12+$0x0];
	v36 =	vmul.f32 v43, v43;
	v43 =	vmul.f32 v46, v46;
	v31 =	vadd.f32 v31, v55  }
0x58e: {  	v56 =	vld [tilespmem:s12+$0x30];
	v19 =	vadd.f32 v58, v57;
	v25 =	vadd.f32 v28, v25;
	v28 =	vmul.f32 v47, v47  }
0x58f: {  	v61 =	vld [tilespmem:s12+$0x60];
	v47 =	vmul.f32 v48, v48;
	v57 =	vmul.f32 v52, v52;
	v33 =	vadd.f32 v33, v42  }
0x590: {  	v46 =	vld [tilespmem:s12+$0x10];
	v24 =	vadd.f32 v60, v59;
	v38 =	vadd.f32 v40, v38;
	v40 =	vmul.f32 v49, v49  }
0x591: {  	v35 =	vmul.f32 v44, v44;
	v59 =	vmul.f32 v37, v37;
	v36 =	vadd.f32 v36, v41  }
0x592: {  	v58 =	vld [tilespmem:s12+$0x40];
	v28 =	vadd.f32 v28, v43;
	v43 =	vmul.f32 v54, v50;
	v42 =	vmul.f32 v53, v48  }
0x593: {  	v60 =	vld [tilespmem:s12+$0x50];
	v16 =	vadd.f32 v19, v16;
	v48 =	vmul.f32 v45, v45;
	v62 =	vmul.f32 v56, v51  }
0x594: {  	v51 =	vmul.f32 v54, v54;
	v40 =	vadd.f32 v40, v47;
	v47 =	vmul.f32 v56, v56  }
0x595: {  	v50 =	vld [tilespmem:s0+$0xFFFFFF00];
	v21 =	vadd.f32 v33, v21;
	v54 =	vmul.f32 v61, v37;
	v63 =	vmul.f32 v46, v49  }
0x596: {  	v35 =	vadd.f32 v35, v57;
	v49 =	vmul.f32 v53, v53;
	v46 =	vmul.f32 v46, v46  }
0x597: {  	v52 =	vmul.f32 v58, v52;
	v37 =	vadd.f32 v48, v59;
	v51 =	vadd.f32 v47, v51  }
0x598: {  	v59 =	vadd.f32 v27, v24;
	v41 =	vadd.f32 v63, v42;
	v63 =	vmul.f32 v60, v44  }
0x599: {  	(xrf2) =	vadd.scan.msk.f32 $0xffff, v9;
	v42 =	vadd.f32 v62, v43;
	v43 =	vmul.f32 v58, v58;
	v58 =	vmul.f32 v60, v60  }
0x59a: {  	(xrf2) =	vadd.scan.msk.f32 $0xffff, v8;
	v53 =	vld [tilespmem:s12+$0x70];
	v60 =	vmul.f32 v3, v50;
	v62 =	vmul.f32 v50, v50;
	v50 =	vadd.f32 v46, v49  }
0x59b: {  	v10 =	vmul.f32 v10, v10;
	(xrf2) =	vadd.scan.msk.f32 $0xffff, v12;
	v37 =	vadd.f32 v37, v35;
	v9 =	vadd.f32 v63, v52  }
0x59c: {  	(xrf2) =	vadd.scan.msk.f32 $0xffff, v26;
	v12 =	vadd.f32 v58, v43;
	v33 =	vadd.f32 v42, v41  }
0x59d: {  	(xrf2) =	vadd.scan.msk.f32 $0xffff, v17;
	v3 =	vadd.f32 v11, v60;
	v10 =	vadd.f32 v10, v62  }
0x59e: {  	v60 =	vadd.f32 v25, v32;
	v62 =	vadd.f32 v29, v38  }
0x59f: {  	v56 =	vmul.f32 v53, v45;
	v29 =	vadd.f32 v28, v36;
	v36 =	vadd.f32 v31, v40  }
0x5a0: {  	v52, _, _ =	vpop (xrf2);
	(xrf2) =	vadd.scan.msk.f32 $0xffff, v7;
	v7 =	vadd.f32 v59, v16;
	v3 =	vadd.f32 v30, v3  }
0x5a1: {  	v48 =	vmul.f32 v53, v53;
	v53, _, _ =	vpop (xrf2);
	(xrf2) =	vadd.scan.msk.f32 $0xffff, v6;
	v8 =	vadd.f32 v56, v54;
	v10 =	vadd.f32 v13, v10  }
0x5a2: {  	s12 =	sadd.s32 $0x3, s2;
	v63 =	vmul.f32 v61, v61;
	v55, _, _ =	vpop (xrf2);
	v56 =	vadd.f32 v23, v20;
	(xrf2) =	vadd.scan.msk.f32 $0xffff, v5;
	v3 =	vadd.f32 v22, v3  }
0x5a3: {  	[tilespmem:v2+s22+$0x0] =	vst.idx.msk vm0, v52;
	v54 =	vmov s12;
	v57, _, _ =	vpop (xrf2);
	(xrf2) =	vadd.scan.msk.f32 $0xffff, v4;
	v10 =	vadd.f32 v15, v10  }
0x5a4: {  	v38 =	vmov s2;
	[tilespmem:v2+s23+$0x0] =	vst.idx.msk vm0, v53;
	v58, _, _ =	vpop (xrf2);
	v34 =	vadd.f32 v14, v56;
	(xrf2) =	vadd.scan.msk.f32 $0xffff, v3  }
0x5a5: {  	v39 =	vadd.f32 v51, v50;
	v11 =	vadd.f32 v48, v63;
	[tilespmem:v2+s24+$0x0] =	vst.idx.msk vm0, v55;
	v61, _, _ =	vpop (xrf2);
	(xrf2) =	vadd.scan.msk.f32 $0xffff, v10  }
0x5a6: {  	v6 =	vadd.f32 v62, v60;
	v8 =	vadd.f32 v8, v9;
	[tilespmem:v1+s22+$0x0] =	vst.idx.msk vm0, v57;
	v63, _, _ =	vpop (xrf2);
	(xrf2) =	vadd.scan.msk.f32 $0xffff, v34  }
0x5a7: {  	v40 =	vand.u32 $0xFFFFFFFC, v38;
	v5 =	vadd.f32 v29, v21;
	[tilespmem:v1+s23+$0x0] =	vst.idx.msk vm0, v58;
	v32, _, _ =	vpop (xrf2);
	(xrf2) =	vadd.scan.msk.f32 $0xffff, v7  }
0x5a8: {  	v41 =	vadd.f32 v11, v12;
	v4 =	vadd.f32 v8, v33;
	[tilespmem:v54+s22+$0x0] =	vst.idx.msk vm0, v61;
	(xrf2) =	vadd.scan.msk.f32 $0xffff, v6  }
0x5a9: {  	s29 =	sadd.s32 $0x1, s2;
	v42 =	vbroadcast v40, $0x0;
	v2 =	vadd.f32 v37, v36;
	[tilespmem:v54+s23+$0x0] =	vst.idx.msk vm0, v63;
	(xrf2) =	vadd.scan.msk.f32 $0xffff, v5  }
0x5aa: {  	v44 =	vmov s29;
	v45 =	vadd.f32 v41, v39;
	[tilespmem:v54+s24+$0x0] =	vst.idx.msk vm0, v32;
	v43, _, _ =	vpop (xrf2);
	(xrf2) =	vadd.scan.msk.f32 $0xffff, v4  }
0x5ab: {  	v47 =	vand.u32 $0xFFFFFFFD, v44;
	v46, _, _ =	vpop (xrf2);
	[tilespmem:v1+s24+$0x0] =	vst.idx.msk vm0, v43;
	(xrf2) =	vadd.scan.msk.f32 $0xffff, v2  }
0x5ac: {  	s30 =	sadd.s32 $0x2, s2;
	v1 =	vbroadcast v47, $0x0;
	v48, _, _ =	vpop (xrf2);
	[tilespmem:v0+s22+$0x0] =	vst.idx.msk vm0, v46;
	(xrf2) =	vadd.scan.msk.f32 $0xffff, v45  }
0x5ad: {  	v50 =	vmov s30;
	v49, _, _ =	vpop (xrf2);
	[tilespmem:v0+s23+$0x0] =	vst.idx.msk vm0, v48  }
0x5ae: {  	v52 =	vand.u32 $0xFFFFFFFE, v50;
	[tilespmem:v0+s24+$0x0] =	vst.idx.msk vm0, v49;
	v51, _, _ =	vpop (xrf2)  }
0x5af: {  	v0 =	vbroadcast v52, $0x0;
	v53, _, _ =	vpop (xrf2);
	[tilespmem:v42+s22+$0x0] =	vst.idx.msk vm0, v51  }
0x5b0: {  	v54, _, _ =	vpop (xrf2);
	[tilespmem:v42+s23+$0x0] =	vst.idx.msk vm0, v53  }
0x5b1: {  	v55, _, _ =	vpop (xrf2);
	[tilespmem:v42+s24+$0x0] =	vst.idx.msk vm0, v54  }
0x5b2: {  	v56, _, _ =	vpop (xrf2);
	[tilespmem:v1+s22+$0x0] =	vst.idx.msk vm0, v55  }
0x5b3: {  	v57, _, _ =	vpop (xrf2);
	[tilespmem:v1+s23+$0x0] =	vst.idx.msk vm0, v56  }
0x5b4: {  	v58, _, _ =	vpop (xrf2);
	[tilespmem:v1+s24+$0x0] =	vst.idx.msk vm0, v57  }
0x5b5: {  	v59, _, _ =	vpop (xrf2);
	[tilespmem:v0+s22+$0x0] =	vst.idx.msk vm0, v58  }
0x5b6: {  	v60, _, _ =	vpop (xrf2);
	[tilespmem:v0+s23+$0x0] =	vst.idx.msk vm0, v59  }
0x5b7: {  	[tilespmem:v0+s24+$0x0] =	vst.idx.msk vm0, v60  }
0x5b8: {  	v0 =	vld [tilespmem:$0x1F780]  }
0x5b9: {  	v1 =	vld [tilespmem:$0x1F880];
	_ =	sdelay $0x4  }
0x5ba: {  	v0 =	vmul.f32 v1, v0;
	_ =	sdelay $0x1  }
0x5bb: {  	v1 =	vshra.s32 v0, $0x1;
	v61 =	vmul.f32 $5.000000000e-01, v0  }
0x5bc: {  	v1 =	vsub.s32 $0x5F3759DF, v1  }
0x5bd: {  	v62 =	vmul.f32 v1, v61;
	_ =	sdelay $0x1  }
0x5be: {  	v3 =	vmul.f32 v1, v62;
	_ =	sdelay $0x1  }
0x5bf: {  	v3 =	vsub.f32 $1.500000000e+00, v3;
	_ =	sdelay $0x1  }
0x5c0: {  	v1 =	vmul.f32 v1, v3;
	_ =	sdelay $0x1  }
0x5c1: {  	v3 =	vmul.f32 v1, v61;
	_ =	sdelay $0x1  }
0x5c2: {  	v3 =	vmul.f32 v3, v1;
	_ =	sdelay $0x1  }
0x5c3: {  	v3 =	vsub.f32 $1.500000000e+00, v3;
	_ =	sdelay $0x1  }
0x5c4: {  	v1 =	vmul.f32 v3, v1;
	_ =	sdelay $0x1  }
0x5c5: {  	v2 =	vmul.f32 v1, v61;
	_ =	sdelay $0x1  }
0x5c6: {  	v2 =	vmul.f32 v2, v1;
	_ =	sdelay $0x1  }
0x5c7: {  	v63 =	vld [tilespmem:$0x1F680];
	v2 =	vsub.f32 $1.500000000e+00, v2;
	_ =	sdelay $0x1  }
0x5c8: {  	v1 =	vmul.f32 v2, v1  }
0x5c9: {  	vm1 =	vge.f32 v0, $1.000000020e-16  }
0x5ca: {  	v0 =	vnsel vm1, $0x4CBEBC20, v1  }
0x5cb: {  	v0 =	vmul.f32 v0, v63;
	_ =	sdelay $0x1  }
0x5cc: {  	v0 =	vsub.f32 $0.0e+00, v0;
	_ =	sdelay $0x1  }
0x5cd: {  	v0 =	vmul.f32 $1.442695020e+00, v0;
	_ =	sdelay $0x1  }
0x5ce: {  	(erf) = vpow2.f32 v0;
	_ =	sdelay $0x8  }
0x5cf: {  	v0 =	vpop (erf)  }
0x5d0: {  	v0 =	vadd.f32 $1.000000000e+00, v0;
	_ =	sdelay $0x1  }
0x5d1: {  	(erf) = vrcp.f32 v0;
	_ =	sdelay $0x7  }
0x5d2: {  	s15 =	sadd.s32 $0x1, s15  }
0x5d3: {  	p0 =	sne.s32 s15, s7;
	v0 =	vpop (erf)  }
.Ltmp4:
0x5d4: {  	s31 =	simm.s32 $0x4F00;
	[tilespmem:$0x7600] =	vst v0;
	(pc) =	sbr.rel @p0 .LBB2_1-.Ltmp4, $4  }
0x5d5: {  	[hbm4b:s6+s3] =	stream.linear.scatter [tilespmem:s31], [sflag:$0x5], $0x2710, $0x38;
	[tilespmem:$0x1F980] =	vst v63  }
0x5d6: {  	_ =	swait.ge [sflag:s8], $0x2710  }
0x5d7: {  	[sflag:s8] =	ssyncset.done $0x0  }
0x5d8: {  	[sflag:s8] =	ssyncadd.s32 $0xFFFFD8F0  }
0x5d9: {  	_ =	sfence.sel $0x180000  }
0x5da: {  	[bflag:$0x0] =	sbarrier.arrive $0xFFFF  }
0x5db: {  	_ =	strace $0x90000047  }
0x5dc: {  	s0 =	stileid.u32;
	[bflag:$0x2] =	sbarrier.arrive $0xFFFF  }
0x5dd: {  	p0 =	sne.s32 s0, $0x0;
	s0 =	rddreg [dreg:$0x3]  }
0x5de: {  	s0 =	sadd.s32 @!p0 $0x100000, s0  }
0x5df: {  	[sflag:s0] =	ssyncadd.tile.s32 @!p0 $0x1;
	_ =	shalt  }
.Lfunc_end2:
_tile_overlayer_lowered:
.L_overlay_start_2:
0x5e0: {  	(tag) =	ssettag $0x2  }
0x5e1: {  	s0 =	rddreg [dreg:$0x0];
	s2 =	stileid.u32  }
0x5e2: {  	s1 =	rddreg [dreg:$0x1];
	p0 =	sne.s32 s2, $0x0  }
0x5e3: {  	s3 =	rddreg [dreg:$0x2];
	[bflag:$0x3] =	sbarrier.arrive $0xFFFF;
	s2 =	simm.s32 @!p0 $0x1C05  }
0x5e4: {  	[timem:s3], [sflag:s2] =	dma.local @!p0 [hbm:s0], s1  }
0x5e5: {  	s0 =	simm.s32 @!p0 $0x5  }
0x5e6: {  	_ =	swait.ge @!p0 [sflag:s0], s1  }
0x5e7: {  	s1 =	ssub.s32 @!p0 $0x0, s1;
	[sflag:s0] =	ssyncset.done @!p0 $0x0  }
0x5e8: {  	[sflag:s0] =	ssyncadd.s32 @!p0 s1  }
0x5e9: {  	[bflag:$0x3] =	sbarrier.arrive $0xFFFF  }
0x5ea: {  	_ =	shalt  }

</sc_bundles>
